<compile_context>
chip_gen: v7x
topology: tpu7x:2x2x1
jax: 0.10.2.dev20260603
libtpu: 0.0.44.dev20260713+nightly
codegen_flags: <defaults>
</compile_context>

<pallas_src>
import functools

import jax
import jax.numpy as jnp
from jax import lax
from jax.experimental import pallas as pl
from jax.experimental.pallas import tpu as pltpu
from jax.experimental.pallas import tpu_sc as plsc

N = 10000
E = 320000
H = 128
G = 128
C = 10

NC = 2
NS = 16
NW = NC * NS
NPAD = 10240
ROWS_PT = NPAD // NS
CHUNK = 128
NCH = E // CHUNK
CPT = 80
NBUF = 2
IBUF = 4


@functools.cache
def _sc_kernels():
    mesh = plsc.VectorSubcoreMesh(core_axis_name="c", subcore_axis_name="s")

    @functools.partial(
        pl.kernel,
        mesh=mesh,
        out_type=jax.ShapeDtypeStruct((NC, NPAD), jnp.float32),
        scratch_types=[
            pltpu.VMEM((CPT * CHUNK,), jnp.int32),
            pltpu.VMEM((NBUF, CHUNK), jnp.int32),
            pltpu.VMEM((CHUNK,), jnp.float32),
            pltpu.VMEM((ROWS_PT,), jnp.float32),
            pltpu.VMEM_SHARED((NPAD,), jnp.float32),
        ] + [pltpu.SemaphoreType.DMA for _ in range(NBUF)],
    )
    def sc_degree(dst_hbm, out_hbm, idxall, idxr, ones_v, zero_v, acc, *ssem):
        c = lax.axis_index("c")
        s = lax.axis_index("s")
        w = c * NS + s

        pltpu.sync_copy(dst_hbm.at[pl.ds(w * CPT * CHUNK, CPT * CHUNK)],
                        idxall)

        for i in range(CHUNK // 16):
            ones_v[pl.ds(i * 16, 16)] = jnp.ones((16,), jnp.float32)

        def zb(i, carry):
            zero_v[pl.ds(i * 16, 16)] = jnp.zeros((16,), jnp.float32)
            return carry

        lax.fori_loop(0, ROWS_PT // 16, zb, 0)
        pltpu.sync_copy(zero_v, acc.at[pl.ds(s * ROWS_PT, ROWS_PT)])
        plsc.subcore_barrier()

        def fire_scatter(j, b):
            for k in range(CHUNK // 16):
                idxr[b, pl.ds(k * 16, 16)] = idxall[
                    pl.ds(j * CHUNK + k * 16, 16)]
            pltpu.async_copy(ones_v, acc.at[idxr.at[b]], ssem[b], add=True)

        for b in range(NBUF):
            fire_scatter(b, b)

        def body(i, carry):
            j0 = i * NBUF
            for b in range(NBUF):
                pltpu.make_async_copy(ones_v, acc.at[idxr.at[b]],
                                      ssem[b]).wait()
                fire_scatter(j0 + b + NBUF, b)
            return carry

        lax.fori_loop(0, CPT // NBUF - 1, body, 0)
        for b in range(NBUF):
            pltpu.make_async_copy(ones_v, acc.at[idxr.at[b]],
                                  ssem[b]).wait()

        plsc.subcore_barrier()
        pltpu.sync_copy(acc.at[pl.ds(s * ROWS_PT, ROWS_PT)],
                        out_hbm.at[c, pl.ds(s * ROWS_PT, ROWS_PT)])

    @functools.partial(
        pl.kernel,
        mesh=mesh,
        out_type=jax.ShapeDtypeStruct((NC, NPAD, H), jnp.float32),
        scratch_types=(
            [
                pltpu.VMEM((IBUF, CHUNK), jnp.int32),
                pltpu.VMEM((IBUF, CHUNK), jnp.int32),
            ]
            + [pltpu.VMEM((CHUNK, H), jnp.float32) for _ in range(NBUF)]
            + [
                pltpu.VMEM((32, H), jnp.float32),
                pltpu.VMEM_SHARED((NPAD, H), jnp.float32),
            ]
            + [pltpu.SemaphoreType.DMA for _ in range(2 * NBUF + IBUF)]
        ),
    )
    def sc_agg(hs_hbm, src_hbm, dst_hbm, out_hbm, *refs):
        isrcr, idstr = refs[0:2]
        rows = refs[2:2 + NBUF]
        zer, acc = refs[2 + NBUF:4 + NBUF]
        gsem = refs[4 + NBUF:4 + 2 * NBUF]
        ssem = refs[4 + 2 * NBUF:4 + 3 * NBUF]
        isem = refs[4 + 3 * NBUF:]

        c = lax.axis_index("c")
        s = lax.axis_index("s")
        ebase = (c * NS + s) * CPT * CHUNK

        def ifire(j, sl):
            base = ebase + j * CHUNK
            pltpu.async_copy(src_hbm.at[pl.ds(base, CHUNK)], isrcr.at[sl],
                             isem[sl])
            pltpu.async_copy(dst_hbm.at[pl.ds(base, CHUNK)], idstr.at[sl],
                             isem[sl])

        def idrain(j, sl):
            base = ebase + j * CHUNK
            pltpu.make_async_copy(src_hbm.at[pl.ds(base, CHUNK)],
                                  isrcr.at[sl], isem[sl]).wait()
            pltpu.make_async_copy(dst_hbm.at[pl.ds(base, CHUNK)],
                                  idstr.at[sl], isem[sl]).wait()

        def gfire(sl, b):
            pltpu.async_copy(hs_hbm.at[isrcr.at[sl]], rows[b], gsem[b])

        def gdrain(sl, b):
            pltpu.make_async_copy(hs_hbm.at[isrcr.at[sl]], rows[b],
                                  gsem[b]).wait()

        def sfire(sl, b):
            pltpu.async_copy(rows[b], acc.at[idstr.at[sl]], ssem[b],
                             add=True)

        def sdrain(sl, b):
            pltpu.make_async_copy(rows[b], acc.at[idstr.at[sl]],
                                  ssem[b]).wait()

        for sl in range(IBUF):
            ifire(sl, sl)
        for b in range(NBUF):
            idrain(b, b)
            gfire(b, b)

        def zb(i, carry):
            for k in range(H // 16):
                zer[i, pl.ds(k * 16, 16)] = jnp.zeros((16,), jnp.float32)
            return carry

        lax.fori_loop(0, 32, zb, 0)

        def zc(i, carry):
            pltpu.sync_copy(zer, acc.at[pl.ds(s * ROWS_PT + i * 32, 32)])
            return carry

        lax.fori_loop(0, ROWS_PT // 32, zc, 0)
        plsc.subcore_barrier()

        def body(i, carry):
            j0 = i * IBUF
            for t in (0, 1):
                gdrain(t, t)
                sfire(t, t)
            for t in (0, 1):
                sdrain(t, t)
                ifire(j0 + 4 + t, t)
                idrain(j0 + 2 + t, t + 2)
                gfire(t + 2, t)
            for t in (2, 3):
                gdrain(t, t - 2)
                sfire(t, t - 2)
            for t in (2, 3):
                sdrain(t, t - 2)
                ifire(j0 + 4 + t, t)
                idrain(j0 + 4 + (t - 2), t - 2)
                gfire(t - 2, t - 2)
            return carry

        lax.fori_loop(0, CPT // IBUF - 1, body, 0)

        for t in (0, 1):
            gdrain(t, t)
            sfire(t, t)
        for t in (0, 1):
            sdrain(t, t)
            idrain(CPT - 2 + t, t + 2)
            gfire(t + 2, t)
        for t in (2, 3):
            gdrain(t, t - 2)
            sfire(t, t - 2)
        for t in (2, 3):
            sdrain(t, t - 2)

        plsc.subcore_barrier()
        pltpu.sync_copy(acc.at[pl.ds(s * ROWS_PT, ROWS_PT)],
                        out_hbm.at[c, pl.ds(s * ROWS_PT, ROWS_PT)])

    return sc_degree, sc_agg


_BLK = 2000
_GRID = N // _BLK


def _dinv_block(degp):
    deg = degp[:, 0] + degp[:, 1] + 1.0
    return lax.rsqrt(deg)


def _tc_in_body(x_ref, w_ref, degp_ref, h_ref, hs_ref):
    dinv = _dinv_block(degp_ref[...])
    h = jnp.dot(x_ref[...], w_ref[...], preferred_element_type=jnp.float32)
    h_ref[...] = h
    hs_ref[...] = h * dinv[:, None]


def _tc_in(x, W1, degp):
    return pl.pallas_call(
        _tc_in_body,
        grid=(_GRID,),
        in_specs=[
            pl.BlockSpec((_BLK, H), lambda i: (i, 0)),
            pl.BlockSpec((H, H), lambda i: (0, 0)),
            pl.BlockSpec((_BLK, NC), lambda i: (i, 0)),
        ],
        out_specs=[
            pl.BlockSpec((_BLK, H), lambda i: (i, 0)),
            pl.BlockSpec((_BLK, H), lambda i: (i, 0)),
        ],
        out_shape=[
            jax.ShapeDtypeStruct((N, H), jnp.float32),
            jax.ShapeDtypeStruct((N, H), jnp.float32),
        ],
    )(x, W1, degp)


def _tc_mid_body(aggp_ref, h1_ref, degp_ref, b1_ref, w2_ref, h2_ref, hs2_ref):
    dinv = _dinv_block(degp_ref[...])
    agg = aggp_ref[0, :, :] + aggp_ref[1, :, :]
    h1 = h1_ref[...]
    z = jnp.maximum(
        dinv[:, None] * agg + (dinv * dinv)[:, None] * h1
        + b1_ref[...][None, :], 0.0)
    h2 = jnp.dot(z, w2_ref[...], preferred_element_type=jnp.float32)
    h2_ref[...] = h2
    hs2_ref[...] = h2 * dinv[:, None]


def _tc_mid(aggp, h1, degp, b1, W2):
    return pl.pallas_call(
        _tc_mid_body,
        grid=(_GRID,),
        in_specs=[
            pl.BlockSpec((NC, _BLK, H), lambda i: (0, i, 0)),
            pl.BlockSpec((_BLK, H), lambda i: (i, 0)),
            pl.BlockSpec((_BLK, NC), lambda i: (i, 0)),
            pl.BlockSpec((H,), lambda i: (0,)),
            pl.BlockSpec((H, H), lambda i: (0, 0)),
        ],
        out_specs=[
            pl.BlockSpec((_BLK, H), lambda i: (i, 0)),
            pl.BlockSpec((_BLK, H), lambda i: (i, 0)),
        ],
        out_shape=[
            jax.ShapeDtypeStruct((N, H), jnp.float32),
            jax.ShapeDtypeStruct((N, H), jnp.float32),
        ],
    )(aggp, h1, degp, b1, W2)


def _tc_out_body(aggp_ref, h2_ref, degp_ref, b2_ref, batch_ref, wc_ref, bc_ref,
                 out_ref, pooled_acc, counts_acc):
    i = pl.program_id(0)
    dinv = _dinv_block(degp_ref[...])
    agg = aggp_ref[0, :, :] + aggp_ref[1, :, :]
    h2 = h2_ref[...]
    z = jnp.maximum(
        dinv[:, None] * agg + (dinv * dinv)[:, None] * h2
        + b2_ref[...][None, :], 0.0)
    gids = lax.broadcasted_iota(jnp.int32, (_BLK, G), 1)
    oh = (gids == batch_ref[...]).astype(jnp.float32)

    @pl.when(i == 0)
    def _():
        pooled_acc[...] = jnp.zeros((G, H), jnp.float32)
        counts_acc[...] = jnp.zeros((G, 1), jnp.float32)

    tn = (((0,), (0,)), ((), ()))
    pooled_acc[...] += lax.dot_general(oh, z, tn,
                                       preferred_element_type=jnp.float32)
    counts_acc[...] += lax.dot_general(oh, jnp.ones((_BLK, 1), jnp.float32),
                                       tn, preferred_element_type=jnp.float32)

    @pl.when(i == _GRID - 1)
    def _():
        pooled = pooled_acc[...] / jnp.maximum(counts_acc[...], 1.0)
        out_ref[...] = (jnp.dot(pooled, wc_ref[...],
                                preferred_element_type=jnp.float32)
                        + bc_ref[...][None, :])


def _tc_out(aggp, h2, degp, b2, batch, Wc, bc):
    return pl.pallas_call(
        _tc_out_body,
        grid=(_GRID,),
        in_specs=[
            pl.BlockSpec((NC, _BLK, H), lambda i: (0, i, 0)),
            pl.BlockSpec((_BLK, H), lambda i: (i, 0)),
            pl.BlockSpec((_BLK, NC), lambda i: (i, 0)),
            pl.BlockSpec((H,), lambda i: (0,)),
            pl.BlockSpec((_BLK, 1), lambda i: (i, 0)),
            pl.BlockSpec((H, C), lambda i: (0, 0)),
            pl.BlockSpec((C,), lambda i: (0,)),
        ],
        out_specs=pl.BlockSpec((G, C), lambda i: (0, 0)),
        out_shape=jax.ShapeDtypeStruct((G, C), jnp.float32),
        scratch_shapes=[
            pltpu.VMEM((G, H), jnp.float32),
            pltpu.VMEM((G, 1), jnp.float32),
        ],
    )(aggp, h2, degp, b2, batch, Wc, bc)


def _tile_chunks(v, pad):
    v2 = v.reshape(NCH, CHUNK)
    main = v2[:NW * (CPT - 2)].reshape(NW, CPT - 2, CHUNK)
    extra = v2[NW * (CPT - 2):]
    pad = pad.at[:extra.shape[0], 0].set(extra)
    return jnp.concatenate([main, pad], axis=1).reshape(-1)


def kernel(x, edge_index, batch, W1, b1, W2, b2, Wc, bc):
    sc_degree, sc_agg = _sc_kernels()
    seq = jnp.arange(NW * 2 * CHUNK, dtype=jnp.int32).reshape(NW, 2, CHUNK)
    src2 = _tile_chunks(edge_index[0], seq % N)
    dst2 = _tile_chunks(edge_index[1], N + seq % (NPAD - N))
    degp = jnp.transpose(sc_degree(dst2))
    batch2 = batch.reshape(N, 1)
    h1, hs1 = _tc_in(x, W1, degp)
    aggp1 = sc_agg(hs1, src2, dst2)
    h2, hs2 = _tc_mid(aggp1, h1, degp, b1, W2)
    aggp2 = sc_agg(hs2, src2, dst2)
    return _tc_out(aggp2, h2, degp, b2, batch2, Wc, bc)

# --- scband reference (transcript-rebuilt; emitter-appended) ---
"""Pipeline reference for scband-gcn-5299989643753 (READ-ONLY COPY).

The authoritative reference and input builder live on the scoring server;
editing this copy changes nothing except your own understanding.
"""

import jax, jax.numpy as jnp
import numpy as np

N = 10000
E = 320000
F_IN = 128
H = 128
C = 10
G = 128


def setup_inputs(seed: int = 0) -> dict:
    key = jax.random.key(seed)
    ks = jax.random.split(key, 10)
    x = jax.random.normal(ks[0], (N, F_IN), dtype=jnp.float32)
    edge_index = jax.random.randint(ks[1], (2, E), 0, N, dtype=jnp.int32)
    batch = jnp.sort(jax.random.randint(ks[2], (N,), 0, G, dtype=jnp.int32))
    W1 = jax.random.normal(ks[3], (F_IN, H), dtype=jnp.float32) * (1.0 / np.sqrt(F_IN))
    b1 = jnp.zeros((H,), dtype=jnp.float32)
    W2 = jax.random.normal(ks[4], (H, H), dtype=jnp.float32) * (1.0 / np.sqrt(H))
    b2 = jnp.zeros((H,), dtype=jnp.float32)
    Wc = jax.random.normal(ks[5], (H, C), dtype=jnp.float32) * (1.0 / np.sqrt(H))
    bc = jnp.zeros((C,), dtype=jnp.float32)
    return {"x": x, "edge_index": edge_index, "batch": batch,
            "W1": W1, "b1": b1, "W2": W2, "b2": b2, "Wc": Wc, "bc": bc}


def _gcn_conv(x, edge_index, W, b):
    # GCNConv with self-loops and symmetric normalization (PyG defaults)
    loop = jnp.arange(N, dtype=edge_index.dtype)
    src = jnp.concatenate([edge_index[0], loop])
    dst = jnp.concatenate([edge_index[1], loop])
    deg = jax.ops.segment_sum(jnp.ones_like(src, dtype=jnp.float32), dst, num_segments=N)
    dinv = jnp.where(deg > 0, deg ** -0.5, 0.0)
    norm = dinv[src] * dinv[dst]
    h = x @ W
    msgs = h[src] * norm[:, None]
    out = jax.ops.segment_sum(msgs, dst, num_segments=N) + b
    return out


def reference(x, edge_index, batch, W1, b1, W2, b2, Wc, bc):
    h = jax.nn.relu(_gcn_conv(x, edge_index, W1, b1))
    # dropout p=0.0 / eval mode -> identity
    h = jax.nn.relu(_gcn_conv(h, edge_index, W2, b2))
    counts = jax.ops.segment_sum(jnp.ones((N,), dtype=jnp.float32), batch, num_segments=G)
    pooled = jax.ops.segment_sum(h, batch, num_segments=G) / jnp.clip(counts, 1.0)[:, None]
    return pooled @ Wc + bc

if __name__ == "__main__":
    import jax
    _d = setup_inputs()
    print(jax.jit(kernel)(*tuple(_d.values())))

</pallas_src>

<mosaic_0001>
#map = affine_map<(d0, d1) -> (0, 0)>
#map1 = affine_map<(d0, d1) -> (0)>
#map2 = affine_map<(d0, d1) -> (0, 0, 0)>
module attributes {stable_mosaic.version = 14 : i64} {
  func.func @sc_agg(%arg0: i32, %arg1: i32, %arg2: memref<10000x128xf32, #tpu.memory_space<hbm>>, %arg3: memref<327680xi32, #tpu.memory_space<hbm>>, %arg4: memref<327680xi32, #tpu.memory_space<hbm>>, %arg5: memref<2x10240x128xf32, #tpu.memory_space<hbm>>, %arg6: memref<4x128xi32, #tpu.memory_space<vmem>>, %arg7: memref<4x128xi32, #tpu.memory_space<vmem>>, %arg8: memref<128x128xf32, #tpu.memory_space<vmem>>, %arg9: memref<128x128xf32, #tpu.memory_space<vmem>>, %arg10: memref<32x128xf32, #tpu.memory_space<vmem>>, %arg11: memref<10240x128xf32, #tpu.memory_space<vmem_shared>>, %arg12: memref<!tpu.dma_semaphore, #tpu.memory_space<semaphore_mem>>, %arg13: memref<!tpu.dma_semaphore, #tpu.memory_space<semaphore_mem>>, %arg14: memref<!tpu.dma_semaphore, #tpu.memory_space<semaphore_mem>>, %arg15: memref<!tpu.dma_semaphore, #tpu.memory_space<semaphore_mem>>, %arg16: memref<!tpu.dma_semaphore, #tpu.memory_space<semaphore_mem>>, %arg17: memref<!tpu.dma_semaphore, #tpu.memory_space<semaphore_mem>>, %arg18: memref<!tpu.dma_semaphore, #tpu.memory_space<semaphore_mem>>, %arg19: memref<!tpu.dma_semaphore, #tpu.memory_space<semaphore_mem>>) attributes {dimension_semantics = [#tpu.dimension_semantics<core_parallel>, #tpu.dimension_semantics<subcore_parallel>], iteration_bounds = array<i64: 2, 16>, scalar_prefetch = 0 : i64, scratch_operands = 14 : i64, tpu.core_type = #tpu.core_type<sc_vector_subcore>, window_params = [{transform_indices = #map}, {transform_indices = #map1}, {transform_indices = #map1}, {transform_indices = #map2}]} {
    %mul3A = arith.constant 16 : i32
    %mul3A_0 = arith.muli %arg0, %mul3A : i32
    %add3A = arith.addi %mul3A_0, %arg1 : i32
    %mul3A_1 = arith.constant 80 : i32
    %mul3A_2 = arith.muli %add3A, %mul3A_1 : i32
    %mul3A_3 = arith.constant 128 : i32
    %mul3A_4 = arith.muli %mul3A_2, %mul3A_3 : i32
    %add3A_5 = arith.constant 0 : i32
    %add3A_6 = arith.addi %mul3A_4, %add3A_5 : i32
    %dma_start3A = arith.constant 0 : i32
    %dma_start3A_7 = arith.constant 0 : i32
    %dma_start3A_8 = tpu.memref_slice %arg6[%dma_start3A, %dma_start3A_7] : memref<4x128xi32, #tpu.memory_space<vmem>> -> memref<1x128xi32, #tpu.memory_space<vmem>>
    %dma_start3A_9 = tpu.memref_squeeze %dma_start3A_8 : memref<1x128xi32, #tpu.memory_space<vmem>> -> memref<128xi32, #tpu.memory_space<vmem>>
    %dma_start3A_10 = tpu.memref_slice %arg3[%add3A_6] : memref<327680xi32, #tpu.memory_space<hbm>> -> memref<128xi32, #tpu.memory_space<hbm>>
    %dma_start3A_11 = arith.constant 0 : i32
    %dma_start3A_12 = tpu.memref_slice %arg6[%dma_start3A, %dma_start3A_11] : memref<4x128xi32, #tpu.memory_space<vmem>> -> memref<1x128xi32, #tpu.memory_space<vmem>>
    %dma_start3A_13 = tpu.memref_squeeze %dma_start3A_12 : memref<1x128xi32, #tpu.memory_space<vmem>> -> memref<128xi32, #tpu.memory_space<vmem>>
    %dma_start3A_14 = tpu.memref_slice %arg3[%add3A_6] : memref<327680xi32, #tpu.memory_space<hbm>> -> memref<128xi32, #tpu.memory_space<hbm>>
    tpu.enqueue_dma source(%dma_start3A_14 : memref<128xi32, #tpu.memory_space<hbm>>) target(%dma_start3A_13 : memref<128xi32, #tpu.memory_space<vmem>>) target_semaphore(%arg16 : memref<!tpu.dma_semaphore, #tpu.memory_space<semaphore_mem>>)
    %dma_start3A_15 = arith.constant 0 : i32
    %dma_start3A_16 = arith.constant 0 : i32
    %dma_start3A_17 = tpu.memref_slice %arg7[%dma_start3A_15, %dma_start3A_16] : memref<4x128xi32, #tpu.memory_space<vmem>> -> memref<1x128xi32, #tpu.memory_space<vmem>>
    %dma_start3A_18 = tpu.memref_squeeze %dma_start3A_17 : memref<1x128xi32, #tpu.memory_space<vmem>> -> memref<128xi32, #tpu.memory_space<vmem>>
    %dma_start3A_19 = tpu.memref_slice %arg4[%add3A_6] : memref<327680xi32, #tpu.memory_space<hbm>> -> memref<128xi32, #tpu.memory_space<hbm>>
    %dma_start3A_20 = arith.constant 0 : i32
    %dma_start3A_21 = tpu.memref_slice %arg7[%dma_start3A_15, %dma_start3A_20] : memref<4x128xi32, #tpu.memory_space<vmem>> -> memref<1x128xi32, #tpu.memory_space<vmem>>
    %dma_start3A_22 = tpu.memref_squeeze %dma_start3A_21 : memref<1x128xi32, #tpu.memory_space<vmem>> -> memref<128xi32, #tpu.memory_space<vmem>>
    %dma_start3A_23 = tpu.memref_slice %arg4[%add3A_6] : memref<327680xi32, #tpu.memory_space<hbm>> -> memref<128xi32, #tpu.memory_space<hbm>>
    tpu.enqueue_dma source(%dma_start3A_23 : memref<128xi32, #tpu.memory_space<hbm>>) target(%dma_start3A_22 : memref<128xi32, #tpu.memory_space<vmem>>) target_semaphore(%arg16 : memref<!tpu.dma_semaphore, #tpu.memory_space<semaphore_mem>>)
    %add3A_24 = arith.constant 128 : i32
    %add3A_25 = arith.addi %mul3A_4, %add3A_24 : i32
    %dma_start3A_26 = arith.constant 1 : i32
    %dma_start3A_27 = arith.constant 0 : i32
    %dma_start3A_28 = tpu.memref_slice %arg6[%dma_start3A_26, %dma_start3A_27] : memref<4x128xi32, #tpu.memory_space<vmem>> -> memref<1x128xi32, #tpu.memory_space<vmem>>
    %dma_start3A_29 = tpu.memref_squeeze %dma_start3A_28 : memref<1x128xi32, #tpu.memory_space<vmem>> -> memref<128xi32, #tpu.memory_space<vmem>>
    %dma_start3A_30 = tpu.memref_slice %arg3[%add3A_25] : memref<327680xi32, #tpu.memory_space<hbm>> -> memref<128xi32, #tpu.memory_space<hbm>>
    %dma_start3A_31 = arith.constant 0 : i32
    %dma_start3A_32 = tpu.memref_slice %arg6[%dma_start3A_26, %dma_start3A_31] : memref<4x128xi32, #tpu.memory_space<vmem>> -> memref<1x128xi32, #tpu.memory_space<vmem>>
    %dma_start3A_33 = tpu.memref_squeeze %dma_start3A_32 : memref<1x128xi32, #tpu.memory_space<vmem>> -> memref<128xi32, #tpu.memory_space<vmem>>
    %dma_start3A_34 = tpu.memref_slice %arg3[%add3A_25] : memref<327680xi32, #tpu.memory_space<hbm>> -> memref<128xi32, #tpu.memory_space<hbm>>
    tpu.enqueue_dma source(%dma_start3A_34 : memref<128xi32, #tpu.memory_space<hbm>>) target(%dma_start3A_33 : memref<128xi32, #tpu.memory_space<vmem>>) target_semaphore(%arg17 : memref<!tpu.dma_semaphore, #tpu.memory_space<semaphore_mem>>)
    %dma_start3A_35 = arith.constant 1 : i32
    %dma_start3A_36 = arith.constant 0 : i32
    %dma_start3A_37 = tpu.memref_slice %arg7[%dma_start3A_35, %dma_start3A_36] : memref<4x128xi32, #tpu.memory_space<vmem>> -> memref<1x128xi32, #tpu.memory_space<vmem>>
    %dma_start3A_38 = tpu.memref_squeeze %dma_start3A_37 : memref<1x128xi32, #tpu.memory_space<vmem>> -> memref<128xi32, #tpu.memory_space<vmem>>
    %dma_start3A_39 = tpu.memref_slice %arg4[%add3A_25] : memref<327680xi32, #tpu.memory_space<hbm>> -> memref<128xi32, #tpu.memory_space<hbm>>
    %dma_start3A_40 = arith.constant 0 : i32
    %dma_start3A_41 = tpu.memref_slice %arg7[%dma_start3A_35, %dma_start3A_40] : memref<4x128xi32, #tpu.memory_space<vmem>> -> memref<1x128xi32, #tpu.memory_space<vmem>>
    %dma_start3A_42 = tpu.memref_squeeze %dma_start3A_41 : memref<1x128xi32, #tpu.memory_space<vmem>> -> memref<128xi32, #tpu.memory_space<vmem>>
    %dma_start3A_43 = tpu.memref_slice %arg4[%add3A_25] : memref<327680xi32, #tpu.memory_space<hbm>> -> memref<128xi32, #tpu.memory_space<hbm>>
    tpu.enqueue_dma source(%dma_start3A_43 : memref<128xi32, #tpu.memory_space<hbm>>) target(%dma_start3A_42 : memref<128xi32, #tpu.memory_space<vmem>>) target_semaphore(%arg17 : memref<!tpu.dma_semaphore, #tpu.memory_space<semaphore_mem>>)
    %add3A_44 = arith.constant 256 : i32
    %add3A_45 = arith.addi %mul3A_4, %add3A_44 : i32
    %dma_start3A_46 = arith.constant 2 : i32
    %dma_start3A_47 = arith.constant 0 : i32
    %dma_start3A_48 = tpu.memref_slice %arg6[%dma_start3A_46, %dma_start3A_47] : memref<4x128xi32, #tpu.memory_space<vmem>> -> memref<1x128xi32, #tpu.memory_space<vmem>>
    %dma_start3A_49 = tpu.memref_squeeze %dma_start3A_48 : memref<1x128xi32, #tpu.memory_space<vmem>> -> memref<128xi32, #tpu.memory_space<vmem>>
    %dma_start3A_50 = tpu.memref_slice %arg3[%add3A_45] : memref<327680xi32, #tpu.memory_space<hbm>> -> memref<128xi32, #tpu.memory_space<hbm>>
    %dma_start3A_51 = arith.constant 0 : i32
    %dma_start3A_52 = tpu.memref_slice %arg6[%dma_start3A_46, %dma_start3A_51] : memref<4x128xi32, #tpu.memory_space<vmem>> -> memref<1x128xi32, #tpu.memory_space<vmem>>
    %dma_start3A_53 = tpu.memref_squeeze %dma_start3A_52 : memref<1x128xi32, #tpu.memory_space<vmem>> -> memref<128xi32, #tpu.memory_space<vmem>>
    %dma_start3A_54 = tpu.memref_slice %arg3[%add3A_45] : memref<327680xi32, #tpu.memory_space<hbm>> -> memref<128xi32, #tpu.memory_space<hbm>>
    tpu.enqueue_dma source(%dma_start3A_54 : memref<128xi32, #tpu.memory_space<hbm>>) target(%dma_start3A_53 : memref<128xi32, #tpu.memory_space<vmem>>) target_semaphore(%arg18 : memref<!tpu.dma_semaphore, #tpu.memory_space<semaphore_mem>>)
    %dma_start3A_55 = arith.constant 2 : i32
    %dma_start3A_56 = arith.constant 0 : i32
    %dma_start3A_57 = tpu.memref_slice %arg7[%dma_start3A_55, %dma_start3A_56] : memref<4x128xi32, #tpu.memory_space<vmem>> -> memref<1x128xi32, #tpu.memory_space<vmem>>
    %dma_start3A_58 = tpu.memref_squeeze %dma_start3A_57 : memref<1x128xi32, #tpu.memory_space<vmem>> -> memref<128xi32, #tpu.memory_space<vmem>>
    %dma_start3A_59 = tpu.memref_slice %arg4[%add3A_45] : memref<327680xi32, #tpu.memory_space<hbm>> -> memref<128xi32, #tpu.memory_space<hbm>>
    %dma_start3A_60 = arith.constant 0 : i32
    %dma_start3A_61 = tpu.memref_slice %arg7[%dma_start3A_55, %dma_start3A_60] : memref<4x128xi32, #tpu.memory_space<vmem>> -> memref<1x128xi32, #tpu.memory_space<vmem>>
    %dma_start3A_62 = tpu.memref_squeeze %dma_start3A_61 : memref<1x128xi32, #tpu.memory_space<vmem>> -> memref<128xi32, #tpu.memory_space<vmem>>
    %dma_start3A_63 = tpu.memref_slice %arg4[%add3A_45] : memref<327680xi32, #tpu.memory_space<hbm>> -> memref<128xi32, #tpu.memory_space<hbm>>
    tpu.enqueue_dma source(%dma_start3A_63 : memref<128xi32, #tpu.memory_space<hbm>>) target(%dma_start3A_62 : memref<128xi32, #tpu.memory_space<vmem>>) target_semaphore(%arg18 : memref<!tpu.dma_semaphore, #tpu.memory_space<semaphore_mem>>)
    %add3A_64 = arith.constant 384 : i32
    %add3A_65 = arith.addi %mul3A_4, %add3A_64 : i32
    %dma_start3A_66 = arith.constant 3 : i32
    %dma_start3A_67 = arith.constant 0 : i32
    %dma_start3A_68 = tpu.memref_slice %arg6[%dma_start3A_66, %dma_start3A_67] : memref<4x128xi32, #tpu.memory_space<vmem>> -> memref<1x128xi32, #tpu.memory_space<vmem>>
    %dma_start3A_69 = tpu.memref_squeeze %dma_start3A_68 : memref<1x128xi32, #tpu.memory_space<vmem>> -> memref<128xi32, #tpu.memory_space<vmem>>
    %dma_start3A_70 = tpu.memref_slice %arg3[%add3A_65] : memref<327680xi32, #tpu.memory_space<hbm>> -> memref<128xi32, #tpu.memory_space<hbm>>
    %dma_start3A_71 = arith.constant 0 : i32
    %dma_start3A_72 = tpu.memref_slice %arg6[%dma_start3A_66, %dma_start3A_71] : memref<4x128xi32, #tpu.memory_space<vmem>> -> memref<1x128xi32, #tpu.memory_space<vmem>>
    %dma_start3A_73 = tpu.memref_squeeze %dma_start3A_72 : memref<1x128xi32, #tpu.memory_space<vmem>> -> memref<128xi32, #tpu.memory_space<vmem>>
    %dma_start3A_74 = tpu.memref_slice %arg3[%add3A_65] : memref<327680xi32, #tpu.memory_space<hbm>> -> memref<128xi32, #tpu.memory_space<hbm>>
    tpu.enqueue_dma source(%dma_start3A_74 : memref<128xi32, #tpu.memory_space<hbm>>) target(%dma_start3A_73 : memref<128xi32, #tpu.memory_space<vmem>>) target_semaphore(%arg19 : memref<!tpu.dma_semaphore, #tpu.memory_space<semaphore_mem>>)
    %dma_start3A_75 = arith.constant 3 : i32
    %dma_start3A_76 = arith.constant 0 : i32
    %dma_start3A_77 = tpu.memref_slice %arg7[%dma_start3A_75, %dma_start3A_76] : memref<4x128xi32, #tpu.memory_space<vmem>> -> memref<1x128xi32, #tpu.memory_space<vmem>>
    %dma_start3A_78 = tpu.memref_squeeze %dma_start3A_77 : memref<1x128xi32, #tpu.memory_space<vmem>> -> memref<128xi32, #tpu.memory_space<vmem>>
    %dma_start3A_79 = tpu.memref_slice %arg4[%add3A_65] : memref<327680xi32, #tpu.memory_space<hbm>> -> memref<128xi32, #tpu.memory_space<hbm>>
    %dma_start3A_80 = arith.constant 0 : i32
    %dma_start3A_81 = tpu.memref_slice %arg7[%dma_start3A_75, %dma_start3A_80] : memref<4x128xi32, #tpu.memory_space<vmem>> -> memref<1x128xi32, #tpu.memory_space<vmem>>
    %dma_start3A_82 = tpu.memref_squeeze %dma_start3A_81 : memref<1x128xi32, #tpu.memory_space<vmem>> -> memref<128xi32, #tpu.memory_space<vmem>>
    %dma_start3A_83 = tpu.memref_slice %arg4[%add3A_65] : memref<327680xi32, #tpu.memory_space<hbm>> -> memref<128xi32, #tpu.memory_space<hbm>>
    tpu.enqueue_dma source(%dma_start3A_83 : memref<128xi32, #tpu.memory_space<hbm>>) target(%dma_start3A_82 : memref<128xi32, #tpu.memory_space<vmem>>) target_semaphore(%arg19 : memref<!tpu.dma_semaphore, #tpu.memory_space<semaphore_mem>>)
    %add3A_84 = arith.constant 0 : i32
    %add3A_85 = arith.addi %mul3A_4, %add3A_84 : i32
    %dma_wait3A = arith.constant 0 : i32
    %dma_wait3A_86 = arith.constant 0 : i32
    %dma_wait3A_87 = tpu.memref_slice %arg6[%dma_wait3A, %dma_wait3A_86] : memref<4x128xi32, #tpu.memory_space<vmem>> -> memref<1x128xi32, #tpu.memory_space<vmem>>
    %dma_wait3A_88 = tpu.memref_squeeze %dma_wait3A_87 : memref<1x128xi32, #tpu.memory_space<vmem>> -> memref<128xi32, #tpu.memory_space<vmem>>
    %dma_wait3A_89 = tpu.memref_slice %arg3[%add3A_85] : memref<327680xi32, #tpu.memory_space<hbm>> -> memref<128xi32, #tpu.memory_space<hbm>>
    %dma_wait3A_90 = arith.constant 0 : i32
    %dma_wait3A_91 = tpu.memref_slice %arg6[%dma_wait3A, %dma_wait3A_90] : memref<4x128xi32, #tpu.memory_space<vmem>> -> memref<1x128xi32, #tpu.memory_space<vmem>>
    %dma_wait3A_92 = tpu.memref_squeeze %dma_wait3A_91 : memref<1x128xi32, #tpu.memory_space<vmem>> -> memref<128xi32, #tpu.memory_space<vmem>>
    %dma_wait3A_93 = tpu.memref_slice %arg3[%add3A_85] : memref<327680xi32, #tpu.memory_space<hbm>> -> memref<128xi32, #tpu.memory_space<hbm>>
    tpu.wait_dma2 semaphore(%arg16 : memref<!tpu.dma_semaphore, #tpu.memory_space<semaphore_mem>>) src(%dma_wait3A_93 : memref<128xi32, #tpu.memory_space<hbm>>) dst(%dma_wait3A_92 : memref<128xi32, #tpu.memory_space<vmem>>)
    %dma_wait3A_94 = arith.constant 0 : i32
    %dma_wait3A_95 = arith.constant 0 : i32
    %dma_wait3A_96 = tpu.memref_slice %arg7[%dma_wait3A_94, %dma_wait3A_95] : memref<4x128xi32, #tpu.memory_space<vmem>> -> memref<1x128xi32, #tpu.memory_space<vmem>>
    %dma_wait3A_97 = tpu.memref_squeeze %dma_wait3A_96 : memref<1x128xi32, #tpu.memory_space<vmem>> -> memref<128xi32, #tpu.memory_space<vmem>>
    %dma_wait3A_98 = tpu.memref_slice %arg4[%add3A_85] : memref<327680xi32, #tpu.memory_space<hbm>> -> memref<128xi32, #tpu.memory_space<hbm>>
    %dma_wait3A_99 = arith.constant 0 : i32
    %dma_wait3A_100 = tpu.memref_slice %arg7[%dma_wait3A_94, %dma_wait3A_99] : memref<4x128xi32, #tpu.memory_space<vmem>> -> memref<1x128xi32, #tpu.memory_space<vmem>>
    %dma_wait3A_101 = tpu.memref_squeeze %dma_wait3A_100 : memref<1x128xi32, #tpu.memory_space<vmem>> -> memref<128xi32, #tpu.memory_space<vmem>>
    %dma_wait3A_102 = tpu.memref_slice %arg4[%add3A_85] : memref<327680xi32, #tpu.memory_space<hbm>> -> memref<128xi32, #tpu.memory_space<hbm>>
    tpu.wait_dma2 semaphore(%arg16 : memref<!tpu.dma_semaphore, #tpu.memory_space<semaphore_mem>>) src(%dma_wait3A_102 : memref<128xi32, #tpu.memory_space<hbm>>) dst(%dma_wait3A_101 : memref<128xi32, #tpu.memory_space<vmem>>)
    %dma_start3A_103 = arith.constant 0 : i32
    %dma_start3A_104 = arith.constant 0 : i32
    %dma_start3A_105 = tpu.memref_slice %arg6[%dma_start3A_103, %dma_start3A_104] : memref<4x128xi32, #tpu.memory_space<vmem>> -> memref<1x128xi32, #tpu.memory_space<vmem>>
    %dma_start3A_106 = tpu.memref_squeeze %dma_start3A_105 : memref<1x128xi32, #tpu.memory_space<vmem>> -> memref<128xi32, #tpu.memory_space<vmem>>
    %dma_start3A_107 = arith.constant 0 : i32
    %dma_start3A_108 = arith.constant 0 : i32
    %dma_start3A_109 = tpu.memref_slice %arg2[%dma_start3A_107, %dma_start3A_108] : memref<10000x128xf32, #tpu.memory_space<hbm>> -> memref<10000x128xf32, #tpu.memory_space<hbm>>
    tpu.enqueue_indirect_dma source(%dma_start3A_109 : memref<10000x128xf32, #tpu.memory_space<hbm>>) target(%arg8 : memref<128x128xf32, #tpu.memory_space<vmem>>) offsets(%dma_start3A_106 : memref<128xi32, #tpu.memory_space<vmem>>) semaphore(%arg12 : memref<!tpu.dma_semaphore, #tpu.memory_space<semaphore_mem>>)
    %add3A_110 = arith.constant 128 : i32
    %add3A_111 = arith.addi %mul3A_4, %add3A_110 : i32
    %dma_wait3A_112 = arith.constant 1 : i32
    %dma_wait3A_113 = arith.constant 0 : i32
    %dma_wait3A_114 = tpu.memref_slice %arg6[%dma_wait3A_112, %dma_wait3A_113] : memref<4x128xi32, #tpu.memory_space<vmem>> -> memref<1x128xi32, #tpu.memory_space<vmem>>
    %dma_wait3A_115 = tpu.memref_squeeze %dma_wait3A_114 : memref<1x128xi32, #tpu.memory_space<vmem>> -> memref<128xi32, #tpu.memory_space<vmem>>
    %dma_wait3A_116 = tpu.memref_slice %arg3[%add3A_111] : memref<327680xi32, #tpu.memory_space<hbm>> -> memref<128xi32, #tpu.memory_space<hbm>>
    %dma_wait3A_117 = arith.constant 0 : i32
    %dma_wait3A_118 = tpu.memref_slice %arg6[%dma_wait3A_112, %dma_wait3A_117] : memref<4x128xi32, #tpu.memory_space<vmem>> -> memref<1x128xi32, #tpu.memory_space<vmem>>
    %dma_wait3A_119 = tpu.memref_squeeze %dma_wait3A_118 : memref<1x128xi32, #tpu.memory_space<vmem>> -> memref<128xi32, #tpu.memory_space<vmem>>
    %dma_wait3A_120 = tpu.memref_slice %arg3[%add3A_111] : memref<327680xi32, #tpu.memory_space<hbm>> -> memref<128xi32, #tpu.memory_space<hbm>>
    tpu.wait_dma2 semaphore(%arg17 : memref<!tpu.dma_semaphore, #tpu.memory_space<semaphore_mem>>) src(%dma_wait3A_120 : memref<128xi32, #tpu.memory_space<hbm>>) dst(%dma_wait3A_119 : memref<128xi32, #tpu.memory_space<vmem>>)
    %dma_wait3A_121 = arith.constant 1 : i32
    %dma_wait3A_122 = arith.constant 0 : i32
    %dma_wait3A_123 = tpu.memref_slice %arg7[%dma_wait3A_121, %dma_wait3A_122] : memref<4x128xi32, #tpu.memory_space<vmem>> -> memref<1x128xi32, #tpu.memory_space<vmem>>
    %dma_wait3A_124 = tpu.memref_squeeze %dma_wait3A_123 : memref<1x128xi32, #tpu.memory_space<vmem>> -> memref<128xi32, #tpu.memory_space<vmem>>
    %dma_wait3A_125 = tpu.memref_slice %arg4[%add3A_111] : memref<327680xi32, #tpu.memory_space<hbm>> -> memref<128xi32, #tpu.memory_space<hbm>>
    %dma_wait3A_126 = arith.constant 0 : i32
    %dma_wait3A_127 = tpu.memref_slice %arg7[%dma_wait3A_121, %dma_wait3A_126] : memref<4x128xi32, #tpu.memory_space<vmem>> -> memref<1x128xi32, #tpu.memory_space<vmem>>
    %dma_wait3A_128 = tpu.memref_squeeze %dma_wait3A_127 : memref<1x128xi32, #tpu.memory_space<vmem>> -> memref<128xi32, #tpu.memory_space<vmem>>
    %dma_wait3A_129 = tpu.memref_slice %arg4[%add3A_111] : memref<327680xi32, #tpu.memory_space<hbm>> -> memref<128xi32, #tpu.memory_space<hbm>>
    tpu.wait_dma2 semaphore(%arg17 : memref<!tpu.dma_semaphore, #tpu.memory_space<semaphore_mem>>) src(%dma_wait3A_129 : memref<128xi32, #tpu.memory_space<hbm>>) dst(%dma_wait3A_128 : memref<128xi32, #tpu.memory_space<vmem>>)
    %dma_start3A_130 = arith.constant 1 : i32
    %dma_start3A_131 = arith.constant 0 : i32
    %dma_start3A_132 = tpu.memref_slice %arg6[%dma_start3A_130, %dma_start3A_131] : memref<4x128xi32, #tpu.memory_space<vmem>> -> memref<1x128xi32, #tpu.memory_space<vmem>>
    %dma_start3A_133 = tpu.memref_squeeze %dma_start3A_132 : memref<1x128xi32, #tpu.memory_space<vmem>> -> memref<128xi32, #tpu.memory_space<vmem>>
    %dma_start3A_134 = arith.constant 0 : i32
    %dma_start3A_135 = arith.constant 0 : i32
    %dma_start3A_136 = tpu.memref_slice %arg2[%dma_start3A_134, %dma_start3A_135] : memref<10000x128xf32, #tpu.memory_space<hbm>> -> memref<10000x128xf32, #tpu.memory_space<hbm>>
    tpu.enqueue_indirect_dma source(%dma_start3A_136 : memref<10000x128xf32, #tpu.memory_space<hbm>>) target(%arg9 : memref<128x128xf32, #tpu.memory_space<vmem>>) offsets(%dma_start3A_133 : memref<128xi32, #tpu.memory_space<vmem>>) semaphore(%arg13 : memref<!tpu.dma_semaphore, #tpu.memory_space<semaphore_mem>>)
    %scan3A = arith.constant 0 : i32
    %scan3A_137 = arith.constant 0 : i32
    %scan3A_138 = arith.constant 32 : i32
    %scan3A_139 = arith.addi %scan3A_137, %scan3A_138 : i32
    %scan3A_140 = arith.constant 1 : i32
    scf.for %scan3A_297 = %scan3A_137 to %scan3A_139 step %scan3A_140  : i32 {
      %broadcast_in_dim3A = arith.constant 0.000000e+00 : f32
      %broadcast_in_dim3A_298 = vector.broadcast %broadcast_in_dim3A : f32 to vector<16xf32>
      %swap3A = arith.index_cast %scan3A_297 : i32 to index
      %swap3A_299 = arith.constant 0 : index
      %swap3A_300 = tpu.vector_load %arg10[%swap3A, %swap3A_299] {strides = array<i32>} : memref<32x128xf32, #tpu.memory_space<vmem>>, vector<1x16xf32>,
      %swap3A_301 = vector.shape_cast %swap3A_300 : vector<1x16xf32> to vector<16xf32>
      %swap3A_302 = vector.shape_cast %broadcast_in_dim3A_298 : vector<16xf32> to vector<1x16xf32>
      tpu.vector_store %arg10[%swap3A, %swap3A_299], %swap3A_302 {strides = array<i32>} : memref<32x128xf32, #tpu.memory_space<vmem>>, vector<1x16xf32>,
      %broadcast_in_dim3A_303 = arith.constant 0.000000e+00 : f32
      %broadcast_in_dim3A_304 = vector.broadcast %broadcast_in_dim3A_303 : f32 to vector<16xf32>
      %swap3A_305 = arith.index_cast %scan3A_297 : i32 to index
      %swap3A_306 = arith.constant 16 : index
      %swap3A_307 = tpu.vector_load %arg10[%swap3A_305, %swap3A_306] {strides = array<i32>} : memref<32x128xf32, #tpu.memory_space<vmem>>, vector<1x16xf32>,
      %swap3A_308 = vector.shape_cast %swap3A_307 : vector<1x16xf32> to vector<16xf32>
      %swap3A_309 = vector.shape_cast %broadcast_in_dim3A_304 : vector<16xf32> to vector<1x16xf32>
      tpu.vector_store %arg10[%swap3A_305, %swap3A_306], %swap3A_309 {strides = array<i32>} : memref<32x128xf32, #tpu.memory_space<vmem>>, vector<1x16xf32>,
      %broadcast_in_dim3A_310 = arith.constant 0.000000e+00 : f32
      %broadcast_in_dim3A_311 = vector.broadcast %broadcast_in_dim3A_310 : f32 to vector<16xf32>
      %swap3A_312 = arith.index_cast %scan3A_297 : i32 to index
      %swap3A_313 = arith.constant 32 : index
      %swap3A_314 = tpu.vector_load %arg10[%swap3A_312, %swap3A_313] {strides = array<i32>} : memref<32x128xf32, #tpu.memory_space<vmem>>, vector<1x16xf32>,
      %swap3A_315 = vector.shape_cast %swap3A_314 : vector<1x16xf32> to vector<16xf32>
      %swap3A_316 = vector.shape_cast %broadcast_in_dim3A_311 : vector<16xf32> to vector<1x16xf32>
      tpu.vector_store %arg10[%swap3A_312, %swap3A_313], %swap3A_316 {strides = array<i32>} : memref<32x128xf32, #tpu.memory_space<vmem>>, vector<1x16xf32>,
      %broadcast_in_dim3A_317 = arith.constant 0.000000e+00 : f32
      %broadcast_in_dim3A_318 = vector.broadcast %broadcast_in_dim3A_317 : f32 to vector<16xf32>
      %swap3A_319 = arith.index_cast %scan3A_297 : i32 to index
      %swap3A_320 = arith.constant 48 : index
      %swap3A_321 = tpu.vector_load %arg10[%swap3A_319, %swap3A_320] {strides = array<i32>} : memref<32x128xf32, #tpu.memory_space<vmem>>, vector<1x16xf32>,
      %swap3A_322 = vector.shape_cast %swap3A_321 : vector<1x16xf32> to vector<16xf32>
      %swap3A_323 = vector.shape_cast %broadcast_in_dim3A_318 : vector<16xf32> to vector<1x16xf32>
      tpu.vector_store %arg10[%swap3A_319, %swap3A_320], %swap3A_323 {strides = array<i32>} : memref<32x128xf32, #tpu.memory_space<vmem>>, vector<1x16xf32>,
      %broadcast_in_dim3A_324 = arith.constant 0.000000e+00 : f32
      %broadcast_in_dim3A_325 = vector.broadcast %broadcast_in_dim3A_324 : f32 to vector<16xf32>
      %swap3A_326 = arith.index_cast %scan3A_297 : i32 to index
      %swap3A_327 = arith.constant 64 : index
      %swap3A_328 = tpu.vector_load %arg10[%swap3A_326, %swap3A_327] {strides = array<i32>} : memref<32x128xf32, #tpu.memory_space<vmem>>, vector<1x16xf32>,
      %swap3A_329 = vector.shape_cast %swap3A_328 : vector<1x16xf32> to vector<16xf32>
      %swap3A_330 = vector.shape_cast %broadcast_in_dim3A_325 : vector<16xf32> to vector<1x16xf32>
      tpu.vector_store %arg10[%swap3A_326, %swap3A_327], %swap3A_330 {strides = array<i32>} : memref<32x128xf32, #tpu.memory_space<vmem>>, vector<1x16xf32>,
      %broadcast_in_dim3A_331 = arith.constant 0.000000e+00 : f32
      %broadcast_in_dim3A_332 = vector.broadcast %broadcast_in_dim3A_331 : f32 to vector<16xf32>
      %swap3A_333 = arith.index_cast %scan3A_297 : i32 to index
      %swap3A_334 = arith.constant 80 : index
      %swap3A_335 = tpu.vector_load %arg10[%swap3A_333, %swap3A_334] {strides = array<i32>} : memref<32x128xf32, #tpu.memory_space<vmem>>, vector<1x16xf32>,
      %swap3A_336 = vector.shape_cast %swap3A_335 : vector<1x16xf32> to vector<16xf32>
      %swap3A_337 = vector.shape_cast %broadcast_in_dim3A_332 : vector<16xf32> to vector<1x16xf32>
      tpu.vector_store %arg10[%swap3A_333, %swap3A_334], %swap3A_337 {strides = array<i32>} : memref<32x128xf32, #tpu.memory_space<vmem>>, vector<1x16xf32>,
      %broadcast_in_dim3A_338 = arith.constant 0.000000e+00 : f32
      %broadcast_in_dim3A_339 = vector.broadcast %broadcast_in_dim3A_338 : f32 to vector<16xf32>
      %swap3A_340 = arith.index_cast %scan3A_297 : i32 to index
      %swap3A_341 = arith.constant 96 : index
      %swap3A_342 = tpu.vector_load %arg10[%swap3A_340, %swap3A_341] {strides = array<i32>} : memref<32x128xf32, #tpu.memory_space<vmem>>, vector<1x16xf32>,
      %swap3A_343 = vector.shape_cast %swap3A_342 : vector<1x16xf32> to vector<16xf32>
      %swap3A_344 = vector.shape_cast %broadcast_in_dim3A_339 : vector<16xf32> to vector<1x16xf32>
      tpu.vector_store %arg10[%swap3A_340, %swap3A_341], %swap3A_344 {strides = array<i32>} : memref<32x128xf32, #tpu.memory_space<vmem>>, vector<1x16xf32>,
      %broadcast_in_dim3A_345 = arith.constant 0.000000e+00 : f32
      %broadcast_in_dim3A_346 = vector.broadcast %broadcast_in_dim3A_345 : f32 to vector<16xf32>
      %swap3A_347 = arith.index_cast %scan3A_297 : i32 to index
      %swap3A_348 = arith.constant 112 : index
      %swap3A_349 = tpu.vector_load %arg10[%swap3A_347, %swap3A_348] {strides = array<i32>} : memref<32x128xf32, #tpu.memory_space<vmem>>, vector<1x16xf32>,
      %swap3A_350 = vector.shape_cast %swap3A_349 : vector<1x16xf32> to vector<16xf32>
      %swap3A_351 = vector.shape_cast %broadcast_in_dim3A_346 : vector<16xf32> to vector<1x16xf32>
      tpu.vector_store %arg10[%swap3A_347, %swap3A_348], %swap3A_351 {strides = array<i32>} : memref<32x128xf32, #tpu.memory_space<vmem>>, vector<1x16xf32>,
    }
    %scan3A_141 = arith.constant 32 : i32
    %scan3A_142 = arith.constant 0 : i32
    %scan3A_143 = arith.constant 0 : i32
    %scan3A_144 = arith.constant 20 : i32
    %scan3A_145 = arith.addi %scan3A_143, %scan3A_144 : i32
    %scan3A_146 = arith.constant 1 : i32
    scf.for %scan3A_297 = %scan3A_143 to %scan3A_145 step %scan3A_146  : i32 {
      %mul3A_298 = arith.constant 640 : i32
      %mul3A_299 = arith.muli %arg1, %mul3A_298 : i32
      %mul3A_300 = arith.constant 32 : i32
      %mul3A_301 = arith.muli %scan3A_297, %mul3A_300 : i32
      %add3A_302 = arith.addi %mul3A_299, %mul3A_301 : i32
      "tpu.region"() ({
        %run_scoped3A = tpu.sem_alloc : memref<!tpu.dma_semaphore, #tpu.memory_space<semaphore_mem>>
        %dma_start3A_303 = arith.constant 0 : i32
        %dma_start3A_304 = tpu.memref_slice %arg11[%add3A_302, %dma_start3A_303] : memref<10240x128xf32, #tpu.memory_space<vmem_shared>> -> memref<32x128xf32, #tpu.memory_space<vmem_shared>>
        %dma_start3A_305 = arith.constant 0 : i32
        %dma_start3A_306 = tpu.memref_slice %arg11[%add3A_302, %dma_start3A_305] : memref<10240x128xf32, #tpu.memory_space<vmem_shared>> -> memref<32x128xf32, #tpu.memory_space<vmem_shared>>
        tpu.enqueue_dma source(%arg10 : memref<32x128xf32, #tpu.memory_space<vmem>>) target(%dma_start3A_306 : memref<32x128xf32, #tpu.memory_space<vmem_shared>>) target_semaphore(%run_scoped3A : memref<!tpu.dma_semaphore, #tpu.memory_space<semaphore_mem>>)
        %dma_wait3A_307 = arith.constant 0 : i32
        %dma_wait3A_308 = tpu.memref_slice %arg11[%add3A_302, %dma_wait3A_307] : memref<10240x128xf32, #tpu.memory_space<vmem_shared>> -> memref<32x128xf32, #tpu.memory_space<vmem_shared>>
        %dma_wait3A_309 = arith.constant 0 : i32
        %dma_wait3A_310 = tpu.memref_slice %arg11[%add3A_302, %dma_wait3A_309] : memref<10240x128xf32, #tpu.memory_space<vmem_shared>> -> memref<32x128xf32, #tpu.memory_space<vmem_shared>>
        tpu.wait_dma2 semaphore(%run_scoped3A : memref<!tpu.dma_semaphore, #tpu.memory_space<semaphore_mem>>) src(%arg10 : memref<32x128xf32, #tpu.memory_space<vmem>>) dst(%dma_wait3A_310 : memref<32x128xf32, #tpu.memory_space<vmem_shared>>)
        tpu.yield
      }) : () -> ()
    }
    %scan3A_147 = arith.constant 20 : i32
    %barrier3A = arith.constant 0 : index
    tpu.barrier barrier_id(%barrier3A)
    %scan3A_148 = arith.constant 0 : i32
    %scan3A_149 = arith.constant 0 : i32
    %scan3A_150 = arith.constant 19 : i32
    %scan3A_151 = arith.addi %scan3A_149, %scan3A_150 : i32
    %scan3A_152 = arith.constant 1 : i32
    scf.for %scan3A_297 = %scan3A_149 to %scan3A_151 step %scan3A_152  : i32 {
      %mul3A_298 = arith.constant 4 : i32
      %mul3A_299 = arith.muli %scan3A_297, %mul3A_298 : i32
      %dma_wait3A_300 = arith.constant 0 : i32
      %dma_wait3A_301 = arith.constant 0 : i32
      %dma_wait3A_302 = tpu.memref_slice %arg6[%dma_wait3A_300, %dma_wait3A_301] : memref<4x128xi32, #tpu.memory_space<vmem>> -> memref<1x128xi32, #tpu.memory_space<vmem>>
      %dma_wait3A_303 = tpu.memref_squeeze %dma_wait3A_302 : memref<1x128xi32, #tpu.memory_space<vmem>> -> memref<128xi32, #tpu.memory_space<vmem>>
      %dma_wait3A_304 = arith.constant 0 : i32
      %dma_wait3A_305 = arith.constant 0 : i32
      %dma_wait3A_306 = tpu.memref_slice %arg2[%dma_wait3A_304, %dma_wait3A_305] : memref<10000x128xf32, #tpu.memory_space<hbm>> -> memref<10000x128xf32, #tpu.memory_space<hbm>>
      tpu.wait_indirect_dma semaphore(%arg12 : memref<!tpu.dma_semaphore, #tpu.memory_space<semaphore_mem>>) src(%dma_wait3A_306 : memref<10000x128xf32, #tpu.memory_space<hbm>>) dst(%arg8 : memref<128x128xf32, #tpu.memory_space<vmem>>)
      %dma_start3A_307 = arith.constant 0 : i32
      %dma_start3A_308 = arith.constant 0 : i32
      %dma_start3A_309 = tpu.memref_slice %arg7[%dma_start3A_307, %dma_start3A_308] : memref<4x128xi32, #tpu.memory_space<vmem>> -> memref<1x128xi32, #tpu.memory_space<vmem>>
      %dma_start3A_310 = tpu.memref_squeeze %dma_start3A_309 : memref<1x128xi32, #tpu.memory_space<vmem>> -> memref<128xi32, #tpu.memory_space<vmem>>
      %dma_start3A_311 = arith.constant 0 : i32
      %dma_start3A_312 = arith.constant 0 : i32
      %dma_start3A_313 = tpu.memref_slice %arg11[%dma_start3A_311, %dma_start3A_312] : memref<10240x128xf32, #tpu.memory_space<vmem_shared>> -> memref<10240x128xf32, #tpu.memory_space<vmem_shared>>
      tpu.enqueue_indirect_dma source(%arg8 : memref<128x128xf32, #tpu.memory_space<vmem>>) target(%dma_start3A_313 : memref<10240x128xf32, #tpu.memory_space<vmem_shared>>) offsets(%dma_start3A_310 : memref<128xi32, #tpu.memory_space<vmem>>) semaphore(%arg14 : memref<!tpu.dma_semaphore, #tpu.memory_space<semaphore_mem>>) {add = true}
      %dma_wait3A_314 = arith.constant 1 : i32
      %dma_wait3A_315 = arith.constant 0 : i32
      %dma_wait3A_316 = tpu.memref_slice %arg6[%dma_wait3A_314, %dma_wait3A_315] : memref<4x128xi32, #tpu.memory_space<vmem>> -> memref<1x128xi32, #tpu.memory_space<vmem>>
      %dma_wait3A_317 = tpu.memref_squeeze %dma_wait3A_316 : memref<1x128xi32, #tpu.memory_space<vmem>> -> memref<128xi32, #tpu.memory_space<vmem>>
      %dma_wait3A_318 = arith.constant 0 : i32
      %dma_wait3A_319 = arith.constant 0 : i32
      %dma_wait3A_320 = tpu.memref_slice %arg2[%dma_wait3A_318, %dma_wait3A_319] : memref<10000x128xf32, #tpu.memory_space<hbm>> -> memref<10000x128xf32, #tpu.memory_space<hbm>>
      tpu.wait_indirect_dma semaphore(%arg13 : memref<!tpu.dma_semaphore, #tpu.memory_space<semaphore_mem>>) src(%dma_wait3A_320 : memref<10000x128xf32, #tpu.memory_space<hbm>>) dst(%arg9 : memref<128x128xf32, #tpu.memory_space<vmem>>)
      %dma_start3A_321 = arith.constant 1 : i32
      %dma_start3A_322 = arith.constant 0 : i32
      %dma_start3A_323 = tpu.memref_slice %arg7[%dma_start3A_321, %dma_start3A_322] : memref<4x128xi32, #tpu.memory_space<vmem>> -> memref<1x128xi32, #tpu.memory_space<vmem>>
      %dma_start3A_324 = tpu.memref_squeeze %dma_start3A_323 : memref<1x128xi32, #tpu.memory_space<vmem>> -> memref<128xi32, #tpu.memory_space<vmem>>
      %dma_start3A_325 = arith.constant 0 : i32
      %dma_start3A_326 = arith.constant 0 : i32
      %dma_start3A_327 = tpu.memref_slice %arg11[%dma_start3A_325, %dma_start3A_326] : memref<10240x128xf32, #tpu.memory_space<vmem_shared>> -> memref<10240x128xf32, #tpu.memory_space<vmem_shared>>
      tpu.enqueue_indirect_dma source(%arg9 : memref<128x128xf32, #tpu.memory_space<vmem>>) target(%dma_start3A_327 : memref<10240x128xf32, #tpu.memory_space<vmem_shared>>) offsets(%dma_start3A_324 : memref<128xi32, #tpu.memory_space<vmem>>) semaphore(%arg15 : memref<!tpu.dma_semaphore, #tpu.memory_space<semaphore_mem>>) {add = true}
      %dma_wait3A_328 = arith.constant 0 : i32
      %dma_wait3A_329 = arith.constant 0 : i32
      %dma_wait3A_330 = tpu.memref_slice %arg7[%dma_wait3A_328, %dma_wait3A_329] : memref<4x128xi32, #tpu.memory_space<vmem>> -> memref<1x128xi32, #tpu.memory_space<vmem>>
      %dma_wait3A_331 = tpu.memref_squeeze %dma_wait3A_330 : memref<1x128xi32, #tpu.memory_space<vmem>> -> memref<128xi32, #tpu.memory_space<vmem>>
      %dma_wait3A_332 = arith.constant 0 : i32
      %dma_wait3A_333 = arith.constant 0 : i32
      %dma_wait3A_334 = tpu.memref_slice %arg11[%dma_wait3A_332, %dma_wait3A_333] : memref<10240x128xf32, #tpu.memory_space<vmem_shared>> -> memref<10240x128xf32, #tpu.memory_space<vmem_shared>>
      tpu.wait_indirect_dma semaphore(%arg14 : memref<!tpu.dma_semaphore, #tpu.memory_space<semaphore_mem>>) src(%arg8 : memref<128x128xf32, #tpu.memory_space<vmem>>) dst(%dma_wait3A_334 : memref<10240x128xf32, #tpu.memory_space<vmem_shared>>)
      %add3A_335 = arith.constant 4 : i32
      %add3A_336 = arith.addi %mul3A_299, %add3A_335 : i32
      %add3A_337 = arith.constant 0 : i32
      %add3A_338 = arith.addi %add3A_336, %add3A_337 : i32
      %mul3A_339 = arith.constant 128 : i32
      %mul3A_340 = arith.muli %add3A_338, %mul3A_339 : i32
      %add3A_341 = arith.addi %mul3A_4, %mul3A_340 : i32
      %dma_start3A_342 = arith.constant 0 : i32
      %dma_start3A_343 = arith.constant 0 : i32
      %dma_start3A_344 = tpu.memref_slice %arg6[%dma_start3A_342, %dma_start3A_343] : memref<4x128xi32, #tpu.memory_space<vmem>> -> memref<1x128xi32, #tpu.memory_space<vmem>>
      %dma_start3A_345 = tpu.memref_squeeze %dma_start3A_344 : memref<1x128xi32, #tpu.memory_space<vmem>> -> memref<128xi32, #tpu.memory_space<vmem>>
      %dma_start3A_346 = tpu.memref_slice %arg3[%add3A_341] : memref<327680xi32, #tpu.memory_space<hbm>> -> memref<128xi32, #tpu.memory_space<hbm>>
      %dma_start3A_347 = arith.constant 0 : i32
      %dma_start3A_348 = tpu.memref_slice %arg6[%dma_start3A_342, %dma_start3A_347] : memref<4x128xi32, #tpu.memory_space<vmem>> -> memref<1x128xi32, #tpu.memory_space<vmem>>
      %dma_start3A_349 = tpu.memref_squeeze %dma_start3A_348 : memref<1x128xi32, #tpu.memory_space<vmem>> -> memref<128xi32, #tpu.memory_space<vmem>>
      %dma_start3A_350 = tpu.memref_slice %arg3[%add3A_341] : memref<327680xi32, #tpu.memory_space<hbm>> -> memref<128xi32, #tpu.memory_space<hbm>>
      tpu.enqueue_dma source(%dma_start3A_350 : memref<128xi32, #tpu.memory_space<hbm>>) target(%dma_start3A_349 : memref<128xi32, #tpu.memory_space<vmem>>) target_semaphore(%arg16 : memref<!tpu.dma_semaphore, #tpu.memory_space<semaphore_mem>>)
      %dma_start3A_351 = arith.constant 0 : i32
      %dma_start3A_352 = arith.constant 0 : i32
      %dma_start3A_353 = tpu.memref_slice %arg7[%dma_start3A_351, %dma_start3A_352] : memref<4x128xi32, #tpu.memory_space<vmem>> -> memref<1x128xi32, #tpu.memory_space<vmem>>
      %dma_start3A_354 = tpu.memref_squeeze %dma_start3A_353 : memref<1x128xi32, #tpu.memory_space<vmem>> -> memref<128xi32, #tpu.memory_space<vmem>>
      %dma_start3A_355 = tpu.memref_slice %arg4[%add3A_341] : memref<327680xi32, #tpu.memory_space<hbm>> -> memref<128xi32, #tpu.memory_space<hbm>>
      %dma_start3A_356 = arith.constant 0 : i32
      %dma_start3A_357 = tpu.memref_slice %arg7[%dma_start3A_351, %dma_start3A_356] : memref<4x128xi32, #tpu.memory_space<vmem>> -> memref<1x128xi32, #tpu.memory_space<vmem>>
      %dma_start3A_358 = tpu.memref_squeeze %dma_start3A_357 : memref<1x128xi32, #tpu.memory_space<vmem>> -> memref<128xi32, #tpu.memory_space<vmem>>
      %dma_start3A_359 = tpu.memref_slice %arg4[%add3A_341] : memref<327680xi32, #tpu.memory_space<hbm>> -> memref<128xi32, #tpu.memory_space<hbm>>
      tpu.enqueue_dma source(%dma_start3A_359 : memref<128xi32, #tpu.memory_space<hbm>>) target(%dma_start3A_358 : memref<128xi32, #tpu.memory_space<vmem>>) target_semaphore(%arg16 : memref<!tpu.dma_semaphore, #tpu.memory_space<semaphore_mem>>)
      %add3A_360 = arith.constant 2 : i32
      %add3A_361 = arith.addi %mul3A_299, %add3A_360 : i32
      %add3A_362 = arith.constant 0 : i32
      %add3A_363 = arith.addi %add3A_361, %add3A_362 : i32
      %mul3A_364 = arith.constant 128 : i32
      %mul3A_365 = arith.muli %add3A_363, %mul3A_364 : i32
      %add3A_366 = arith.addi %mul3A_4, %mul3A_365 : i32
      %dma_wait3A_367 = arith.constant 2 : i32
      %dma_wait3A_368 = arith.constant 0 : i32
      %dma_wait3A_369 = tpu.memref_slice %arg6[%dma_wait3A_367, %dma_wait3A_368] : memref<4x128xi32, #tpu.memory_space<vmem>> -> memref<1x128xi32, #tpu.memory_space<vmem>>
      %dma_wait3A_370 = tpu.memref_squeeze %dma_wait3A_369 : memref<1x128xi32, #tpu.memory_space<vmem>> -> memref<128xi32, #tpu.memory_space<vmem>>
      %dma_wait3A_371 = tpu.memref_slice %arg3[%add3A_366] : memref<327680xi32, #tpu.memory_space<hbm>> -> memref<128xi32, #tpu.memory_space<hbm>>
      %dma_wait3A_372 = arith.constant 0 : i32
      %dma_wait3A_373 = tpu.memref_slice %arg6[%dma_wait3A_367, %dma_wait3A_372] : memref<4x128xi32, #tpu.memory_space<vmem>> -> memref<1x128xi32, #tpu.memory_space<vmem>>
      %dma_wait3A_374 = tpu.memref_squeeze %dma_wait3A_373 : memref<1x128xi32, #tpu.memory_space<vmem>> -> memref<128xi32, #tpu.memory_space<vmem>>
      %dma_wait3A_375 = tpu.memref_slice %arg3[%add3A_366] : memref<327680xi32, #tpu.memory_space<hbm>> -> memref<128xi32, #tpu.memory_space<hbm>>
      tpu.wait_dma2 semaphore(%arg18 : memref<!tpu.dma_semaphore, #tpu.memory_space<semaphore_mem>>) src(%dma_wait3A_375 : memref<128xi32, #tpu.memory_space<hbm>>) dst(%dma_wait3A_374 : memref<128xi32, #tpu.memory_space<vmem>>)
      %dma_wait3A_376 = arith.constant 2 : i32
      %dma_wait3A_377 = arith.constant 0 : i32
      %dma_wait3A_378 = tpu.memref_slice %arg7[%dma_wait3A_376, %dma_wait3A_377] : memref<4x128xi32, #tpu.memory_space<vmem>> -> memref<1x128xi32, #tpu.memory_space<vmem>>
      %dma_wait3A_379 = tpu.memref_squeeze %dma_wait3A_378 : memref<1x128xi32, #tpu.memory_space<vmem>> -> memref<128xi32, #tpu.memory_space<vmem>>
      %dma_wait3A_380 = tpu.memref_slice %arg4[%add3A_366] : memref<327680xi32, #tpu.memory_space<hbm>> -> memref<128xi32, #tpu.memory_space<hbm>>
      %dma_wait3A_381 = arith.constant 0 : i32
      %dma_wait3A_382 = tpu.memref_slice %arg7[%dma_wait3A_376, %dma_wait3A_381] : memref<4x128xi32, #tpu.memory_space<vmem>> -> memref<1x128xi32, #tpu.memory_space<vmem>>
      %dma_wait3A_383 = tpu.memref_squeeze %dma_wait3A_382 : memref<1x128xi32, #tpu.memory_space<vmem>> -> memref<128xi32, #tpu.memory_space<vmem>>
      %dma_wait3A_384 = tpu.memref_slice %arg4[%add3A_366] : memref<327680xi32, #tpu.memory_space<hbm>> -> memref<128xi32, #tpu.memory_space<hbm>>
      tpu.wait_dma2 semaphore(%arg18 : memref<!tpu.dma_semaphore, #tpu.memory_space<semaphore_mem>>) src(%dma_wait3A_384 : memref<128xi32, #tpu.memory_space<hbm>>) dst(%dma_wait3A_383 : memref<128xi32, #tpu.memory_space<vmem>>)
      %dma_start3A_385 = arith.constant 2 : i32
      %dma_start3A_386 = arith.constant 0 : i32
      %dma_start3A_387 = tpu.memref_slice %arg6[%dma_start3A_385, %dma_start3A_386] : memref<4x128xi32, #tpu.memory_space<vmem>> -> memref<1x128xi32, #tpu.memory_space<vmem>>
      %dma_start3A_388 = tpu.memref_squeeze %dma_start3A_387 : memref<1x128xi32, #tpu.memory_space<vmem>> -> memref<128xi32, #tpu.memory_space<vmem>>
      %dma_start3A_389 = arith.constant 0 : i32
      %dma_start3A_390 = arith.constant 0 : i32
      %dma_start3A_391 = tpu.memref_slice %arg2[%dma_start3A_389, %dma_start3A_390] : memref<10000x128xf32, #tpu.memory_space<hbm>> -> memref<10000x128xf32, #tpu.memory_space<hbm>>
      tpu.enqueue_indirect_dma source(%dma_start3A_391 : memref<10000x128xf32, #tpu.memory_space<hbm>>) target(%arg8 : memref<128x128xf32, #tpu.memory_space<vmem>>) offsets(%dma_start3A_388 : memref<128xi32, #tpu.memory_space<vmem>>) semaphore(%arg12 : memref<!tpu.dma_semaphore, #tpu.memory_space<semaphore_mem>>)
      %dma_wait3A_392 = arith.constant 1 : i32
      %dma_wait3A_393 = arith.constant 0 : i32
      %dma_wait3A_394 = tpu.memref_slice %arg7[%dma_wait3A_392, %dma_wait3A_393] : memref<4x128xi32, #tpu.memory_space<vmem>> -> memref<1x128xi32, #tpu.memory_space<vmem>>
      %dma_wait3A_395 = tpu.memref_squeeze %dma_wait3A_394 : memref<1x128xi32, #tpu.memory_space<vmem>> -> memref<128xi32, #tpu.memory_space<vmem>>
      %dma_wait3A_396 = arith.constant 0 : i32
      %dma_wait3A_397 = arith.constant 0 : i32
      %dma_wait3A_398 = tpu.memref_slice %arg11[%dma_wait3A_396, %dma_wait3A_397] : memref<10240x128xf32, #tpu.memory_space<vmem_shared>> -> memref<10240x128xf32, #tpu.memory_space<vmem_shared>>
      tpu.wait_indirect_dma semaphore(%arg15 : memref<!tpu.dma_semaphore, #tpu.memory_space<semaphore_mem>>) src(%arg9 : memref<128x128xf32, #tpu.memory_space<vmem>>) dst(%dma_wait3A_398 : memref<10240x128xf32, #tpu.memory_space<vmem_shared>>)
      %add3A_399 = arith.constant 4 : i32
      %add3A_400 = arith.addi %mul3A_299, %add3A_399 : i32
      %add3A_401 = arith.constant 1 : i32
      %add3A_402 = arith.addi %add3A_400, %add3A_401 : i32
      %mul3A_403 = arith.constant 128 : i32
      %mul3A_404 = arith.muli %add3A_402, %mul3A_403 : i32
      %add3A_405 = arith.addi %mul3A_4, %mul3A_404 : i32
      %dma_start3A_406 = arith.constant 1 : i32
      %dma_start3A_407 = arith.constant 0 : i32
      %dma_start3A_408 = tpu.memref_slice %arg6[%dma_start3A_406, %dma_start3A_407] : memref<4x128xi32, #tpu.memory_space<vmem>> -> memref<1x128xi32, #tpu.memory_space<vmem>>
      %dma_start3A_409 = tpu.memref_squeeze %dma_start3A_408 : memref<1x128xi32, #tpu.memory_space<vmem>> -> memref<128xi32, #tpu.memory_space<vmem>>
      %dma_start3A_410 = tpu.memref_slice %arg3[%add3A_405] : memref<327680xi32, #tpu.memory_space<hbm>> -> memref<128xi32, #tpu.memory_space<hbm>>
      %dma_start3A_411 = arith.constant 0 : i32
      %dma_start3A_412 = tpu.memref_slice %arg6[%dma_start3A_406, %dma_start3A_411] : memref<4x128xi32, #tpu.memory_space<vmem>> -> memref<1x128xi32, #tpu.memory_space<vmem>>
      %dma_start3A_413 = tpu.memref_squeeze %dma_start3A_412 : memref<1x128xi32, #tpu.memory_space<vmem>> -> memref<128xi32, #tpu.memory_space<vmem>>
      %dma_start3A_414 = tpu.memref_slice %arg3[%add3A_405] : memref<327680xi32, #tpu.memory_space<hbm>> -> memref<128xi32, #tpu.memory_space<hbm>>
      tpu.enqueue_dma source(%dma_start3A_414 : memref<128xi32, #tpu.memory_space<hbm>>) target(%dma_start3A_413 : memref<128xi32, #tpu.memory_space<vmem>>) target_semaphore(%arg17 : memref<!tpu.dma_semaphore, #tpu.memory_space<semaphore_mem>>)
      %dma_start3A_415 = arith.constant 1 : i32
      %dma_start3A_416 = arith.constant 0 : i32
      %dma_start3A_417 = tpu.memref_slice %arg7[%dma_start3A_415, %dma_start3A_416] : memref<4x128xi32, #tpu.memory_space<vmem>> -> memref<1x128xi32, #tpu.memory_space<vmem>>
      %dma_start3A_418 = tpu.memref_squeeze %dma_start3A_417 : memref<1x128xi32, #tpu.memory_space<vmem>> -> memref<128xi32, #tpu.memory_space<vmem>>
      %dma_start3A_419 = tpu.memref_slice %arg4[%add3A_405] : memref<327680xi32, #tpu.memory_space<hbm>> -> memref<128xi32, #tpu.memory_space<hbm>>
      %dma_start3A_420 = arith.constant 0 : i32
      %dma_start3A_421 = tpu.memref_slice %arg7[%dma_start3A_415, %dma_start3A_420] : memref<4x128xi32, #tpu.memory_space<vmem>> -> memref<1x128xi32, #tpu.memory_space<vmem>>
      %dma_start3A_422 = tpu.memref_squeeze %dma_start3A_421 : memref<1x128xi32, #tpu.memory_space<vmem>> -> memref<128xi32, #tpu.memory_space<vmem>>
      %dma_start3A_423 = tpu.memref_slice %arg4[%add3A_405] : memref<327680xi32, #tpu.memory_space<hbm>> -> memref<128xi32, #tpu.memory_space<hbm>>
      tpu.enqueue_dma source(%dma_start3A_423 : memref<128xi32, #tpu.memory_space<hbm>>) target(%dma_start3A_422 : memref<128xi32, #tpu.memory_space<vmem>>) target_semaphore(%arg17 : memref<!tpu.dma_semaphore, #tpu.memory_space<semaphore_mem>>)
      %add3A_424 = arith.constant 2 : i32
      %add3A_425 = arith.addi %mul3A_299, %add3A_424 : i32
      %add3A_426 = arith.constant 1 : i32
      %add3A_427 = arith.addi %add3A_425, %add3A_426 : i32
      %mul3A_428 = arith.constant 128 : i32
      %mul3A_429 = arith.muli %add3A_427, %mul3A_428 : i32
      %add3A_430 = arith.addi %mul3A_4, %mul3A_429 : i32
      %dma_wait3A_431 = arith.constant 3 : i32
      %dma_wait3A_432 = arith.constant 0 : i32
      %dma_wait3A_433 = tpu.memref_slice %arg6[%dma_wait3A_431, %dma_wait3A_432] : memref<4x128xi32, #tpu.memory_space<vmem>> -> memref<1x128xi32, #tpu.memory_space<vmem>>
      %dma_wait3A_434 = tpu.memref_squeeze %dma_wait3A_433 : memref<1x128xi32, #tpu.memory_space<vmem>> -> memref<128xi32, #tpu.memory_space<vmem>>
      %dma_wait3A_435 = tpu.memref_slice %arg3[%add3A_430] : memref<327680xi32, #tpu.memory_space<hbm>> -> memref<128xi32, #tpu.memory_space<hbm>>
      %dma_wait3A_436 = arith.constant 0 : i32
      %dma_wait3A_437 = tpu.memref_slice %arg6[%dma_wait3A_431, %dma_wait3A_436] : memref<4x128xi32, #tpu.memory_space<vmem>> -> memref<1x128xi32, #tpu.memory_space<vmem>>
      %dma_wait3A_438 = tpu.memref_squeeze %dma_wait3A_437 : memref<1x128xi32, #tpu.memory_space<vmem>> -> memref<128xi32, #tpu.memory_space<vmem>>
      %dma_wait3A_439 = tpu.memref_slice %arg3[%add3A_430] : memref<327680xi32, #tpu.memory_space<hbm>> -> memref<128xi32, #tpu.memory_space<hbm>>
      tpu.wait_dma2 semaphore(%arg19 : memref<!tpu.dma_semaphore, #tpu.memory_space<semaphore_mem>>) src(%dma_wait3A_439 : memref<128xi32, #tpu.memory_space<hbm>>) dst(%dma_wait3A_438 : memref<128xi32, #tpu.memory_space<vmem>>)
      %dma_wait3A_440 = arith.constant 3 : i32
      %dma_wait3A_441 = arith.constant 0 : i32
      %dma_wait3A_442 = tpu.memref_slice %arg7[%dma_wait3A_440, %dma_wait3A_441] : memref<4x128xi32, #tpu.memory_space<vmem>> -> memref<1x128xi32, #tpu.memory_space<vmem>>
      %dma_wait3A_443 = tpu.memref_squeeze %dma_wait3A_442 : memref<1x128xi32, #tpu.memory_space<vmem>> -> memref<128xi32, #tpu.memory_space<vmem>>
      %dma_wait3A_444 = tpu.memref_slice %arg4[%add3A_430] : memref<327680xi32, #tpu.memory_space<hbm>> -> memref<128xi32, #tpu.memory_space<hbm>>
      %dma_wait3A_445 = arith.constant 0 : i32
      %dma_wait3A_446 = tpu.memref_slice %arg7[%dma_wait3A_440, %dma_wait3A_445] : memref<4x128xi32, #tpu.memory_space<vmem>> -> memref<1x128xi32, #tpu.memory_space<vmem>>
      %dma_wait3A_447 = tpu.memref_squeeze %dma_wait3A_446 : memref<1x128xi32, #tpu.memory_space<vmem>> -> memref<128xi32, #tpu.memory_space<vmem>>
      %dma_wait3A_448 = tpu.memref_slice %arg4[%add3A_430] : memref<327680xi32, #tpu.memory_space<hbm>> -> memref<128xi32, #tpu.memory_space<hbm>>
      tpu.wait_dma2 semaphore(%arg19 : memref<!tpu.dma_semaphore, #tpu.memory_space<semaphore_mem>>) src(%dma_wait3A_448 : memref<128xi32, #tpu.memory_space<hbm>>) dst(%dma_wait3A_447 : memref<128xi32, #tpu.memory_space<vmem>>)
      %dma_start3A_449 = arith.constant 3 : i32
      %dma_start3A_450 = arith.constant 0 : i32
      %dma_start3A_451 = tpu.memref_slice %arg6[%dma_start3A_449, %dma_start3A_450] : memref<4x128xi32, #tpu.memory_space<vmem>> -> memref<1x128xi32, #tpu.memory_space<vmem>>
      %dma_start3A_452 = tpu.memref_squeeze %dma_start3A_451 : memref<1x128xi32, #tpu.memory_space<vmem>> -> memref<128xi32, #tpu.memory_space<vmem>>
      %dma_start3A_453 = arith.constant 0 : i32
      %dma_start3A_454 = arith.constant 0 : i32
      %dma_start3A_455 = tpu.memref_slice %arg2[%dma_start3A_453, %dma_start3A_454] : memref<10000x128xf32, #tpu.memory_space<hbm>> -> memref<10000x128xf32, #tpu.memory_space<hbm>>
      tpu.enqueue_indirect_dma source(%dma_start3A_455 : memref<10000x128xf32, #tpu.memory_space<hbm>>) target(%arg9 : memref<128x128xf32, #tpu.memory_space<vmem>>) offsets(%dma_start3A_452 : memref<128xi32, #tpu.memory_space<vmem>>) semaphore(%arg13 : memref<!tpu.dma_semaphore, #tpu.memory_space<semaphore_mem>>)
      %dma_wait3A_456 = arith.constant 2 : i32
      %dma_wait3A_457 = arith.constant 0 : i32
      %dma_wait3A_458 = tpu.memref_slice %arg6[%dma_wait3A_456, %dma_wait3A_457] : memref<4x128xi32, #tpu.memory_space<vmem>> -> memref<1x128xi32, #tpu.memory_space<vmem>>
      %dma_wait3A_459 = tpu.memref_squeeze %dma_wait3A_458 : memref<1x128xi32, #tpu.memory_space<vmem>> -> memref<128xi32, #tpu.memory_space<vmem>>
      %dma_wait3A_460 = arith.constant 0 : i32
      %dma_wait3A_461 = arith.constant 0 : i32
      %dma_wait3A_462 = tpu.memref_slice %arg2[%dma_wait3A_460, %dma_wait3A_461] : memref<10000x128xf32, #tpu.memory_space<hbm>> -> memref<10000x128xf32, #tpu.memory_space<hbm>>
      tpu.wait_indirect_dma semaphore(%arg12 : memref<!tpu.dma_semaphore, #tpu.memory_space<semaphore_mem>>) src(%dma_wait3A_462 : memref<10000x128xf32, #tpu.memory_space<hbm>>) dst(%arg8 : memref<128x128xf32, #tpu.memory_space<vmem>>)
      %dma_start3A_463 = arith.constant 2 : i32
      %dma_start3A_464 = arith.constant 0 : i32
      %dma_start3A_465 = tpu.memref_slice %arg7[%dma_start3A_463, %dma_start3A_464] : memref<4x128xi32, #tpu.memory_space<vmem>> -> memref<1x128xi32, #tpu.memory_space<vmem>>
      %dma_start3A_466 = tpu.memref_squeeze %dma_start3A_465 : memref<1x128xi32, #tpu.memory_space<vmem>> -> memref<128xi32, #tpu.memory_space<vmem>>
      %dma_start3A_467 = arith.constant 0 : i32
      %dma_start3A_468 = arith.constant 0 : i32
      %dma_start3A_469 = tpu.memref_slice %arg11[%dma_start3A_467, %dma_start3A_468] : memref<10240x128xf32, #tpu.memory_space<vmem_shared>> -> memref<10240x128xf32, #tpu.memory_space<vmem_shared>>
      tpu.enqueue_indirect_dma source(%arg8 : memref<128x128xf32, #tpu.memory_space<vmem>>) target(%dma_start3A_469 : memref<10240x128xf32, #tpu.memory_space<vmem_shared>>) offsets(%dma_start3A_466 : memref<128xi32, #tpu.memory_space<vmem>>) semaphore(%arg14 : memref<!tpu.dma_semaphore, #tpu.memory_space<semaphore_mem>>) {add = true}
      %dma_wait3A_470 = arith.constant 3 : i32
      %dma_wait3A_471 = arith.constant 0 : i32
      %dma_wait3A_472 = tpu.memref_slice %arg6[%dma_wait3A_470, %dma_wait3A_471] : memref<4x128xi32, #tpu.memory_space<vmem>> -> memref<1x128xi32, #tpu.memory_space<vmem>>
      %dma_wait3A_473 = tpu.memref_squeeze %dma_wait3A_472 : memref<1x128xi32, #tpu.memory_space<vmem>> -> memref<128xi32, #tpu.memory_space<vmem>>
      %dma_wait3A_474 = arith.constant 0 : i32
      %dma_wait3A_475 = arith.constant 0 : i32
      %dma_wait3A_476 = tpu.memref_slice %arg2[%dma_wait3A_474, %dma_wait3A_475] : memref<10000x128xf32, #tpu.memory_space<hbm>> -> memref<10000x128xf32, #tpu.memory_space<hbm>>
      tpu.wait_indirect_dma semaphore(%arg13 : memref<!tpu.dma_semaphore, #tpu.memory_space<semaphore_mem>>) src(%dma_wait3A_476 : memref<10000x128xf32, #tpu.memory_space<hbm>>) dst(%arg9 : memref<128x128xf32, #tpu.memory_space<vmem>>)
      %dma_start3A_477 = arith.constant 3 : i32
      %dma_start3A_478 = arith.constant 0 : i32
      %dma_start3A_479 = tpu.memref_slice %arg7[%dma_start3A_477, %dma_start3A_478] : memref<4x128xi32, #tpu.memory_space<vmem>> -> memref<1x128xi32, #tpu.memory_space<vmem>>
      %dma_start3A_480 = tpu.memref_squeeze %dma_start3A_479 : memref<1x128xi32, #tpu.memory_space<vmem>> -> memref<128xi32, #tpu.memory_space<vmem>>
      %dma_start3A_481 = arith.constant 0 : i32
      %dma_start3A_482 = arith.constant 0 : i32
      %dma_start3A_483 = tpu.memref_slice %arg11[%dma_start3A_481, %dma_start3A_482] : memref<10240x128xf32, #tpu.memory_space<vmem_shared>> -> memref<10240x128xf32, #tpu.memory_space<vmem_shared>>
      tpu.enqueue_indirect_dma source(%arg9 : memref<128x128xf32, #tpu.memory_space<vmem>>) target(%dma_start3A_483 : memref<10240x128xf32, #tpu.memory_space<vmem_shared>>) offsets(%dma_start3A_480 : memref<128xi32, #tpu.memory_space<vmem>>) semaphore(%arg15 : memref<!tpu.dma_semaphore, #tpu.memory_space<semaphore_mem>>) {add = true}
      %dma_wait3A_484 = arith.constant 2 : i32
      %dma_wait3A_485 = arith.constant 0 : i32
      %dma_wait3A_486 = tpu.memref_slice %arg7[%dma_wait3A_484, %dma_wait3A_485] : memref<4x128xi32, #tpu.memory_space<vmem>> -> memref<1x128xi32, #tpu.memory_space<vmem>>
      %dma_wait3A_487 = tpu.memref_squeeze %dma_wait3A_486 : memref<1x128xi32, #tpu.memory_space<vmem>> -> memref<128xi32, #tpu.memory_space<vmem>>
      %dma_wait3A_488 = arith.constant 0 : i32
      %dma_wait3A_489 = arith.constant 0 : i32
      %dma_wait3A_490 = tpu.memref_slice %arg11[%dma_wait3A_488, %dma_wait3A_489] : memref<10240x128xf32, #tpu.memory_space<vmem_shared>> -> memref<10240x128xf32, #tpu.memory_space<vmem_shared>>
      tpu.wait_indirect_dma semaphore(%arg14 : memref<!tpu.dma_semaphore, #tpu.memory_space<semaphore_mem>>) src(%arg8 : memref<128x128xf32, #tpu.memory_space<vmem>>) dst(%dma_wait3A_490 : memref<10240x128xf32, #tpu.memory_space<vmem_shared>>)
      %add3A_491 = arith.constant 4 : i32
      %add3A_492 = arith.addi %mul3A_299, %add3A_491 : i32
      %add3A_493 = arith.constant 2 : i32
      %add3A_494 = arith.addi %add3A_492, %add3A_493 : i32
      %mul3A_495 = arith.constant 128 : i32
      %mul3A_496 = arith.muli %add3A_494, %mul3A_495 : i32
      %add3A_497 = arith.addi %mul3A_4, %mul3A_496 : i32
      %dma_start3A_498 = arith.constant 2 : i32
      %dma_start3A_499 = arith.constant 0 : i32
      %dma_start3A_500 = tpu.memref_slice %arg6[%dma_start3A_498, %dma_start3A_499] : memref<4x128xi32, #tpu.memory_space<vmem>> -> memref<1x128xi32, #tpu.memory_space<vmem>>
      %dma_start3A_501 = tpu.memref_squeeze %dma_start3A_500 : memref<1x128xi32, #tpu.memory_space<vmem>> -> memref<128xi32, #tpu.memory_space<vmem>>
      %dma_start3A_502 = tpu.memref_slice %arg3[%add3A_497] : memref<327680xi32, #tpu.memory_space<hbm>> -> memref<128xi32, #tpu.memory_space<hbm>>
      %dma_start3A_503 = arith.constant 0 : i32
      %dma_start3A_504 = tpu.memref_slice %arg6[%dma_start3A_498, %dma_start3A_503] : memref<4x128xi32, #tpu.memory_space<vmem>> -> memref<1x128xi32, #tpu.memory_space<vmem>>
      %dma_start3A_505 = tpu.memref_squeeze %dma_start3A_504 : memref<1x128xi32, #tpu.memory_space<vmem>> -> memref<128xi32, #tpu.memory_space<vmem>>
      %dma_start3A_506 = tpu.memref_slice %arg3[%add3A_497] : memref<327680xi32, #tpu.memory_space<hbm>> -> memref<128xi32, #tpu.memory_space<hbm>>
      tpu.enqueue_dma source(%dma_start3A_506 : memref<128xi32, #tpu.memory_space<hbm>>) target(%dma_start3A_505 : memref<128xi32, #tpu.memory_space<vmem>>) target_semaphore(%arg18 : memref<!tpu.dma_semaphore, #tpu.memory_space<semaphore_mem>>)
      %dma_start3A_507 = arith.constant 2 : i32
      %dma_start3A_508 = arith.constant 0 : i32
      %dma_start3A_509 = tpu.memref_slice %arg7[%dma_start3A_507, %dma_start3A_508] : memref<4x128xi32, #tpu.memory_space<vmem>> -> memref<1x128xi32, #tpu.memory_space<vmem>>
      %dma_start3A_510 = tpu.memref_squeeze %dma_start3A_509 : memref<1x128xi32, #tpu.memory_space<vmem>> -> memref<128xi32, #tpu.memory_space<vmem>>
      %dma_start3A_511 = tpu.memref_slice %arg4[%add3A_497] : memref<327680xi32, #tpu.memory_space<hbm>> -> memref<128xi32, #tpu.memory_space<hbm>>
      %dma_start3A_512 = arith.constant 0 : i32
      %dma_start3A_513 = tpu.memref_slice %arg7[%dma_start3A_507, %dma_start3A_512] : memref<4x128xi32, #tpu.memory_space<vmem>> -> memref<1x128xi32, #tpu.memory_space<vmem>>
      %dma_start3A_514 = tpu.memref_squeeze %dma_start3A_513 : memref<1x128xi32, #tpu.memory_space<vmem>> -> memref<128xi32, #tpu.memory_space<vmem>>
      %dma_start3A_515 = tpu.memref_slice %arg4[%add3A_497] : memref<327680xi32, #tpu.memory_space<hbm>> -> memref<128xi32, #tpu.memory_space<hbm>>
      tpu.enqueue_dma source(%dma_start3A_515 : memref<128xi32, #tpu.memory_space<hbm>>) target(%dma_start3A_514 : memref<128xi32, #tpu.memory_space<vmem>>) target_semaphore(%arg18 : memref<!tpu.dma_semaphore, #tpu.memory_space<semaphore_mem>>)
      %add3A_516 = arith.constant 4 : i32
      %add3A_517 = arith.addi %mul3A_299, %add3A_516 : i32
      %add3A_518 = arith.constant 0 : i32
      %add3A_519 = arith.addi %add3A_517, %add3A_518 : i32
      %mul3A_520 = arith.constant 128 : i32
      %mul3A_521 = arith.muli %add3A_519, %mul3A_520 : i32
      %add3A_522 = arith.addi %mul3A_4, %mul3A_521 : i32
      %dma_wait3A_523 = arith.constant 0 : i32
      %dma_wait3A_524 = arith.constant 0 : i32
      %dma_wait3A_525 = tpu.memref_slice %arg6[%dma_wait3A_523, %dma_wait3A_524] : memref<4x128xi32, #tpu.memory_space<vmem>> -> memref<1x128xi32, #tpu.memory_space<vmem>>
      %dma_wait3A_526 = tpu.memref_squeeze %dma_wait3A_525 : memref<1x128xi32, #tpu.memory_space<vmem>> -> memref<128xi32, #tpu.memory_space<vmem>>
      %dma_wait3A_527 = tpu.memref_slice %arg3[%add3A_522] : memref<327680xi32, #tpu.memory_space<hbm>> -> memref<128xi32, #tpu.memory_space<hbm>>
      %dma_wait3A_528 = arith.constant 0 : i32
      %dma_wait3A_529 = tpu.memref_slice %arg6[%dma_wait3A_523, %dma_wait3A_528] : memref<4x128xi32, #tpu.memory_space<vmem>> -> memref<1x128xi32, #tpu.memory_space<vmem>>
      %dma_wait3A_530 = tpu.memref_squeeze %dma_wait3A_529 : memref<1x128xi32, #tpu.memory_space<vmem>> -> memref<128xi32, #tpu.memory_space<vmem>>
      %dma_wait3A_531 = tpu.memref_slice %arg3[%add3A_522] : memref<327680xi32, #tpu.memory_space<hbm>> -> memref<128xi32, #tpu.memory_space<hbm>>
      tpu.wait_dma2 semaphore(%arg16 : memref<!tpu.dma_semaphore, #tpu.memory_space<semaphore_mem>>) src(%dma_wait3A_531 : memref<128xi32, #tpu.memory_space<hbm>>) dst(%dma_wait3A_530 : memref<128xi32, #tpu.memory_space<vmem>>)
      %dma_wait3A_532 = arith.constant 0 : i32
      %dma_wait3A_533 = arith.constant 0 : i32
      %dma_wait3A_534 = tpu.memref_slice %arg7[%dma_wait3A_532, %dma_wait3A_533] : memref<4x128xi32, #tpu.memory_space<vmem>> -> memref<1x128xi32, #tpu.memory_space<vmem>>
      %dma_wait3A_535 = tpu.memref_squeeze %dma_wait3A_534 : memref<1x128xi32, #tpu.memory_space<vmem>> -> memref<128xi32, #tpu.memory_space<vmem>>
      %dma_wait3A_536 = tpu.memref_slice %arg4[%add3A_522] : memref<327680xi32, #tpu.memory_space<hbm>> -> memref<128xi32, #tpu.memory_space<hbm>>
      %dma_wait3A_537 = arith.constant 0 : i32
      %dma_wait3A_538 = tpu.memref_slice %arg7[%dma_wait3A_532, %dma_wait3A_537] : memref<4x128xi32, #tpu.memory_space<vmem>> -> memref<1x128xi32, #tpu.memory_space<vmem>>
      %dma_wait3A_539 = tpu.memref_squeeze %dma_wait3A_538 : memref<1x128xi32, #tpu.memory_space<vmem>> -> memref<128xi32, #tpu.memory_space<vmem>>
      %dma_wait3A_540 = tpu.memref_slice %arg4[%add3A_522] : memref<327680xi32, #tpu.memory_space<hbm>> -> memref<128xi32, #tpu.memory_space<hbm>>
      tpu.wait_dma2 semaphore(%arg16 : memref<!tpu.dma_semaphore, #tpu.memory_space<semaphore_mem>>) src(%dma_wait3A_540 : memref<128xi32, #tpu.memory_space<hbm>>) dst(%dma_wait3A_539 : memref<128xi32, #tpu.memory_space<vmem>>)
      %dma_start3A_541 = arith.constant 0 : i32
      %dma_start3A_542 = arith.constant 0 : i32
      %dma_start3A_543 = tpu.memref_slice %arg6[%dma_start3A_541, %dma_start3A_542] : memref<4x128xi32, #tpu.memory_space<vmem>> -> memref<1x128xi32, #tpu.memory_space<vmem>>
      %dma_start3A_544 = tpu.memref_squeeze %dma_start3A_543 : memref<1x128xi32, #tpu.memory_space<vmem>> -> memref<128xi32, #tpu.memory_space<vmem>>
      %dma_start3A_545 = arith.constant 0 : i32
      %dma_start3A_546 = arith.constant 0 : i32
      %dma_start3A_547 = tpu.memref_slice %arg2[%dma_start3A_545, %dma_start3A_546] : memref<10000x128xf32, #tpu.memory_space<hbm>> -> memref<10000x128xf32, #tpu.memory_space<hbm>>
      tpu.enqueue_indirect_dma source(%dma_start3A_547 : memref<10000x128xf32, #tpu.memory_space<hbm>>) target(%arg8 : memref<128x128xf32, #tpu.memory_space<vmem>>) offsets(%dma_start3A_544 : memref<128xi32, #tpu.memory_space<vmem>>) semaphore(%arg12 : memref<!tpu.dma_semaphore, #tpu.memory_space<semaphore_mem>>)
      %dma_wait3A_548 = arith.constant 3 : i32
      %dma_wait3A_549 = arith.constant 0 : i32
      %dma_wait3A_550 = tpu.memref_slice %arg7[%dma_wait3A_548, %dma_wait3A_549] : memref<4x128xi32, #tpu.memory_space<vmem>> -> memref<1x128xi32, #tpu.memory_space<vmem>>
      %dma_wait3A_551 = tpu.memref_squeeze %dma_wait3A_550 : memref<1x128xi32, #tpu.memory_space<vmem>> -> memref<128xi32, #tpu.memory_space<vmem>>
      %dma_wait3A_552 = arith.constant 0 : i32
      %dma_wait3A_553 = arith.constant 0 : i32
      %dma_wait3A_554 = tpu.memref_slice %arg11[%dma_wait3A_552, %dma_wait3A_553] : memref<10240x128xf32, #tpu.memory_space<vmem_shared>> -> memref<10240x128xf32, #tpu.memory_space<vmem_shared>>
      tpu.wait_indirect_dma semaphore(%arg15 : memref<!tpu.dma_semaphore, #tpu.memory_space<semaphore_mem>>) src(%arg9 : memref<128x128xf32, #tpu.memory_space<vmem>>) dst(%dma_wait3A_554 : memref<10240x128xf32, #tpu.memory_space<vmem_shared>>)
      %add3A_555 = arith.constant 4 : i32
      %add3A_556 = arith.addi %mul3A_299, %add3A_555 : i32
      %add3A_557 = arith.constant 3 : i32
      %add3A_558 = arith.addi %add3A_556, %add3A_557 : i32
      %mul3A_559 = arith.constant 128 : i32
      %mul3A_560 = arith.muli %add3A_558, %mul3A_559 : i32
      %add3A_561 = arith.addi %mul3A_4, %mul3A_560 : i32
      %dma_start3A_562 = arith.constant 3 : i32
      %dma_start3A_563 = arith.constant 0 : i32
      %dma_start3A_564 = tpu.memref_slice %arg6[%dma_start3A_562, %dma_start3A_563] : memref<4x128xi32, #tpu.memory_space<vmem>> -> memref<1x128xi32, #tpu.memory_space<vmem>>
      %dma_start3A_565 = tpu.memref_squeeze %dma_start3A_564 : memref<1x128xi32, #tpu.memory_space<vmem>> -> memref<128xi32, #tpu.memory_space<vmem>>
      %dma_start3A_566 = tpu.memref_slice %arg3[%add3A_561] : memref<327680xi32, #tpu.memory_space<hbm>> -> memref<128xi32, #tpu.memory_space<hbm>>
      %dma_start3A_567 = arith.constant 0 : i32
      %dma_start3A_568 = tpu.memref_slice %arg6[%dma_start3A_562, %dma_start3A_567] : memref<4x128xi32, #tpu.memory_space<vmem>> -> memref<1x128xi32, #tpu.memory_space<vmem>>
      %dma_start3A_569 = tpu.memref_squeeze %dma_start3A_568 : memref<1x128xi32, #tpu.memory_space<vmem>> -> memref<128xi32, #tpu.memory_space<vmem>>
      %dma_start3A_570 = tpu.memref_slice %arg3[%add3A_561] : memref<327680xi32, #tpu.memory_space<hbm>> -> memref<128xi32, #tpu.memory_space<hbm>>
      tpu.enqueue_dma source(%dma_start3A_570 : memref<128xi32, #tpu.memory_space<hbm>>) target(%dma_start3A_569 : memref<128xi32, #tpu.memory_space<vmem>>) target_semaphore(%arg19 : memref<!tpu.dma_semaphore, #tpu.memory_space<semaphore_mem>>)
      %dma_start3A_571 = arith.constant 3 : i32
      %dma_start3A_572 = arith.constant 0 : i32
      %dma_start3A_573 = tpu.memref_slice %arg7[%dma_start3A_571, %dma_start3A_572] : memref<4x128xi32, #tpu.memory_space<vmem>> -> memref<1x128xi32, #tpu.memory_space<vmem>>
      %dma_start3A_574 = tpu.memref_squeeze %dma_start3A_573 : memref<1x128xi32, #tpu.memory_space<vmem>> -> memref<128xi32, #tpu.memory_space<vmem>>
      %dma_start3A_575 = tpu.memref_slice %arg4[%add3A_561] : memref<327680xi32, #tpu.memory_space<hbm>> -> memref<128xi32, #tpu.memory_space<hbm>>
      %dma_start3A_576 = arith.constant 0 : i32
      %dma_start3A_577 = tpu.memref_slice %arg7[%dma_start3A_571, %dma_start3A_576] : memref<4x128xi32, #tpu.memory_space<vmem>> -> memref<1x128xi32, #tpu.memory_space<vmem>>
      %dma_start3A_578 = tpu.memref_squeeze %dma_start3A_577 : memref<1x128xi32, #tpu.memory_space<vmem>> -> memref<128xi32, #tpu.memory_space<vmem>>
      %dma_start3A_579 = tpu.memref_slice %arg4[%add3A_561] : memref<327680xi32, #tpu.memory_space<hbm>> -> memref<128xi32, #tpu.memory_space<hbm>>
      tpu.enqueue_dma source(%dma_start3A_579 : memref<128xi32, #tpu.memory_space<hbm>>) target(%dma_start3A_578 : memref<128xi32, #tpu.memory_space<vmem>>) target_semaphore(%arg19 : memref<!tpu.dma_semaphore, #tpu.memory_space<semaphore_mem>>)
      %add3A_580 = arith.constant 4 : i32
      %add3A_581 = arith.addi %mul3A_299, %add3A_580 : i32
      %add3A_582 = arith.constant 1 : i32
      %add3A_583 = arith.addi %add3A_581, %add3A_582 : i32
      %mul3A_584 = arith.constant 128 : i32
      %mul3A_585 = arith.muli %add3A_583, %mul3A_584 : i32
      %add3A_586 = arith.addi %mul3A_4, %mul3A_585 : i32
      %dma_wait3A_587 = arith.constant 1 : i32
      %dma_wait3A_588 = arith.constant 0 : i32
      %dma_wait3A_589 = tpu.memref_slice %arg6[%dma_wait3A_587, %dma_wait3A_588] : memref<4x128xi32, #tpu.memory_space<vmem>> -> memref<1x128xi32, #tpu.memory_space<vmem>>
      %dma_wait3A_590 = tpu.memref_squeeze %dma_wait3A_589 : memref<1x128xi32, #tpu.memory_space<vmem>> -> memref<128xi32, #tpu.memory_space<vmem>>
      %dma_wait3A_591 = tpu.memref_slice %arg3[%add3A_586] : memref<327680xi32, #tpu.memory_space<hbm>> -> memref<128xi32, #tpu.memory_space<hbm>>
      %dma_wait3A_592 = arith.constant 0 : i32
      %dma_wait3A_593 = tpu.memref_slice %arg6[%dma_wait3A_587, %dma_wait3A_592] : memref<4x128xi32, #tpu.memory_space<vmem>> -> memref<1x128xi32, #tpu.memory_space<vmem>>
      %dma_wait3A_594 = tpu.memref_squeeze %dma_wait3A_593 : memref<1x128xi32, #tpu.memory_space<vmem>> -> memref<128xi32, #tpu.memory_space<vmem>>
      %dma_wait3A_595 = tpu.memref_slice %arg3[%add3A_586] : memref<327680xi32, #tpu.memory_space<hbm>> -> memref<128xi32, #tpu.memory_space<hbm>>
      tpu.wait_dma2 semaphore(%arg17 : memref<!tpu.dma_semaphore, #tpu.memory_space<semaphore_mem>>) src(%dma_wait3A_595 : memref<128xi32, #tpu.memory_space<hbm>>) dst(%dma_wait3A_594 : memref<128xi32, #tpu.memory_space<vmem>>)
      %dma_wait3A_596 = arith.constant 1 : i32
      %dma_wait3A_597 = arith.constant 0 : i32
      %dma_wait3A_598 = tpu.memref_slice %arg7[%dma_wait3A_596, %dma_wait3A_597] : memref<4x128xi32, #tpu.memory_space<vmem>> -> memref<1x128xi32, #tpu.memory_space<vmem>>
      %dma_wait3A_599 = tpu.memref_squeeze %dma_wait3A_598 : memref<1x128xi32, #tpu.memory_space<vmem>> -> memref<128xi32, #tpu.memory_space<vmem>>
      %dma_wait3A_600 = tpu.memref_slice %arg4[%add3A_586] : memref<327680xi32, #tpu.memory_space<hbm>> -> memref<128xi32, #tpu.memory_space<hbm>>
      %dma_wait3A_601 = arith.constant 0 : i32
      %dma_wait3A_602 = tpu.memref_slice %arg7[%dma_wait3A_596, %dma_wait3A_601] : memref<4x128xi32, #tpu.memory_space<vmem>> -> memref<1x128xi32, #tpu.memory_space<vmem>>
      %dma_wait3A_603 = tpu.memref_squeeze %dma_wait3A_602 : memref<1x128xi32, #tpu.memory_space<vmem>> -> memref<128xi32, #tpu.memory_space<vmem>>
      %dma_wait3A_604 = tpu.memref_slice %arg4[%add3A_586] : memref<327680xi32, #tpu.memory_space<hbm>> -> memref<128xi32, #tpu.memory_space<hbm>>
      tpu.wait_dma2 semaphore(%arg17 : memref<!tpu.dma_semaphore, #tpu.memory_space<semaphore_mem>>) src(%dma_wait3A_604 : memref<128xi32, #tpu.memory_space<hbm>>) dst(%dma_wait3A_603 : memref<128xi32, #tpu.memory_space<vmem>>)
      %dma_start3A_605 = arith.constant 1 : i32
      %dma_start3A_606 = arith.constant 0 : i32
      %dma_start3A_607 = tpu.memref_slice %arg6[%dma_start3A_605, %dma_start3A_606] : memref<4x128xi32, #tpu.memory_space<vmem>> -> memref<1x128xi32, #tpu.memory_space<vmem>>
      %dma_start3A_608 = tpu.memref_squeeze %dma_start3A_607 : memref<1x128xi32, #tpu.memory_space<vmem>> -> memref<128xi32, #tpu.memory_space<vmem>>
      %dma_start3A_609 = arith.constant 0 : i32
      %dma_start3A_610 = arith.constant 0 : i32
      %dma_start3A_611 = tpu.memref_slice %arg2[%dma_start3A_609, %dma_start3A_610] : memref<10000x128xf32, #tpu.memory_space<hbm>> -> memref<10000x128xf32, #tpu.memory_space<hbm>>
      tpu.enqueue_indirect_dma source(%dma_start3A_611 : memref<10000x128xf32, #tpu.memory_space<hbm>>) target(%arg9 : memref<128x128xf32, #tpu.memory_space<vmem>>) offsets(%dma_start3A_608 : memref<128xi32, #tpu.memory_space<vmem>>) semaphore(%arg13 : memref<!tpu.dma_semaphore, #tpu.memory_space<semaphore_mem>>)
    }
    %scan3A_153 = arith.constant 19 : i32
    %dma_wait3A_154 = arith.constant 0 : i32
    %dma_wait3A_155 = arith.constant 0 : i32
    %dma_wait3A_156 = tpu.memref_slice %arg6[%dma_wait3A_154, %dma_wait3A_155] : memref<4x128xi32, #tpu.memory_space<vmem>> -> memref<1x128xi32, #tpu.memory_space<vmem>>
    %dma_wait3A_157 = tpu.memref_squeeze %dma_wait3A_156 : memref<1x128xi32, #tpu.memory_space<vmem>> -> memref<128xi32, #tpu.memory_space<vmem>>
    %dma_wait3A_158 = arith.constant 0 : i32
    %dma_wait3A_159 = arith.constant 0 : i32
    %dma_wait3A_160 = tpu.memref_slice %arg2[%dma_wait3A_158, %dma_wait3A_159] : memref<10000x128xf32, #tpu.memory_space<hbm>> -> memref<10000x128xf32, #tpu.memory_space<hbm>>
    tpu.wait_indirect_dma semaphore(%arg12 : memref<!tpu.dma_semaphore, #tpu.memory_space<semaphore_mem>>) src(%dma_wait3A_160 : memref<10000x128xf32, #tpu.memory_space<hbm>>) dst(%arg8 : memref<128x128xf32, #tpu.memory_space<vmem>>)
    %dma_start3A_161 = arith.constant 0 : i32
    %dma_start3A_162 = arith.constant 0 : i32
    %dma_start3A_163 = tpu.memref_slice %arg7[%dma_start3A_161, %dma_start3A_162] : memref<4x128xi32, #tpu.memory_space<vmem>> -> memref<1x128xi32, #tpu.memory_space<vmem>>
    %dma_start3A_164 = tpu.memref_squeeze %dma_start3A_163 : memref<1x128xi32, #tpu.memory_space<vmem>> -> memref<128xi32, #tpu.memory_space<vmem>>
    %dma_start3A_165 = arith.constant 0 : i32
    %dma_start3A_166 = arith.constant 0 : i32
    %dma_start3A_167 = tpu.memref_slice %arg11[%dma_start3A_165, %dma_start3A_166] : memref<10240x128xf32, #tpu.memory_space<vmem_shared>> -> memref<10240x128xf32, #tpu.memory_space<vmem_shared>>
    tpu.enqueue_indirect_dma source(%arg8 : memref<128x128xf32, #tpu.memory_space<vmem>>) target(%dma_start3A_167 : memref<10240x128xf32, #tpu.memory_space<vmem_shared>>) offsets(%dma_start3A_164 : memref<128xi32, #tpu.memory_space<vmem>>) semaphore(%arg14 : memref<!tpu.dma_semaphore, #tpu.memory_space<semaphore_mem>>) {add = true}
    %dma_wait3A_168 = arith.constant 1 : i32
    %dma_wait3A_169 = arith.constant 0 : i32
    %dma_wait3A_170 = tpu.memref_slice %arg6[%dma_wait3A_168, %dma_wait3A_169] : memref<4x128xi32, #tpu.memory_space<vmem>> -> memref<1x128xi32, #tpu.memory_space<vmem>>
    %dma_wait3A_171 = tpu.memref_squeeze %dma_wait3A_170 : memref<1x128xi32, #tpu.memory_space<vmem>> -> memref<128xi32, #tpu.memory_space<vmem>>
    %dma_wait3A_172 = arith.constant 0 : i32
    %dma_wait3A_173 = arith.constant 0 : i32
    %dma_wait3A_174 = tpu.memref_slice %arg2[%dma_wait3A_172, %dma_wait3A_173] : memref<10000x128xf32, #tpu.memory_space<hbm>> -> memref<10000x128xf32, #tpu.memory_space<hbm>>
    tpu.wait_indirect_dma semaphore(%arg13 : memref<!tpu.dma_semaphore, #tpu.memory_space<semaphore_mem>>) src(%dma_wait3A_174 : memref<10000x128xf32, #tpu.memory_space<hbm>>) dst(%arg9 : memref<128x128xf32, #tpu.memory_space<vmem>>)
    %dma_start3A_175 = arith.constant 1 : i32
    %dma_start3A_176 = arith.constant 0 : i32
    %dma_start3A_177 = tpu.memref_slice %arg7[%dma_start3A_175, %dma_start3A_176] : memref<4x128xi32, #tpu.memory_space<vmem>> -> memref<1x128xi32, #tpu.memory_space<vmem>>
    %dma_start3A_178 = tpu.memref_squeeze %dma_start3A_177 : memref<1x128xi32, #tpu.memory_space<vmem>> -> memref<128xi32, #tpu.memory_space<vmem>>
    %dma_start3A_179 = arith.constant 0 : i32
    %dma_start3A_180 = arith.constant 0 : i32
    %dma_start3A_181 = tpu.memref_slice %arg11[%dma_start3A_179, %dma_start3A_180] : memref<10240x128xf32, #tpu.memory_space<vmem_shared>> -> memref<10240x128xf32, #tpu.memory_space<vmem_shared>>
    tpu.enqueue_indirect_dma source(%arg9 : memref<128x128xf32, #tpu.memory_space<vmem>>) target(%dma_start3A_181 : memref<10240x128xf32, #tpu.memory_space<vmem_shared>>) offsets(%dma_start3A_178 : memref<128xi32, #tpu.memory_space<vmem>>) semaphore(%arg15 : memref<!tpu.dma_semaphore, #tpu.memory_space<semaphore_mem>>) {add = true}
    %dma_wait3A_182 = arith.constant 0 : i32
    %dma_wait3A_183 = arith.constant 0 : i32
    %dma_wait3A_184 = tpu.memref_slice %arg7[%dma_wait3A_182, %dma_wait3A_183] : memref<4x128xi32, #tpu.memory_space<vmem>> -> memref<1x128xi32, #tpu.memory_space<vmem>>
    %dma_wait3A_185 = tpu.memref_squeeze %dma_wait3A_184 : memref<1x128xi32, #tpu.memory_space<vmem>> -> memref<128xi32, #tpu.memory_space<vmem>>
    %dma_wait3A_186 = arith.constant 0 : i32
    %dma_wait3A_187 = arith.constant 0 : i32
    %dma_wait3A_188 = tpu.memref_slice %arg11[%dma_wait3A_186, %dma_wait3A_187] : memref<10240x128xf32, #tpu.memory_space<vmem_shared>> -> memref<10240x128xf32, #tpu.memory_space<vmem_shared>>
    tpu.wait_indirect_dma semaphore(%arg14 : memref<!tpu.dma_semaphore, #tpu.memory_space<semaphore_mem>>) src(%arg8 : memref<128x128xf32, #tpu.memory_space<vmem>>) dst(%dma_wait3A_188 : memref<10240x128xf32, #tpu.memory_space<vmem_shared>>)
    %add3A_189 = arith.constant 9984 : i32
    %add3A_190 = arith.addi %mul3A_4, %add3A_189 : i32
    %dma_wait3A_191 = arith.constant 2 : i32
    %dma_wait3A_192 = arith.constant 0 : i32
    %dma_wait3A_193 = tpu.memref_slice %arg6[%dma_wait3A_191, %dma_wait3A_192] : memref<4x128xi32, #tpu.memory_space<vmem>> -> memref<1x128xi32, #tpu.memory_space<vmem>>
    %dma_wait3A_194 = tpu.memref_squeeze %dma_wait3A_193 : memref<1x128xi32, #tpu.memory_space<vmem>> -> memref<128xi32, #tpu.memory_space<vmem>>
    %dma_wait3A_195 = tpu.memref_slice %arg3[%add3A_190] : memref<327680xi32, #tpu.memory_space<hbm>> -> memref<128xi32, #tpu.memory_space<hbm>>
    %dma_wait3A_196 = arith.constant 0 : i32
    %dma_wait3A_197 = tpu.memref_slice %arg6[%dma_wait3A_191, %dma_wait3A_196] : memref<4x128xi32, #tpu.memory_space<vmem>> -> memref<1x128xi32, #tpu.memory_space<vmem>>
    %dma_wait3A_198 = tpu.memref_squeeze %dma_wait3A_197 : memref<1x128xi32, #tpu.memory_space<vmem>> -> memref<128xi32, #tpu.memory_space<vmem>>
    %dma_wait3A_199 = tpu.memref_slice %arg3[%add3A_190] : memref<327680xi32, #tpu.memory_space<hbm>> -> memref<128xi32, #tpu.memory_space<hbm>>
    tpu.wait_dma2 semaphore(%arg18 : memref<!tpu.dma_semaphore, #tpu.memory_space<semaphore_mem>>) src(%dma_wait3A_199 : memref<128xi32, #tpu.memory_space<hbm>>) dst(%dma_wait3A_198 : memref<128xi32, #tpu.memory_space<vmem>>)
    %dma_wait3A_200 = arith.constant 2 : i32
    %dma_wait3A_201 = arith.constant 0 : i32
    %dma_wait3A_202 = tpu.memref_slice %arg7[%dma_wait3A_200, %dma_wait3A_201] : memref<4x128xi32, #tpu.memory_space<vmem>> -> memref<1x128xi32, #tpu.memory_space<vmem>>
    %dma_wait3A_203 = tpu.memref_squeeze %dma_wait3A_202 : memref<1x128xi32, #tpu.memory_space<vmem>> -> memref<128xi32, #tpu.memory_space<vmem>>
    %dma_wait3A_204 = tpu.memref_slice %arg4[%add3A_190] : memref<327680xi32, #tpu.memory_space<hbm>> -> memref<128xi32, #tpu.memory_space<hbm>>
    %dma_wait3A_205 = arith.constant 0 : i32
    %dma_wait3A_206 = tpu.memref_slice %arg7[%dma_wait3A_200, %dma_wait3A_205] : memref<4x128xi32, #tpu.memory_space<vmem>> -> memref<1x128xi32, #tpu.memory_space<vmem>>
    %dma_wait3A_207 = tpu.memref_squeeze %dma_wait3A_206 : memref<1x128xi32, #tpu.memory_space<vmem>> -> memref<128xi32, #tpu.memory_space<vmem>>
    %dma_wait3A_208 = tpu.memref_slice %arg4[%add3A_190] : memref<327680xi32, #tpu.memory_space<hbm>> -> memref<128xi32, #tpu.memory_space<hbm>>
    tpu.wait_dma2 semaphore(%arg18 : memref<!tpu.dma_semaphore, #tpu.memory_space<semaphore_mem>>) src(%dma_wait3A_208 : memref<128xi32, #tpu.memory_space<hbm>>) dst(%dma_wait3A_207 : memref<128xi32, #tpu.memory_space<vmem>>)
    %dma_start3A_209 = arith.constant 2 : i32
    %dma_start3A_210 = arith.constant 0 : i32
    %dma_start3A_211 = tpu.memref_slice %arg6[%dma_start3A_209, %dma_start3A_210] : memref<4x128xi32, #tpu.memory_space<vmem>> -> memref<1x128xi32, #tpu.memory_space<vmem>>
    %dma_start3A_212 = tpu.memref_squeeze %dma_start3A_211 : memref<1x128xi32, #tpu.memory_space<vmem>> -> memref<128xi32, #tpu.memory_space<vmem>>
    %dma_start3A_213 = arith.constant 0 : i32
    %dma_start3A_214 = arith.constant 0 : i32
    %dma_start3A_215 = tpu.memref_slice %arg2[%dma_start3A_213, %dma_start3A_214] : memref<10000x128xf32, #tpu.memory_space<hbm>> -> memref<10000x128xf32, #tpu.memory_space<hbm>>
    tpu.enqueue_indirect_dma source(%dma_start3A_215 : memref<10000x128xf32, #tpu.memory_space<hbm>>) target(%arg8 : memref<128x128xf32, #tpu.memory_space<vmem>>) offsets(%dma_start3A_212 : memref<128xi32, #tpu.memory_space<vmem>>) semaphore(%arg12 : memref<!tpu.dma_semaphore, #tpu.memory_space<semaphore_mem>>)
    %dma_wait3A_216 = arith.constant 1 : i32
    %dma_wait3A_217 = arith.constant 0 : i32
    %dma_wait3A_218 = tpu.memref_slice %arg7[%dma_wait3A_216, %dma_wait3A_217] : memref<4x128xi32, #tpu.memory_space<vmem>> -> memref<1x128xi32, #tpu.memory_space<vmem>>
    %dma_wait3A_219 = tpu.memref_squeeze %dma_wait3A_218 : memref<1x128xi32, #tpu.memory_space<vmem>> -> memref<128xi32, #tpu.memory_space<vmem>>
    %dma_wait3A_220 = arith.constant 0 : i32
    %dma_wait3A_221 = arith.constant 0 : i32
    %dma_wait3A_222 = tpu.memref_slice %arg11[%dma_wait3A_220, %dma_wait3A_221] : memref<10240x128xf32, #tpu.memory_space<vmem_shared>> -> memref<10240x128xf32, #tpu.memory_space<vmem_shared>>
    tpu.wait_indirect_dma semaphore(%arg15 : memref<!tpu.dma_semaphore, #tpu.memory_space<semaphore_mem>>) src(%arg9 : memref<128x128xf32, #tpu.memory_space<vmem>>) dst(%dma_wait3A_222 : memref<10240x128xf32, #tpu.memory_space<vmem_shared>>)
    %add3A_223 = arith.constant 10112 : i32
    %add3A_224 = arith.addi %mul3A_4, %add3A_223 : i32
    %dma_wait3A_225 = arith.constant 3 : i32
    %dma_wait3A_226 = arith.constant 0 : i32
    %dma_wait3A_227 = tpu.memref_slice %arg6[%dma_wait3A_225, %dma_wait3A_226] : memref<4x128xi32, #tpu.memory_space<vmem>> -> memref<1x128xi32, #tpu.memory_space<vmem>>
    %dma_wait3A_228 = tpu.memref_squeeze %dma_wait3A_227 : memref<1x128xi32, #tpu.memory_space<vmem>> -> memref<128xi32, #tpu.memory_space<vmem>>
    %dma_wait3A_229 = tpu.memref_slice %arg3[%add3A_224] : memref<327680xi32, #tpu.memory_space<hbm>> -> memref<128xi32, #tpu.memory_space<hbm>>
    %dma_wait3A_230 = arith.constant 0 : i32
    %dma_wait3A_231 = tpu.memref_slice %arg6[%dma_wait3A_225, %dma_wait3A_230] : memref<4x128xi32, #tpu.memory_space<vmem>> -> memref<1x128xi32, #tpu.memory_space<vmem>>
    %dma_wait3A_232 = tpu.memref_squeeze %dma_wait3A_231 : memref<1x128xi32, #tpu.memory_space<vmem>> -> memref<128xi32, #tpu.memory_space<vmem>>
    %dma_wait3A_233 = tpu.memref_slice %arg3[%add3A_224] : memref<327680xi32, #tpu.memory_space<hbm>> -> memref<128xi32, #tpu.memory_space<hbm>>
    tpu.wait_dma2 semaphore(%arg19 : memref<!tpu.dma_semaphore, #tpu.memory_space<semaphore_mem>>) src(%dma_wait3A_233 : memref<128xi32, #tpu.memory_space<hbm>>) dst(%dma_wait3A_232 : memref<128xi32, #tpu.memory_space<vmem>>)
    %dma_wait3A_234 = arith.constant 3 : i32
    %dma_wait3A_235 = arith.constant 0 : i32
    %dma_wait3A_236 = tpu.memref_slice %arg7[%dma_wait3A_234, %dma_wait3A_235] : memref<4x128xi32, #tpu.memory_space<vmem>> -> memref<1x128xi32, #tpu.memory_space<vmem>>
    %dma_wait3A_237 = tpu.memref_squeeze %dma_wait3A_236 : memref<1x128xi32, #tpu.memory_space<vmem>> -> memref<128xi32, #tpu.memory_space<vmem>>
    %dma_wait3A_238 = tpu.memref_slice %arg4[%add3A_224] : memref<327680xi32, #tpu.memory_space<hbm>> -> memref<128xi32, #tpu.memory_space<hbm>>
    %dma_wait3A_239 = arith.constant 0 : i32
    %dma_wait3A_240 = tpu.memref_slice %arg7[%dma_wait3A_234, %dma_wait3A_239] : memref<4x128xi32, #tpu.memory_space<vmem>> -> memref<1x128xi32, #tpu.memory_space<vmem>>
    %dma_wait3A_241 = tpu.memref_squeeze %dma_wait3A_240 : memref<1x128xi32, #tpu.memory_space<vmem>> -> memref<128xi32, #tpu.memory_space<vmem>>
    %dma_wait3A_242 = tpu.memref_slice %arg4[%add3A_224] : memref<327680xi32, #tpu.memory_space<hbm>> -> memref<128xi32, #tpu.memory_space<hbm>>
    tpu.wait_dma2 semaphore(%arg19 : memref<!tpu.dma_semaphore, #tpu.memory_space<semaphore_mem>>) src(%dma_wait3A_242 : memref<128xi32, #tpu.memory_space<hbm>>) dst(%dma_wait3A_241 : memref<128xi32, #tpu.memory_space<vmem>>)
    %dma_start3A_243 = arith.constant 3 : i32
    %dma_start3A_244 = arith.constant 0 : i32
    %dma_start3A_245 = tpu.memref_slice %arg6[%dma_start3A_243, %dma_start3A_244] : memref<4x128xi32, #tpu.memory_space<vmem>> -> memref<1x128xi32, #tpu.memory_space<vmem>>
    %dma_start3A_246 = tpu.memref_squeeze %dma_start3A_245 : memref<1x128xi32, #tpu.memory_space<vmem>> -> memref<128xi32, #tpu.memory_space<vmem>>
    %dma_start3A_247 = arith.constant 0 : i32
    %dma_start3A_248 = arith.constant 0 : i32
    %dma_start3A_249 = tpu.memref_slice %arg2[%dma_start3A_247, %dma_start3A_248] : memref<10000x128xf32, #tpu.memory_space<hbm>> -> memref<10000x128xf32, #tpu.memory_space<hbm>>
    tpu.enqueue_indirect_dma source(%dma_start3A_249 : memref<10000x128xf32, #tpu.memory_space<hbm>>) target(%arg9 : memref<128x128xf32, #tpu.memory_space<vmem>>) offsets(%dma_start3A_246 : memref<128xi32, #tpu.memory_space<vmem>>) semaphore(%arg13 : memref<!tpu.dma_semaphore, #tpu.memory_space<semaphore_mem>>)
    %dma_wait3A_250 = arith.constant 2 : i32
    %dma_wait3A_251 = arith.constant 0 : i32
    %dma_wait3A_252 = tpu.memref_slice %arg6[%dma_wait3A_250, %dma_wait3A_251] : memref<4x128xi32, #tpu.memory_space<vmem>> -> memref<1x128xi32, #tpu.memory_space<vmem>>
    %dma_wait3A_253 = tpu.memref_squeeze %dma_wait3A_252 : memref<1x128xi32, #tpu.memory_space<vmem>> -> memref<128xi32, #tpu.memory_space<vmem>>
    %dma_wait3A_254 = arith.constant 0 : i32
    %dma_wait3A_255 = arith.constant 0 : i32
    %dma_wait3A_256 = tpu.memref_slice %arg2[%dma_wait3A_254, %dma_wait3A_255] : memref<10000x128xf32, #tpu.memory_space<hbm>> -> memref<10000x128xf32, #tpu.memory_space<hbm>>
    tpu.wait_indirect_dma semaphore(%arg12 : memref<!tpu.dma_semaphore, #tpu.memory_space<semaphore_mem>>) src(%dma_wait3A_256 : memref<10000x128xf32, #tpu.memory_space<hbm>>) dst(%arg8 : memref<128x128xf32, #tpu.memory_space<vmem>>)
    %dma_start3A_257 = arith.constant 2 : i32
    %dma_start3A_258 = arith.constant 0 : i32
    %dma_start3A_259 = tpu.memref_slice %arg7[%dma_start3A_257, %dma_start3A_258] : memref<4x128xi32, #tpu.memory_space<vmem>> -> memref<1x128xi32, #tpu.memory_space<vmem>>
    %dma_start3A_260 = tpu.memref_squeeze %dma_start3A_259 : memref<1x128xi32, #tpu.memory_space<vmem>> -> memref<128xi32, #tpu.memory_space<vmem>>
    %dma_start3A_261 = arith.constant 0 : i32
    %dma_start3A_262 = arith.constant 0 : i32
    %dma_start3A_263 = tpu.memref_slice %arg11[%dma_start3A_261, %dma_start3A_262] : memref<10240x128xf32, #tpu.memory_space<vmem_shared>> -> memref<10240x128xf32, #tpu.memory_space<vmem_shared>>
    tpu.enqueue_indirect_dma source(%arg8 : memref<128x128xf32, #tpu.memory_space<vmem>>) target(%dma_start3A_263 : memref<10240x128xf32, #tpu.memory_space<vmem_shared>>) offsets(%dma_start3A_260 : memref<128xi32, #tpu.memory_space<vmem>>) semaphore(%arg14 : memref<!tpu.dma_semaphore, #tpu.memory_space<semaphore_mem>>) {add = true}
    %dma_wait3A_264 = arith.constant 3 : i32
    %dma_wait3A_265 = arith.constant 0 : i32
    %dma_wait3A_266 = tpu.memref_slice %arg6[%dma_wait3A_264, %dma_wait3A_265] : memref<4x128xi32, #tpu.memory_space<vmem>> -> memref<1x128xi32, #tpu.memory_space<vmem>>
    %dma_wait3A_267 = tpu.memref_squeeze %dma_wait3A_266 : memref<1x128xi32, #tpu.memory_space<vmem>> -> memref<128xi32, #tpu.memory_space<vmem>>
    %dma_wait3A_268 = arith.constant 0 : i32
    %dma_wait3A_269 = arith.constant 0 : i32
    %dma_wait3A_270 = tpu.memref_slice %arg2[%dma_wait3A_268, %dma_wait3A_269] : memref<10000x128xf32, #tpu.memory_space<hbm>> -> memref<10000x128xf32, #tpu.memory_space<hbm>>
    tpu.wait_indirect_dma semaphore(%arg13 : memref<!tpu.dma_semaphore, #tpu.memory_space<semaphore_mem>>) src(%dma_wait3A_270 : memref<10000x128xf32, #tpu.memory_space<hbm>>) dst(%arg9 : memref<128x128xf32, #tpu.memory_space<vmem>>)
    %dma_start3A_271 = arith.constant 3 : i32
    %dma_start3A_272 = arith.constant 0 : i32
    %dma_start3A_273 = tpu.memref_slice %arg7[%dma_start3A_271, %dma_start3A_272] : memref<4x128xi32, #tpu.memory_space<vmem>> -> memref<1x128xi32, #tpu.memory_space<vmem>>
    %dma_start3A_274 = tpu.memref_squeeze %dma_start3A_273 : memref<1x128xi32, #tpu.memory_space<vmem>> -> memref<128xi32, #tpu.memory_space<vmem>>
    %dma_start3A_275 = arith.constant 0 : i32
    %dma_start3A_276 = arith.constant 0 : i32
    %dma_start3A_277 = tpu.memref_slice %arg11[%dma_start3A_275, %dma_start3A_276] : memref<10240x128xf32, #tpu.memory_space<vmem_shared>> -> memref<10240x128xf32, #tpu.memory_space<vmem_shared>>
    tpu.enqueue_indirect_dma source(%arg9 : memref<128x128xf32, #tpu.memory_space<vmem>>) target(%dma_start3A_277 : memref<10240x128xf32, #tpu.memory_space<vmem_shared>>) offsets(%dma_start3A_274 : memref<128xi32, #tpu.memory_space<vmem>>) semaphore(%arg15 : memref<!tpu.dma_semaphore, #tpu.memory_space<semaphore_mem>>) {add = true}
    %dma_wait3A_278 = arith.constant 2 : i32
    %dma_wait3A_279 = arith.constant 0 : i32
    %dma_wait3A_280 = tpu.memref_slice %arg7[%dma_wait3A_278, %dma_wait3A_279] : memref<4x128xi32, #tpu.memory_space<vmem>> -> memref<1x128xi32, #tpu.memory_space<vmem>>
    %dma_wait3A_281 = tpu.memref_squeeze %dma_wait3A_280 : memref<1x128xi32, #tpu.memory_space<vmem>> -> memref<128xi32, #tpu.memory_space<vmem>>
    %dma_wait3A_282 = arith.constant 0 : i32
    %dma_wait3A_283 = arith.constant 0 : i32
    %dma_wait3A_284 = tpu.memref_slice %arg11[%dma_wait3A_282, %dma_wait3A_283] : memref<10240x128xf32, #tpu.memory_space<vmem_shared>> -> memref<10240x128xf32, #tpu.memory_space<vmem_shared>>
    tpu.wait_indirect_dma semaphore(%arg14 : memref<!tpu.dma_semaphore, #tpu.memory_space<semaphore_mem>>) src(%arg8 : memref<128x128xf32, #tpu.memory_space<vmem>>) dst(%dma_wait3A_284 : memref<10240x128xf32, #tpu.memory_space<vmem_shared>>)
    %dma_wait3A_285 = arith.constant 3 : i32
    %dma_wait3A_286 = arith.constant 0 : i32
    %dma_wait3A_287 = tpu.memref_slice %arg7[%dma_wait3A_285, %dma_wait3A_286] : memref<4x128xi32, #tpu.memory_space<vmem>> -> memref<1x128xi32, #tpu.memory_space<vmem>>
    %dma_wait3A_288 = tpu.memref_squeeze %dma_wait3A_287 : memref<1x128xi32, #tpu.memory_space<vmem>> -> memref<128xi32, #tpu.memory_space<vmem>>
    %dma_wait3A_289 = arith.constant 0 : i32
    %dma_wait3A_290 = arith.constant 0 : i32
    %dma_wait3A_291 = tpu.memref_slice %arg11[%dma_wait3A_289, %dma_wait3A_290] : memref<10240x128xf32, #tpu.memory_space<vmem_shared>> -> memref<10240x128xf32, #tpu.memory_space<vmem_shared>>
    tpu.wait_indirect_dma semaphore(%arg15 : memref<!tpu.dma_semaphore, #tpu.memory_space<semaphore_mem>>) src(%arg9 : memref<128x128xf32, #tpu.memory_space<vmem>>) dst(%dma_wait3A_291 : memref<10240x128xf32, #tpu.memory_space<vmem_shared>>)
    %barrier3A_292 = arith.constant 0 : index
    tpu.barrier barrier_id(%barrier3A_292)
    %mul3A_293 = arith.constant 640 : i32
    %mul3A_294 = arith.muli %arg1, %mul3A_293 : i32
    %mul3A_295 = arith.constant 640 : i32
    %mul3A_296 = arith.muli %arg1, %mul3A_295 : i32
    "tpu.region"() ({
      %run_scoped3A = tpu.sem_alloc : memref<!tpu.dma_semaphore, #tpu.memory_space<semaphore_mem>>
      %dma_start3A_297 = arith.constant 0 : i32
      %dma_start3A_298 = tpu.memref_slice %arg5[%arg0, %mul3A_296, %dma_start3A_297] : memref<2x10240x128xf32, #tpu.memory_space<hbm>> -> memref<1x640x128xf32, #tpu.memory_space<hbm>>
      %dma_start3A_299 = tpu.memref_squeeze %dma_start3A_298 : memref<1x640x128xf32, #tpu.memory_space<hbm>> -> memref<640x128xf32, #tpu.memory_space<hbm>>
      %dma_start3A_300 = arith.constant 0 : i32
      %dma_start3A_301 = tpu.memref_slice %arg11[%mul3A_294, %dma_start3A_300] : memref<10240x128xf32, #tpu.memory_space<vmem_shared>> -> memref<640x128xf32, #tpu.memory_space<vmem_shared>>
      tpu.enqueue_dma source(%dma_start3A_301 : memref<640x128xf32, #tpu.memory_space<vmem_shared>>) target(%dma_start3A_299 : memref<640x128xf32, #tpu.memory_space<hbm>>) target_semaphore(%run_scoped3A : memref<!tpu.dma_semaphore, #tpu.memory_space<semaphore_mem>>)
      %dma_wait3A_302 = arith.constant 0 : i32
      %dma_wait3A_303 = tpu.memref_slice %arg5[%arg0, %mul3A_296, %dma_wait3A_302] : memref<2x10240x128xf32, #tpu.memory_space<hbm>> -> memref<1x640x128xf32, #tpu.memory_space<hbm>>
      %dma_wait3A_304 = tpu.memref_squeeze %dma_wait3A_303 : memref<1x640x128xf32, #tpu.memory_space<hbm>> -> memref<640x128xf32, #tpu.memory_space<hbm>>
      %dma_wait3A_305 = arith.constant 0 : i32
      %dma_wait3A_306 = tpu.memref_slice %arg11[%mul3A_294, %dma_wait3A_305] : memref<10240x128xf32, #tpu.memory_space<vmem_shared>> -> memref<640x128xf32, #tpu.memory_space<vmem_shared>>
      tpu.wait_dma2 semaphore(%run_scoped3A : memref<!tpu.dma_semaphore, #tpu.memory_space<semaphore_mem>>) src(%dma_wait3A_306 : memref<640x128xf32, #tpu.memory_space<vmem_shared>>) dst(%dma_wait3A_304 : memref<640x128xf32, #tpu.memory_space<hbm>>)
      tpu.yield
    }) : () -> ()
    return
  }
}

#map = affine_map<(d0, d1) -> (0, 0)>
#map1 = affine_map<(d0, d1) -> (0)>
#map2 = affine_map<(d0, d1) -> (0, 0, 0)>
module attributes {stable_mosaic.version = 14 : i64} {
  func.func @sc_agg(%arg0: i32, %arg1: i32, %arg2: memref<10000x128xf32, #tpu.memory_space<hbm>>, %arg3: memref<327680xi32, #tpu.memory_space<hbm>>, %arg4: memref<327680xi32, #tpu.memory_space<hbm>>, %arg5: memref<2x10240x128xf32, #tpu.memory_space<hbm>>, %arg6: memref<4x128xi32, #tpu.memory_space<vmem>>, %arg7: memref<4x128xi32, #tpu.memory_space<vmem>>, %arg8: memref<128x128xf32, #tpu.memory_space<vmem>>, %arg9: memref<128x128xf32, #tpu.memory_space<vmem>>, %arg10: memref<32x128xf32, #tpu.memory_space<vmem>>, %arg11: memref<10240x128xf32, #tpu.memory_space<vmem_shared>>, %arg12: memref<!tpu.dma_semaphore, #tpu.memory_space<semaphore_mem>>, %arg13: memref<!tpu.dma_semaphore, #tpu.memory_space<semaphore_mem>>, %arg14: memref<!tpu.dma_semaphore, #tpu.memory_space<semaphore_mem>>, %arg15: memref<!tpu.dma_semaphore, #tpu.memory_space<semaphore_mem>>, %arg16: memref<!tpu.dma_semaphore, #tpu.memory_space<semaphore_mem>>, %arg17: memref<!tpu.dma_semaphore, #tpu.memory_space<semaphore_mem>>, %arg18: memref<!tpu.dma_semaphore, #tpu.memory_space<semaphore_mem>>, %arg19: memref<!tpu.dma_semaphore, #tpu.memory_space<semaphore_mem>>) attributes {dimension_semantics = [#tpu.dimension_semantics<core_parallel>, #tpu.dimension_semantics<subcore_parallel>], iteration_bounds = array<i64: 2, 16>, scalar_prefetch = 0 : i64, scratch_operands = 14 : i64, tpu.core_type = #tpu.core_type<sc_vector_subcore>, window_params = [{transform_indices = #map}, {transform_indices = #map1}, {transform_indices = #map1}, {transform_indices = #map2}]} {
    %mul3A = arith.constant 16 : i32
    %mul3A_0 = arith.muli %arg0, %mul3A : i32
    %add3A = arith.addi %mul3A_0, %arg1 : i32
    %mul3A_1 = arith.constant 80 : i32
    %mul3A_2 = arith.muli %add3A, %mul3A_1 : i32
    %mul3A_3 = arith.constant 128 : i32
    %mul3A_4 = arith.muli %mul3A_2, %mul3A_3 : i32
    %add3A_5 = arith.constant 0 : i32
    %add3A_6 = arith.addi %mul3A_4, %add3A_5 : i32
    %dma_start3A = arith.constant 0 : i32
    %dma_start3A_7 = arith.constant 0 : i32
    %dma_start3A_8 = tpu.memref_slice %arg6[%dma_start3A, %dma_start3A_7] : memref<4x128xi32, #tpu.memory_space<vmem>> -> memref<1x128xi32, #tpu.memory_space<vmem>>
    %dma_start3A_9 = tpu.memref_squeeze %dma_start3A_8 : memref<1x128xi32, #tpu.memory_space<vmem>> -> memref<128xi32, #tpu.memory_space<vmem>>
    %dma_start3A_10 = tpu.memref_slice %arg3[%add3A_6] : memref<327680xi32, #tpu.memory_space<hbm>> -> memref<128xi32, #tpu.memory_space<hbm>>
    %dma_start3A_11 = arith.constant 0 : i32
    %dma_start3A_12 = tpu.memref_slice %arg6[%dma_start3A, %dma_start3A_11] : memref<4x128xi32, #tpu.memory_space<vmem>> -> memref<1x128xi32, #tpu.memory_space<vmem>>
    %dma_start3A_13 = tpu.memref_squeeze %dma_start3A_12 : memref<1x128xi32, #tpu.memory_space<vmem>> -> memref<128xi32, #tpu.memory_space<vmem>>
    %dma_start3A_14 = tpu.memref_slice %arg3[%add3A_6] : memref<327680xi32, #tpu.memory_space<hbm>> -> memref<128xi32, #tpu.memory_space<hbm>>
    tpu.enqueue_dma source(%dma_start3A_14 : memref<128xi32, #tpu.memory_space<hbm>>) target(%dma_start3A_13 : memref<128xi32, #tpu.memory_space<vmem>>) target_semaphore(%arg16 : memref<!tpu.dma_semaphore, #tpu.memory_space<semaphore_mem>>)
    %dma_start3A_15 = arith.constant 0 : i32
    %dma_start3A_16 = arith.constant 0 : i32
    %dma_start3A_17 = tpu.memref_slice %arg7[%dma_start3A_15, %dma_start3A_16] : memref<4x128xi32, #tpu.memory_space<vmem>> -> memref<1x128xi32, #tpu.memory_space<vmem>>
    %dma_start3A_18 = tpu.memref_squeeze %dma_start3A_17 : memref<1x128xi32, #tpu.memory_space<vmem>> -> memref<128xi32, #tpu.memory_space<vmem>>
    %dma_start3A_19 = tpu.memref_slice %arg4[%add3A_6] : memref<327680xi32, #tpu.memory_space<hbm>> -> memref<128xi32, #tpu.memory_space<hbm>>
    %dma_start3A_20 = arith.constant 0 : i32
    %dma_start3A_21 = tpu.memref_slice %arg7[%dma_start3A_15, %dma_start3A_20] : memref<4x128xi32, #tpu.memory_space<vmem>> -> memref<1x128xi32, #tpu.memory_space<vmem>>
    %dma_start3A_22 = tpu.memref_squeeze %dma_start3A_21 : memref<1x128xi32, #tpu.memory_space<vmem>> -> memref<128xi32, #tpu.memory_space<vmem>>
    %dma_start3A_23 = tpu.memref_slice %arg4[%add3A_6] : memref<327680xi32, #tpu.memory_space<hbm>> -> memref<128xi32, #tpu.memory_space<hbm>>
    tpu.enqueue_dma source(%dma_start3A_23 : memref<128xi32, #tpu.memory_space<hbm>>) target(%dma_start3A_22 : memref<128xi32, #tpu.memory_space<vmem>>) target_semaphore(%arg16 : memref<!tpu.dma_semaphore, #tpu.memory_space<semaphore_mem>>)
    %add3A_24 = arith.constant 128 : i32
    %add3A_25 = arith.addi %mul3A_4, %add3A_24 : i32
    %dma_start3A_26 = arith.constant 1 : i32
    %dma_start3A_27 = arith.constant 0 : i32
    %dma_start3A_28 = tpu.memref_slice %arg6[%dma_start3A_26, %dma_start3A_27] : memref<4x128xi32, #tpu.memory_space<vmem>> -> memref<1x128xi32, #tpu.memory_space<vmem>>
    %dma_start3A_29 = tpu.memref_squeeze %dma_start3A_28 : memref<1x128xi32, #tpu.memory_space<vmem>> -> memref<128xi32, #tpu.memory_space<vmem>>
    %dma_start3A_30 = tpu.memref_slice %arg3[%add3A_25] : memref<327680xi32, #tpu.memory_space<hbm>> -> memref<128xi32, #tpu.memory_space<hbm>>
    %dma_start3A_31 = arith.constant 0 : i32
    %dma_start3A_32 = tpu.memref_slice %arg6[%dma_start3A_26, %dma_start3A_31] : memref<4x128xi32, #tpu.memory_space<vmem>> -> memref<1x128xi32, #tpu.memory_space<vmem>>
    %dma_start3A_33 = tpu.memref_squeeze %dma_start3A_32 : memref<1x128xi32, #tpu.memory_space<vmem>> -> memref<128xi32, #tpu.memory_space<vmem>>
    %dma_start3A_34 = tpu.memref_slice %arg3[%add3A_25] : memref<327680xi32, #tpu.memory_space<hbm>> -> memref<128xi32, #tpu.memory_space<hbm>>
    tpu.enqueue_dma source(%dma_start3A_34 : memref<128xi32, #tpu.memory_space<hbm>>) target(%dma_start3A_33 : memref<128xi32, #tpu.memory_space<vmem>>) target_semaphore(%arg17 : memref<!tpu.dma_semaphore, #tpu.memory_space<semaphore_mem>>)
    %dma_start3A_35 = arith.constant 1 : i32
    %dma_start3A_36 = arith.constant 0 : i32
    %dma_start3A_37 = tpu.memref_slice %arg7[%dma_start3A_35, %dma_start3A_36] : memref<4x128xi32, #tpu.memory_space<vmem>> -> memref<1x128xi32, #tpu.memory_space<vmem>>
    %dma_start3A_38 = tpu.memref_squeeze %dma_start3A_37 : memref<1x128xi32, #tpu.memory_space<vmem>> -> memref<128xi32, #tpu.memory_space<vmem>>
    %dma_start3A_39 = tpu.memref_slice %arg4[%add3A_25] : memref<327680xi32, #tpu.memory_space<hbm>> -> memref<128xi32, #tpu.memory_space<hbm>>
    %dma_start3A_40 = arith.constant 0 : i32
    %dma_start3A_41 = tpu.memref_slice %arg7[%dma_start3A_35, %dma_start3A_40] : memref<4x128xi32, #tpu.memory_space<vmem>> -> memref<1x128xi32, #tpu.memory_space<vmem>>
    %dma_start3A_42 = tpu.memref_squeeze %dma_start3A_41 : memref<1x128xi32, #tpu.memory_space<vmem>> -> memref<128xi32, #tpu.memory_space<vmem>>
    %dma_start3A_43 = tpu.memref_slice %arg4[%add3A_25] : memref<327680xi32, #tpu.memory_space<hbm>> -> memref<128xi32, #tpu.memory_space<hbm>>
    tpu.enqueue_dma source(%dma_start3A_43 : memref<128xi32, #tpu.memory_space<hbm>>) target(%dma_start3A_42 : memref<128xi32, #tpu.memory_space<vmem>>) target_semaphore(%arg17 : memref<!tpu.dma_semaphore, #tpu.memory_space<semaphore_mem>>)
    %add3A_44 = arith.constant 256 : i32
    %add3A_45 = arith.addi %mul3A_4, %add3A_44 : i32
    %dma_start3A_46 = arith.constant 2 : i32
    %dma_start3A_47 = arith.constant 0 : i32
    %dma_start3A_48 = tpu.memref_slice %arg6[%dma_start3A_46, %dma_start3A_47] : memref<4x128xi32, #tpu.memory_space<vmem>> -> memref<1x128xi32, #tpu.memory_space<vmem>>
    %dma_start3A_49 = tpu.memref_squeeze %dma_start3A_48 : memref<1x128xi32, #tpu.memory_space<vmem>> -> memref<128xi32, #tpu.memory_space<vmem>>
    %dma_start3A_50 = tpu.memref_slice %arg3[%add3A_45] : memref<327680xi32, #tpu.memory_space<hbm>> -> memref<128xi32, #tpu.memory_space<hbm>>
    %dma_start3A_51 = arith.constant 0 : i32
    %dma_start3A_52 = tpu.memref_slice %arg6[%dma_start3A_46, %dma_start3A_51] : memref<4x128xi32, #tpu.memory_space<vmem>> -> memref<1x128xi32, #tpu.memory_space<vmem>>
    %dma_start3A_53 = tpu.memref_squeeze %dma_start3A_52 : memref<1x128xi32, #tpu.memory_space<vmem>> -> memref<128xi32, #tpu.memory_space<vmem>>
    %dma_start3A_54 = tpu.memref_slice %arg3[%add3A_45] : memref<327680xi32, #tpu.memory_space<hbm>> -> memref<128xi32, #tpu.memory_space<hbm>>
    tpu.enqueue_dma source(%dma_start3A_54 : memref<128xi32, #tpu.memory_space<hbm>>) target(%dma_start3A_53 : memref<128xi32, #tpu.memory_space<vmem>>) target_semaphore(%arg18 : memref<!tpu.dma_semaphore, #tpu.memory_space<semaphore_mem>>)
    %dma_start3A_55 = arith.constant 2 : i32
    %dma_start3A_56 = arith.constant 0 : i32
    %dma_start3A_57 = tpu.memref_slice %arg7[%dma_start3A_55, %dma_start3A_56] : memref<4x128xi32, #tpu.memory_space<vmem>> -> memref<1x128xi32, #tpu.memory_space<vmem>>
    %dma_start3A_58 = tpu.memref_squeeze %dma_start3A_57 : memref<1x128xi32, #tpu.memory_space<vmem>> -> memref<128xi32, #tpu.memory_space<vmem>>
    %dma_start3A_59 = tpu.memref_slice %arg4[%add3A_45] : memref<327680xi32, #tpu.memory_space<hbm>> -> memref<128xi32, #tpu.memory_space<hbm>>
    %dma_start3A_60 = arith.constant 0 : i32
    %dma_start3A_61 = tpu.memref_slice %arg7[%dma_start3A_55, %dma_start3A_60] : memref<4x128xi32, #tpu.memory_space<vmem>> -> memref<1x128xi32, #tpu.memory_space<vmem>>
    %dma_start3A_62 = tpu.memref_squeeze %dma_start3A_61 : memref<1x128xi32, #tpu.memory_space<vmem>> -> memref<128xi32, #tpu.memory_space<vmem>>
    %dma_start3A_63 = tpu.memref_slice %arg4[%add3A_45] : memref<327680xi32, #tpu.memory_space<hbm>> -> memref<128xi32, #tpu.memory_space<hbm>>
    tpu.enqueue_dma source(%dma_start3A_63 : memref<128xi32, #tpu.memory_space<hbm>>) target(%dma_start3A_62 : memref<128xi32, #tpu.memory_space<vmem>>) target_semaphore(%arg18 : memref<!tpu.dma_semaphore, #tpu.memory_space<semaphore_mem>>)
    %add3A_64 = arith.constant 384 : i32
    %add3A_65 = arith.addi %mul3A_4, %add3A_64 : i32
    %dma_start3A_66 = arith.constant 3 : i32
    %dma_start3A_67 = arith.constant 0 : i32
    %dma_start3A_68 = tpu.memref_slice %arg6[%dma_start3A_66, %dma_start3A_67] : memref<4x128xi32, #tpu.memory_space<vmem>> -> memref<1x128xi32, #tpu.memory_space<vmem>>
    %dma_start3A_69 = tpu.memref_squeeze %dma_start3A_68 : memref<1x128xi32, #tpu.memory_space<vmem>> -> memref<128xi32, #tpu.memory_space<vmem>>
    %dma_start3A_70 = tpu.memref_slice %arg3[%add3A_65] : memref<327680xi32, #tpu.memory_space<hbm>> -> memref<128xi32, #tpu.memory_space<hbm>>
    %dma_start3A_71 = arith.constant 0 : i32
    %dma_start3A_72 = tpu.memref_slice %arg6[%dma_start3A_66, %dma_start3A_71] : memref<4x128xi32, #tpu.memory_space<vmem>> -> memref<1x128xi32, #tpu.memory_space<vmem>>
    %dma_start3A_73 = tpu.memref_squeeze %dma_start3A_72 : memref<1x128xi32, #tpu.memory_space<vmem>> -> memref<128xi32, #tpu.memory_space<vmem>>
    %dma_start3A_74 = tpu.memref_slice %arg3[%add3A_65] : memref<327680xi32, #tpu.memory_space<hbm>> -> memref<128xi32, #tpu.memory_space<hbm>>
    tpu.enqueue_dma source(%dma_start3A_74 : memref<128xi32, #tpu.memory_space<hbm>>) target(%dma_start3A_73 : memref<128xi32, #tpu.memory_space<vmem>>) target_semaphore(%arg19 : memref<!tpu.dma_semaphore, #tpu.memory_space<semaphore_mem>>)
    %dma_start3A_75 = arith.constant 3 : i32
    %dma_start3A_76 = arith.constant 0 : i32
    %dma_start3A_77 = tpu.memref_slice %arg7[%dma_start3A_75, %dma_start3A_76] : memref<4x128xi32, #tpu.memory_space<vmem>> -> memref<1x128xi32, #tpu.memory_space<vmem>>
    %dma_start3A_78 = tpu.memref_squeeze %dma_start3A_77 : memref<1x128xi32, #tpu.memory_space<vmem>> -> memref<128xi32, #tpu.memory_space<vmem>>
    %dma_start3A_79 = tpu.memref_slice %arg4[%add3A_65] : memref<327680xi32, #tpu.memory_space<hbm>> -> memref<128xi32, #tpu.memory_space<hbm>>
    %dma_start3A_80 = arith.constant 0 : i32
    %dma_start3A_81 = tpu.memref_slice %arg7[%dma_start3A_75, %dma_start3A_80] : memref<4x128xi32, #tpu.memory_space<vmem>> -> memref<1x128xi32, #tpu.memory_space<vmem>>
    %dma_start3A_82 = tpu.memref_squeeze %dma_start3A_81 : memref<1x128xi32, #tpu.memory_space<vmem>> -> memref<128xi32, #tpu.memory_space<vmem>>
    %dma_start3A_83 = tpu.memref_slice %arg4[%add3A_65] : memref<327680xi32, #tpu.memory_space<hbm>> -> memref<128xi32, #tpu.memory_space<hbm>>
    tpu.enqueue_dma source(%dma_start3A_83 : memref<128xi32, #tpu.memory_space<hbm>>) target(%dma_start3A_82 : memref<128xi32, #tpu.memory_space<vmem>>) target_semaphore(%arg19 : memref<!tpu.dma_semaphore, #tpu.memory_space<semaphore_mem>>)
    %add3A_84 = arith.constant 0 : i32
    %add3A_85 = arith.addi %mul3A_4, %add3A_84 : i32
    %dma_wait3A = arith.constant 0 : i32
    %dma_wait3A_86 = arith.constant 0 : i32
    %dma_wait3A_87 = tpu.memref_slice %arg6[%dma_wait3A, %dma_wait3A_86] : memref<4x128xi32, #tpu.memory_space<vmem>> -> memref<1x128xi32, #tpu.memory_space<vmem>>
    %dma_wait3A_88 = tpu.memref_squeeze %dma_wait3A_87 : memref<1x128xi32, #tpu.memory_space<vmem>> -> memref<128xi32, #tpu.memory_space<vmem>>
    %dma_wait3A_89 = tpu.memref_slice %arg3[%add3A_85] : memref<327680xi32, #tpu.memory_space<hbm>> -> memref<128xi32, #tpu.memory_space<hbm>>
    %dma_wait3A_90 = arith.constant 0 : i32
    %dma_wait3A_91 = tpu.memref_slice %arg6[%dma_wait3A, %dma_wait3A_90] : memref<4x128xi32, #tpu.memory_space<vmem>> -> memref<1x128xi32, #tpu.memory_space<vmem>>
    %dma_wait3A_92 = tpu.memref_squeeze %dma_wait3A_91 : memref<1x128xi32, #tpu.memory_space<vmem>> -> memref<128xi32, #tpu.memory_space<vmem>>
    %dma_wait3A_93 = tpu.memref_slice %arg3[%add3A_85] : memref<327680xi32, #tpu.memory_space<hbm>> -> memref<128xi32, #tpu.memory_space<hbm>>
    tpu.wait_dma2 semaphore(%arg16 : memref<!tpu.dma_semaphore, #tpu.memory_space<semaphore_mem>>) src(%dma_wait3A_93 : memref<128xi32, #tpu.memory_space<hbm>>) dst(%dma_wait3A_92 : memref<128xi32, #tpu.memory_space<vmem>>)
    %dma_wait3A_94 = arith.constant 0 : i32
    %dma_wait3A_95 = arith.constant 0 : i32
    %dma_wait3A_96 = tpu.memref_slice %arg7[%dma_wait3A_94, %dma_wait3A_95] : memref<4x128xi32, #tpu.memory_space<vmem>> -> memref<1x128xi32, #tpu.memory_space<vmem>>
    %dma_wait3A_97 = tpu.memref_squeeze %dma_wait3A_96 : memref<1x128xi32, #tpu.memory_space<vmem>> -> memref<128xi32, #tpu.memory_space<vmem>>
    %dma_wait3A_98 = tpu.memref_slice %arg4[%add3A_85] : memref<327680xi32, #tpu.memory_space<hbm>> -> memref<128xi32, #tpu.memory_space<hbm>>
    %dma_wait3A_99 = arith.constant 0 : i32
    %dma_wait3A_100 = tpu.memref_slice %arg7[%dma_wait3A_94, %dma_wait3A_99] : memref<4x128xi32, #tpu.memory_space<vmem>> -> memref<1x128xi32, #tpu.memory_space<vmem>>
    %dma_wait3A_101 = tpu.memref_squeeze %dma_wait3A_100 : memref<1x128xi32, #tpu.memory_space<vmem>> -> memref<128xi32, #tpu.memory_space<vmem>>
    %dma_wait3A_102 = tpu.memref_slice %arg4[%add3A_85] : memref<327680xi32, #tpu.memory_space<hbm>> -> memref<128xi32, #tpu.memory_space<hbm>>
    tpu.wait_dma2 semaphore(%arg16 : memref<!tpu.dma_semaphore, #tpu.memory_space<semaphore_mem>>) src(%dma_wait3A_102 : memref<128xi32, #tpu.memory_space<hbm>>) dst(%dma_wait3A_101 : memref<128xi32, #tpu.memory_space<vmem>>)
    %dma_start3A_103 = arith.constant 0 : i32
    %dma_start3A_104 = arith.constant 0 : i32
    %dma_start3A_105 = tpu.memref_slice %arg6[%dma_start3A_103, %dma_start3A_104] : memref<4x128xi32, #tpu.memory_space<vmem>> -> memref<1x128xi32, #tpu.memory_space<vmem>>
    %dma_start3A_106 = tpu.memref_squeeze %dma_start3A_105 : memref<1x128xi32, #tpu.memory_space<vmem>> -> memref<128xi32, #tpu.memory_space<vmem>>
    %dma_start3A_107 = arith.constant 0 : i32
    %dma_start3A_108 = arith.constant 0 : i32
    %dma_start3A_109 = tpu.memref_slice %arg2[%dma_start3A_107, %dma_start3A_108] : memref<10000x128xf32, #tpu.memory_space<hbm>> -> memref<10000x128xf32, #tpu.memory_space<hbm>>
    tpu.enqueue_indirect_dma source(%dma_start3A_109 : memref<10000x128xf32, #tpu.memory_space<hbm>>) target(%arg8 : memref<128x128xf32, #tpu.memory_space<vmem>>) offsets(%dma_start3A_106 : memref<128xi32, #tpu.memory_space<vmem>>) semaphore(%arg12 : memref<!tpu.dma_semaphore, #tpu.memory_space<semaphore_mem>>)
    %add3A_110 = arith.constant 128 : i32
    %add3A_111 = arith.addi %mul3A_4, %add3A_110 : i32
    %dma_wait3A_112 = arith.constant 1 : i32
    %dma_wait3A_113 = arith.constant 0 : i32
    %dma_wait3A_114 = tpu.memref_slice %arg6[%dma_wait3A_112, %dma_wait3A_113] : memref<4x128xi32, #tpu.memory_space<vmem>> -> memref<1x128xi32, #tpu.memory_space<vmem>>
    %dma_wait3A_115 = tpu.memref_squeeze %dma_wait3A_114 : memref<1x128xi32, #tpu.memory_space<vmem>> -> memref<128xi32, #tpu.memory_space<vmem>>
    %dma_wait3A_116 = tpu.memref_slice %arg3[%add3A_111] : memref<327680xi32, #tpu.memory_space<hbm>> -> memref<128xi32, #tpu.memory_space<hbm>>
    %dma_wait3A_117 = arith.constant 0 : i32
    %dma_wait3A_118 = tpu.memref_slice %arg6[%dma_wait3A_112, %dma_wait3A_117] : memref<4x128xi32, #tpu.memory_space<vmem>> -> memref<1x128xi32, #tpu.memory_space<vmem>>
    %dma_wait3A_119 = tpu.memref_squeeze %dma_wait3A_118 : memref<1x128xi32, #tpu.memory_space<vmem>> -> memref<128xi32, #tpu.memory_space<vmem>>
    %dma_wait3A_120 = tpu.memref_slice %arg3[%add3A_111] : memref<327680xi32, #tpu.memory_space<hbm>> -> memref<128xi32, #tpu.memory_space<hbm>>
    tpu.wait_dma2 semaphore(%arg17 : memref<!tpu.dma_semaphore, #tpu.memory_space<semaphore_mem>>) src(%dma_wait3A_120 : memref<128xi32, #tpu.memory_space<hbm>>) dst(%dma_wait3A_119 : memref<128xi32, #tpu.memory_space<vmem>>)
    %dma_wait3A_121 = arith.constant 1 : i32
    %dma_wait3A_122 = arith.constant 0 : i32
    %dma_wait3A_123 = tpu.memref_slice %arg7[%dma_wait3A_121, %dma_wait3A_122] : memref<4x128xi32, #tpu.memory_space<vmem>> -> memref<1x128xi32, #tpu.memory_space<vmem>>
    %dma_wait3A_124 = tpu.memref_squeeze %dma_wait3A_123 : memref<1x128xi32, #tpu.memory_space<vmem>> -> memref<128xi32, #tpu.memory_space<vmem>>
    %dma_wait3A_125 = tpu.memref_slice %arg4[%add3A_111] : memref<327680xi32, #tpu.memory_space<hbm>> -> memref<128xi32, #tpu.memory_space<hbm>>
    %dma_wait3A_126 = arith.constant 0 : i32
    %dma_wait3A_127 = tpu.memref_slice %arg7[%dma_wait3A_121, %dma_wait3A_126] : memref<4x128xi32, #tpu.memory_space<vmem>> -> memref<1x128xi32, #tpu.memory_space<vmem>>
    %dma_wait3A_128 = tpu.memref_squeeze %dma_wait3A_127 : memref<1x128xi32, #tpu.memory_space<vmem>> -> memref<128xi32, #tpu.memory_space<vmem>>
    %dma_wait3A_129 = tpu.memref_slice %arg4[%add3A_111] : memref<327680xi32, #tpu.memory_space<hbm>> -> memref<128xi32, #tpu.memory_space<hbm>>
    tpu.wait_dma2 semaphore(%arg17 : memref<!tpu.dma_semaphore, #tpu.memory_space<semaphore_mem>>) src(%dma_wait3A_129 : memref<128xi32, #tpu.memory_space<hbm>>) dst(%dma_wait3A_128 : memref<128xi32, #tpu.memory_space<vmem>>)
    %dma_start3A_130 = arith.constant 1 : i32
    %dma_start3A_131 = arith.constant 0 : i32
    %dma_start3A_132 = tpu.memref_slice %arg6[%dma_start3A_130, %dma_start3A_131] : memref<4x128xi32, #tpu.memory_space<vmem>> -> memref<1x128xi32, #tpu.memory_space<vmem>>
    %dma_start3A_133 = tpu.memref_squeeze %dma_start3A_132 : memref<1x128xi32, #tpu.memory_space<vmem>> -> memref<128xi32, #tpu.memory_space<vmem>>
    %dma_start3A_134 = arith.constant 0 : i32
    %dma_start3A_135 = arith.constant 0 : i32
    %dma_start3A_136 = tpu.memref_slice %arg2[%dma_start3A_134, %dma_start3A_135] : memref<10000x128xf32, #tpu.memory_space<hbm>> -> memref<10000x128xf32, #tpu.memory_space<hbm>>
    tpu.enqueue_indirect_dma source(%dma_start3A_136 : memref<10000x128xf32, #tpu.memory_space<hbm>>) target(%arg9 : memref<128x128xf32, #tpu.memory_space<vmem>>) offsets(%dma_start3A_133 : memref<128xi32, #tpu.memory_space<vmem>>) semaphore(%arg13 : memref<!tpu.dma_semaphore, #tpu.memory_space<semaphore_mem>>)
    %scan3A = arith.constant 0 : i32
    %scan3A_137 = arith.constant 0 : i32
    %scan3A_138 = arith.constant 32 : i32
    %scan3A_139 = arith.addi %scan3A_137, %scan3A_138 : i32
    %scan3A_140 = arith.constant 1 : i32
    scf.for %scan3A_297 = %scan3A_137 to %scan3A_139 step %scan3A_140  : i32 {
      %broadcast_in_dim3A = arith.constant 0.000000e+00 : f32
      %broadcast_in_dim3A_298 = vector.broadcast %broadcast_in_dim3A : f32 to vector<16xf32>
      %swap3A = arith.index_cast %scan3A_297 : i32 to index
      %swap3A_299 = arith.constant 0 : index
      %swap3A_300 = tpu.vector_load %arg10[%swap3A, %swap3A_299] {strides = array<i32>} : memref<32x128xf32, #tpu.memory_space<vmem>>, vector<1x16xf32>,
      %swap3A_301 = vector.shape_cast %swap3A_300 : vector<1x16xf32> to vector<16xf32>
      %swap3A_302 = vector.shape_cast %broadcast_in_dim3A_298 : vector<16xf32> to vector<1x16xf32>
      tpu.vector_store %arg10[%swap3A, %swap3A_299], %swap3A_302 {strides = array<i32>} : memref<32x128xf32, #tpu.memory_space<vmem>>, vector<1x16xf32>,
      %broadcast_in_dim3A_303 = arith.constant 0.000000e+00 : f32
      %broadcast_in_dim3A_304 = vector.broadcast %broadcast_in_dim3A_303 : f32 to vector<16xf32>
      %swap3A_305 = arith.index_cast %scan3A_297 : i32 to index
      %swap3A_306 = arith.constant 16 : index
      %swap3A_307 = tpu.vector_load %arg10[%swap3A_305, %swap3A_306] {strides = array<i32>} : memref<32x128xf32, #tpu.memory_space<vmem>>, vector<1x16xf32>,
      %swap3A_308 = vector.shape_cast %swap3A_307 : vector<1x16xf32> to vector<16xf32>
      %swap3A_309 = vector.shape_cast %broadcast_in_dim3A_304 : vector<16xf32> to vector<1x16xf32>
      tpu.vector_store %arg10[%swap3A_305, %swap3A_306], %swap3A_309 {strides = array<i32>} : memref<32x128xf32, #tpu.memory_space<vmem>>, vector<1x16xf32>,
      %broadcast_in_dim3A_310 = arith.constant 0.000000e+00 : f32
      %broadcast_in_dim3A_311 = vector.broadcast %broadcast_in_dim3A_310 : f32 to vector<16xf32>
      %swap3A_312 = arith.index_cast %scan3A_297 : i32 to index
      %swap3A_313 = arith.constant 32 : index
      %swap3A_314 = tpu.vector_load %arg10[%swap3A_312, %swap3A_313] {strides = array<i32>} : memref<32x128xf32, #tpu.memory_space<vmem>>, vector<1x16xf32>,
      %swap3A_315 = vector.shape_cast %swap3A_314 : vector<1x16xf32> to vector<16xf32>
      %swap3A_316 = vector.shape_cast %broadcast_in_dim3A_311 : vector<16xf32> to vector<1x16xf32>
      tpu.vector_store %arg10[%swap3A_312, %swap3A_313], %swap3A_316 {strides = array<i32>} : memref<32x128xf32, #tpu.memory_space<vmem>>, vector<1x16xf32>,
      %broadcast_in_dim3A_317 = arith.constant 0.000000e+00 : f32
      %broadcast_in_dim3A_318 = vector.broadcast %broadcast_in_dim3A_317 : f32 to vector<16xf32>
      %swap3A_319 = arith.index_cast %scan3A_297 : i32 to index
      %swap3A_320 = arith.constant 48 : index
      %swap3A_321 = tpu.vector_load %arg10[%swap3A_319, %swap3A_320] {strides = array<i32>} : memref<32x128xf32, #tpu.memory_space<vmem>>, vector<1x16xf32>,
      %swap3A_322 = vector.shape_cast %swap3A_321 : vector<1x16xf32> to vector<16xf32>
      %swap3A_323 = vector.shape_cast %broadcast_in_dim3A_318 : vector<16xf32> to vector<1x16xf32>
      tpu.vector_store %arg10[%swap3A_319, %swap3A_320], %swap3A_323 {strides = array<i32>} : memref<32x128xf32, #tpu.memory_space<vmem>>, vector<1x16xf32>,
      %broadcast_in_dim3A_324 = arith.constant 0.000000e+00 : f32
      %broadcast_in_dim3A_325 = vector.broadcast %broadcast_in_dim3A_324 : f32 to vector<16xf32>
      %swap3A_326 = arith.index_cast %scan3A_297 : i32 to index
      %swap3A_327 = arith.constant 64 : index
      %swap3A_328 = tpu.vector_load %arg10[%swap3A_326, %swap3A_327] {strides = array<i32>} : memref<32x128xf32, #tpu.memory_space<vmem>>, vector<1x16xf32>,
      %swap3A_329 = vector.shape_cast %swap3A_328 : vector<1x16xf32> to vector<16xf32>
      %swap3A_330 = vector.shape_cast %broadcast_in_dim3A_325 : vector<16xf32> to vector<1x16xf32>
      tpu.vector_store %arg10[%swap3A_326, %swap3A_327], %swap3A_330 {strides = array<i32>} : memref<32x128xf32, #tpu.memory_space<vmem>>, vector<1x16xf32>,
      %broadcast_in_dim3A_331 = arith.constant 0.000000e+00 : f32
      %broadcast_in_dim3A_332 = vector.broadcast %broadcast_in_dim3A_331 : f32 to vector<16xf32>
      %swap3A_333 = arith.index_cast %scan3A_297 : i32 to index
      %swap3A_334 = arith.constant 80 : index
      %swap3A_335 = tpu.vector_load %arg10[%swap3A_333, %swap3A_334] {strides = array<i32>} : memref<32x128xf32, #tpu.memory_space<vmem>>, vector<1x16xf32>,
      %swap3A_336 = vector.shape_cast %swap3A_335 : vector<1x16xf32> to vector<16xf32>
      %swap3A_337 = vector.shape_cast %broadcast_in_dim3A_332 : vector<16xf32> to vector<1x16xf32>
      tpu.vector_store %arg10[%swap3A_333, %swap3A_334], %swap3A_337 {strides = array<i32>} : memref<32x128xf32, #tpu.memory_space<vmem>>, vector<1x16xf32>,
      %broadcast_in_dim3A_338 = arith.constant 0.000000e+00 : f32
      %broadcast_in_dim3A_339 = vector.broadcast %broadcast_in_dim3A_338 : f32 to vector<16xf32>
      %swap3A_340 = arith.index_cast %scan3A_297 : i32 to index
      %swap3A_341 = arith.constant 96 : index
      %swap3A_342 = tpu.vector_load %arg10[%swap3A_340, %swap3A_341] {strides = array<i32>} : memref<32x128xf32, #tpu.memory_space<vmem>>, vector<1x16xf32>,
      %swap3A_343 = vector.shape_cast %swap3A_342 : vector<1x16xf32> to vector<16xf32>
      %swap3A_344 = vector.shape_cast %broadcast_in_dim3A_339 : vector<16xf32> to vector<1x16xf32>
      tpu.vector_store %arg10[%swap3A_340, %swap3A_341], %swap3A_344 {strides = array<i32>} : memref<32x128xf32, #tpu.memory_space<vmem>>, vector<1x16xf32>,
      %broadcast_in_dim3A_345 = arith.constant 0.000000e+00 : f32
      %broadcast_in_dim3A_346 = vector.broadcast %broadcast_in_dim3A_345 : f32 to vector<16xf32>
      %swap3A_347 = arith.index_cast %scan3A_297 : i32 to index
      %swap3A_348 = arith.constant 112 : index
      %swap3A_349 = tpu.vector_load %arg10[%swap3A_347, %swap3A_348] {strides = array<i32>} : memref<32x128xf32, #tpu.memory_space<vmem>>, vector<1x16xf32>,
      %swap3A_350 = vector.shape_cast %swap3A_349 : vector<1x16xf32> to vector<16xf32>
      %swap3A_351 = vector.shape_cast %broadcast_in_dim3A_346 : vector<16xf32> to vector<1x16xf32>
      tpu.vector_store %arg10[%swap3A_347, %swap3A_348], %swap3A_351 {strides = array<i32>} : memref<32x128xf32, #tpu.memory_space<vmem>>, vector<1x16xf32>,
    }
    %scan3A_141 = arith.constant 32 : i32
    %scan3A_142 = arith.constant 0 : i32
    %scan3A_143 = arith.constant 0 : i32
    %scan3A_144 = arith.constant 20 : i32
    %scan3A_145 = arith.addi %scan3A_143, %scan3A_144 : i32
    %scan3A_146 = arith.constant 1 : i32
    scf.for %scan3A_297 = %scan3A_143 to %scan3A_145 step %scan3A_146  : i32 {
      %mul3A_298 = arith.constant 640 : i32
      %mul3A_299 = arith.muli %arg1, %mul3A_298 : i32
      %mul3A_300 = arith.constant 32 : i32
      %mul3A_301 = arith.muli %scan3A_297, %mul3A_300 : i32
      %add3A_302 = arith.addi %mul3A_299, %mul3A_301 : i32
      "tpu.region"() ({
        %run_scoped3A = tpu.sem_alloc : memref<!tpu.dma_semaphore, #tpu.memory_space<semaphore_mem>>
        %dma_start3A_303 = arith.constant 0 : i32
        %dma_start3A_304 = tpu.memref_slice %arg11[%add3A_302, %dma_start3A_303] : memref<10240x128xf32, #tpu.memory_space<vmem_shared>> -> memref<32x128xf32, #tpu.memory_space<vmem_shared>>
        %dma_start3A_305 = arith.constant 0 : i32
        %dma_start3A_306 = tpu.memref_slice %arg11[%add3A_302, %dma_start3A_305] : memref<10240x128xf32, #tpu.memory_space<vmem_shared>> -> memref<32x128xf32, #tpu.memory_space<vmem_shared>>
        tpu.enqueue_dma source(%arg10 : memref<32x128xf32, #tpu.memory_space<vmem>>) target(%dma_start3A_306 : memref<32x128xf32, #tpu.memory_space<vmem_shared>>) target_semaphore(%run_scoped3A : memref<!tpu.dma_semaphore, #tpu.memory_space<semaphore_mem>>)
        %dma_wait3A_307 = arith.constant 0 : i32
        %dma_wait3A_308 = tpu.memref_slice %arg11[%add3A_302, %dma_wait3A_307] : memref<10240x128xf32, #tpu.memory_space<vmem_shared>> -> memref<32x128xf32, #tpu.memory_space<vmem_shared>>
        %dma_wait3A_309 = arith.constant 0 : i32
        %dma_wait3A_310 = tpu.memref_slice %arg11[%add3A_302, %dma_wait3A_309] : memref<10240x128xf32, #tpu.memory_space<vmem_shared>> -> memref<32x128xf32, #tpu.memory_space<vmem_shared>>
        tpu.wait_dma2 semaphore(%run_scoped3A : memref<!tpu.dma_semaphore, #tpu.memory_space<semaphore_mem>>) src(%arg10 : memref<32x128xf32, #tpu.memory_space<vmem>>) dst(%dma_wait3A_310 : memref<32x128xf32, #tpu.memory_space<vmem_shared>>)
        tpu.yield
      }) : () -> ()
    }
    %scan3A_147 = arith.constant 20 : i32
    %barrier3A = arith.constant 0 : index
    tpu.barrier barrier_id(%barrier3A)
    %scan3A_148 = arith.constant 0 : i32
    %scan3A_149 = arith.constant 0 : i32
    %scan3A_150 = arith.constant 19 : i32
    %scan3A_151 = arith.addi %scan3A_149, %scan3A_150 : i32
    %scan3A_152 = arith.constant 1 : i32
    scf.for %scan3A_297 = %scan3A_149 to %scan3A_151 step %scan3A_152  : i32 {
      %mul3A_298 = arith.constant 4 : i32
      %mul3A_299 = arith.muli %scan3A_297, %mul3A_298 : i32
      %dma_wait3A_300 = arith.constant 0 : i32
      %dma_wait3A_301 = arith.constant 0 : i32
      %dma_wait3A_302 = tpu.memref_slice %arg6[%dma_wait3A_300, %dma_wait3A_301] : memref<4x128xi32, #tpu.memory_space<vmem>> -> memref<1x128xi32, #tpu.memory_space<vmem>>
      %dma_wait3A_303 = tpu.memref_squeeze %dma_wait3A_302 : memref<1x128xi32, #tpu.memory_space<vmem>> -> memref<128xi32, #tpu.memory_space<vmem>>
      %dma_wait3A_304 = arith.constant 0 : i32
      %dma_wait3A_305 = arith.constant 0 : i32
      %dma_wait3A_306 = tpu.memref_slice %arg2[%dma_wait3A_304, %dma_wait3A_305] : memref<10000x128xf32, #tpu.memory_space<hbm>> -> memref<10000x128xf32, #tpu.memory_space<hbm>>
      tpu.wait_indirect_dma semaphore(%arg12 : memref<!tpu.dma_semaphore, #tpu.memory_space<semaphore_mem>>) src(%dma_wait3A_306 : memref<10000x128xf32, #tpu.memory_space<hbm>>) dst(%arg8 : memref<128x128xf32, #tpu.memory_space<vmem>>)
      %dma_start3A_307 = arith.constant 0 : i32
      %dma_start3A_308 = arith.constant 0 : i32
      %dma_start3A_309 = tpu.memref_slice %arg7[%dma_start3A_307, %dma_start3A_308] : memref<4x128xi32, #tpu.memory_space<vmem>> -> memref<1x128xi32, #tpu.memory_space<vmem>>
      %dma_start3A_310 = tpu.memref_squeeze %dma_start3A_309 : memref<1x128xi32, #tpu.memory_space<vmem>> -> memref<128xi32, #tpu.memory_space<vmem>>
      %dma_start3A_311 = arith.constant 0 : i32
      %dma_start3A_312 = arith.constant 0 : i32
      %dma_start3A_313 = tpu.memref_slice %arg11[%dma_start3A_311, %dma_start3A_312] : memref<10240x128xf32, #tpu.memory_space<vmem_shared>> -> memref<10240x128xf32, #tpu.memory_space<vmem_shared>>
      tpu.enqueue_indirect_dma source(%arg8 : memref<128x128xf32, #tpu.memory_space<vmem>>) target(%dma_start3A_313 : memref<10240x128xf32, #tpu.memory_space<vmem_shared>>) offsets(%dma_start3A_310 : memref<128xi32, #tpu.memory_space<vmem>>) semaphore(%arg14 : memref<!tpu.dma_semaphore, #tpu.memory_space<semaphore_mem>>) {add = true}
      %dma_wait3A_314 = arith.constant 1 : i32
      %dma_wait3A_315 = arith.constant 0 : i32
      %dma_wait3A_316 = tpu.memref_slice %arg6[%dma_wait3A_314, %dma_wait3A_315] : memref<4x128xi32, #tpu.memory_space<vmem>> -> memref<1x128xi32, #tpu.memory_space<vmem>>
      %dma_wait3A_317 = tpu.memref_squeeze %dma_wait3A_316 : memref<1x128xi32, #tpu.memory_space<vmem>> -> memref<128xi32, #tpu.memory_space<vmem>>
      %dma_wait3A_318 = arith.constant 0 : i32
      %dma_wait3A_319 = arith.constant 0 : i32
      %dma_wait3A_320 = tpu.memref_slice %arg2[%dma_wait3A_318, %dma_wait3A_319] : memref<10000x128xf32, #tpu.memory_space<hbm>> -> memref<10000x128xf32, #tpu.memory_space<hbm>>
      tpu.wait_indirect_dma semaphore(%arg13 : memref<!tpu.dma_semaphore, #tpu.memory_space<semaphore_mem>>) src(%dma_wait3A_320 : memref<10000x128xf32, #tpu.memory_space<hbm>>) dst(%arg9 : memref<128x128xf32, #tpu.memory_space<vmem>>)
      %dma_start3A_321 = arith.constant 1 : i32
      %dma_start3A_322 = arith.constant 0 : i32
      %dma_start3A_323 = tpu.memref_slice %arg7[%dma_start3A_321, %dma_start3A_322] : memref<4x128xi32, #tpu.memory_space<vmem>> -> memref<1x128xi32, #tpu.memory_space<vmem>>
      %dma_start3A_324 = tpu.memref_squeeze %dma_start3A_323 : memref<1x128xi32, #tpu.memory_space<vmem>> -> memref<128xi32, #tpu.memory_space<vmem>>
      %dma_start3A_325 = arith.constant 0 : i32
      %dma_start3A_326 = arith.constant 0 : i32
      %dma_start3A_327 = tpu.memref_slice %arg11[%dma_start3A_325, %dma_start3A_326] : memref<10240x128xf32, #tpu.memory_space<vmem_shared>> -> memref<10240x128xf32, #tpu.memory_space<vmem_shared>>
      tpu.enqueue_indirect_dma source(%arg9 : memref<128x128xf32, #tpu.memory_space<vmem>>) target(%dma_start3A_327 : memref<10240x128xf32, #tpu.memory_space<vmem_shared>>) offsets(%dma_start3A_324 : memref<128xi32, #tpu.memory_space<vmem>>) semaphore(%arg15 : memref<!tpu.dma_semaphore, #tpu.memory_space<semaphore_mem>>) {add = true}
      %dma_wait3A_328 = arith.constant 0 : i32
      %dma_wait3A_329 = arith.constant 0 : i32
      %dma_wait3A_330 = tpu.memref_slice %arg7[%dma_wait3A_328, %dma_wait3A_329] : memref<4x128xi32, #tpu.memory_space<vmem>> -> memref<1x128xi32, #tpu.memory_space<vmem>>
      %dma_wait3A_331 = tpu.memref_squeeze %dma_wait3A_330 : memref<1x128xi32, #tpu.memory_space<vmem>> -> memref<128xi32, #tpu.memory_space<vmem>>
      %dma_wait3A_332 = arith.constant 0 : i32
      %dma_wait3A_333 = arith.constant 0 : i32
      %dma_wait3A_334 = tpu.memref_slice %arg11[%dma_wait3A_332, %dma_wait3A_333] : memref<10240x128xf32, #tpu.memory_space<vmem_shared>> -> memref<10240x128xf32, #tpu.memory_space<vmem_shared>>
      tpu.wait_indirect_dma semaphore(%arg14 : memref<!tpu.dma_semaphore, #tpu.memory_space<semaphore_mem>>) src(%arg8 : memref<128x128xf32, #tpu.memory_space<vmem>>) dst(%dma_wait3A_334 : memref<10240x128xf32, #tpu.memory_space<vmem_shared>>)
      %add3A_335 = arith.constant 4 : i32
      %add3A_336 = arith.addi %mul3A_299, %add3A_335 : i32
      %add3A_337 = arith.constant 0 : i32
      %add3A_338 = arith.addi %add3A_336, %add3A_337 : i32
      %mul3A_339 = arith.constant 128 : i32
      %mul3A_340 = arith.muli %add3A_338, %mul3A_339 : i32
      %add3A_341 = arith.addi %mul3A_4, %mul3A_340 : i32
      %dma_start3A_342 = arith.constant 0 : i32
      %dma_start3A_343 = arith.constant 0 : i32
      %dma_start3A_344 = tpu.memref_slice %arg6[%dma_start3A_342, %dma_start3A_343] : memref<4x128xi32, #tpu.memory_space<vmem>> -> memref<1x128xi32, #tpu.memory_space<vmem>>
      %dma_start3A_345 = tpu.memref_squeeze %dma_start3A_344 : memref<1x128xi32, #tpu.memory_space<vmem>> -> memref<128xi32, #tpu.memory_space<vmem>>
      %dma_start3A_346 = tpu.memref_slice %arg3[%add3A_341] : memref<327680xi32, #tpu.memory_space<hbm>> -> memref<128xi32, #tpu.memory_space<hbm>>
      %dma_start3A_347 = arith.constant 0 : i32
      %dma_start3A_348 = tpu.memref_slice %arg6[%dma_start3A_342, %dma_start3A_347] : memref<4x128xi32, #tpu.memory_space<vmem>> -> memref<1x128xi32, #tpu.memory_space<vmem>>
      %dma_start3A_349 = tpu.memref_squeeze %dma_start3A_348 : memref<1x128xi32, #tpu.memory_space<vmem>> -> memref<128xi32, #tpu.memory_space<vmem>>
      %dma_start3A_350 = tpu.memref_slice %arg3[%add3A_341] : memref<327680xi32, #tpu.memory_space<hbm>> -> memref<128xi32, #tpu.memory_space<hbm>>
      tpu.enqueue_dma source(%dma_start3A_350 : memref<128xi32, #tpu.memory_space<hbm>>) target(%dma_start3A_349 : memref<128xi32, #tpu.memory_space<vmem>>) target_semaphore(%arg16 : memref<!tpu.dma_semaphore, #tpu.memory_space<semaphore_mem>>)
      %dma_start3A_351 = arith.constant 0 : i32
      %dma_start3A_352 = arith.constant 0 : i32
      %dma_start3A_353 = tpu.memref_slice %arg7[%dma_start3A_351, %dma_start3A_352] : memref<4x128xi32, #tpu.memory_space<vmem>> -> memref<1x128xi32, #tpu.memory_space<vmem>>
      %dma_start3A_354 = tpu.memref_squeeze %dma_start3A_353 : memref<1x128xi32, #tpu.memory_space<vmem>> -> memref<128xi32, #tpu.memory_space<vmem>>
      %dma_start3A_355 = tpu.memref_slice %arg4[%add3A_341] : memref<327680xi32, #tpu.memory_space<hbm>> -> memref<128xi32, #tpu.memory_space<hbm>>
      %dma_start3A_356 = arith.constant 0 : i32
      %dma_start3A_357 = tpu.memref_slice %arg7[%dma_start3A_351, %dma_start3A_356] : memref<4x128xi32, #tpu.memory_space<vmem>> -> memref<1x128xi32, #tpu.memory_space<vmem>>
      %dma_start3A_358 = tpu.memref_squeeze %dma_start3A_357 : memref<1x128xi32, #tpu.memory_space<vmem>> -> memref<128xi32, #tpu.memory_space<vmem>>
      %dma_start3A_359 = tpu.memref_slice %arg4[%add3A_341] : memref<327680xi32, #tpu.memory_space<hbm>> -> memref<128xi32, #tpu.memory_space<hbm>>
      tpu.enqueue_dma source(%dma_start3A_359 : memref<128xi32, #tpu.memory_space<hbm>>) target(%dma_start3A_358 : memref<128xi32, #tpu.memory_space<vmem>>) target_semaphore(%arg16 : memref<!tpu.dma_semaphore, #tpu.memory_space<semaphore_mem>>)
      %add3A_360 = arith.constant 2 : i32
      %add3A_361 = arith.addi %mul3A_299, %add3A_360 : i32
      %add3A_362 = arith.constant 0 : i32
      %add3A_363 = arith.addi %add3A_361, %add3A_362 : i32
      %mul3A_364 = arith.constant 128 : i32
      %mul3A_365 = arith.muli %add3A_363, %mul3A_364 : i32
      %add3A_366 = arith.addi %mul3A_4, %mul3A_365 : i32
      %dma_wait3A_367 = arith.constant 2 : i32
      %dma_wait3A_368 = arith.constant 0 : i32
      %dma_wait3A_369 = tpu.memref_slice %arg6[%dma_wait3A_367, %dma_wait3A_368] : memref<4x128xi32, #tpu.memory_space<vmem>> -> memref<1x128xi32, #tpu.memory_space<vmem>>
      %dma_wait3A_370 = tpu.memref_squeeze %dma_wait3A_369 : memref<1x128xi32, #tpu.memory_space<vmem>> -> memref<128xi32, #tpu.memory_space<vmem>>
      %dma_wait3A_371 = tpu.memref_slice %arg3[%add3A_366] : memref<327680xi32, #tpu.memory_space<hbm>> -> memref<128xi32, #tpu.memory_space<hbm>>
      %dma_wait3A_372 = arith.constant 0 : i32
      %dma_wait3A_373 = tpu.memref_slice %arg6[%dma_wait3A_367, %dma_wait3A_372] : memref<4x128xi32, #tpu.memory_space<vmem>> -> memref<1x128xi32, #tpu.memory_space<vmem>>
      %dma_wait3A_374 = tpu.memref_squeeze %dma_wait3A_373 : memref<1x128xi32, #tpu.memory_space<vmem>> -> memref<128xi32, #tpu.memory_space<vmem>>
      %dma_wait3A_375 = tpu.memref_slice %arg3[%add3A_366] : memref<327680xi32, #tpu.memory_space<hbm>> -> memref<128xi32, #tpu.memory_space<hbm>>
      tpu.wait_dma2 semaphore(%arg18 : memref<!tpu.dma_semaphore, #tpu.memory_space<semaphore_mem>>) src(%dma_wait3A_375 : memref<128xi32, #tpu.memory_space<hbm>>) dst(%dma_wait3A_374 : memref<128xi32, #tpu.memory_space<vmem>>)
      %dma_wait3A_376 = arith.constant 2 : i32
      %dma_wait3A_377 = arith.constant 0 : i32
      %dma_wait3A_378 = tpu.memref_slice %arg7[%dma_wait3A_376, %dma_wait3A_377] : memref<4x128xi32, #tpu.memory_space<vmem>> -> memref<1x128xi32, #tpu.memory_space<vmem>>
      %dma_wait3A_379 = tpu.memref_squeeze %dma_wait3A_378 : memref<1x128xi32, #tpu.memory_space<vmem>> -> memref<128xi32, #tpu.memory_space<vmem>>
      %dma_wait3A_380 = tpu.memref_slice %arg4[%add3A_366] : memref<327680xi32, #tpu.memory_space<hbm>> -> memref<128xi32, #tpu.memory_space<hbm>>
      %dma_wait3A_381 = arith.constant 0 : i32
      %dma_wait3A_382 = tpu.memref_slice %arg7[%dma_wait3A_376, %dma_wait3A_381] : memref<4x128xi32, #tpu.memory_space<vmem>> -> memref<1x128xi32, #tpu.memory_space<vmem>>
      %dma_wait3A_383 = tpu.memref_squeeze %dma_wait3A_382 : memref<1x128xi32, #tpu.memory_space<vmem>> -> memref<128xi32, #tpu.memory_space<vmem>>
      %dma_wait3A_384 = tpu.memref_slice %arg4[%add3A_366] : memref<327680xi32, #tpu.memory_space<hbm>> -> memref<128xi32, #tpu.memory_space<hbm>>
      tpu.wait_dma2 semaphore(%arg18 : memref<!tpu.dma_semaphore, #tpu.memory_space<semaphore_mem>>) src(%dma_wait3A_384 : memref<128xi32, #tpu.memory_space<hbm>>) dst(%dma_wait3A_383 : memref<128xi32, #tpu.memory_space<vmem>>)
      %dma_start3A_385 = arith.constant 2 : i32
      %dma_start3A_386 = arith.constant 0 : i32
      %dma_start3A_387 = tpu.memref_slice %arg6[%dma_start3A_385, %dma_start3A_386] : memref<4x128xi32, #tpu.memory_space<vmem>> -> memref<1x128xi32, #tpu.memory_space<vmem>>
      %dma_start3A_388 = tpu.memref_squeeze %dma_start3A_387 : memref<1x128xi32, #tpu.memory_space<vmem>> -> memref<128xi32, #tpu.memory_space<vmem>>
      %dma_start3A_389 = arith.constant 0 : i32
      %dma_start3A_390 = arith.constant 0 : i32
      %dma_start3A_391 = tpu.memref_slice %arg2[%dma_start3A_389, %dma_start3A_390] : memref<10000x128xf32, #tpu.memory_space<hbm>> -> memref<10000x128xf32, #tpu.memory_space<hbm>>
      tpu.enqueue_indirect_dma source(%dma_start3A_391 : memref<10000x128xf32, #tpu.memory_space<hbm>>) target(%arg8 : memref<128x128xf32, #tpu.memory_space<vmem>>) offsets(%dma_start3A_388 : memref<128xi32, #tpu.memory_space<vmem>>) semaphore(%arg12 : memref<!tpu.dma_semaphore, #tpu.memory_space<semaphore_mem>>)
      %dma_wait3A_392 = arith.constant 1 : i32
      %dma_wait3A_393 = arith.constant 0 : i32
      %dma_wait3A_394 = tpu.memref_slice %arg7[%dma_wait3A_392, %dma_wait3A_393] : memref<4x128xi32, #tpu.memory_space<vmem>> -> memref<1x128xi32, #tpu.memory_space<vmem>>
      %dma_wait3A_395 = tpu.memref_squeeze %dma_wait3A_394 : memref<1x128xi32, #tpu.memory_space<vmem>> -> memref<128xi32, #tpu.memory_space<vmem>>
      %dma_wait3A_396 = arith.constant 0 : i32
      %dma_wait3A_397 = arith.constant 0 : i32
      %dma_wait3A_398 = tpu.memref_slice %arg11[%dma_wait3A_396, %dma_wait3A_397] : memref<10240x128xf32, #tpu.memory_space<vmem_shared>> -> memref<10240x128xf32, #tpu.memory_space<vmem_shared>>
      tpu.wait_indirect_dma semaphore(%arg15 : memref<!tpu.dma_semaphore, #tpu.memory_space<semaphore_mem>>) src(%arg9 : memref<128x128xf32, #tpu.memory_space<vmem>>) dst(%dma_wait3A_398 : memref<10240x128xf32, #tpu.memory_space<vmem_shared>>)
      %add3A_399 = arith.constant 4 : i32
      %add3A_400 = arith.addi %mul3A_299, %add3A_399 : i32
      %add3A_401 = arith.constant 1 : i32
      %add3A_402 = arith.addi %add3A_400, %add3A_401 : i32
      %mul3A_403 = arith.constant 128 : i32
      %mul3A_404 = arith.muli %add3A_402, %mul3A_403 : i32
      %add3A_405 = arith.addi %mul3A_4, %mul3A_404 : i32
      %dma_start3A_406 = arith.constant 1 : i32
      %dma_start3A_407 = arith.constant 0 : i32
      %dma_start3A_408 = tpu.memref_slice %arg6[%dma_start3A_406, %dma_start3A_407] : memref<4x128xi32, #tpu.memory_space<vmem>> -> memref<1x128xi32, #tpu.memory_space<vmem>>
      %dma_start3A_409 = tpu.memref_squeeze %dma_start3A_408 : memref<1x128xi32, #tpu.memory_space<vmem>> -> memref<128xi32, #tpu.memory_space<vmem>>
      %dma_start3A_410 = tpu.memref_slice %arg3[%add3A_405] : memref<327680xi32, #tpu.memory_space<hbm>> -> memref<128xi32, #tpu.memory_space<hbm>>
      %dma_start3A_411 = arith.constant 0 : i32
      %dma_start3A_412 = tpu.memref_slice %arg6[%dma_start3A_406, %dma_start3A_411] : memref<4x128xi32, #tpu.memory_space<vmem>> -> memref<1x128xi32, #tpu.memory_space<vmem>>
      %dma_start3A_413 = tpu.memref_squeeze %dma_start3A_412 : memref<1x128xi32, #tpu.memory_space<vmem>> -> memref<128xi32, #tpu.memory_space<vmem>>
      %dma_start3A_414 = tpu.memref_slice %arg3[%add3A_405] : memref<327680xi32, #tpu.memory_space<hbm>> -> memref<128xi32, #tpu.memory_space<hbm>>
      tpu.enqueue_dma source(%dma_start3A_414 : memref<128xi32, #tpu.memory_space<hbm>>) target(%dma_start3A_413 : memref<128xi32, #tpu.memory_space<vmem>>) target_semaphore(%arg17 : memref<!tpu.dma_semaphore, #tpu.memory_space<semaphore_mem>>)
      %dma_start3A_415 = arith.constant 1 : i32
      %dma_start3A_416 = arith.constant 0 : i32
      %dma_start3A_417 = tpu.memref_slice %arg7[%dma_start3A_415, %dma_start3A_416] : memref<4x128xi32, #tpu.memory_space<vmem>> -> memref<1x128xi32, #tpu.memory_space<vmem>>
      %dma_start3A_418 = tpu.memref_squeeze %dma_start3A_417 : memref<1x128xi32, #tpu.memory_space<vmem>> -> memref<128xi32, #tpu.memory_space<vmem>>
      %dma_start3A_419 = tpu.memref_slice %arg4[%add3A_405] : memref<327680xi32, #tpu.memory_space<hbm>> -> memref<128xi32, #tpu.memory_space<hbm>>
      %dma_start3A_420 = arith.constant 0 : i32
      %dma_start3A_421 = tpu.memref_slice %arg7[%dma_start3A_415, %dma_start3A_420] : memref<4x128xi32, #tpu.memory_space<vmem>> -> memref<1x128xi32, #tpu.memory_space<vmem>>
      %dma_start3A_422 = tpu.memref_squeeze %dma_start3A_421 : memref<1x128xi32, #tpu.memory_space<vmem>> -> memref<128xi32, #tpu.memory_space<vmem>>
      %dma_start3A_423 = tpu.memref_slice %arg4[%add3A_405] : memref<327680xi32, #tpu.memory_space<hbm>> -> memref<128xi32, #tpu.memory_space<hbm>>
      tpu.enqueue_dma source(%dma_start3A_423 : memref<128xi32, #tpu.memory_space<hbm>>) target(%dma_start3A_422 : memref<128xi32, #tpu.memory_space<vmem>>) target_semaphore(%arg17 : memref<!tpu.dma_semaphore, #tpu.memory_space<semaphore_mem>>)
      %add3A_424 = arith.constant 2 : i32
      %add3A_425 = arith.addi %mul3A_299, %add3A_424 : i32
      %add3A_426 = arith.constant 1 : i32
      %add3A_427 = arith.addi %add3A_425, %add3A_426 : i32
      %mul3A_428 = arith.constant 128 : i32
      %mul3A_429 = arith.muli %add3A_427, %mul3A_428 : i32
      %add3A_430 = arith.addi %mul3A_4, %mul3A_429 : i32
      %dma_wait3A_431 = arith.constant 3 : i32
      %dma_wait3A_432 = arith.constant 0 : i32
      %dma_wait3A_433 = tpu.memref_slice %arg6[%dma_wait3A_431, %dma_wait3A_432] : memref<4x128xi32, #tpu.memory_space<vmem>> -> memref<1x128xi32, #tpu.memory_space<vmem>>
      %dma_wait3A_434 = tpu.memref_squeeze %dma_wait3A_433 : memref<1x128xi32, #tpu.memory_space<vmem>> -> memref<128xi32, #tpu.memory_space<vmem>>
      %dma_wait3A_435 = tpu.memref_slice %arg3[%add3A_430] : memref<327680xi32, #tpu.memory_space<hbm>> -> memref<128xi32, #tpu.memory_space<hbm>>
      %dma_wait3A_436 = arith.constant 0 : i32
      %dma_wait3A_437 = tpu.memref_slice %arg6[%dma_wait3A_431, %dma_wait3A_436] : memref<4x128xi32, #tpu.memory_space<vmem>> -> memref<1x128xi32, #tpu.memory_space<vmem>>
      %dma_wait3A_438 = tpu.memref_squeeze %dma_wait3A_437 : memref<1x128xi32, #tpu.memory_space<vmem>> -> memref<128xi32, #tpu.memory_space<vmem>>
      %dma_wait3A_439 = tpu.memref_slice %arg3[%add3A_430] : memref<327680xi32, #tpu.memory_space<hbm>> -> memref<128xi32, #tpu.memory_space<hbm>>
      tpu.wait_dma2 semaphore(%arg19 : memref<!tpu.dma_semaphore, #tpu.memory_space<semaphore_mem>>) src(%dma_wait3A_439 : memref<128xi32, #tpu.memory_space<hbm>>) dst(%dma_wait3A_438 : memref<128xi32, #tpu.memory_space<vmem>>)
      %dma_wait3A_440 = arith.constant 3 : i32
      %dma_wait3A_441 = arith.constant 0 : i32
      %dma_wait3A_442 = tpu.memref_slice %arg7[%dma_wait3A_440, %dma_wait3A_441] : memref<4x128xi32, #tpu.memory_space<vmem>> -> memref<1x128xi32, #tpu.memory_space<vmem>>
      %dma_wait3A_443 = tpu.memref_squeeze %dma_wait3A_442 : memref<1x128xi32, #tpu.memory_space<vmem>> -> memref<128xi32, #tpu.memory_space<vmem>>
      %dma_wait3A_444 = tpu.memref_slice %arg4[%add3A_430] : memref<327680xi32, #tpu.memory_space<hbm>> -> memref<128xi32, #tpu.memory_space<hbm>>
      %dma_wait3A_445 = arith.constant 0 : i32
      %dma_wait3A_446 = tpu.memref_slice %arg7[%dma_wait3A_440, %dma_wait3A_445] : memref<4x128xi32, #tpu.memory_space<vmem>> -> memref<1x128xi32, #tpu.memory_space<vmem>>
      %dma_wait3A_447 = tpu.memref_squeeze %dma_wait3A_446 : memref<1x128xi32, #tpu.memory_space<vmem>> -> memref<128xi32, #tpu.memory_space<vmem>>
      %dma_wait3A_448 = tpu.memref_slice %arg4[%add3A_430] : memref<327680xi32, #tpu.memory_space<hbm>> -> memref<128xi32, #tpu.memory_space<hbm>>
      tpu.wait_dma2 semaphore(%arg19 : memref<!tpu.dma_semaphore, #tpu.memory_space<semaphore_mem>>) src(%dma_wait3A_448 : memref<128xi32, #tpu.memory_space<hbm>>) dst(%dma_wait3A_447 : memref<128xi32, #tpu.memory_space<vmem>>)
      %dma_start3A_449 = arith.constant 3 : i32
      %dma_start3A_450 = arith.constant 0 : i32
      %dma_start3A_451 = tpu.memref_slice %arg6[%dma_start3A_449, %dma_start3A_450] : memref<4x128xi32, #tpu.memory_space<vmem>> -> memref<1x128xi32, #tpu.memory_space<vmem>>
      %dma_start3A_452 = tpu.memref_squeeze %dma_start3A_451 : memref<1x128xi32, #tpu.memory_space<vmem>> -> memref<128xi32, #tpu.memory_space<vmem>>
      %dma_start3A_453 = arith.constant 0 : i32
      %dma_start3A_454 = arith.constant 0 : i32
      %dma_start3A_455 = tpu.memref_slice %arg2[%dma_start3A_453, %dma_start3A_454] : memref<10000x128xf32, #tpu.memory_space<hbm>> -> memref<10000x128xf32, #tpu.memory_space<hbm>>
      tpu.enqueue_indirect_dma source(%dma_start3A_455 : memref<10000x128xf32, #tpu.memory_space<hbm>>) target(%arg9 : memref<128x128xf32, #tpu.memory_space<vmem>>) offsets(%dma_start3A_452 : memref<128xi32, #tpu.memory_space<vmem>>) semaphore(%arg13 : memref<!tpu.dma_semaphore, #tpu.memory_space<semaphore_mem>>)
      %dma_wait3A_456 = arith.constant 2 : i32
      %dma_wait3A_457 = arith.constant 0 : i32
      %dma_wait3A_458 = tpu.memref_slice %arg6[%dma_wait3A_456, %dma_wait3A_457] : memref<4x128xi32, #tpu.memory_space<vmem>> -> memref<1x128xi32, #tpu.memory_space<vmem>>
      %dma_wait3A_459 = tpu.memref_squeeze %dma_wait3A_458 : memref<1x128xi32, #tpu.memory_space<vmem>> -> memref<128xi32, #tpu.memory_space<vmem>>
      %dma_wait3A_460 = arith.constant 0 : i32
      %dma_wait3A_461 = arith.constant 0 : i32
      %dma_wait3A_462 = tpu.memref_slice %arg2[%dma_wait3A_460, %dma_wait3A_461] : memref<10000x128xf32, #tpu.memory_space<hbm>> -> memref<10000x128xf32, #tpu.memory_space<hbm>>
      tpu.wait_indirect_dma semaphore(%arg12 : memref<!tpu.dma_semaphore, #tpu.memory_space<semaphore_mem>>) src(%dma_wait3A_462 : memref<10000x128xf32, #tpu.memory_space<hbm>>) dst(%arg8 : memref<128x128xf32, #tpu.memory_space<vmem>>)
      %dma_start3A_463 = arith.constant 2 : i32
      %dma_start3A_464 = arith.constant 0 : i32
      %dma_start3A_465 = tpu.memref_slice %arg7[%dma_start3A_463, %dma_start3A_464] : memref<4x128xi32, #tpu.memory_space<vmem>> -> memref<1x128xi32, #tpu.memory_space<vmem>>
      %dma_start3A_466 = tpu.memref_squeeze %dma_start3A_465 : memref<1x128xi32, #tpu.memory_space<vmem>> -> memref<128xi32, #tpu.memory_space<vmem>>
      %dma_start3A_467 = arith.constant 0 : i32
      %dma_start3A_468 = arith.constant 0 : i32
      %dma_start3A_469 = tpu.memref_slice %arg11[%dma_start3A_467, %dma_start3A_468] : memref<10240x128xf32, #tpu.memory_space<vmem_shared>> -> memref<10240x128xf32, #tpu.memory_space<vmem_shared>>
      tpu.enqueue_indirect_dma source(%arg8 : memref<128x128xf32, #tpu.memory_space<vmem>>) target(%dma_start3A_469 : memref<10240x128xf32, #tpu.memory_space<vmem_shared>>) offsets(%dma_start3A_466 : memref<128xi32, #tpu.memory_space<vmem>>) semaphore(%arg14 : memref<!tpu.dma_semaphore, #tpu.memory_space<semaphore_mem>>) {add = true}
      %dma_wait3A_470 = arith.constant 3 : i32
      %dma_wait3A_471 = arith.constant 0 : i32
      %dma_wait3A_472 = tpu.memref_slice %arg6[%dma_wait3A_470, %dma_wait3A_471] : memref<4x128xi32, #tpu.memory_space<vmem>> -> memref<1x128xi32, #tpu.memory_space<vmem>>
      %dma_wait3A_473 = tpu.memref_squeeze %dma_wait3A_472 : memref<1x128xi32, #tpu.memory_space<vmem>> -> memref<128xi32, #tpu.memory_space<vmem>>
      %dma_wait3A_474 = arith.constant 0 : i32
      %dma_wait3A_475 = arith.constant 0 : i32
      %dma_wait3A_476 = tpu.memref_slice %arg2[%dma_wait3A_474, %dma_wait3A_475] : memref<10000x128xf32, #tpu.memory_space<hbm>> -> memref<10000x128xf32, #tpu.memory_space<hbm>>
      tpu.wait_indirect_dma semaphore(%arg13 : memref<!tpu.dma_semaphore, #tpu.memory_space<semaphore_mem>>) src(%dma_wait3A_476 : memref<10000x128xf32, #tpu.memory_space<hbm>>) dst(%arg9 : memref<128x128xf32, #tpu.memory_space<vmem>>)
      %dma_start3A_477 = arith.constant 3 : i32
      %dma_start3A_478 = arith.constant 0 : i32
      %dma_start3A_479 = tpu.memref_slice %arg7[%dma_start3A_477, %dma_start3A_478] : memref<4x128xi32, #tpu.memory_space<vmem>> -> memref<1x128xi32, #tpu.memory_space<vmem>>
      %dma_start3A_480 = tpu.memref_squeeze %dma_start3A_479 : memref<1x128xi32, #tpu.memory_space<vmem>> -> memref<128xi32, #tpu.memory_space<vmem>>
      %dma_start3A_481 = arith.constant 0 : i32
      %dma_start3A_482 = arith.constant 0 : i32
      %dma_start3A_483 = tpu.memref_slice %arg11[%dma_start3A_481, %dma_start3A_482] : memref<10240x128xf32, #tpu.memory_space<vmem_shared>> -> memref<10240x128xf32, #tpu.memory_space<vmem_shared>>
      tpu.enqueue_indirect_dma source(%arg9 : memref<128x128xf32, #tpu.memory_space<vmem>>) target(%dma_start3A_483 : memref<10240x128xf32, #tpu.memory_space<vmem_shared>>) offsets(%dma_start3A_480 : memref<128xi32, #tpu.memory_space<vmem>>) semaphore(%arg15 : memref<!tpu.dma_semaphore, #tpu.memory_space<semaphore_mem>>) {add = true}
      %dma_wait3A_484 = arith.constant 2 : i32
      %dma_wait3A_485 = arith.constant 0 : i32
      %dma_wait3A_486 = tpu.memref_slice %arg7[%dma_wait3A_484, %dma_wait3A_485] : memref<4x128xi32, #tpu.memory_space<vmem>> -> memref<1x128xi32, #tpu.memory_space<vmem>>
      %dma_wait3A_487 = tpu.memref_squeeze %dma_wait3A_486 : memref<1x128xi32, #tpu.memory_space<vmem>> -> memref<128xi32, #tpu.memory_space<vmem>>
      %dma_wait3A_488 = arith.constant 0 : i32
      %dma_wait3A_489 = arith.constant 0 : i32
      %dma_wait3A_490 = tpu.memref_slice %arg11[%dma_wait3A_488, %dma_wait3A_489] : memref<10240x128xf32, #tpu.memory_space<vmem_shared>> -> memref<10240x128xf32, #tpu.memory_space<vmem_shared>>
      tpu.wait_indirect_dma semaphore(%arg14 : memref<!tpu.dma_semaphore, #tpu.memory_space<semaphore_mem>>) src(%arg8 : memref<128x128xf32, #tpu.memory_space<vmem>>) dst(%dma_wait3A_490 : memref<10240x128xf32, #tpu.memory_space<vmem_shared>>)
      %add3A_491 = arith.constant 4 : i32
      %add3A_492 = arith.addi %mul3A_299, %add3A_491 : i32
      %add3A_493 = arith.constant 2 : i32
      %add3A_494 = arith.addi %add3A_492, %add3A_493 : i32
      %mul3A_495 = arith.constant 128 : i32
      %mul3A_496 = arith.muli %add3A_494, %mul3A_495 : i32
      %add3A_497 = arith.addi %mul3A_4, %mul3A_496 : i32
      %dma_start3A_498 = arith.constant 2 : i32
      %dma_start3A_499 = arith.constant 0 : i32
      %dma_start3A_500 = tpu.memref_slice %arg6[%dma_start3A_498, %dma_start3A_499] : memref<4x128xi32, #tpu.memory_space<vmem>> -> memref<1x128xi32, #tpu.memory_space<vmem>>
      %dma_start3A_501 = tpu.memref_squeeze %dma_start3A_500 : memref<1x128xi32, #tpu.memory_space<vmem>> -> memref<128xi32, #tpu.memory_space<vmem>>
      %dma_start3A_502 = tpu.memref_slice %arg3[%add3A_497] : memref<327680xi32, #tpu.memory_space<hbm>> -> memref<128xi32, #tpu.memory_space<hbm>>
      %dma_start3A_503 = arith.constant 0 : i32
      %dma_start3A_504 = tpu.memref_slice %arg6[%dma_start3A_498, %dma_start3A_503] : memref<4x128xi32, #tpu.memory_space<vmem>> -> memref<1x128xi32, #tpu.memory_space<vmem>>
      %dma_start3A_505 = tpu.memref_squeeze %dma_start3A_504 : memref<1x128xi32, #tpu.memory_space<vmem>> -> memref<128xi32, #tpu.memory_space<vmem>>
      %dma_start3A_506 = tpu.memref_slice %arg3[%add3A_497] : memref<327680xi32, #tpu.memory_space<hbm>> -> memref<128xi32, #tpu.memory_space<hbm>>
      tpu.enqueue_dma source(%dma_start3A_506 : memref<128xi32, #tpu.memory_space<hbm>>) target(%dma_start3A_505 : memref<128xi32, #tpu.memory_space<vmem>>) target_semaphore(%arg18 : memref<!tpu.dma_semaphore, #tpu.memory_space<semaphore_mem>>)
      %dma_start3A_507 = arith.constant 2 : i32
      %dma_start3A_508 = arith.constant 0 : i32
      %dma_start3A_509 = tpu.memref_slice %arg7[%dma_start3A_507, %dma_start3A_508] : memref<4x128xi32, #tpu.memory_space<vmem>> -> memref<1x128xi32, #tpu.memory_space<vmem>>
      %dma_start3A_510 = tpu.memref_squeeze %dma_start3A_509 : memref<1x128xi32, #tpu.memory_space<vmem>> -> memref<128xi32, #tpu.memory_space<vmem>>
      %dma_start3A_511 = tpu.memref_slice %arg4[%add3A_497] : memref<327680xi32, #tpu.memory_space<hbm>> -> memref<128xi32, #tpu.memory_space<hbm>>
      %dma_start3A_512 = arith.constant 0 : i32
      %dma_start3A_513 = tpu.memref_slice %arg7[%dma_start3A_507, %dma_start3A_512] : memref<4x128xi32, #tpu.memory_space<vmem>> -> memref<1x128xi32, #tpu.memory_space<vmem>>
      %dma_start3A_514 = tpu.memref_squeeze %dma_start3A_513 : memref<1x128xi32, #tpu.memory_space<vmem>> -> memref<128xi32, #tpu.memory_space<vmem>>
      %dma_start3A_515 = tpu.memref_slice %arg4[%add3A_497] : memref<327680xi32, #tpu.memory_space<hbm>> -> memref<128xi32, #tpu.memory_space<hbm>>
      tpu.enqueue_dma source(%dma_start3A_515 : memref<128xi32, #tpu.memory_space<hbm>>) target(%dma_start3A_514 : memref<128xi32, #tpu.memory_space<vmem>>) target_semaphore(%arg18 : memref<!tpu.dma_semaphore, #tpu.memory_space<semaphore_mem>>)
      %add3A_516 = arith.constant 4 : i32
      %add3A_517 = arith.addi %mul3A_299, %add3A_516 : i32
      %add3A_518 = arith.constant 0 : i32
      %add3A_519 = arith.addi %add3A_517, %add3A_518 : i32
      %mul3A_520 = arith.constant 128 : i32
      %mul3A_521 = arith.muli %add3A_519, %mul3A_520 : i32
      %add3A_522 = arith.addi %mul3A_4, %mul3A_521 : i32
      %dma_wait3A_523 = arith.constant 0 : i32
      %dma_wait3A_524 = arith.constant 0 : i32
      %dma_wait3A_525 = tpu.memref_slice %arg6[%dma_wait3A_523, %dma_wait3A_524] : memref<4x128xi32, #tpu.memory_space<vmem>> -> memref<1x128xi32, #tpu.memory_space<vmem>>
      %dma_wait3A_526 = tpu.memref_squeeze %dma_wait3A_525 : memref<1x128xi32, #tpu.memory_space<vmem>> -> memref<128xi32, #tpu.memory_space<vmem>>
      %dma_wait3A_527 = tpu.memref_slice %arg3[%add3A_522] : memref<327680xi32, #tpu.memory_space<hbm>> -> memref<128xi32, #tpu.memory_space<hbm>>
      %dma_wait3A_528 = arith.constant 0 : i32
      %dma_wait3A_529 = tpu.memref_slice %arg6[%dma_wait3A_523, %dma_wait3A_528] : memref<4x128xi32, #tpu.memory_space<vmem>> -> memref<1x128xi32, #tpu.memory_space<vmem>>
      %dma_wait3A_530 = tpu.memref_squeeze %dma_wait3A_529 : memref<1x128xi32, #tpu.memory_space<vmem>> -> memref<128xi32, #tpu.memory_space<vmem>>
      %dma_wait3A_531 = tpu.memref_slice %arg3[%add3A_522] : memref<327680xi32, #tpu.memory_space<hbm>> -> memref<128xi32, #tpu.memory_space<hbm>>
      tpu.wait_dma2 semaphore(%arg16 : memref<!tpu.dma_semaphore, #tpu.memory_space<semaphore_mem>>) src(%dma_wait3A_531 : memref<128xi32, #tpu.memory_space<hbm>>) dst(%dma_wait3A_530 : memref<128xi32, #tpu.memory_space<vmem>>)
      %dma_wait3A_532 = arith.constant 0 : i32
      %dma_wait3A_533 = arith.constant 0 : i32
      %dma_wait3A_534 = tpu.memref_slice %arg7[%dma_wait3A_532, %dma_wait3A_533] : memref<4x128xi32, #tpu.memory_space<vmem>> -> memref<1x128xi32, #tpu.memory_space<vmem>>
      %dma_wait3A_535 = tpu.memref_squeeze %dma_wait3A_534 : memref<1x128xi32, #tpu.memory_space<vmem>> -> memref<128xi32, #tpu.memory_space<vmem>>
      %dma_wait3A_536 = tpu.memref_slice %arg4[%add3A_522] : memref<327680xi32, #tpu.memory_space<hbm>> -> memref<128xi32, #tpu.memory_space<hbm>>
      %dma_wait3A_537 = arith.constant 0 : i32
      %dma_wait3A_538 = tpu.memref_slice %arg7[%dma_wait3A_532, %dma_wait3A_537] : memref<4x128xi32, #tpu.memory_space<vmem>> -> memref<1x128xi32, #tpu.memory_space<vmem>>
      %dma_wait3A_539 = tpu.memref_squeeze %dma_wait3A_538 : memref<1x128xi32, #tpu.memory_space<vmem>> -> memref<128xi32, #tpu.memory_space<vmem>>
      %dma_wait3A_540 = tpu.memref_slice %arg4[%add3A_522] : memref<327680xi32, #tpu.memory_space<hbm>> -> memref<128xi32, #tpu.memory_space<hbm>>
      tpu.wait_dma2 semaphore(%arg16 : memref<!tpu.dma_semaphore, #tpu.memory_space<semaphore_mem>>) src(%dma_wait3A_540 : memref<128xi32, #tpu.memory_space<hbm>>) dst(%dma_wait3A_539 : memref<128xi32, #tpu.memory_space<vmem>>)
      %dma_start3A_541 = arith.constant 0 : i32
      %dma_start3A_542 = arith.constant 0 : i32
      %dma_start3A_543 = tpu.memref_slice %arg6[%dma_start3A_541, %dma_start3A_542] : memref<4x128xi32, #tpu.memory_space<vmem>> -> memref<1x128xi32, #tpu.memory_space<vmem>>
      %dma_start3A_544 = tpu.memref_squeeze %dma_start3A_543 : memref<1x128xi32, #tpu.memory_space<vmem>> -> memref<128xi32, #tpu.memory_space<vmem>>
      %dma_start3A_545 = arith.constant 0 : i32
      %dma_start3A_546 = arith.constant 0 : i32
      %dma_start3A_547 = tpu.memref_slice %arg2[%dma_start3A_545, %dma_start3A_546] : memref<10000x128xf32, #tpu.memory_space<hbm>> -> memref<10000x128xf32, #tpu.memory_space<hbm>>
      tpu.enqueue_indirect_dma source(%dma_start3A_547 : memref<10000x128xf32, #tpu.memory_space<hbm>>) target(%arg8 : memref<128x128xf32, #tpu.memory_space<vmem>>) offsets(%dma_start3A_544 : memref<128xi32, #tpu.memory_space<vmem>>) semaphore(%arg12 : memref<!tpu.dma_semaphore, #tpu.memory_space<semaphore_mem>>)
      %dma_wait3A_548 = arith.constant 3 : i32
      %dma_wait3A_549 = arith.constant 0 : i32
      %dma_wait3A_550 = tpu.memref_slice %arg7[%dma_wait3A_548, %dma_wait3A_549] : memref<4x128xi32, #tpu.memory_space<vmem>> -> memref<1x128xi32, #tpu.memory_space<vmem>>
      %dma_wait3A_551 = tpu.memref_squeeze %dma_wait3A_550 : memref<1x128xi32, #tpu.memory_space<vmem>> -> memref<128xi32, #tpu.memory_space<vmem>>
      %dma_wait3A_552 = arith.constant 0 : i32
      %dma_wait3A_553 = arith.constant 0 : i32
      %dma_wait3A_554 = tpu.memref_slice %arg11[%dma_wait3A_552, %dma_wait3A_553] : memref<10240x128xf32, #tpu.memory_space<vmem_shared>> -> memref<10240x128xf32, #tpu.memory_space<vmem_shared>>
      tpu.wait_indirect_dma semaphore(%arg15 : memref<!tpu.dma_semaphore, #tpu.memory_space<semaphore_mem>>) src(%arg9 : memref<128x128xf32, #tpu.memory_space<vmem>>) dst(%dma_wait3A_554 : memref<10240x128xf32, #tpu.memory_space<vmem_shared>>)
      %add3A_555 = arith.constant 4 : i32
      %add3A_556 = arith.addi %mul3A_299, %add3A_555 : i32
      %add3A_557 = arith.constant 3 : i32
      %add3A_558 = arith.addi %add3A_556, %add3A_557 : i32
      %mul3A_559 = arith.constant 128 : i32
      %mul3A_560 = arith.muli %add3A_558, %mul3A_559 : i32
      %add3A_561 = arith.addi %mul3A_4, %mul3A_560 : i32
      %dma_start3A_562 = arith.constant 3 : i32
      %dma_start3A_563 = arith.constant 0 : i32
      %dma_start3A_564 = tpu.memref_slice %arg6[%dma_start3A_562, %dma_start3A_563] : memref<4x128xi32, #tpu.memory_space<vmem>> -> memref<1x128xi32, #tpu.memory_space<vmem>>
      %dma_start3A_565 = tpu.memref_squeeze %dma_start3A_564 : memref<1x128xi32, #tpu.memory_space<vmem>> -> memref<128xi32, #tpu.memory_space<vmem>>
      %dma_start3A_566 = tpu.memref_slice %arg3[%add3A_561] : memref<327680xi32, #tpu.memory_space<hbm>> -> memref<128xi32, #tpu.memory_space<hbm>>
      %dma_start3A_567 = arith.constant 0 : i32
      %dma_start3A_568 = tpu.memref_slice %arg6[%dma_start3A_562, %dma_start3A_567] : memref<4x128xi32, #tpu.memory_space<vmem>> -> memref<1x128xi32, #tpu.memory_space<vmem>>
      %dma_start3A_569 = tpu.memref_squeeze %dma_start3A_568 : memref<1x128xi32, #tpu.memory_space<vmem>> -> memref<128xi32, #tpu.memory_space<vmem>>
      %dma_start3A_570 = tpu.memref_slice %arg3[%add3A_561] : memref<327680xi32, #tpu.memory_space<hbm>> -> memref<128xi32, #tpu.memory_space<hbm>>
      tpu.enqueue_dma source(%dma_start3A_570 : memref<128xi32, #tpu.memory_space<hbm>>) target(%dma_start3A_569 : memref<128xi32, #tpu.memory_space<vmem>>) target_semaphore(%arg19 : memref<!tpu.dma_semaphore, #tpu.memory_space<semaphore_mem>>)
      %dma_start3A_571 = arith.constant 3 : i32
      %dma_start3A_572 = arith.constant 0 : i32
      %dma_start3A_573 = tpu.memref_slice %arg7[%dma_start3A_571, %dma_start3A_572] : memref<4x128xi32, #tpu.memory_space<vmem>> -> memref<1x128xi32, #tpu.memory_space<vmem>>
      %dma_start3A_574 = tpu.memref_squeeze %dma_start3A_573 : memref<1x128xi32, #tpu.memory_space<vmem>> -> memref<128xi32, #tpu.memory_space<vmem>>
      %dma_start3A_575 = tpu.memref_slice %arg4[%add3A_561] : memref<327680xi32, #tpu.memory_space<hbm>> -> memref<128xi32, #tpu.memory_space<hbm>>
      %dma_start3A_576 = arith.constant 0 : i32
      %dma_start3A_577 = tpu.memref_slice %arg7[%dma_start3A_571, %dma_start3A_576] : memref<4x128xi32, #tpu.memory_space<vmem>> -> memref<1x128xi32, #tpu.memory_space<vmem>>
      %dma_start3A_578 = tpu.memref_squeeze %dma_start3A_577 : memref<1x128xi32, #tpu.memory_space<vmem>> -> memref<128xi32, #tpu.memory_space<vmem>>
      %dma_start3A_579 = tpu.memref_slice %arg4[%add3A_561] : memref<327680xi32, #tpu.memory_space<hbm>> -> memref<128xi32, #tpu.memory_space<hbm>>
      tpu.enqueue_dma source(%dma_start3A_579 : memref<128xi32, #tpu.memory_space<hbm>>) target(%dma_start3A_578 : memref<128xi32, #tpu.memory_space<vmem>>) target_semaphore(%arg19 : memref<!tpu.dma_semaphore, #tpu.memory_space<semaphore_mem>>)
      %add3A_580 = arith.constant 4 : i32
      %add3A_581 = arith.addi %mul3A_299, %add3A_580 : i32
      %add3A_582 = arith.constant 1 : i32
      %add3A_583 = arith.addi %add3A_581, %add3A_582 : i32
      %mul3A_584 = arith.constant 128 : i32
      %mul3A_585 = arith.muli %add3A_583, %mul3A_584 : i32
      %add3A_586 = arith.addi %mul3A_4, %mul3A_585 : i32
      %dma_wait3A_587 = arith.constant 1 : i32
      %dma_wait3A_588 = arith.constant 0 : i32
      %dma_wait3A_589 = tpu.memref_slice %arg6[%dma_wait3A_587, %dma_wait3A_588] : memref<4x128xi32, #tpu.memory_space<vmem>> -> memref<1x128xi32, #tpu.memory_space<vmem>>
      %dma_wait3A_590 = tpu.memref_squeeze %dma_wait3A_589 : memref<1x128xi32, #tpu.memory_space<vmem>> -> memref<128xi32, #tpu.memory_space<vmem>>
      %dma_wait3A_591 = tpu.memref_slice %arg3[%add3A_586] : memref<327680xi32, #tpu.memory_space<hbm>> -> memref<128xi32, #tpu.memory_space<hbm>>
      %dma_wait3A_592 = arith.constant 0 : i32
      %dma_wait3A_593 = tpu.memref_slice %arg6[%dma_wait3A_587, %dma_wait3A_592] : memref<4x128xi32, #tpu.memory_space<vmem>> -> memref<1x128xi32, #tpu.memory_space<vmem>>
      %dma_wait3A_594 = tpu.memref_squeeze %dma_wait3A_593 : memref<1x128xi32, #tpu.memory_space<vmem>> -> memref<128xi32, #tpu.memory_space<vmem>>
      %dma_wait3A_595 = tpu.memref_slice %arg3[%add3A_586] : memref<327680xi32, #tpu.memory_space<hbm>> -> memref<128xi32, #tpu.memory_space<hbm>>
      tpu.wait_dma2 semaphore(%arg17 : memref<!tpu.dma_semaphore, #tpu.memory_space<semaphore_mem>>) src(%dma_wait3A_595 : memref<128xi32, #tpu.memory_space<hbm>>) dst(%dma_wait3A_594 : memref<128xi32, #tpu.memory_space<vmem>>)
      %dma_wait3A_596 = arith.constant 1 : i32
      %dma_wait3A_597 = arith.constant 0 : i32
      %dma_wait3A_598 = tpu.memref_slice %arg7[%dma_wait3A_596, %dma_wait3A_597] : memref<4x128xi32, #tpu.memory_space<vmem>> -> memref<1x128xi32, #tpu.memory_space<vmem>>
      %dma_wait3A_599 = tpu.memref_squeeze %dma_wait3A_598 : memref<1x128xi32, #tpu.memory_space<vmem>> -> memref<128xi32, #tpu.memory_space<vmem>>
      %dma_wait3A_600 = tpu.memref_slice %arg4[%add3A_586] : memref<327680xi32, #tpu.memory_space<hbm>> -> memref<128xi32, #tpu.memory_space<hbm>>
      %dma_wait3A_601 = arith.constant 0 : i32
      %dma_wait3A_602 = tpu.memref_slice %arg7[%dma_wait3A_596, %dma_wait3A_601] : memref<4x128xi32, #tpu.memory_space<vmem>> -> memref<1x128xi32, #tpu.memory_space<vmem>>
      %dma_wait3A_603 = tpu.memref_squeeze %dma_wait3A_602 : memref<1x128xi32, #tpu.memory_space<vmem>> -> memref<128xi32, #tpu.memory_space<vmem>>
      %dma_wait3A_604 = tpu.memref_slice %arg4[%add3A_586] : memref<327680xi32, #tpu.memory_space<hbm>> -> memref<128xi32, #tpu.memory_space<hbm>>
      tpu.wait_dma2 semaphore(%arg17 : memref<!tpu.dma_semaphore, #tpu.memory_space<semaphore_mem>>) src(%dma_wait3A_604 : memref<128xi32, #tpu.memory_space<hbm>>) dst(%dma_wait3A_603 : memref<128xi32, #tpu.memory_space<vmem>>)
      %dma_start3A_605 = arith.constant 1 : i32
      %dma_start3A_606 = arith.constant 0 : i32
      %dma_start3A_607 = tpu.memref_slice %arg6[%dma_start3A_605, %dma_start3A_606] : memref<4x128xi32, #tpu.memory_space<vmem>> -> memref<1x128xi32, #tpu.memory_space<vmem>>
      %dma_start3A_608 = tpu.memref_squeeze %dma_start3A_607 : memref<1x128xi32, #tpu.memory_space<vmem>> -> memref<128xi32, #tpu.memory_space<vmem>>
      %dma_start3A_609 = arith.constant 0 : i32
      %dma_start3A_610 = arith.constant 0 : i32
      %dma_start3A_611 = tpu.memref_slice %arg2[%dma_start3A_609, %dma_start3A_610] : memref<10000x128xf32, #tpu.memory_space<hbm>> -> memref<10000x128xf32, #tpu.memory_space<hbm>>
      tpu.enqueue_indirect_dma source(%dma_start3A_611 : memref<10000x128xf32, #tpu.memory_space<hbm>>) target(%arg9 : memref<128x128xf32, #tpu.memory_space<vmem>>) offsets(%dma_start3A_608 : memref<128xi32, #tpu.memory_space<vmem>>) semaphore(%arg13 : memref<!tpu.dma_semaphore, #tpu.memory_space<semaphore_mem>>)
    }
    %scan3A_153 = arith.constant 19 : i32
    %dma_wait3A_154 = arith.constant 0 : i32
    %dma_wait3A_155 = arith.constant 0 : i32
    %dma_wait3A_156 = tpu.memref_slice %arg6[%dma_wait3A_154, %dma_wait3A_155] : memref<4x128xi32, #tpu.memory_space<vmem>> -> memref<1x128xi32, #tpu.memory_space<vmem>>
    %dma_wait3A_157 = tpu.memref_squeeze %dma_wait3A_156 : memref<1x128xi32, #tpu.memory_space<vmem>> -> memref<128xi32, #tpu.memory_space<vmem>>
    %dma_wait3A_158 = arith.constant 0 : i32
    %dma_wait3A_159 = arith.constant 0 : i32
    %dma_wait3A_160 = tpu.memref_slice %arg2[%dma_wait3A_158, %dma_wait3A_159] : memref<10000x128xf32, #tpu.memory_space<hbm>> -> memref<10000x128xf32, #tpu.memory_space<hbm>>
    tpu.wait_indirect_dma semaphore(%arg12 : memref<!tpu.dma_semaphore, #tpu.memory_space<semaphore_mem>>) src(%dma_wait3A_160 : memref<10000x128xf32, #tpu.memory_space<hbm>>) dst(%arg8 : memref<128x128xf32, #tpu.memory_space<vmem>>)
    %dma_start3A_161 = arith.constant 0 : i32
    %dma_start3A_162 = arith.constant 0 : i32
    %dma_start3A_163 = tpu.memref_slice %arg7[%dma_start3A_161, %dma_start3A_162] : memref<4x128xi32, #tpu.memory_space<vmem>> -> memref<1x128xi32, #tpu.memory_space<vmem>>
    %dma_start3A_164 = tpu.memref_squeeze %dma_start3A_163 : memref<1x128xi32, #tpu.memory_space<vmem>> -> memref<128xi32, #tpu.memory_space<vmem>>
    %dma_start3A_165 = arith.constant 0 : i32
    %dma_start3A_166 = arith.constant 0 : i32
    %dma_start3A_167 = tpu.memref_slice %arg11[%dma_start3A_165, %dma_start3A_166] : memref<10240x128xf32, #tpu.memory_space<vmem_shared>> -> memref<10240x128xf32, #tpu.memory_space<vmem_shared>>
    tpu.enqueue_indirect_dma source(%arg8 : memref<128x128xf32, #tpu.memory_space<vmem>>) target(%dma_start3A_167 : memref<10240x128xf32, #tpu.memory_space<vmem_shared>>) offsets(%dma_start3A_164 : memref<128xi32, #tpu.memory_space<vmem>>) semaphore(%arg14 : memref<!tpu.dma_semaphore, #tpu.memory_space<semaphore_mem>>) {add = true}
    %dma_wait3A_168 = arith.constant 1 : i32
    %dma_wait3A_169 = arith.constant 0 : i32
    %dma_wait3A_170 = tpu.memref_slice %arg6[%dma_wait3A_168, %dma_wait3A_169] : memref<4x128xi32, #tpu.memory_space<vmem>> -> memref<1x128xi32, #tpu.memory_space<vmem>>
    %dma_wait3A_171 = tpu.memref_squeeze %dma_wait3A_170 : memref<1x128xi32, #tpu.memory_space<vmem>> -> memref<128xi32, #tpu.memory_space<vmem>>
    %dma_wait3A_172 = arith.constant 0 : i32
    %dma_wait3A_173 = arith.constant 0 : i32
    %dma_wait3A_174 = tpu.memref_slice %arg2[%dma_wait3A_172, %dma_wait3A_173] : memref<10000x128xf32, #tpu.memory_space<hbm>> -> memref<10000x128xf32, #tpu.memory_space<hbm>>
    tpu.wait_indirect_dma semaphore(%arg13 : memref<!tpu.dma_semaphore, #tpu.memory_space<semaphore_mem>>) src(%dma_wait3A_174 : memref<10000x128xf32, #tpu.memory_space<hbm>>) dst(%arg9 : memref<128x128xf32, #tpu.memory_space<vmem>>)
    %dma_start3A_175 = arith.constant 1 : i32
    %dma_start3A_176 = arith.constant 0 : i32
    %dma_start3A_177 = tpu.memref_slice %arg7[%dma_start3A_175, %dma_start3A_176] : memref<4x128xi32, #tpu.memory_space<vmem>> -> memref<1x128xi32, #tpu.memory_space<vmem>>
    %dma_start3A_178 = tpu.memref_squeeze %dma_start3A_177 : memref<1x128xi32, #tpu.memory_space<vmem>> -> memref<128xi32, #tpu.memory_space<vmem>>
    %dma_start3A_179 = arith.constant 0 : i32
    %dma_start3A_180 = arith.constant 0 : i32
    %dma_start3A_181 = tpu.memref_slice %arg11[%dma_start3A_179, %dma_start3A_180] : memref<10240x128xf32, #tpu.memory_space<vmem_shared>> -> memref<10240x128xf32, #tpu.memory_space<vmem_shared>>
    tpu.enqueue_indirect_dma source(%arg9 : memref<128x128xf32, #tpu.memory_space<vmem>>) target(%dma_start3A_181 : memref<10240x128xf32, #tpu.memory_space<vmem_shared>>) offsets(%dma_start3A_178 : memref<128xi32, #tpu.memory_space<vmem>>) semaphore(%arg15 : memref<!tpu.dma_semaphore, #tpu.memory_space<semaphore_mem>>) {add = true}
    %dma_wait3A_182 = arith.constant 0 : i32
    %dma_wait3A_183 = arith.constant 0 : i32
    %dma_wait3A_184 = tpu.memref_slice %arg7[%dma_wait3A_182, %dma_wait3A_183] : memref<4x128xi32, #tpu.memory_space<vmem>> -> memref<1x128xi32, #tpu.memory_space<vmem>>
    %dma_wait3A_185 = tpu.memref_squeeze %dma_wait3A_184 : memref<1x128xi32, #tpu.memory_space<vmem>> -> memref<128xi32, #tpu.memory_space<vmem>>
    %dma_wait3A_186 = arith.constant 0 : i32
    %dma_wait3A_187 = arith.constant 0 : i32
    %dma_wait3A_188 = tpu.memref_slice %arg11[%dma_wait3A_186, %dma_wait3A_187] : memref<10240x128xf32, #tpu.memory_space<vmem_shared>> -> memref<10240x128xf32, #tpu.memory_space<vmem_shared>>
    tpu.wait_indirect_dma semaphore(%arg14 : memref<!tpu.dma_semaphore, #tpu.memory_space<semaphore_mem>>) src(%arg8 : memref<128x128xf32, #tpu.memory_space<vmem>>) dst(%dma_wait3A_188 : memref<10240x128xf32, #tpu.memory_space<vmem_shared>>)
    %add3A_189 = arith.constant 9984 : i32
    %add3A_190 = arith.addi %mul3A_4, %add3A_189 : i32
    %dma_wait3A_191 = arith.constant 2 : i32
    %dma_wait3A_192 = arith.constant 0 : i32
    %dma_wait3A_193 = tpu.memref_slice %arg6[%dma_wait3A_191, %dma_wait3A_192] : memref<4x128xi32, #tpu.memory_space<vmem>> -> memref<1x128xi32, #tpu.memory_space<vmem>>
    %dma_wait3A_194 = tpu.memref_squeeze %dma_wait3A_193 : memref<1x128xi32, #tpu.memory_space<vmem>> -> memref<128xi32, #tpu.memory_space<vmem>>
    %dma_wait3A_195 = tpu.memref_slice %arg3[%add3A_190] : memref<327680xi32, #tpu.memory_space<hbm>> -> memref<128xi32, #tpu.memory_space<hbm>>
    %dma_wait3A_196 = arith.constant 0 : i32
    %dma_wait3A_197 = tpu.memref_slice %arg6[%dma_wait3A_191, %dma_wait3A_196] : memref<4x128xi32, #tpu.memory_space<vmem>> -> memref<1x128xi32, #tpu.memory_space<vmem>>
    %dma_wait3A_198 = tpu.memref_squeeze %dma_wait3A_197 : memref<1x128xi32, #tpu.memory_space<vmem>> -> memref<128xi32, #tpu.memory_space<vmem>>
    %dma_wait3A_199 = tpu.memref_slice %arg3[%add3A_190] : memref<327680xi32, #tpu.memory_space<hbm>> -> memref<128xi32, #tpu.memory_space<hbm>>
    tpu.wait_dma2 semaphore(%arg18 : memref<!tpu.dma_semaphore, #tpu.memory_space<semaphore_mem>>) src(%dma_wait3A_199 : memref<128xi32, #tpu.memory_space<hbm>>) dst(%dma_wait3A_198 : memref<128xi32, #tpu.memory_space<vmem>>)
    %dma_wait3A_200 = arith.constant 2 : i32
    %dma_wait3A_201 = arith.constant 0 : i32
    %dma_wait3A_202 = tpu.memref_slice %arg7[%dma_wait3A_200, %dma_wait3A_201] : memref<4x128xi32, #tpu.memory_space<vmem>> -> memref<1x128xi32, #tpu.memory_space<vmem>>
    %dma_wait3A_203 = tpu.memref_squeeze %dma_wait3A_202 : memref<1x128xi32, #tpu.memory_space<vmem>> -> memref<128xi32, #tpu.memory_space<vmem>>
    %dma_wait3A_204 = tpu.memref_slice %arg4[%add3A_190] : memref<327680xi32, #tpu.memory_space<hbm>> -> memref<128xi32, #tpu.memory_space<hbm>>
    %dma_wait3A_205 = arith.constant 0 : i32
    %dma_wait3A_206 = tpu.memref_slice %arg7[%dma_wait3A_200, %dma_wait3A_205] : memref<4x128xi32, #tpu.memory_space<vmem>> -> memref<1x128xi32, #tpu.memory_space<vmem>>
    %dma_wait3A_207 = tpu.memref_squeeze %dma_wait3A_206 : memref<1x128xi32, #tpu.memory_space<vmem>> -> memref<128xi32, #tpu.memory_space<vmem>>
    %dma_wait3A_208 = tpu.memref_slice %arg4[%add3A_190] : memref<327680xi32, #tpu.memory_space<hbm>> -> memref<128xi32, #tpu.memory_space<hbm>>
    tpu.wait_dma2 semaphore(%arg18 : memref<!tpu.dma_semaphore, #tpu.memory_space<semaphore_mem>>) src(%dma_wait3A_208 : memref<128xi32, #tpu.memory_space<hbm>>) dst(%dma_wait3A_207 : memref<128xi32, #tpu.memory_space<vmem>>)
    %dma_start3A_209 = arith.constant 2 : i32
    %dma_start3A_210 = arith.constant 0 : i32
    %dma_start3A_211 = tpu.memref_slice %arg6[%dma_start3A_209, %dma_start3A_210] : memref<4x128xi32, #tpu.memory_space<vmem>> -> memref<1x128xi32, #tpu.memory_space<vmem>>
    %dma_start3A_212 = tpu.memref_squeeze %dma_start3A_211 : memref<1x128xi32, #tpu.memory_space<vmem>> -> memref<128xi32, #tpu.memory_space<vmem>>
    %dma_start3A_213 = arith.constant 0 : i32
    %dma_start3A_214 = arith.constant 0 : i32
    %dma_start3A_215 = tpu.memref_slice %arg2[%dma_start3A_213, %dma_start3A_214] : memref<10000x128xf32, #tpu.memory_space<hbm>> -> memref<10000x128xf32, #tpu.memory_space<hbm>>
    tpu.enqueue_indirect_dma source(%dma_start3A_215 : memref<10000x128xf32, #tpu.memory_space<hbm>>) target(%arg8 : memref<128x128xf32, #tpu.memory_space<vmem>>) offsets(%dma_start3A_212 : memref<128xi32, #tpu.memory_space<vmem>>) semaphore(%arg12 : memref<!tpu.dma_semaphore, #tpu.memory_space<semaphore_mem>>)
    %dma_wait3A_216 = arith.constant 1 : i32
    %dma_wait3A_217 = arith.constant 0 : i32
    %dma_wait3A_218 = tpu.memref_slice %arg7[%dma_wait3A_216, %dma_wait3A_217] : memref<4x128xi32, #tpu.memory_space<vmem>> -> memref<1x128xi32, #tpu.memory_space<vmem>>
    %dma_wait3A_219 = tpu.memref_squeeze %dma_wait3A_218 : memref<1x128xi32, #tpu.memory_space<vmem>> -> memref<128xi32, #tpu.memory_space<vmem>>
    %dma_wait3A_220 = arith.constant 0 : i32
    %dma_wait3A_221 = arith.constant 0 : i32
    %dma_wait3A_222 = tpu.memref_slice %arg11[%dma_wait3A_220, %dma_wait3A_221] : memref<10240x128xf32, #tpu.memory_space<vmem_shared>> -> memref<10240x128xf32, #tpu.memory_space<vmem_shared>>
    tpu.wait_indirect_dma semaphore(%arg15 : memref<!tpu.dma_semaphore, #tpu.memory_space<semaphore_mem>>) src(%arg9 : memref<128x128xf32, #tpu.memory_space<vmem>>) dst(%dma_wait3A_222 : memref<10240x128xf32, #tpu.memory_space<vmem_shared>>)
    %add3A_223 = arith.constant 10112 : i32
    %add3A_224 = arith.addi %mul3A_4, %add3A_223 : i32
    %dma_wait3A_225 = arith.constant 3 : i32
    %dma_wait3A_226 = arith.constant 0 : i32
    %dma_wait3A_227 = tpu.memref_slice %arg6[%dma_wait3A_225, %dma_wait3A_226] : memref<4x128xi32, #tpu.memory_space<vmem>> -> memref<1x128xi32, #tpu.memory_space<vmem>>
    %dma_wait3A_228 = tpu.memref_squeeze %dma_wait3A_227 : memref<1x128xi32, #tpu.memory_space<vmem>> -> memref<128xi32, #tpu.memory_space<vmem>>
    %dma_wait3A_229 = tpu.memref_slice %arg3[%add3A_224] : memref<327680xi32, #tpu.memory_space<hbm>> -> memref<128xi32, #tpu.memory_space<hbm>>
    %dma_wait3A_230 = arith.constant 0 : i32
    %dma_wait3A_231 = tpu.memref_slice %arg6[%dma_wait3A_225, %dma_wait3A_230] : memref<4x128xi32, #tpu.memory_space<vmem>> -> memref<1x128xi32, #tpu.memory_space<vmem>>
    %dma_wait3A_232 = tpu.memref_squeeze %dma_wait3A_231 : memref<1x128xi32, #tpu.memory_space<vmem>> -> memref<128xi32, #tpu.memory_space<vmem>>
    %dma_wait3A_233 = tpu.memref_slice %arg3[%add3A_224] : memref<327680xi32, #tpu.memory_space<hbm>> -> memref<128xi32, #tpu.memory_space<hbm>>
    tpu.wait_dma2 semaphore(%arg19 : memref<!tpu.dma_semaphore, #tpu.memory_space<semaphore_mem>>) src(%dma_wait3A_233 : memref<128xi32, #tpu.memory_space<hbm>>) dst(%dma_wait3A_232 : memref<128xi32, #tpu.memory_space<vmem>>)
    %dma_wait3A_234 = arith.constant 3 : i32
    %dma_wait3A_235 = arith.constant 0 : i32
    %dma_wait3A_236 = tpu.memref_slice %arg7[%dma_wait3A_234, %dma_wait3A_235] : memref<4x128xi32, #tpu.memory_space<vmem>> -> memref<1x128xi32, #tpu.memory_space<vmem>>
    %dma_wait3A_237 = tpu.memref_squeeze %dma_wait3A_236 : memref<1x128xi32, #tpu.memory_space<vmem>> -> memref<128xi32, #tpu.memory_space<vmem>>
    %dma_wait3A_238 = tpu.memref_slice %arg4[%add3A_224] : memref<327680xi32, #tpu.memory_space<hbm>> -> memref<128xi32, #tpu.memory_space<hbm>>
    %dma_wait3A_239 = arith.constant 0 : i32
    %dma_wait3A_240 = tpu.memref_slice %arg7[%dma_wait3A_234, %dma_wait3A_239] : memref<4x128xi32, #tpu.memory_space<vmem>> -> memref<1x128xi32, #tpu.memory_space<vmem>>
    %dma_wait3A_241 = tpu.memref_squeeze %dma_wait3A_240 : memref<1x128xi32, #tpu.memory_space<vmem>> -> memref<128xi32, #tpu.memory_space<vmem>>
    %dma_wait3A_242 = tpu.memref_slice %arg4[%add3A_224] : memref<327680xi32, #tpu.memory_space<hbm>> -> memref<128xi32, #tpu.memory_space<hbm>>
    tpu.wait_dma2 semaphore(%arg19 : memref<!tpu.dma_semaphore, #tpu.memory_space<semaphore_mem>>) src(%dma_wait3A_242 : memref<128xi32, #tpu.memory_space<hbm>>) dst(%dma_wait3A_241 : memref<128xi32, #tpu.memory_space<vmem>>)
    %dma_start3A_243 = arith.constant 3 : i32
    %dma_start3A_244 = arith.constant 0 : i32
    %dma_start3A_245 = tpu.memref_slice %arg6[%dma_start3A_243, %dma_start3A_244] : memref<4x128xi32, #tpu.memory_space<vmem>> -> memref<1x128xi32, #tpu.memory_space<vmem>>
    %dma_start3A_246 = tpu.memref_squeeze %dma_start3A_245 : memref<1x128xi32, #tpu.memory_space<vmem>> -> memref<128xi32, #tpu.memory_space<vmem>>
    %dma_start3A_247 = arith.constant 0 : i32
    %dma_start3A_248 = arith.constant 0 : i32
    %dma_start3A_249 = tpu.memref_slice %arg2[%dma_start3A_247, %dma_start3A_248] : memref<10000x128xf32, #tpu.memory_space<hbm>> -> memref<10000x128xf32, #tpu.memory_space<hbm>>
    tpu.enqueue_indirect_dma source(%dma_start3A_249 : memref<10000x128xf32, #tpu.memory_space<hbm>>) target(%arg9 : memref<128x128xf32, #tpu.memory_space<vmem>>) offsets(%dma_start3A_246 : memref<128xi32, #tpu.memory_space<vmem>>) semaphore(%arg13 : memref<!tpu.dma_semaphore, #tpu.memory_space<semaphore_mem>>)
    %dma_wait3A_250 = arith.constant 2 : i32
    %dma_wait3A_251 = arith.constant 0 : i32
    %dma_wait3A_252 = tpu.memref_slice %arg6[%dma_wait3A_250, %dma_wait3A_251] : memref<4x128xi32, #tpu.memory_space<vmem>> -> memref<1x128xi32, #tpu.memory_space<vmem>>
    %dma_wait3A_253 = tpu.memref_squeeze %dma_wait3A_252 : memref<1x128xi32, #tpu.memory_space<vmem>> -> memref<128xi32, #tpu.memory_space<vmem>>
    %dma_wait3A_254 = arith.constant 0 : i32
    %dma_wait3A_255 = arith.constant 0 : i32
    %dma_wait3A_256 = tpu.memref_slice %arg2[%dma_wait3A_254, %dma_wait3A_255] : memref<10000x128xf32, #tpu.memory_space<hbm>> -> memref<10000x128xf32, #tpu.memory_space<hbm>>
    tpu.wait_indirect_dma semaphore(%arg12 : memref<!tpu.dma_semaphore, #tpu.memory_space<semaphore_mem>>) src(%dma_wait3A_256 : memref<10000x128xf32, #tpu.memory_space<hbm>>) dst(%arg8 : memref<128x128xf32, #tpu.memory_space<vmem>>)
    %dma_start3A_257 = arith.constant 2 : i32
    %dma_start3A_258 = arith.constant 0 : i32
    %dma_start3A_259 = tpu.memref_slice %arg7[%dma_start3A_257, %dma_start3A_258] : memref<4x128xi32, #tpu.memory_space<vmem>> -> memref<1x128xi32, #tpu.memory_space<vmem>>
    %dma_start3A_260 = tpu.memref_squeeze %dma_start3A_259 : memref<1x128xi32, #tpu.memory_space<vmem>> -> memref<128xi32, #tpu.memory_space<vmem>>
    %dma_start3A_261 = arith.constant 0 : i32
    %dma_start3A_262 = arith.constant 0 : i32
    %dma_start3A_263 = tpu.memref_slice %arg11[%dma_start3A_261, %dma_start3A_262] : memref<10240x128xf32, #tpu.memory_space<vmem_shared>> -> memref<10240x128xf32, #tpu.memory_space<vmem_shared>>
    tpu.enqueue_indirect_dma source(%arg8 : memref<128x128xf32, #tpu.memory_space<vmem>>) target(%dma_start3A_263 : memref<10240x128xf32, #tpu.memory_space<vmem_shared>>) offsets(%dma_start3A_260 : memref<128xi32, #tpu.memory_space<vmem>>) semaphore(%arg14 : memref<!tpu.dma_semaphore, #tpu.memory_space<semaphore_mem>>) {add = true}
    %dma_wait3A_264 = arith.constant 3 : i32
    %dma_wait3A_265 = arith.constant 0 : i32
    %dma_wait3A_266 = tpu.memref_slice %arg6[%dma_wait3A_264, %dma_wait3A_265] : memref<4x128xi32, #tpu.memory_space<vmem>> -> memref<1x128xi32, #tpu.memory_space<vmem>>
    %dma_wait3A_267 = tpu.memref_squeeze %dma_wait3A_266 : memref<1x128xi32, #tpu.memory_space<vmem>> -> memref<128xi32, #tpu.memory_space<vmem>>
    %dma_wait3A_268 = arith.constant 0 : i32
    %dma_wait3A_269 = arith.constant 0 : i32
    %dma_wait3A_270 = tpu.memref_slice %arg2[%dma_wait3A_268, %dma_wait3A_269] : memref<10000x128xf32, #tpu.memory_space<hbm>> -> memref<10000x128xf32, #tpu.memory_space<hbm>>
    tpu.wait_indirect_dma semaphore(%arg13 : memref<!tpu.dma_semaphore, #tpu.memory_space<semaphore_mem>>) src(%dma_wait3A_270 : memref<10000x128xf32, #tpu.memory_space<hbm>>) dst(%arg9 : memref<128x128xf32, #tpu.memory_space<vmem>>)
    %dma_start3A_271 = arith.constant 3 : i32
    %dma_start3A_272 = arith.constant 0 : i32
    %dma_start3A_273 = tpu.memref_slice %arg7[%dma_start3A_271, %dma_start3A_272] : memref<4x128xi32, #tpu.memory_space<vmem>> -> memref<1x128xi32, #tpu.memory_space<vmem>>
    %dma_start3A_274 = tpu.memref_squeeze %dma_start3A_273 : memref<1x128xi32, #tpu.memory_space<vmem>> -> memref<128xi32, #tpu.memory_space<vmem>>
    %dma_start3A_275 = arith.constant 0 : i32
    %dma_start3A_276 = arith.constant 0 : i32
    %dma_start3A_277 = tpu.memref_slice %arg11[%dma_start3A_275, %dma_start3A_276] : memref<10240x128xf32, #tpu.memory_space<vmem_shared>> -> memref<10240x128xf32, #tpu.memory_space<vmem_shared>>
    tpu.enqueue_indirect_dma source(%arg9 : memref<128x128xf32, #tpu.memory_space<vmem>>) target(%dma_start3A_277 : memref<10240x128xf32, #tpu.memory_space<vmem_shared>>) offsets(%dma_start3A_274 : memref<128xi32, #tpu.memory_space<vmem>>) semaphore(%arg15 : memref<!tpu.dma_semaphore, #tpu.memory_space<semaphore_mem>>) {add = true}
    %dma_wait3A_278 = arith.constant 2 : i32
    %dma_wait3A_279 = arith.constant 0 : i32
    %dma_wait3A_280 = tpu.memref_slice %arg7[%dma_wait3A_278, %dma_wait3A_279] : memref<4x128xi32, #tpu.memory_space<vmem>> -> memref<1x128xi32, #tpu.memory_space<vmem>>
    %dma_wait3A_281 = tpu.memref_squeeze %dma_wait3A_280 : memref<1x128xi32, #tpu.memory_space<vmem>> -> memref<128xi32, #tpu.memory_space<vmem>>
    %dma_wait3A_282 = arith.constant 0 : i32
    %dma_wait3A_283 = arith.constant 0 : i32
    %dma_wait3A_284 = tpu.memref_slice %arg11[%dma_wait3A_282, %dma_wait3A_283] : memref<10240x128xf32, #tpu.memory_space<vmem_shared>> -> memref<10240x128xf32, #tpu.memory_space<vmem_shared>>
    tpu.wait_indirect_dma semaphore(%arg14 : memref<!tpu.dma_semaphore, #tpu.memory_space<semaphore_mem>>) src(%arg8 : memref<128x128xf32, #tpu.memory_space<vmem>>) dst(%dma_wait3A_284 : memref<10240x128xf32, #tpu.memory_space<vmem_shared>>)
    %dma_wait3A_285 = arith.constant 3 : i32
    %dma_wait3A_286 = arith.constant 0 : i32
    %dma_wait3A_287 = tpu.memref_slice %arg7[%dma_wait3A_285, %dma_wait3A_286] : memref<4x128xi32, #tpu.memory_space<vmem>> -> memref<1x128xi32, #tpu.memory_space<vmem>>
    %dma_wait3A_288 = tpu.memref_squeeze %dma_wait3A_287 : memref<1x128xi32, #tpu.memory_space<vmem>> -> memref<128xi32, #tpu.memory_space<vmem>>
    %dma_wait3A_289 = arith.constant 0 : i32
    %dma_wait3A_290 = arith.constant 0 : i32
    %dma_wait3A_291 = tpu.memref_slice %arg11[%dma_wait3A_289, %dma_wait3A_290] : memref<10240x128xf32, #tpu.memory_space<vmem_shared>> -> memref<10240x128xf32, #tpu.memory_space<vmem_shared>>
    tpu.wait_indirect_dma semaphore(%arg15 : memref<!tpu.dma_semaphore, #tpu.memory_space<semaphore_mem>>) src(%arg9 : memref<128x128xf32, #tpu.memory_space<vmem>>) dst(%dma_wait3A_291 : memref<10240x128xf32, #tpu.memory_space<vmem_shared>>)
    %barrier3A_292 = arith.constant 0 : index
    tpu.barrier barrier_id(%barrier3A_292)
    %mul3A_293 = arith.constant 640 : i32
    %mul3A_294 = arith.muli %arg1, %mul3A_293 : i32
    %mul3A_295 = arith.constant 640 : i32
    %mul3A_296 = arith.muli %arg1, %mul3A_295 : i32
    "tpu.region"() ({
      %run_scoped3A = tpu.sem_alloc : memref<!tpu.dma_semaphore, #tpu.memory_space<semaphore_mem>>
      %dma_start3A_297 = arith.constant 0 : i32
      %dma_start3A_298 = tpu.memref_slice %arg5[%arg0, %mul3A_296, %dma_start3A_297] : memref<2x10240x128xf32, #tpu.memory_space<hbm>> -> memref<1x640x128xf32, #tpu.memory_space<hbm>>
      %dma_start3A_299 = tpu.memref_squeeze %dma_start3A_298 : memref<1x640x128xf32, #tpu.memory_space<hbm>> -> memref<640x128xf32, #tpu.memory_space<hbm>>
      %dma_start3A_300 = arith.constant 0 : i32
      %dma_start3A_301 = tpu.memref_slice %arg11[%mul3A_294, %dma_start3A_300] : memref<10240x128xf32, #tpu.memory_space<vmem_shared>> -> memref<640x128xf32, #tpu.memory_space<vmem_shared>>
      tpu.enqueue_dma source(%dma_start3A_301 : memref<640x128xf32, #tpu.memory_space<vmem_shared>>) target(%dma_start3A_299 : memref<640x128xf32, #tpu.memory_space<hbm>>) target_semaphore(%run_scoped3A : memref<!tpu.dma_semaphore, #tpu.memory_space<semaphore_mem>>)
      %dma_wait3A_302 = arith.constant 0 : i32
      %dma_wait3A_303 = tpu.memref_slice %arg5[%arg0, %mul3A_296, %dma_wait3A_302] : memref<2x10240x128xf32, #tpu.memory_space<hbm>> -> memref<1x640x128xf32, #tpu.memory_space<hbm>>
      %dma_wait3A_304 = tpu.memref_squeeze %dma_wait3A_303 : memref<1x640x128xf32, #tpu.memory_space<hbm>> -> memref<640x128xf32, #tpu.memory_space<hbm>>
      %dma_wait3A_305 = arith.constant 0 : i32
      %dma_wait3A_306 = tpu.memref_slice %arg11[%mul3A_294, %dma_wait3A_305] : memref<10240x128xf32, #tpu.memory_space<vmem_shared>> -> memref<640x128xf32, #tpu.memory_space<vmem_shared>>
      tpu.wait_dma2 semaphore(%run_scoped3A : memref<!tpu.dma_semaphore, #tpu.memory_space<semaphore_mem>>) src(%dma_wait3A_306 : memref<640x128xf32, #tpu.memory_space<vmem_shared>>) dst(%dma_wait3A_304 : memref<640x128xf32, #tpu.memory_space<hbm>>)
      tpu.yield
    }) : () -> ()
    return
  }
}

#map = affine_map<(d0, d1) -> (0)>
#map1 = affine_map<(d0, d1) -> (0, 0)>
module attributes {stable_mosaic.version = 14 : i64} {
  func.func @sc_degree(%arg0: i32, %arg1: i32, %arg2: memref<327680xi32, #tpu.memory_space<hbm>>, %arg3: memref<2x10240xf32, #tpu.memory_space<hbm>>, %arg4: memref<10240xi32, #tpu.memory_space<vmem>>, %arg5: memref<2x128xi32, #tpu.memory_space<vmem>>, %arg6: memref<128xf32, #tpu.memory_space<vmem>>, %arg7: memref<640xf32, #tpu.memory_space<vmem>>, %arg8: memref<10240xf32, #tpu.memory_space<vmem_shared>>, %arg9: memref<!tpu.dma_semaphore, #tpu.memory_space<semaphore_mem>>, %arg10: memref<!tpu.dma_semaphore, #tpu.memory_space<semaphore_mem>>) attributes {dimension_semantics = [#tpu.dimension_semantics<core_parallel>, #tpu.dimension_semantics<subcore_parallel>], iteration_bounds = array<i64: 2, 16>, scalar_prefetch = 0 : i64, scratch_operands = 7 : i64, tpu.core_type = #tpu.core_type<sc_vector_subcore>, window_params = [{transform_indices = #map}, {transform_indices = #map1}]} {
    %mul3A = arith.constant 16 : i32
    %mul3A_0 = arith.muli %arg0, %mul3A : i32
    %add3A = arith.addi %mul3A_0, %arg1 : i32
    %mul3A_1 = arith.constant 80 : i32
    %mul3A_2 = arith.muli %add3A, %mul3A_1 : i32
    %mul3A_3 = arith.constant 128 : i32
    %mul3A_4 = arith.muli %mul3A_2, %mul3A_3 : i32
    "tpu.region"() ({
      %run_scoped3A = tpu.sem_alloc : memref<!tpu.dma_semaphore, #tpu.memory_space<semaphore_mem>>
      %dma_start3A_234 = tpu.memref_slice %arg2[%mul3A_4] : memref<327680xi32, #tpu.memory_space<hbm>> -> memref<10240xi32, #tpu.memory_space<hbm>>
      %dma_start3A_235 = tpu.memref_slice %arg2[%mul3A_4] : memref<327680xi32, #tpu.memory_space<hbm>> -> memref<10240xi32, #tpu.memory_space<hbm>>
      tpu.enqueue_dma source(%dma_start3A_235 : memref<10240xi32, #tpu.memory_space<hbm>>) target(%arg4 : memref<10240xi32, #tpu.memory_space<vmem>>) target_semaphore(%run_scoped3A : memref<!tpu.dma_semaphore, #tpu.memory_space<semaphore_mem>>)
      %dma_wait3A_236 = tpu.memref_slice %arg2[%mul3A_4] : memref<327680xi32, #tpu.memory_space<hbm>> -> memref<10240xi32, #tpu.memory_space<hbm>>
      %dma_wait3A_237 = tpu.memref_slice %arg2[%mul3A_4] : memref<327680xi32, #tpu.memory_space<hbm>> -> memref<10240xi32, #tpu.memory_space<hbm>>
      tpu.wait_dma2 semaphore(%run_scoped3A : memref<!tpu.dma_semaphore, #tpu.memory_space<semaphore_mem>>) src(%dma_wait3A_237 : memref<10240xi32, #tpu.memory_space<hbm>>) dst(%arg4 : memref<10240xi32, #tpu.memory_space<vmem>>)
      tpu.yield
    }) : () -> ()
    %broadcast_in_dim3A = arith.constant 1.000000e+00 : f32
    %broadcast_in_dim3A_5 = vector.broadcast %broadcast_in_dim3A : f32 to vector<16xf32>
    %swap3A = arith.constant 0 : index
    %swap3A_6 = tpu.vector_load %arg6[%swap3A] {strides = array<i32>} : memref<128xf32, #tpu.memory_space<vmem>>, vector<16xf32>,
    %swap3A_7 = vector.shape_cast %swap3A_6 : vector<16xf32> to vector<16xf32>
    %swap3A_8 = vector.shape_cast %broadcast_in_dim3A_5 : vector<16xf32> to vector<16xf32>
    tpu.vector_store %arg6[%swap3A], %swap3A_8 {strides = array<i32>} : memref<128xf32, #tpu.memory_space<vmem>>, vector<16xf32>,
    %broadcast_in_dim3A_9 = arith.constant 1.000000e+00 : f32
    %broadcast_in_dim3A_10 = vector.broadcast %broadcast_in_dim3A_9 : f32 to vector<16xf32>
    %swap3A_11 = arith.constant 16 : index
    %swap3A_12 = tpu.vector_load %arg6[%swap3A_11] {strides = array<i32>} : memref<128xf32, #tpu.memory_space<vmem>>, vector<16xf32>,
    %swap3A_13 = vector.shape_cast %swap3A_12 : vector<16xf32> to vector<16xf32>
    %swap3A_14 = vector.shape_cast %broadcast_in_dim3A_10 : vector<16xf32> to vector<16xf32>
    tpu.vector_store %arg6[%swap3A_11], %swap3A_14 {strides = array<i32>} : memref<128xf32, #tpu.memory_space<vmem>>, vector<16xf32>,
    %broadcast_in_dim3A_15 = arith.constant 1.000000e+00 : f32
    %broadcast_in_dim3A_16 = vector.broadcast %broadcast_in_dim3A_15 : f32 to vector<16xf32>
    %swap3A_17 = arith.constant 32 : index
    %swap3A_18 = tpu.vector_load %arg6[%swap3A_17] {strides = array<i32>} : memref<128xf32, #tpu.memory_space<vmem>>, vector<16xf32>,
    %swap3A_19 = vector.shape_cast %swap3A_18 : vector<16xf32> to vector<16xf32>
    %swap3A_20 = vector.shape_cast %broadcast_in_dim3A_16 : vector<16xf32> to vector<16xf32>
    tpu.vector_store %arg6[%swap3A_17], %swap3A_20 {strides = array<i32>} : memref<128xf32, #tpu.memory_space<vmem>>, vector<16xf32>,
    %broadcast_in_dim3A_21 = arith.constant 1.000000e+00 : f32
    %broadcast_in_dim3A_22 = vector.broadcast %broadcast_in_dim3A_21 : f32 to vector<16xf32>
    %swap3A_23 = arith.constant 48 : index
    %swap3A_24 = tpu.vector_load %arg6[%swap3A_23] {strides = array<i32>} : memref<128xf32, #tpu.memory_space<vmem>>, vector<16xf32>,
    %swap3A_25 = vector.shape_cast %swap3A_24 : vector<16xf32> to vector<16xf32>
    %swap3A_26 = vector.shape_cast %broadcast_in_dim3A_22 : vector<16xf32> to vector<16xf32>
    tpu.vector_store %arg6[%swap3A_23], %swap3A_26 {strides = array<i32>} : memref<128xf32, #tpu.memory_space<vmem>>, vector<16xf32>,
    %broadcast_in_dim3A_27 = arith.constant 1.000000e+00 : f32
    %broadcast_in_dim3A_28 = vector.broadcast %broadcast_in_dim3A_27 : f32 to vector<16xf32>
    %swap3A_29 = arith.constant 64 : index
    %swap3A_30 = tpu.vector_load %arg6[%swap3A_29] {strides = array<i32>} : memref<128xf32, #tpu.memory_space<vmem>>, vector<16xf32>,
    %swap3A_31 = vector.shape_cast %swap3A_30 : vector<16xf32> to vector<16xf32>
    %swap3A_32 = vector.shape_cast %broadcast_in_dim3A_28 : vector<16xf32> to vector<16xf32>
    tpu.vector_store %arg6[%swap3A_29], %swap3A_32 {strides = array<i32>} : memref<128xf32, #tpu.memory_space<vmem>>, vector<16xf32>,
    %broadcast_in_dim3A_33 = arith.constant 1.000000e+00 : f32
    %broadcast_in_dim3A_34 = vector.broadcast %broadcast_in_dim3A_33 : f32 to vector<16xf32>
    %swap3A_35 = arith.constant 80 : index
    %swap3A_36 = tpu.vector_load %arg6[%swap3A_35] {strides = array<i32>} : memref<128xf32, #tpu.memory_space<vmem>>, vector<16xf32>,
    %swap3A_37 = vector.shape_cast %swap3A_36 : vector<16xf32> to vector<16xf32>
    %swap3A_38 = vector.shape_cast %broadcast_in_dim3A_34 : vector<16xf32> to vector<16xf32>
    tpu.vector_store %arg6[%swap3A_35], %swap3A_38 {strides = array<i32>} : memref<128xf32, #tpu.memory_space<vmem>>, vector<16xf32>,
    %broadcast_in_dim3A_39 = arith.constant 1.000000e+00 : f32
    %broadcast_in_dim3A_40 = vector.broadcast %broadcast_in_dim3A_39 : f32 to vector<16xf32>
    %swap3A_41 = arith.constant 96 : index
    %swap3A_42 = tpu.vector_load %arg6[%swap3A_41] {strides = array<i32>} : memref<128xf32, #tpu.memory_space<vmem>>, vector<16xf32>,
    %swap3A_43 = vector.shape_cast %swap3A_42 : vector<16xf32> to vector<16xf32>
    %swap3A_44 = vector.shape_cast %broadcast_in_dim3A_40 : vector<16xf32> to vector<16xf32>
    tpu.vector_store %arg6[%swap3A_41], %swap3A_44 {strides = array<i32>} : memref<128xf32, #tpu.memory_space<vmem>>, vector<16xf32>,
    %broadcast_in_dim3A_45 = arith.constant 1.000000e+00 : f32
    %broadcast_in_dim3A_46 = vector.broadcast %broadcast_in_dim3A_45 : f32 to vector<16xf32>
    %swap3A_47 = arith.constant 112 : index
    %swap3A_48 = tpu.vector_load %arg6[%swap3A_47] {strides = array<i32>} : memref<128xf32, #tpu.memory_space<vmem>>, vector<16xf32>,
    %swap3A_49 = vector.shape_cast %swap3A_48 : vector<16xf32> to vector<16xf32>
    %swap3A_50 = vector.shape_cast %broadcast_in_dim3A_46 : vector<16xf32> to vector<16xf32>
    tpu.vector_store %arg6[%swap3A_47], %swap3A_50 {strides = array<i32>} : memref<128xf32, #tpu.memory_space<vmem>>, vector<16xf32>,
    %scan3A = arith.constant 0 : i32
    %scan3A_51 = arith.constant 0 : i32
    %scan3A_52 = arith.constant 40 : i32
    %scan3A_53 = arith.addi %scan3A_51, %scan3A_52 : i32
    %scan3A_54 = arith.constant 1 : i32
    scf.for %scan3A_234 = %scan3A_51 to %scan3A_53 step %scan3A_54  : i32 {
      %broadcast_in_dim3A_235 = arith.constant 0.000000e+00 : f32
      %broadcast_in_dim3A_236 = vector.broadcast %broadcast_in_dim3A_235 : f32 to vector<16xf32>
      %mul3A_237 = arith.constant 16 : i32
      %mul3A_238 = arith.muli %scan3A_234, %mul3A_237 : i32
      %swap3A_239 = arith.index_cast %mul3A_238 : i32 to index
      %swap3A_240 = tpu.vector_load %arg7[%swap3A_239] {strides = array<i32>} : memref<640xf32, #tpu.memory_space<vmem>>, vector<16xf32>,
      %swap3A_241 = vector.shape_cast %swap3A_240 : vector<16xf32> to vector<16xf32>
      %swap3A_242 = vector.shape_cast %broadcast_in_dim3A_236 : vector<16xf32> to vector<16xf32>
      tpu.vector_store %arg7[%swap3A_239], %swap3A_242 {strides = array<i32>} : memref<640xf32, #tpu.memory_space<vmem>>, vector<16xf32>,
    }
    %scan3A_55 = arith.constant 40 : i32
    %mul3A_56 = arith.constant 640 : i32
    %mul3A_57 = arith.muli %arg1, %mul3A_56 : i32
    "tpu.region"() ({
      %run_scoped3A = tpu.sem_alloc : memref<!tpu.dma_semaphore, #tpu.memory_space<semaphore_mem>>
      %dma_start3A_234 = tpu.memref_slice %arg8[%mul3A_57] : memref<10240xf32, #tpu.memory_space<vmem_shared>> -> memref<640xf32, #tpu.memory_space<vmem_shared>>
      %dma_start3A_235 = tpu.memref_slice %arg8[%mul3A_57] : memref<10240xf32, #tpu.memory_space<vmem_shared>> -> memref<640xf32, #tpu.memory_space<vmem_shared>>
      tpu.enqueue_dma source(%arg7 : memref<640xf32, #tpu.memory_space<vmem>>) target(%dma_start3A_235 : memref<640xf32, #tpu.memory_space<vmem_shared>>) target_semaphore(%run_scoped3A : memref<!tpu.dma_semaphore, #tpu.memory_space<semaphore_mem>>)
      %dma_wait3A_236 = tpu.memref_slice %arg8[%mul3A_57] : memref<10240xf32, #tpu.memory_space<vmem_shared>> -> memref<640xf32, #tpu.memory_space<vmem_shared>>
      %dma_wait3A_237 = tpu.memref_slice %arg8[%mul3A_57] : memref<10240xf32, #tpu.memory_space<vmem_shared>> -> memref<640xf32, #tpu.memory_space<vmem_shared>>
      tpu.wait_dma2 semaphore(%run_scoped3A : memref<!tpu.dma_semaphore, #tpu.memory_space<semaphore_mem>>) src(%arg7 : memref<640xf32, #tpu.memory_space<vmem>>) dst(%dma_wait3A_237 : memref<640xf32, #tpu.memory_space<vmem_shared>>)
      tpu.yield
    }) : () -> ()
    %barrier3A = arith.constant 0 : index
    tpu.barrier barrier_id(%barrier3A)
    %get3A = arith.constant 0 : index
    %get3A_58 = tpu.vector_load %arg4[%get3A] {strides = array<i32>} : memref<10240xi32, #tpu.memory_space<vmem>>, vector<16xi32>,
    %get3A_59 = vector.shape_cast %get3A_58 : vector<16xi32> to vector<16xi32>
    %swap3A_60 = arith.constant 0 : i32
    %swap3A_61 = arith.index_cast %swap3A_60 : i32 to index
    %swap3A_62 = arith.constant 0 : index
    %swap3A_63 = tpu.vector_load %arg5[%swap3A_61, %swap3A_62] {strides = array<i32>} : memref<2x128xi32, #tpu.memory_space<vmem>>, vector<1x16xi32>,
    %swap3A_64 = vector.shape_cast %swap3A_63 : vector<1x16xi32> to vector<16xi32>
    %swap3A_65 = vector.shape_cast %get3A_59 : vector<16xi32> to vector<1x16xi32>
    tpu.vector_store %arg5[%swap3A_61, %swap3A_62], %swap3A_65 {strides = array<i32>} : memref<2x128xi32, #tpu.memory_space<vmem>>, vector<1x16xi32>,
    %get3A_66 = arith.constant 16 : index
    %get3A_67 = tpu.vector_load %arg4[%get3A_66] {strides = array<i32>} : memref<10240xi32, #tpu.memory_space<vmem>>, vector<16xi32>,
    %get3A_68 = vector.shape_cast %get3A_67 : vector<16xi32> to vector<16xi32>
    %swap3A_69 = arith.constant 0 : i32
    %swap3A_70 = arith.index_cast %swap3A_69 : i32 to index
    %swap3A_71 = arith.constant 16 : index
    %swap3A_72 = tpu.vector_load %arg5[%swap3A_70, %swap3A_71] {strides = array<i32>} : memref<2x128xi32, #tpu.memory_space<vmem>>, vector<1x16xi32>,
    %swap3A_73 = vector.shape_cast %swap3A_72 : vector<1x16xi32> to vector<16xi32>
    %swap3A_74 = vector.shape_cast %get3A_68 : vector<16xi32> to vector<1x16xi32>
    tpu.vector_store %arg5[%swap3A_70, %swap3A_71], %swap3A_74 {strides = array<i32>} : memref<2x128xi32, #tpu.memory_space<vmem>>, vector<1x16xi32>,
    %get3A_75 = arith.constant 32 : index
    %get3A_76 = tpu.vector_load %arg4[%get3A_75] {strides = array<i32>} : memref<10240xi32, #tpu.memory_space<vmem>>, vector<16xi32>,
    %get3A_77 = vector.shape_cast %get3A_76 : vector<16xi32> to vector<16xi32>
    %swap3A_78 = arith.constant 0 : i32
    %swap3A_79 = arith.index_cast %swap3A_78 : i32 to index
    %swap3A_80 = arith.constant 32 : index
    %swap3A_81 = tpu.vector_load %arg5[%swap3A_79, %swap3A_80] {strides = array<i32>} : memref<2x128xi32, #tpu.memory_space<vmem>>, vector<1x16xi32>,
    %swap3A_82 = vector.shape_cast %swap3A_81 : vector<1x16xi32> to vector<16xi32>
    %swap3A_83 = vector.shape_cast %get3A_77 : vector<16xi32> to vector<1x16xi32>
    tpu.vector_store %arg5[%swap3A_79, %swap3A_80], %swap3A_83 {strides = array<i32>} : memref<2x128xi32, #tpu.memory_space<vmem>>, vector<1x16xi32>,
    %get3A_84 = arith.constant 48 : index
    %get3A_85 = tpu.vector_load %arg4[%get3A_84] {strides = array<i32>} : memref<10240xi32, #tpu.memory_space<vmem>>, vector<16xi32>,
    %get3A_86 = vector.shape_cast %get3A_85 : vector<16xi32> to vector<16xi32>
    %swap3A_87 = arith.constant 0 : i32
    %swap3A_88 = arith.index_cast %swap3A_87 : i32 to index
    %swap3A_89 = arith.constant 48 : index
    %swap3A_90 = tpu.vector_load %arg5[%swap3A_88, %swap3A_89] {strides = array<i32>} : memref<2x128xi32, #tpu.memory_space<vmem>>, vector<1x16xi32>,
    %swap3A_91 = vector.shape_cast %swap3A_90 : vector<1x16xi32> to vector<16xi32>
    %swap3A_92 = vector.shape_cast %get3A_86 : vector<16xi32> to vector<1x16xi32>
    tpu.vector_store %arg5[%swap3A_88, %swap3A_89], %swap3A_92 {strides = array<i32>} : memref<2x128xi32, #tpu.memory_space<vmem>>, vector<1x16xi32>,
    %get3A_93 = arith.constant 64 : index
    %get3A_94 = tpu.vector_load %arg4[%get3A_93] {strides = array<i32>} : memref<10240xi32, #tpu.memory_space<vmem>>, vector<16xi32>,
    %get3A_95 = vector.shape_cast %get3A_94 : vector<16xi32> to vector<16xi32>
    %swap3A_96 = arith.constant 0 : i32
    %swap3A_97 = arith.index_cast %swap3A_96 : i32 to index
    %swap3A_98 = arith.constant 64 : index
    %swap3A_99 = tpu.vector_load %arg5[%swap3A_97, %swap3A_98] {strides = array<i32>} : memref<2x128xi32, #tpu.memory_space<vmem>>, vector<1x16xi32>,
    %swap3A_100 = vector.shape_cast %swap3A_99 : vector<1x16xi32> to vector<16xi32>
    %swap3A_101 = vector.shape_cast %get3A_95 : vector<16xi32> to vector<1x16xi32>
    tpu.vector_store %arg5[%swap3A_97, %swap3A_98], %swap3A_101 {strides = array<i32>} : memref<2x128xi32, #tpu.memory_space<vmem>>, vector<1x16xi32>,
    %get3A_102 = arith.constant 80 : index
    %get3A_103 = tpu.vector_load %arg4[%get3A_102] {strides = array<i32>} : memref<10240xi32, #tpu.memory_space<vmem>>, vector<16xi32>,
    %get3A_104 = vector.shape_cast %get3A_103 : vector<16xi32> to vector<16xi32>
    %swap3A_105 = arith.constant 0 : i32
    %swap3A_106 = arith.index_cast %swap3A_105 : i32 to index
    %swap3A_107 = arith.constant 80 : index
    %swap3A_108 = tpu.vector_load %arg5[%swap3A_106, %swap3A_107] {strides = array<i32>} : memref<2x128xi32, #tpu.memory_space<vmem>>, vector<1x16xi32>,
    %swap3A_109 = vector.shape_cast %swap3A_108 : vector<1x16xi32> to vector<16xi32>
    %swap3A_110 = vector.shape_cast %get3A_104 : vector<16xi32> to vector<1x16xi32>
    tpu.vector_store %arg5[%swap3A_106, %swap3A_107], %swap3A_110 {strides = array<i32>} : memref<2x128xi32, #tpu.memory_space<vmem>>, vector<1x16xi32>,
    %get3A_111 = arith.constant 96 : index
    %get3A_112 = tpu.vector_load %arg4[%get3A_111] {strides = array<i32>} : memref<10240xi32, #tpu.memory_space<vmem>>, vector<16xi32>,
    %get3A_113 = vector.shape_cast %get3A_112 : vector<16xi32> to vector<16xi32>
    %swap3A_114 = arith.constant 0 : i32
    %swap3A_115 = arith.index_cast %swap3A_114 : i32 to index
    %swap3A_116 = arith.constant 96 : index
    %swap3A_117 = tpu.vector_load %arg5[%swap3A_115, %swap3A_116] {strides = array<i32>} : memref<2x128xi32, #tpu.memory_space<vmem>>, vector<1x16xi32>,
    %swap3A_118 = vector.shape_cast %swap3A_117 : vector<1x16xi32> to vector<16xi32>
    %swap3A_119 = vector.shape_cast %get3A_113 : vector<16xi32> to vector<1x16xi32>
    tpu.vector_store %arg5[%swap3A_115, %swap3A_116], %swap3A_119 {strides = array<i32>} : memref<2x128xi32, #tpu.memory_space<vmem>>, vector<1x16xi32>,
    %get3A_120 = arith.constant 112 : index
    %get3A_121 = tpu.vector_load %arg4[%get3A_120] {strides = array<i32>} : memref<10240xi32, #tpu.memory_space<vmem>>, vector<16xi32>,
    %get3A_122 = vector.shape_cast %get3A_121 : vector<16xi32> to vector<16xi32>
    %swap3A_123 = arith.constant 0 : i32
    %swap3A_124 = arith.index_cast %swap3A_123 : i32 to index
    %swap3A_125 = arith.constant 112 : index
    %swap3A_126 = tpu.vector_load %arg5[%swap3A_124, %swap3A_125] {strides = array<i32>} : memref<2x128xi32, #tpu.memory_space<vmem>>, vector<1x16xi32>,
    %swap3A_127 = vector.shape_cast %swap3A_126 : vector<1x16xi32> to vector<16xi32>
    %swap3A_128 = vector.shape_cast %get3A_122 : vector<16xi32> to vector<1x16xi32>
    tpu.vector_store %arg5[%swap3A_124, %swap3A_125], %swap3A_128 {strides = array<i32>} : memref<2x128xi32, #tpu.memory_space<vmem>>, vector<1x16xi32>,
    %dma_start3A = arith.constant 0 : i32
    %dma_start3A_129 = arith.constant 0 : i32
    %dma_start3A_130 = tpu.memref_slice %arg5[%dma_start3A, %dma_start3A_129] : memref<2x128xi32, #tpu.memory_space<vmem>> -> memref<1x128xi32, #tpu.memory_space<vmem>>
    %dma_start3A_131 = tpu.memref_squeeze %dma_start3A_130 : memref<1x128xi32, #tpu.memory_space<vmem>> -> memref<128xi32, #tpu.memory_space<vmem>>
    %dma_start3A_132 = arith.constant 0 : i32
    %dma_start3A_133 = tpu.memref_slice %arg8[%dma_start3A_132] : memref<10240xf32, #tpu.memory_space<vmem_shared>> -> memref<10240xf32, #tpu.memory_space<vmem_shared>>
    tpu.enqueue_indirect_dma source(%arg6 : memref<128xf32, #tpu.memory_space<vmem>>) target(%dma_start3A_133 : memref<10240xf32, #tpu.memory_space<vmem_shared>>) offsets(%dma_start3A_131 : memref<128xi32, #tpu.memory_space<vmem>>) semaphore(%arg9 : memref<!tpu.dma_semaphore, #tpu.memory_space<semaphore_mem>>) {add = true}
    %get3A_134 = arith.constant 128 : index
    %get3A_135 = tpu.vector_load %arg4[%get3A_134] {strides = array<i32>} : memref<10240xi32, #tpu.memory_space<vmem>>, vector<16xi32>,
    %get3A_136 = vector.shape_cast %get3A_135 : vector<16xi32> to vector<16xi32>
    %swap3A_137 = arith.constant 1 : i32
    %swap3A_138 = arith.index_cast %swap3A_137 : i32 to index
    %swap3A_139 = arith.constant 0 : index
    %swap3A_140 = tpu.vector_load %arg5[%swap3A_138, %swap3A_139] {strides = array<i32>} : memref<2x128xi32, #tpu.memory_space<vmem>>, vector<1x16xi32>,
    %swap3A_141 = vector.shape_cast %swap3A_140 : vector<1x16xi32> to vector<16xi32>
    %swap3A_142 = vector.shape_cast %get3A_136 : vector<16xi32> to vector<1x16xi32>
    tpu.vector_store %arg5[%swap3A_138, %swap3A_139], %swap3A_142 {strides = array<i32>} : memref<2x128xi32, #tpu.memory_space<vmem>>, vector<1x16xi32>,
    %get3A_143 = arith.constant 144 : index
    %get3A_144 = tpu.vector_load %arg4[%get3A_143] {strides = array<i32>} : memref<10240xi32, #tpu.memory_space<vmem>>, vector<16xi32>,
    %get3A_145 = vector.shape_cast %get3A_144 : vector<16xi32> to vector<16xi32>
    %swap3A_146 = arith.constant 1 : i32
    %swap3A_147 = arith.index_cast %swap3A_146 : i32 to index
    %swap3A_148 = arith.constant 16 : index
    %swap3A_149 = tpu.vector_load %arg5[%swap3A_147, %swap3A_148] {strides = array<i32>} : memref<2x128xi32, #tpu.memory_space<vmem>>, vector<1x16xi32>,
    %swap3A_150 = vector.shape_cast %swap3A_149 : vector<1x16xi32> to vector<16xi32>
    %swap3A_151 = vector.shape_cast %get3A_145 : vector<16xi32> to vector<1x16xi32>
    tpu.vector_store %arg5[%swap3A_147, %swap3A_148], %swap3A_151 {strides = array<i32>} : memref<2x128xi32, #tpu.memory_space<vmem>>, vector<1x16xi32>,
    %get3A_152 = arith.constant 160 : index
    %get3A_153 = tpu.vector_load %arg4[%get3A_152] {strides = array<i32>} : memref<10240xi32, #tpu.memory_space<vmem>>, vector<16xi32>,
    %get3A_154 = vector.shape_cast %get3A_153 : vector<16xi32> to vector<16xi32>
    %swap3A_155 = arith.constant 1 : i32
    %swap3A_156 = arith.index_cast %swap3A_155 : i32 to index
    %swap3A_157 = arith.constant 32 : index
    %swap3A_158 = tpu.vector_load %arg5[%swap3A_156, %swap3A_157] {strides = array<i32>} : memref<2x128xi32, #tpu.memory_space<vmem>>, vector<1x16xi32>,
    %swap3A_159 = vector.shape_cast %swap3A_158 : vector<1x16xi32> to vector<16xi32>
    %swap3A_160 = vector.shape_cast %get3A_154 : vector<16xi32> to vector<1x16xi32>
    tpu.vector_store %arg5[%swap3A_156, %swap3A_157], %swap3A_160 {strides = array<i32>} : memref<2x128xi32, #tpu.memory_space<vmem>>, vector<1x16xi32>,
    %get3A_161 = arith.constant 176 : index
    %get3A_162 = tpu.vector_load %arg4[%get3A_161] {strides = array<i32>} : memref<10240xi32, #tpu.memory_space<vmem>>, vector<16xi32>,
    %get3A_163 = vector.shape_cast %get3A_162 : vector<16xi32> to vector<16xi32>
    %swap3A_164 = arith.constant 1 : i32
    %swap3A_165 = arith.index_cast %swap3A_164 : i32 to index
    %swap3A_166 = arith.constant 48 : index
    %swap3A_167 = tpu.vector_load %arg5[%swap3A_165, %swap3A_166] {strides = array<i32>} : memref<2x128xi32, #tpu.memory_space<vmem>>, vector<1x16xi32>,
    %swap3A_168 = vector.shape_cast %swap3A_167 : vector<1x16xi32> to vector<16xi32>
    %swap3A_169 = vector.shape_cast %get3A_163 : vector<16xi32> to vector<1x16xi32>
    tpu.vector_store %arg5[%swap3A_165, %swap3A_166], %swap3A_169 {strides = array<i32>} : memref<2x128xi32, #tpu.memory_space<vmem>>, vector<1x16xi32>,
    %get3A_170 = arith.constant 192 : index
    %get3A_171 = tpu.vector_load %arg4[%get3A_170] {strides = array<i32>} : memref<10240xi32, #tpu.memory_space<vmem>>, vector<16xi32>,
    %get3A_172 = vector.shape_cast %get3A_171 : vector<16xi32> to vector<16xi32>
    %swap3A_173 = arith.constant 1 : i32
    %swap3A_174 = arith.index_cast %swap3A_173 : i32 to index
    %swap3A_175 = arith.constant 64 : index
    %swap3A_176 = tpu.vector_load %arg5[%swap3A_174, %swap3A_175] {strides = array<i32>} : memref<2x128xi32, #tpu.memory_space<vmem>>, vector<1x16xi32>,
    %swap3A_177 = vector.shape_cast %swap3A_176 : vector<1x16xi32> to vector<16xi32>
    %swap3A_178 = vector.shape_cast %get3A_172 : vector<16xi32> to vector<1x16xi32>
    tpu.vector_store %arg5[%swap3A_174, %swap3A_175], %swap3A_178 {strides = array<i32>} : memref<2x128xi32, #tpu.memory_space<vmem>>, vector<1x16xi32>,
    %get3A_179 = arith.constant 208 : index
    %get3A_180 = tpu.vector_load %arg4[%get3A_179] {strides = array<i32>} : memref<10240xi32, #tpu.memory_space<vmem>>, vector<16xi32>,
    %get3A_181 = vector.shape_cast %get3A_180 : vector<16xi32> to vector<16xi32>
    %swap3A_182 = arith.constant 1 : i32
    %swap3A_183 = arith.index_cast %swap3A_182 : i32 to index
    %swap3A_184 = arith.constant 80 : index
    %swap3A_185 = tpu.vector_load %arg5[%swap3A_183, %swap3A_184] {strides = array<i32>} : memref<2x128xi32, #tpu.memory_space<vmem>>, vector<1x16xi32>,
    %swap3A_186 = vector.shape_cast %swap3A_185 : vector<1x16xi32> to vector<16xi32>
    %swap3A_187 = vector.shape_cast %get3A_181 : vector<16xi32> to vector<1x16xi32>
    tpu.vector_store %arg5[%swap3A_183, %swap3A_184], %swap3A_187 {strides = array<i32>} : memref<2x128xi32, #tpu.memory_space<vmem>>, vector<1x16xi32>,
    %get3A_188 = arith.constant 224 : index
    %get3A_189 = tpu.vector_load %arg4[%get3A_188] {strides = array<i32>} : memref<10240xi32, #tpu.memory_space<vmem>>, vector<16xi32>,
    %get3A_190 = vector.shape_cast %get3A_189 : vector<16xi32> to vector<16xi32>
    %swap3A_191 = arith.constant 1 : i32
    %swap3A_192 = arith.index_cast %swap3A_191 : i32 to index
    %swap3A_193 = arith.constant 96 : index
    %swap3A_194 = tpu.vector_load %arg5[%swap3A_192, %swap3A_193] {strides = array<i32>} : memref<2x128xi32, #tpu.memory_space<vmem>>, vector<1x16xi32>,
    %swap3A_195 = vector.shape_cast %swap3A_194 : vector<1x16xi32> to vector<16xi32>
    %swap3A_196 = vector.shape_cast %get3A_190 : vector<16xi32> to vector<1x16xi32>
    tpu.vector_store %arg5[%swap3A_192, %swap3A_193], %swap3A_196 {strides = array<i32>} : memref<2x128xi32, #tpu.memory_space<vmem>>, vector<1x16xi32>,
    %get3A_197 = arith.constant 240 : index
    %get3A_198 = tpu.vector_load %arg4[%get3A_197] {strides = array<i32>} : memref<10240xi32, #tpu.memory_space<vmem>>, vector<16xi32>,
    %get3A_199 = vector.shape_cast %get3A_198 : vector<16xi32> to vector<16xi32>
    %swap3A_200 = arith.constant 1 : i32
    %swap3A_201 = arith.index_cast %swap3A_200 : i32 to index
    %swap3A_202 = arith.constant 112 : index
    %swap3A_203 = tpu.vector_load %arg5[%swap3A_201, %swap3A_202] {strides = array<i32>} : memref<2x128xi32, #tpu.memory_space<vmem>>, vector<1x16xi32>,
    %swap3A_204 = vector.shape_cast %swap3A_203 : vector<1x16xi32> to vector<16xi32>
    %swap3A_205 = vector.shape_cast %get3A_199 : vector<16xi32> to vector<1x16xi32>
    tpu.vector_store %arg5[%swap3A_201, %swap3A_202], %swap3A_205 {strides = array<i32>} : memref<2x128xi32, #tpu.memory_space<vmem>>, vector<1x16xi32>,
    %dma_start3A_206 = arith.constant 1 : i32
    %dma_start3A_207 = arith.constant 0 : i32
    %dma_start3A_208 = tpu.memref_slice %arg5[%dma_start3A_206, %dma_start3A_207] : memref<2x128xi32, #tpu.memory_space<vmem>> -> memref<1x128xi32, #tpu.memory_space<vmem>>
    %dma_start3A_209 = tpu.memref_squeeze %dma_start3A_208 : memref<1x128xi32, #tpu.memory_space<vmem>> -> memref<128xi32, #tpu.memory_space<vmem>>
    %dma_start3A_210 = arith.constant 0 : i32
    %dma_start3A_211 = tpu.memref_slice %arg8[%dma_start3A_210] : memref<10240xf32, #tpu.memory_space<vmem_shared>> -> memref<10240xf32, #tpu.memory_space<vmem_shared>>
    tpu.enqueue_indirect_dma source(%arg6 : memref<128xf32, #tpu.memory_space<vmem>>) target(%dma_start3A_211 : memref<10240xf32, #tpu.memory_space<vmem_shared>>) offsets(%dma_start3A_209 : memref<128xi32, #tpu.memory_space<vmem>>) semaphore(%arg10 : memref<!tpu.dma_semaphore, #tpu.memory_space<semaphore_mem>>) {add = true}
    %scan3A_212 = arith.constant 0 : i32
    %scan3A_213 = arith.constant 0 : i32
    %scan3A_214 = arith.constant 39 : i32
    %scan3A_215 = arith.addi %scan3A_213, %scan3A_214 : i32
    %scan3A_216 = arith.constant 1 : i32
    scf.for %scan3A_234 = %scan3A_213 to %scan3A_215 step %scan3A_216  : i32 {
      %mul3A_235 = arith.constant 2 : i32
      %mul3A_236 = arith.muli %scan3A_234, %mul3A_235 : i32
      %dma_wait3A_237 = arith.constant 0 : i32
      %dma_wait3A_238 = arith.constant 0 : i32
      %dma_wait3A_239 = tpu.memref_slice %arg5[%dma_wait3A_237, %dma_wait3A_238] : memref<2x128xi32, #tpu.memory_space<vmem>> -> memref<1x128xi32, #tpu.memory_space<vmem>>
      %dma_wait3A_240 = tpu.memref_squeeze %dma_wait3A_239 : memref<1x128xi32, #tpu.memory_space<vmem>> -> memref<128xi32, #tpu.memory_space<vmem>>
      %dma_wait3A_241 = arith.constant 0 : i32
      %dma_wait3A_242 = tpu.memref_slice %arg8[%dma_wait3A_241] : memref<10240xf32, #tpu.memory_space<vmem_shared>> -> memref<10240xf32, #tpu.memory_space<vmem_shared>>
      tpu.wait_indirect_dma semaphore(%arg9 : memref<!tpu.dma_semaphore, #tpu.memory_space<semaphore_mem>>) src(%arg6 : memref<128xf32, #tpu.memory_space<vmem>>) dst(%dma_wait3A_242 : memref<10240xf32, #tpu.memory_space<vmem_shared>>)
      %add3A_243 = arith.constant 0 : i32
      %add3A_244 = arith.addi %mul3A_236, %add3A_243 : i32
      %add3A_245 = arith.constant 2 : i32
      %add3A_246 = arith.addi %add3A_244, %add3A_245 : i32
      %mul3A_247 = arith.constant 128 : i32
      %mul3A_248 = arith.muli %add3A_246, %mul3A_247 : i32
      %add3A_249 = arith.constant 0 : i32
      %add3A_250 = arith.addi %mul3A_248, %add3A_249 : i32
      %get3A_251 = arith.index_cast %add3A_250 : i32 to index
      %get3A_252 = tpu.vector_load %arg4[%get3A_251] {strides = array<i32>} : memref<10240xi32, #tpu.memory_space<vmem>>, vector<16xi32>,
      %get3A_253 = vector.shape_cast %get3A_252 : vector<16xi32> to vector<16xi32>
      %swap3A_254 = arith.constant 0 : i32
      %swap3A_255 = arith.index_cast %swap3A_254 : i32 to index
      %swap3A_256 = arith.constant 0 : index
      %swap3A_257 = tpu.vector_load %arg5[%swap3A_255, %swap3A_256] {strides = array<i32>} : memref<2x128xi32, #tpu.memory_space<vmem>>, vector<1x16xi32>,
      %swap3A_258 = vector.shape_cast %swap3A_257 : vector<1x16xi32> to vector<16xi32>
      %swap3A_259 = vector.shape_cast %get3A_253 : vector<16xi32> to vector<1x16xi32>
      tpu.vector_store %arg5[%swap3A_255, %swap3A_256], %swap3A_259 {strides = array<i32>} : memref<2x128xi32, #tpu.memory_space<vmem>>, vector<1x16xi32>,
      %mul3A_260 = arith.constant 128 : i32
      %mul3A_261 = arith.muli %add3A_246, %mul3A_260 : i32
      %add3A_262 = arith.constant 16 : i32
      %add3A_263 = arith.addi %mul3A_261, %add3A_262 : i32
      %get3A_264 = arith.index_cast %add3A_263 : i32 to index
      %get3A_265 = tpu.vector_load %arg4[%get3A_264] {strides = array<i32>} : memref<10240xi32, #tpu.memory_space<vmem>>, vector<16xi32>,
      %get3A_266 = vector.shape_cast %get3A_265 : vector<16xi32> to vector<16xi32>
      %swap3A_267 = arith.constant 0 : i32
      %swap3A_268 = arith.index_cast %swap3A_267 : i32 to index
      %swap3A_269 = arith.constant 16 : index
      %swap3A_270 = tpu.vector_load %arg5[%swap3A_268, %swap3A_269] {strides = array<i32>} : memref<2x128xi32, #tpu.memory_space<vmem>>, vector<1x16xi32>,
      %swap3A_271 = vector.shape_cast %swap3A_270 : vector<1x16xi32> to vector<16xi32>
      %swap3A_272 = vector.shape_cast %get3A_266 : vector<16xi32> to vector<1x16xi32>
      tpu.vector_store %arg5[%swap3A_268, %swap3A_269], %swap3A_272 {strides = array<i32>} : memref<2x128xi32, #tpu.memory_space<vmem>>, vector<1x16xi32>,
      %mul3A_273 = arith.constant 128 : i32
      %mul3A_274 = arith.muli %add3A_246, %mul3A_273 : i32
      %add3A_275 = arith.constant 32 : i32
      %add3A_276 = arith.addi %mul3A_274, %add3A_275 : i32
      %get3A_277 = arith.index_cast %add3A_276 : i32 to index
      %get3A_278 = tpu.vector_load %arg4[%get3A_277] {strides = array<i32>} : memref<10240xi32, #tpu.memory_space<vmem>>, vector<16xi32>,
      %get3A_279 = vector.shape_cast %get3A_278 : vector<16xi32> to vector<16xi32>
      %swap3A_280 = arith.constant 0 : i32
      %swap3A_281 = arith.index_cast %swap3A_280 : i32 to index
      %swap3A_282 = arith.constant 32 : index
      %swap3A_283 = tpu.vector_load %arg5[%swap3A_281, %swap3A_282] {strides = array<i32>} : memref<2x128xi32, #tpu.memory_space<vmem>>, vector<1x16xi32>,
      %swap3A_284 = vector.shape_cast %swap3A_283 : vector<1x16xi32> to vector<16xi32>
      %swap3A_285 = vector.shape_cast %get3A_279 : vector<16xi32> to vector<1x16xi32>
      tpu.vector_store %arg5[%swap3A_281, %swap3A_282], %swap3A_285 {strides = array<i32>} : memref<2x128xi32, #tpu.memory_space<vmem>>, vector<1x16xi32>,
      %mul3A_286 = arith.constant 128 : i32
      %mul3A_287 = arith.muli %add3A_246, %mul3A_286 : i32
      %add3A_288 = arith.constant 48 : i32
      %add3A_289 = arith.addi %mul3A_287, %add3A_288 : i32
      %get3A_290 = arith.index_cast %add3A_289 : i32 to index
      %get3A_291 = tpu.vector_load %arg4[%get3A_290] {strides = array<i32>} : memref<10240xi32, #tpu.memory_space<vmem>>, vector<16xi32>,
      %get3A_292 = vector.shape_cast %get3A_291 : vector<16xi32> to vector<16xi32>
      %swap3A_293 = arith.constant 0 : i32
      %swap3A_294 = arith.index_cast %swap3A_293 : i32 to index
      %swap3A_295 = arith.constant 48 : index
      %swap3A_296 = tpu.vector_load %arg5[%swap3A_294, %swap3A_295] {strides = array<i32>} : memref<2x128xi32, #tpu.memory_space<vmem>>, vector<1x16xi32>,
      %swap3A_297 = vector.shape_cast %swap3A_296 : vector<1x16xi32> to vector<16xi32>
      %swap3A_298 = vector.shape_cast %get3A_292 : vector<16xi32> to vector<1x16xi32>
      tpu.vector_store %arg5[%swap3A_294, %swap3A_295], %swap3A_298 {strides = array<i32>} : memref<2x128xi32, #tpu.memory_space<vmem>>, vector<1x16xi32>,
      %mul3A_299 = arith.constant 128 : i32
      %mul3A_300 = arith.muli %add3A_246, %mul3A_299 : i32
      %add3A_301 = arith.constant 64 : i32
      %add3A_302 = arith.addi %mul3A_300, %add3A_301 : i32
      %get3A_303 = arith.index_cast %add3A_302 : i32 to index
      %get3A_304 = tpu.vector_load %arg4[%get3A_303] {strides = array<i32>} : memref<10240xi32, #tpu.memory_space<vmem>>, vector<16xi32>,
      %get3A_305 = vector.shape_cast %get3A_304 : vector<16xi32> to vector<16xi32>
      %swap3A_306 = arith.constant 0 : i32
      %swap3A_307 = arith.index_cast %swap3A_306 : i32 to index
      %swap3A_308 = arith.constant 64 : index
      %swap3A_309 = tpu.vector_load %arg5[%swap3A_307, %swap3A_308] {strides = array<i32>} : memref<2x128xi32, #tpu.memory_space<vmem>>, vector<1x16xi32>,
      %swap3A_310 = vector.shape_cast %swap3A_309 : vector<1x16xi32> to vector<16xi32>
      %swap3A_311 = vector.shape_cast %get3A_305 : vector<16xi32> to vector<1x16xi32>
      tpu.vector_store %arg5[%swap3A_307, %swap3A_308], %swap3A_311 {strides = array<i32>} : memref<2x128xi32, #tpu.memory_space<vmem>>, vector<1x16xi32>,
      %mul3A_312 = arith.constant 128 : i32
      %mul3A_313 = arith.muli %add3A_246, %mul3A_312 : i32
      %add3A_314 = arith.constant 80 : i32
      %add3A_315 = arith.addi %mul3A_313, %add3A_314 : i32
      %get3A_316 = arith.index_cast %add3A_315 : i32 to index
      %get3A_317 = tpu.vector_load %arg4[%get3A_316] {strides = array<i32>} : memref<10240xi32, #tpu.memory_space<vmem>>, vector<16xi32>,
      %get3A_318 = vector.shape_cast %get3A_317 : vector<16xi32> to vector<16xi32>
      %swap3A_319 = arith.constant 0 : i32
      %swap3A_320 = arith.index_cast %swap3A_319 : i32 to index
      %swap3A_321 = arith.constant 80 : index
      %swap3A_322 = tpu.vector_load %arg5[%swap3A_320, %swap3A_321] {strides = array<i32>} : memref<2x128xi32, #tpu.memory_space<vmem>>, vector<1x16xi32>,
      %swap3A_323 = vector.shape_cast %swap3A_322 : vector<1x16xi32> to vector<16xi32>
      %swap3A_324 = vector.shape_cast %get3A_318 : vector<16xi32> to vector<1x16xi32>
      tpu.vector_store %arg5[%swap3A_320, %swap3A_321], %swap3A_324 {strides = array<i32>} : memref<2x128xi32, #tpu.memory_space<vmem>>, vector<1x16xi32>,
      %mul3A_325 = arith.constant 128 : i32
      %mul3A_326 = arith.muli %add3A_246, %mul3A_325 : i32
      %add3A_327 = arith.constant 96 : i32
      %add3A_328 = arith.addi %mul3A_326, %add3A_327 : i32
      %get3A_329 = arith.index_cast %add3A_328 : i32 to index
      %get3A_330 = tpu.vector_load %arg4[%get3A_329] {strides = array<i32>} : memref<10240xi32, #tpu.memory_space<vmem>>, vector<16xi32>,
      %get3A_331 = vector.shape_cast %get3A_330 : vector<16xi32> to vector<16xi32>
      %swap3A_332 = arith.constant 0 : i32
      %swap3A_333 = arith.index_cast %swap3A_332 : i32 to index
      %swap3A_334 = arith.constant 96 : index
      %swap3A_335 = tpu.vector_load %arg5[%swap3A_333, %swap3A_334] {strides = array<i32>} : memref<2x128xi32, #tpu.memory_space<vmem>>, vector<1x16xi32>,
      %swap3A_336 = vector.shape_cast %swap3A_335 : vector<1x16xi32> to vector<16xi32>
      %swap3A_337 = vector.shape_cast %get3A_331 : vector<16xi32> to vector<1x16xi32>
      tpu.vector_store %arg5[%swap3A_333, %swap3A_334], %swap3A_337 {strides = array<i32>} : memref<2x128xi32, #tpu.memory_space<vmem>>, vector<1x16xi32>,
      %mul3A_338 = arith.constant 128 : i32
      %mul3A_339 = arith.muli %add3A_246, %mul3A_338 : i32
      %add3A_340 = arith.constant 112 : i32
      %add3A_341 = arith.addi %mul3A_339, %add3A_340 : i32
      %get3A_342 = arith.index_cast %add3A_341 : i32 to index
      %get3A_343 = tpu.vector_load %arg4[%get3A_342] {strides = array<i32>} : memref<10240xi32, #tpu.memory_space<vmem>>, vector<16xi32>,
      %get3A_344 = vector.shape_cast %get3A_343 : vector<16xi32> to vector<16xi32>
      %swap3A_345 = arith.constant 0 : i32
      %swap3A_346 = arith.index_cast %swap3A_345 : i32 to index
      %swap3A_347 = arith.constant 112 : index
      %swap3A_348 = tpu.vector_load %arg5[%swap3A_346, %swap3A_347] {strides = array<i32>} : memref<2x128xi32, #tpu.memory_space<vmem>>, vector<1x16xi32>,
      %swap3A_349 = vector.shape_cast %swap3A_348 : vector<1x16xi32> to vector<16xi32>
      %swap3A_350 = vector.shape_cast %get3A_344 : vector<16xi32> to vector<1x16xi32>
      tpu.vector_store %arg5[%swap3A_346, %swap3A_347], %swap3A_350 {strides = array<i32>} : memref<2x128xi32, #tpu.memory_space<vmem>>, vector<1x16xi32>,
      %dma_start3A_351 = arith.constant 0 : i32
      %dma_start3A_352 = arith.constant 0 : i32
      %dma_start3A_353 = tpu.memref_slice %arg5[%dma_start3A_351, %dma_start3A_352] : memref<2x128xi32, #tpu.memory_space<vmem>> -> memref<1x128xi32, #tpu.memory_space<vmem>>
      %dma_start3A_354 = tpu.memref_squeeze %dma_start3A_353 : memref<1x128xi32, #tpu.memory_space<vmem>> -> memref<128xi32, #tpu.memory_space<vmem>>
      %dma_start3A_355 = arith.constant 0 : i32
      %dma_start3A_356 = tpu.memref_slice %arg8[%dma_start3A_355] : memref<10240xf32, #tpu.memory_space<vmem_shared>> -> memref<10240xf32, #tpu.memory_space<vmem_shared>>
      tpu.enqueue_indirect_dma source(%arg6 : memref<128xf32, #tpu.memory_space<vmem>>) target(%dma_start3A_356 : memref<10240xf32, #tpu.memory_space<vmem_shared>>) offsets(%dma_start3A_354 : memref<128xi32, #tpu.memory_space<vmem>>) semaphore(%arg9 : memref<!tpu.dma_semaphore, #tpu.memory_space<semaphore_mem>>) {add = true}
      %dma_wait3A_357 = arith.constant 1 : i32
      %dma_wait3A_358 = arith.constant 0 : i32
      %dma_wait3A_359 = tpu.memref_slice %arg5[%dma_wait3A_357, %dma_wait3A_358] : memref<2x128xi32, #tpu.memory_space<vmem>> -> memref<1x128xi32, #tpu.memory_space<vmem>>
      %dma_wait3A_360 = tpu.memref_squeeze %dma_wait3A_359 : memref<1x128xi32, #tpu.memory_space<vmem>> -> memref<128xi32, #tpu.memory_space<vmem>>
      %dma_wait3A_361 = arith.constant 0 : i32
      %dma_wait3A_362 = tpu.memref_slice %arg8[%dma_wait3A_361] : memref<10240xf32, #tpu.memory_space<vmem_shared>> -> memref<10240xf32, #tpu.memory_space<vmem_shared>>
      tpu.wait_indirect_dma semaphore(%arg10 : memref<!tpu.dma_semaphore, #tpu.memory_space<semaphore_mem>>) src(%arg6 : memref<128xf32, #tpu.memory_space<vmem>>) dst(%dma_wait3A_362 : memref<10240xf32, #tpu.memory_space<vmem_shared>>)
      %add3A_363 = arith.constant 1 : i32
      %add3A_364 = arith.addi %mul3A_236, %add3A_363 : i32
      %add3A_365 = arith.constant 2 : i32
      %add3A_366 = arith.addi %add3A_364, %add3A_365 : i32
      %mul3A_367 = arith.constant 128 : i32
      %mul3A_368 = arith.muli %add3A_366, %mul3A_367 : i32
      %add3A_369 = arith.constant 0 : i32
      %add3A_370 = arith.addi %mul3A_368, %add3A_369 : i32
      %get3A_371 = arith.index_cast %add3A_370 : i32 to index
      %get3A_372 = tpu.vector_load %arg4[%get3A_371] {strides = array<i32>} : memref<10240xi32, #tpu.memory_space<vmem>>, vector<16xi32>,
      %get3A_373 = vector.shape_cast %get3A_372 : vector<16xi32> to vector<16xi32>
      %swap3A_374 = arith.constant 1 : i32
      %swap3A_375 = arith.index_cast %swap3A_374 : i32 to index
      %swap3A_376 = arith.constant 0 : index
      %swap3A_377 = tpu.vector_load %arg5[%swap3A_375, %swap3A_376] {strides = array<i32>} : memref<2x128xi32, #tpu.memory_space<vmem>>, vector<1x16xi32>,
      %swap3A_378 = vector.shape_cast %swap3A_377 : vector<1x16xi32> to vector<16xi32>
      %swap3A_379 = vector.shape_cast %get3A_373 : vector<16xi32> to vector<1x16xi32>
      tpu.vector_store %arg5[%swap3A_375, %swap3A_376], %swap3A_379 {strides = array<i32>} : memref<2x128xi32, #tpu.memory_space<vmem>>, vector<1x16xi32>,
      %mul3A_380 = arith.constant 128 : i32
      %mul3A_381 = arith.muli %add3A_366, %mul3A_380 : i32
      %add3A_382 = arith.constant 16 : i32
      %add3A_383 = arith.addi %mul3A_381, %add3A_382 : i32
      %get3A_384 = arith.index_cast %add3A_383 : i32 to index
      %get3A_385 = tpu.vector_load %arg4[%get3A_384] {strides = array<i32>} : memref<10240xi32, #tpu.memory_space<vmem>>, vector<16xi32>,
      %get3A_386 = vector.shape_cast %get3A_385 : vector<16xi32> to vector<16xi32>
      %swap3A_387 = arith.constant 1 : i32
      %swap3A_388 = arith.index_cast %swap3A_387 : i32 to index
      %swap3A_389 = arith.constant 16 : index
      %swap3A_390 = tpu.vector_load %arg5[%swap3A_388, %swap3A_389] {strides = array<i32>} : memref<2x128xi32, #tpu.memory_space<vmem>>, vector<1x16xi32>,
      %swap3A_391 = vector.shape_cast %swap3A_390 : vector<1x16xi32> to vector<16xi32>
      %swap3A_392 = vector.shape_cast %get3A_386 : vector<16xi32> to vector<1x16xi32>
      tpu.vector_store %arg5[%swap3A_388, %swap3A_389], %swap3A_392 {strides = array<i32>} : memref<2x128xi32, #tpu.memory_space<vmem>>, vector<1x16xi32>,
      %mul3A_393 = arith.constant 128 : i32
      %mul3A_394 = arith.muli %add3A_366, %mul3A_393 : i32
      %add3A_395 = arith.constant 32 : i32
      %add3A_396 = arith.addi %mul3A_394, %add3A_395 : i32
      %get3A_397 = arith.index_cast %add3A_396 : i32 to index
      %get3A_398 = tpu.vector_load %arg4[%get3A_397] {strides = array<i32>} : memref<10240xi32, #tpu.memory_space<vmem>>, vector<16xi32>,
      %get3A_399 = vector.shape_cast %get3A_398 : vector<16xi32> to vector<16xi32>
      %swap3A_400 = arith.constant 1 : i32
      %swap3A_401 = arith.index_cast %swap3A_400 : i32 to index
      %swap3A_402 = arith.constant 32 : index
      %swap3A_403 = tpu.vector_load %arg5[%swap3A_401, %swap3A_402] {strides = array<i32>} : memref<2x128xi32, #tpu.memory_space<vmem>>, vector<1x16xi32>,
      %swap3A_404 = vector.shape_cast %swap3A_403 : vector<1x16xi32> to vector<16xi32>
      %swap3A_405 = vector.shape_cast %get3A_399 : vector<16xi32> to vector<1x16xi32>
      tpu.vector_store %arg5[%swap3A_401, %swap3A_402], %swap3A_405 {strides = array<i32>} : memref<2x128xi32, #tpu.memory_space<vmem>>, vector<1x16xi32>,
      %mul3A_406 = arith.constant 128 : i32
      %mul3A_407 = arith.muli %add3A_366, %mul3A_406 : i32
      %add3A_408 = arith.constant 48 : i32
      %add3A_409 = arith.addi %mul3A_407, %add3A_408 : i32
      %get3A_410 = arith.index_cast %add3A_409 : i32 to index
      %get3A_411 = tpu.vector_load %arg4[%get3A_410] {strides = array<i32>} : memref<10240xi32, #tpu.memory_space<vmem>>, vector<16xi32>,
      %get3A_412 = vector.shape_cast %get3A_411 : vector<16xi32> to vector<16xi32>
      %swap3A_413 = arith.constant 1 : i32
      %swap3A_414 = arith.index_cast %swap3A_413 : i32 to index
      %swap3A_415 = arith.constant 48 : index
      %swap3A_416 = tpu.vector_load %arg5[%swap3A_414, %swap3A_415] {strides = array<i32>} : memref<2x128xi32, #tpu.memory_space<vmem>>, vector<1x16xi32>,
      %swap3A_417 = vector.shape_cast %swap3A_416 : vector<1x16xi32> to vector<16xi32>
      %swap3A_418 = vector.shape_cast %get3A_412 : vector<16xi32> to vector<1x16xi32>
      tpu.vector_store %arg5[%swap3A_414, %swap3A_415], %swap3A_418 {strides = array<i32>} : memref<2x128xi32, #tpu.memory_space<vmem>>, vector<1x16xi32>,
      %mul3A_419 = arith.constant 128 : i32
      %mul3A_420 = arith.muli %add3A_366, %mul3A_419 : i32
      %add3A_421 = arith.constant 64 : i32
      %add3A_422 = arith.addi %mul3A_420, %add3A_421 : i32
      %get3A_423 = arith.index_cast %add3A_422 : i32 to index
      %get3A_424 = tpu.vector_load %arg4[%get3A_423] {strides = array<i32>} : memref<10240xi32, #tpu.memory_space<vmem>>, vector<16xi32>,
      %get3A_425 = vector.shape_cast %get3A_424 : vector<16xi32> to vector<16xi32>
      %swap3A_426 = arith.constant 1 : i32
      %swap3A_427 = arith.index_cast %swap3A_426 : i32 to index
      %swap3A_428 = arith.constant 64 : index
      %swap3A_429 = tpu.vector_load %arg5[%swap3A_427, %swap3A_428] {strides = array<i32>} : memref<2x128xi32, #tpu.memory_space<vmem>>, vector<1x16xi32>,
      %swap3A_430 = vector.shape_cast %swap3A_429 : vector<1x16xi32> to vector<16xi32>
      %swap3A_431 = vector.shape_cast %get3A_425 : vector<16xi32> to vector<1x16xi32>
      tpu.vector_store %arg5[%swap3A_427, %swap3A_428], %swap3A_431 {strides = array<i32>} : memref<2x128xi32, #tpu.memory_space<vmem>>, vector<1x16xi32>,
      %mul3A_432 = arith.constant 128 : i32
      %mul3A_433 = arith.muli %add3A_366, %mul3A_432 : i32
      %add3A_434 = arith.constant 80 : i32
      %add3A_435 = arith.addi %mul3A_433, %add3A_434 : i32
      %get3A_436 = arith.index_cast %add3A_435 : i32 to index
      %get3A_437 = tpu.vector_load %arg4[%get3A_436] {strides = array<i32>} : memref<10240xi32, #tpu.memory_space<vmem>>, vector<16xi32>,
      %get3A_438 = vector.shape_cast %get3A_437 : vector<16xi32> to vector<16xi32>
      %swap3A_439 = arith.constant 1 : i32
      %swap3A_440 = arith.index_cast %swap3A_439 : i32 to index
      %swap3A_441 = arith.constant 80 : index
      %swap3A_442 = tpu.vector_load %arg5[%swap3A_440, %swap3A_441] {strides = array<i32>} : memref<2x128xi32, #tpu.memory_space<vmem>>, vector<1x16xi32>,
      %swap3A_443 = vector.shape_cast %swap3A_442 : vector<1x16xi32> to vector<16xi32>
      %swap3A_444 = vector.shape_cast %get3A_438 : vector<16xi32> to vector<1x16xi32>
      tpu.vector_store %arg5[%swap3A_440, %swap3A_441], %swap3A_444 {strides = array<i32>} : memref<2x128xi32, #tpu.memory_space<vmem>>, vector<1x16xi32>,
      %mul3A_445 = arith.constant 128 : i32
      %mul3A_446 = arith.muli %add3A_366, %mul3A_445 : i32
      %add3A_447 = arith.constant 96 : i32
      %add3A_448 = arith.addi %mul3A_446, %add3A_447 : i32
      %get3A_449 = arith.index_cast %add3A_448 : i32 to index
      %get3A_450 = tpu.vector_load %arg4[%get3A_449] {strides = array<i32>} : memref<10240xi32, #tpu.memory_space<vmem>>, vector<16xi32>,
      %get3A_451 = vector.shape_cast %get3A_450 : vector<16xi32> to vector<16xi32>
      %swap3A_452 = arith.constant 1 : i32
      %swap3A_453 = arith.index_cast %swap3A_452 : i32 to index
      %swap3A_454 = arith.constant 96 : index
      %swap3A_455 = tpu.vector_load %arg5[%swap3A_453, %swap3A_454] {strides = array<i32>} : memref<2x128xi32, #tpu.memory_space<vmem>>, vector<1x16xi32>,
      %swap3A_456 = vector.shape_cast %swap3A_455 : vector<1x16xi32> to vector<16xi32>
      %swap3A_457 = vector.shape_cast %get3A_451 : vector<16xi32> to vector<1x16xi32>
      tpu.vector_store %arg5[%swap3A_453, %swap3A_454], %swap3A_457 {strides = array<i32>} : memref<2x128xi32, #tpu.memory_space<vmem>>, vector<1x16xi32>,
      %mul3A_458 = arith.constant 128 : i32
      %mul3A_459 = arith.muli %add3A_366, %mul3A_458 : i32
      %add3A_460 = arith.constant 112 : i32
      %add3A_461 = arith.addi %mul3A_459, %add3A_460 : i32
      %get3A_462 = arith.index_cast %add3A_461 : i32 to index
      %get3A_463 = tpu.vector_load %arg4[%get3A_462] {strides = array<i32>} : memref<10240xi32, #tpu.memory_space<vmem>>, vector<16xi32>,
      %get3A_464 = vector.shape_cast %get3A_463 : vector<16xi32> to vector<16xi32>
      %swap3A_465 = arith.constant 1 : i32
      %swap3A_466 = arith.index_cast %swap3A_465 : i32 to index
      %swap3A_467 = arith.constant 112 : index
      %swap3A_468 = tpu.vector_load %arg5[%swap3A_466, %swap3A_467] {strides = array<i32>} : memref<2x128xi32, #tpu.memory_space<vmem>>, vector<1x16xi32>,
      %swap3A_469 = vector.shape_cast %swap3A_468 : vector<1x16xi32> to vector<16xi32>
      %swap3A_470 = vector.shape_cast %get3A_464 : vector<16xi32> to vector<1x16xi32>
      tpu.vector_store %arg5[%swap3A_466, %swap3A_467], %swap3A_470 {strides = array<i32>} : memref<2x128xi32, #tpu.memory_space<vmem>>, vector<1x16xi32>,
      %dma_start3A_471 = arith.constant 1 : i32
      %dma_start3A_472 = arith.constant 0 : i32
      %dma_start3A_473 = tpu.memref_slice %arg5[%dma_start3A_471, %dma_start3A_472] : memref<2x128xi32, #tpu.memory_space<vmem>> -> memref<1x128xi32, #tpu.memory_space<vmem>>
      %dma_start3A_474 = tpu.memref_squeeze %dma_start3A_473 : memref<1x128xi32, #tpu.memory_space<vmem>> -> memref<128xi32, #tpu.memory_space<vmem>>
      %dma_start3A_475 = arith.constant 0 : i32
      %dma_start3A_476 = tpu.memref_slice %arg8[%dma_start3A_475] : memref<10240xf32, #tpu.memory_space<vmem_shared>> -> memref<10240xf32, #tpu.memory_space<vmem_shared>>
      tpu.enqueue_indirect_dma source(%arg6 : memref<128xf32, #tpu.memory_space<vmem>>) target(%dma_start3A_476 : memref<10240xf32, #tpu.memory_space<vmem_shared>>) offsets(%dma_start3A_474 : memref<128xi32, #tpu.memory_space<vmem>>) semaphore(%arg10 : memref<!tpu.dma_semaphore, #tpu.memory_space<semaphore_mem>>) {add = true}
    }
    %scan3A_217 = arith.constant 39 : i32
    %dma_wait3A = arith.constant 0 : i32
    %dma_wait3A_218 = arith.constant 0 : i32
    %dma_wait3A_219 = tpu.memref_slice %arg5[%dma_wait3A, %dma_wait3A_218] : memref<2x128xi32, #tpu.memory_space<vmem>> -> memref<1x128xi32, #tpu.memory_space<vmem>>
    %dma_wait3A_220 = tpu.memref_squeeze %dma_wait3A_219 : memref<1x128xi32, #tpu.memory_space<vmem>> -> memref<128xi32, #tpu.memory_space<vmem>>
    %dma_wait3A_221 = arith.constant 0 : i32
    %dma_wait3A_222 = tpu.memref_slice %arg8[%dma_wait3A_221] : memref<10240xf32, #tpu.memory_space<vmem_shared>> -> memref<10240xf32, #tpu.memory_space<vmem_shared>>
    tpu.wait_indirect_dma semaphore(%arg9 : memref<!tpu.dma_semaphore, #tpu.memory_space<semaphore_mem>>) src(%arg6 : memref<128xf32, #tpu.memory_space<vmem>>) dst(%dma_wait3A_222 : memref<10240xf32, #tpu.memory_space<vmem_shared>>)
    %dma_wait3A_223 = arith.constant 1 : i32
    %dma_wait3A_224 = arith.constant 0 : i32
    %dma_wait3A_225 = tpu.memref_slice %arg5[%dma_wait3A_223, %dma_wait3A_224] : memref<2x128xi32, #tpu.memory_space<vmem>> -> memref<1x128xi32, #tpu.memory_space<vmem>>
    %dma_wait3A_226 = tpu.memref_squeeze %dma_wait3A_225 : memref<1x128xi32, #tpu.memory_space<vmem>> -> memref<128xi32, #tpu.memory_space<vmem>>
    %dma_wait3A_227 = arith.constant 0 : i32
    %dma_wait3A_228 = tpu.memref_slice %arg8[%dma_wait3A_227] : memref<10240xf32, #tpu.memory_space<vmem_shared>> -> memref<10240xf32, #tpu.memory_space<vmem_shared>>
    tpu.wait_indirect_dma semaphore(%arg10 : memref<!tpu.dma_semaphore, #tpu.memory_space<semaphore_mem>>) src(%arg6 : memref<128xf32, #tpu.memory_space<vmem>>) dst(%dma_wait3A_228 : memref<10240xf32, #tpu.memory_space<vmem_shared>>)
    %barrier3A_229 = arith.constant 0 : index
    tpu.barrier barrier_id(%barrier3A_229)
    %mul3A_230 = arith.constant 640 : i32
    %mul3A_231 = arith.muli %arg1, %mul3A_230 : i32
    %mul3A_232 = arith.constant 640 : i32
    %mul3A_233 = arith.muli %arg1, %mul3A_232 : i32
    "tpu.region"() ({
      %run_scoped3A = tpu.sem_alloc : memref<!tpu.dma_semaphore, #tpu.memory_space<semaphore_mem>>
      %dma_start3A_234 = tpu.memref_slice %arg3[%arg0, %mul3A_233] : memref<2x10240xf32, #tpu.memory_space<hbm>> -> memref<1x640xf32, #tpu.memory_space<hbm>>
      %dma_start3A_235 = tpu.memref_squeeze %dma_start3A_234 : memref<1x640xf32, #tpu.memory_space<hbm>> -> memref<640xf32, #tpu.memory_space<hbm>>
      %dma_start3A_236 = tpu.memref_slice %arg8[%mul3A_231] : memref<10240xf32, #tpu.memory_space<vmem_shared>> -> memref<640xf32, #tpu.memory_space<vmem_shared>>
      tpu.enqueue_dma source(%dma_start3A_236 : memref<640xf32, #tpu.memory_space<vmem_shared>>) target(%dma_start3A_235 : memref<640xf32, #tpu.memory_space<hbm>>) target_semaphore(%run_scoped3A : memref<!tpu.dma_semaphore, #tpu.memory_space<semaphore_mem>>)
      %dma_wait3A_237 = tpu.memref_slice %arg3[%arg0, %mul3A_233] : memref<2x10240xf32, #tpu.memory_space<hbm>> -> memref<1x640xf32, #tpu.memory_space<hbm>>
      %dma_wait3A_238 = tpu.memref_squeeze %dma_wait3A_237 : memref<1x640xf32, #tpu.memory_space<hbm>> -> memref<640xf32, #tpu.memory_space<hbm>>
      %dma_wait3A_239 = tpu.memref_slice %arg8[%mul3A_231] : memref<10240xf32, #tpu.memory_space<vmem_shared>> -> memref<640xf32, #tpu.memory_space<vmem_shared>>
      tpu.wait_dma2 semaphore(%run_scoped3A : memref<!tpu.dma_semaphore, #tpu.memory_space<semaphore_mem>>) src(%dma_wait3A_239 : memref<640xf32, #tpu.memory_space<vmem_shared>>) dst(%dma_wait3A_238 : memref<640xf32, #tpu.memory_space<hbm>>)
      tpu.yield
    }) : () -> ()
    return
  }
}

module attributes {stable_mosaic.version = 14 : i64} {
  func.func @_tc_in_body(%arg0: i32, %arg1: memref<2000x128xf32, #tpu.memory_space<vmem>>, %arg2: memref<128x128xf32, #tpu.memory_space<vmem>>, %arg3: memref<2000x2xf32, #tpu.memory_space<vmem>>, %arg4: memref<2000x128xf32, #tpu.memory_space<vmem>>, %arg5: memref<2000x128xf32, #tpu.memory_space<vmem>>) attributes {dimension_semantics = [#tpu.dimension_semantics<arbitrary>], iteration_bounds = array<i64: 5>, scalar_prefetch = 0 : i64, scratch_operands = 0 : i64, tpu.core_type = #tpu.core_type<tc>, window_params = [{transform_indices = @transform_0, window_bounds = array<i64: 2000, 128>}, {pipeline_mode = #tpu.pipeline_mode<synchronous>, transform_indices = @transform_1, window_bounds = array<i64: 128, 128>}, {transform_indices = @transform_2, window_bounds = array<i64: 2000, 2>}, {transform_indices = @transform_3, window_bounds = array<i64: 2000, 128>}, {transform_indices = @transform_4, window_bounds = array<i64: 2000, 128>}]} {
    %get3A = arith.constant 0 : index
    %get3A_0 = arith.constant 0 : index
    %get3A_1 = vector.load %arg3[%get3A, %get3A_0] : memref<2000x2xf32, #tpu.memory_space<vmem>>, vector<2000x2xf32>
    %slice3A = vector.extract_strided_slice %get3A_1 {offsets = [0, 0], sizes = [2000, 1], strides = [1, 1]} : vector<2000x2xf32> to vector<2000x1xf32>
    %squeeze3A = vector.shape_cast %slice3A : vector<2000x1xf32> to vector<2000xf32>
    %slice3A_2 = vector.extract_strided_slice %get3A_1 {offsets = [0, 1], sizes = [2000, 1], strides = [1, 1]} : vector<2000x2xf32> to vector<2000x1xf32>
    %squeeze3A_3 = vector.shape_cast %slice3A_2 : vector<2000x1xf32> to vector<2000xf32>
    %add3A = arith.addf %squeeze3A, %squeeze3A_3 : vector<2000xf32>
    %add3A_4 = arith.constant 1.000000e+00 : f32
    %add3A_5 = vector.broadcast %add3A_4 : f32 to vector<2000xf32>
    %add3A_6 = arith.addf %add3A, %add3A_5 : vector<2000xf32>
    %rsqrt3A = math.rsqrt %add3A_6 : vector<2000xf32>
    %get3A_7 = arith.constant 0 : index
    %get3A_8 = arith.constant 0 : index
    %get3A_9 = vector.load %arg1[%get3A_7, %get3A_8] : memref<2000x128xf32, #tpu.memory_space<vmem>>, vector<2000x128xf32>
    %get3A_10 = arith.constant 0 : index
    %get3A_11 = arith.constant 0 : index
    %get3A_12 = vector.load %arg2[%get3A_10, %get3A_11] : memref<128x128xf32, #tpu.memory_space<vmem>>, vector<128x128xf32>
    %dot_general3A = arith.constant dense<0.000000e+00> : vector<2000x128xf32>
    %dot_general3A_13 = tpu.matmul %get3A_9, %get3A_12, %dot_general3A {dimension_numbers = #tpu.dot_dimension_numbers<[1], [0], [0], [1], [0, 0, 1, 1], [], []>, transpose_lhs_hint = false} : vector<2000x128xf32>, vector<128x128xf32>, vector<2000x128xf32> -> vector<2000x128xf32>
    %swap3A = arith.constant 0 : index
    %swap3A_14 = arith.constant 0 : index
    %swap3A_15 = vector.load %arg4[%swap3A, %swap3A_14] : memref<2000x128xf32, #tpu.memory_space<vmem>>, vector<2000x128xf32>
    tpu.vector_store %arg4[%swap3A, %swap3A_14], %dot_general3A_13 {strides = array<i32>} : memref<2000x128xf32, #tpu.memory_space<vmem>>, vector<2000x128xf32>,
    %broadcast_in_dim3A = vector.shape_cast %rsqrt3A : vector<2000xf32> to vector<2000x1xf32>
    %mul3A = vector.broadcast %broadcast_in_dim3A : vector<2000x1xf32> to vector<2000x128xf32>
    %mul3A_16 = arith.mulf %dot_general3A_13, %mul3A : vector<2000x128xf32>
    %swap3A_17 = arith.constant 0 : index
    %swap3A_18 = arith.constant 0 : index
    %swap3A_19 = vector.load %arg5[%swap3A_17, %swap3A_18] : memref<2000x128xf32, #tpu.memory_space<vmem>>, vector<2000x128xf32>
    tpu.vector_store %arg5[%swap3A_17, %swap3A_18], %mul3A_16 {strides = array<i32>} : memref<2000x128xf32, #tpu.memory_space<vmem>>, vector<2000x128xf32>,
    return
  }
  func.func @transform_0(%arg0: i32) -> (i32, i32) {
    %c0_i32 = arith.constant 0 : i32
    %c0_i32_0 = arith.constant 0 : i32
    return %arg0, %c0_i32 : i32, i32
  }
  func.func @transform_1(%arg0: i32) -> (i32, i32) {
    %c0_i32 = arith.constant 0 : i32
    %c0_i32_0 = arith.constant 0 : i32
    %c0_i32_1 = arith.constant 0 : i32
    return %c0_i32, %c0_i32_0 : i32, i32
  }
  func.func @transform_2(%arg0: i32) -> (i32, i32) {
    %c0_i32 = arith.constant 0 : i32
    %c0_i32_0 = arith.constant 0 : i32
    return %arg0, %c0_i32 : i32, i32
  }
  func.func @transform_3(%arg0: i32) -> (i32, i32) {
    %c0_i32 = arith.constant 0 : i32
    %c0_i32_0 = arith.constant 0 : i32
    return %arg0, %c0_i32 : i32, i32
  }
  func.func @transform_4(%arg0: i32) -> (i32, i32) {
    %c0_i32 = arith.constant 0 : i32
    %c0_i32_0 = arith.constant 0 : i32
    return %arg0, %c0_i32 : i32, i32
  }
}

module attributes {stable_mosaic.version = 14 : i64} {
  func.func @_tc_mid_body(%arg0: i32, %arg1: memref<2x2000x128xf32, #tpu.memory_space<vmem>>, %arg2: memref<2000x128xf32, #tpu.memory_space<vmem>>, %arg3: memref<2000x2xf32, #tpu.memory_space<vmem>>, %arg4: memref<128xf32, #tpu.memory_space<vmem>>, %arg5: memref<128x128xf32, #tpu.memory_space<vmem>>, %arg6: memref<2000x128xf32, #tpu.memory_space<vmem>>, %arg7: memref<2000x128xf32, #tpu.memory_space<vmem>>) attributes {dimension_semantics = [#tpu.dimension_semantics<arbitrary>], iteration_bounds = array<i64: 5>, scalar_prefetch = 0 : i64, scratch_operands = 0 : i64, tpu.core_type = #tpu.core_type<tc>, window_params = [{transform_indices = @transform_0, window_bounds = array<i64: 2, 2000, 128>}, {transform_indices = @transform_1, window_bounds = array<i64: 2000, 128>}, {transform_indices = @transform_2, window_bounds = array<i64: 2000, 2>}, {pipeline_mode = #tpu.pipeline_mode<synchronous>, transform_indices = @transform_3, window_bounds = array<i64: 128>}, {pipeline_mode = #tpu.pipeline_mode<synchronous>, transform_indices = @transform_4, window_bounds = array<i64: 128, 128>}, {transform_indices = @transform_5, window_bounds = array<i64: 2000, 128>}, {transform_indices = @transform_6, window_bounds = array<i64: 2000, 128>}]} {
    %get3A = arith.constant 0 : index
    %get3A_0 = arith.constant 0 : index
    %get3A_1 = vector.load %arg3[%get3A, %get3A_0] : memref<2000x2xf32, #tpu.memory_space<vmem>>, vector<2000x2xf32>
    %slice3A = vector.extract_strided_slice %get3A_1 {offsets = [0, 0], sizes = [2000, 1], strides = [1, 1]} : vector<2000x2xf32> to vector<2000x1xf32>
    %squeeze3A = vector.shape_cast %slice3A : vector<2000x1xf32> to vector<2000xf32>
    %slice3A_2 = vector.extract_strided_slice %get3A_1 {offsets = [0, 1], sizes = [2000, 1], strides = [1, 1]} : vector<2000x2xf32> to vector<2000x1xf32>
    %squeeze3A_3 = vector.shape_cast %slice3A_2 : vector<2000x1xf32> to vector<2000xf32>
    %add3A = arith.addf %squeeze3A, %squeeze3A_3 : vector<2000xf32>
    %add3A_4 = arith.constant 1.000000e+00 : f32
    %add3A_5 = vector.broadcast %add3A_4 : f32 to vector<2000xf32>
    %add3A_6 = arith.addf %add3A, %add3A_5 : vector<2000xf32>
    %rsqrt3A = math.rsqrt %add3A_6 : vector<2000xf32>
    %get3A_7 = arith.constant 0 : index
    %get3A_8 = arith.constant 0 : index
    %get3A_9 = arith.constant 0 : index
    %get3A_10 = vector.load %arg1[%get3A_7, %get3A_8, %get3A_9] : memref<2x2000x128xf32, #tpu.memory_space<vmem>>, vector<1x2000x128xf32>
    %get3A_11 = vector.shape_cast %get3A_10 : vector<1x2000x128xf32> to vector<2000x128xf32>
    %get3A_12 = arith.constant 1 : index
    %get3A_13 = arith.constant 0 : index
    %get3A_14 = arith.constant 0 : index
    %get3A_15 = vector.load %arg1[%get3A_12, %get3A_13, %get3A_14] : memref<2x2000x128xf32, #tpu.memory_space<vmem>>, vector<1x2000x128xf32>
    %get3A_16 = vector.shape_cast %get3A_15 : vector<1x2000x128xf32> to vector<2000x128xf32>
    %add3A_17 = arith.addf %get3A_11, %get3A_16 : vector<2000x128xf32>
    %get3A_18 = arith.constant 0 : index
    %get3A_19 = arith.constant 0 : index
    %get3A_20 = vector.load %arg2[%get3A_18, %get3A_19] : memref<2000x128xf32, #tpu.memory_space<vmem>>, vector<2000x128xf32>
    %broadcast_in_dim3A = vector.shape_cast %rsqrt3A : vector<2000xf32> to vector<2000x1xf32>
    %mul3A = vector.broadcast %broadcast_in_dim3A : vector<2000x1xf32> to vector<2000x128xf32>
    %mul3A_21 = arith.mulf %mul3A, %add3A_17 : vector<2000x128xf32>
    %mul3A_22 = arith.mulf %rsqrt3A, %rsqrt3A : vector<2000xf32>
    %broadcast_in_dim3A_23 = vector.shape_cast %mul3A_22 : vector<2000xf32> to vector<2000x1xf32>
    %mul3A_24 = vector.broadcast %broadcast_in_dim3A_23 : vector<2000x1xf32> to vector<2000x128xf32>
    %mul3A_25 = arith.mulf %mul3A_24, %get3A_20 : vector<2000x128xf32>
    %add3A_26 = arith.addf %mul3A_21, %mul3A_25 : vector<2000x128xf32>
    %get3A_27 = arith.constant 0 : index
    %get3A_28 = vector.load %arg4[%get3A_27] : memref<128xf32, #tpu.memory_space<vmem>>, vector<128xf32>
    %broadcast_in_dim3A_29 = vector.shape_cast %get3A_28 : vector<128xf32> to vector<1x128xf32>
    %add3A_30 = vector.broadcast %broadcast_in_dim3A_29 : vector<1x128xf32> to vector<2000x128xf32>
    %add3A_31 = arith.addf %add3A_26, %add3A_30 : vector<2000x128xf32>
    %max3A = arith.constant 0.000000e+00 : f32
    %max3A_32 = vector.broadcast %max3A : f32 to vector<2000x128xf32>
    %max3A_33 = arith.maximumf %add3A_31, %max3A_32 : vector<2000x128xf32>
    %get3A_34 = arith.constant 0 : index
    %get3A_35 = arith.constant 0 : index
    %get3A_36 = vector.load %arg5[%get3A_34, %get3A_35] : memref<128x128xf32, #tpu.memory_space<vmem>>, vector<128x128xf32>
    %dot_general3A = arith.constant dense<0.000000e+00> : vector<2000x128xf32>
    %dot_general3A_37 = tpu.matmul %max3A_33, %get3A_36, %dot_general3A {dimension_numbers = #tpu.dot_dimension_numbers<[1], [0], [0], [1], [0, 0, 1, 1], [], []>, transpose_lhs_hint = false} : vector<2000x128xf32>, vector<128x128xf32>, vector<2000x128xf32> -> vector<2000x128xf32>
    %swap3A = arith.constant 0 : index
    %swap3A_38 = arith.constant 0 : index
    %swap3A_39 = vector.load %arg6[%swap3A, %swap3A_38] : memref<2000x128xf32, #tpu.memory_space<vmem>>, vector<2000x128xf32>
    tpu.vector_store %arg6[%swap3A, %swap3A_38], %dot_general3A_37 {strides = array<i32>} : memref<2000x128xf32, #tpu.memory_space<vmem>>, vector<2000x128xf32>,
    %broadcast_in_dim3A_40 = vector.shape_cast %rsqrt3A : vector<2000xf32> to vector<2000x1xf32>
    %mul3A_41 = vector.broadcast %broadcast_in_dim3A_40 : vector<2000x1xf32> to vector<2000x128xf32>
    %mul3A_42 = arith.mulf %dot_general3A_37, %mul3A_41 : vector<2000x128xf32>
    %swap3A_43 = arith.constant 0 : index
    %swap3A_44 = arith.constant 0 : index
    %swap3A_45 = vector.load %arg7[%swap3A_43, %swap3A_44] : memref<2000x128xf32, #tpu.memory_space<vmem>>, vector<2000x128xf32>
    tpu.vector_store %arg7[%swap3A_43, %swap3A_44], %mul3A_42 {strides = array<i32>} : memref<2000x128xf32, #tpu.memory_space<vmem>>, vector<2000x128xf32>,
    return
  }
  func.func @transform_0(%arg0: i32) -> (i32, i32, i32) {
    %c0_i32 = arith.constant 0 : i32
    %c0_i32_0 = arith.constant 0 : i32
    %c0_i32_1 = arith.constant 0 : i32
    return %c0_i32, %arg0, %c0_i32_0 : i32, i32, i32
  }
  func.func @transform_1(%arg0: i32) -> (i32, i32) {
    %c0_i32 = arith.constant 0 : i32
    %c0_i32_0 = arith.constant 0 : i32
    return %arg0, %c0_i32 : i32, i32
  }
  func.func @transform_2(%arg0: i32) -> (i32, i32) {
    %c0_i32 = arith.constant 0 : i32
    %c0_i32_0 = arith.constant 0 : i32
    return %arg0, %c0_i32 : i32, i32
  }
  func.func @transform_3(%arg0: i32) -> i32 {
    %c0_i32 = arith.constant 0 : i32
    %c0_i32_0 = arith.constant 0 : i32
    return %c0_i32 : i32
  }
  func.func @transform_4(%arg0: i32) -> (i32, i32) {
    %c0_i32 = arith.constant 0 : i32
    %c0_i32_0 = arith.constant 0 : i32
    %c0_i32_1 = arith.constant 0 : i32
    return %c0_i32, %c0_i32_0 : i32, i32
  }
  func.func @transform_5(%arg0: i32) -> (i32, i32) {
    %c0_i32 = arith.constant 0 : i32
    %c0_i32_0 = arith.constant 0 : i32
    return %arg0, %c0_i32 : i32, i32
  }
  func.func @transform_6(%arg0: i32) -> (i32, i32) {
    %c0_i32 = arith.constant 0 : i32
    %c0_i32_0 = arith.constant 0 : i32
    return %arg0, %c0_i32 : i32, i32
  }
}

module attributes {stable_mosaic.version = 14 : i64} {
  func.func @_tc_out_body(%arg0: i32, %arg1: memref<2x2000x128xf32, #tpu.memory_space<vmem>>, %arg2: memref<2000x128xf32, #tpu.memory_space<vmem>>, %arg3: memref<2000x2xf32, #tpu.memory_space<vmem>>, %arg4: memref<128xf32, #tpu.memory_space<vmem>>, %arg5: memref<2000x1xi32, #tpu.memory_space<vmem>>, %arg6: memref<128x10xf32, #tpu.memory_space<vmem>>, %arg7: memref<10xf32, #tpu.memory_space<vmem>>, %arg8: memref<128x10xf32, #tpu.memory_space<vmem>>, %arg9: memref<128x128xf32, #tpu.memory_space<vmem>>, %arg10: memref<128x1xf32, #tpu.memory_space<vmem>>) attributes {dimension_semantics = [#tpu.dimension_semantics<arbitrary>], iteration_bounds = array<i64: 5>, scalar_prefetch = 0 : i64, scratch_operands = 2 : i64, tpu.core_type = #tpu.core_type<tc>, window_params = [{transform_indices = @transform_0, window_bounds = array<i64: 2, 2000, 128>}, {transform_indices = @transform_1, window_bounds = array<i64: 2000, 128>}, {transform_indices = @transform_2, window_bounds = array<i64: 2000, 2>}, {pipeline_mode = #tpu.pipeline_mode<synchronous>, transform_indices = @transform_3, window_bounds = array<i64: 128>}, {transform_indices = @transform_4, window_bounds = array<i64: 2000, 1>}, {pipeline_mode = #tpu.pipeline_mode<synchronous>, transform_indices = @transform_5, window_bounds = array<i64: 128, 10>}, {pipeline_mode = #tpu.pipeline_mode<synchronous>, transform_indices = @transform_6, window_bounds = array<i64: 10>}, {pipeline_mode = #tpu.pipeline_mode<synchronous>, transform_indices = @transform_7, window_bounds = array<i64: 128, 10>}]} {
    %get3A = arith.constant 0 : index
    %get3A_0 = arith.constant 0 : index
    %get3A_1 = vector.load %arg3[%get3A, %get3A_0] : memref<2000x2xf32, #tpu.memory_space<vmem>>, vector<2000x2xf32>
    %slice3A = vector.extract_strided_slice %get3A_1 {offsets = [0, 0], sizes = [2000, 1], strides = [1, 1]} : vector<2000x2xf32> to vector<2000x1xf32>
    %squeeze3A = vector.shape_cast %slice3A : vector<2000x1xf32> to vector<2000xf32>
    %slice3A_2 = vector.extract_strided_slice %get3A_1 {offsets = [0, 1], sizes = [2000, 1], strides = [1, 1]} : vector<2000x2xf32> to vector<2000x1xf32>
    %squeeze3A_3 = vector.shape_cast %slice3A_2 : vector<2000x1xf32> to vector<2000xf32>
    %add3A = arith.addf %squeeze3A, %squeeze3A_3 : vector<2000xf32>
    %add3A_4 = arith.constant 1.000000e+00 : f32
    %add3A_5 = vector.broadcast %add3A_4 : f32 to vector<2000xf32>
    %add3A_6 = arith.addf %add3A, %add3A_5 : vector<2000xf32>
    %rsqrt3A = math.rsqrt %add3A_6 : vector<2000xf32>
    %get3A_7 = arith.constant 0 : index
    %get3A_8 = arith.constant 0 : index
    %get3A_9 = arith.constant 0 : index
    %get3A_10 = vector.load %arg1[%get3A_7, %get3A_8, %get3A_9] : memref<2x2000x128xf32, #tpu.memory_space<vmem>>, vector<1x2000x128xf32>
    %get3A_11 = vector.shape_cast %get3A_10 : vector<1x2000x128xf32> to vector<2000x128xf32>
    %get3A_12 = arith.constant 1 : index
    %get3A_13 = arith.constant 0 : index
    %get3A_14 = arith.constant 0 : index
    %get3A_15 = vector.load %arg1[%get3A_12, %get3A_13, %get3A_14] : memref<2x2000x128xf32, #tpu.memory_space<vmem>>, vector<1x2000x128xf32>
    %get3A_16 = vector.shape_cast %get3A_15 : vector<1x2000x128xf32> to vector<2000x128xf32>
    %add3A_17 = arith.addf %get3A_11, %get3A_16 : vector<2000x128xf32>
    %get3A_18 = arith.constant 0 : index
    %get3A_19 = arith.constant 0 : index
    %get3A_20 = vector.load %arg2[%get3A_18, %get3A_19] : memref<2000x128xf32, #tpu.memory_space<vmem>>, vector<2000x128xf32>
    %broadcast_in_dim3A = vector.shape_cast %rsqrt3A : vector<2000xf32> to vector<2000x1xf32>
    %mul3A = vector.broadcast %broadcast_in_dim3A : vector<2000x1xf32> to vector<2000x128xf32>
    %mul3A_21 = arith.mulf %mul3A, %add3A_17 : vector<2000x128xf32>
    %mul3A_22 = arith.mulf %rsqrt3A, %rsqrt3A : vector<2000xf32>
    %broadcast_in_dim3A_23 = vector.shape_cast %mul3A_22 : vector<2000xf32> to vector<2000x1xf32>
    %mul3A_24 = vector.broadcast %broadcast_in_dim3A_23 : vector<2000x1xf32> to vector<2000x128xf32>
    %mul3A_25 = arith.mulf %mul3A_24, %get3A_20 : vector<2000x128xf32>
    %add3A_26 = arith.addf %mul3A_21, %mul3A_25 : vector<2000x128xf32>
    %get3A_27 = arith.constant 0 : index
    %get3A_28 = vector.load %arg4[%get3A_27] : memref<128xf32, #tpu.memory_space<vmem>>, vector<128xf32>
    %broadcast_in_dim3A_29 = vector.shape_cast %get3A_28 : vector<128xf32> to vector<1x128xf32>
    %add3A_30 = vector.broadcast %broadcast_in_dim3A_29 : vector<1x128xf32> to vector<2000x128xf32>
    %add3A_31 = arith.addf %add3A_26, %add3A_30 : vector<2000x128xf32>
    %max3A = arith.constant 0.000000e+00 : f32
    %max3A_32 = vector.broadcast %max3A : f32 to vector<2000x128xf32>
    %max3A_33 = arith.maximumf %add3A_31, %max3A_32 : vector<2000x128xf32>
    %iota3A = tpu.iota {dimensions = array<i32: 1>} : vector<2000x128xi32>
    %get3A_34 = arith.constant 0 : index
    %get3A_35 = arith.constant 0 : index
    %get3A_36 = vector.load %arg5[%get3A_34, %get3A_35] : memref<2000x1xi32, #tpu.memory_space<vmem>>, vector<2000x1xi32>
    %eq3A = vector.broadcast %get3A_36 : vector<2000x1xi32> to vector<2000x128xi32>
    %eq3A_37 = arith.cmpi eq, %iota3A, %eq3A : vector<2000x128xi32>
    %convert_element_type3A = arith.extui %eq3A_37 : vector<2000x128xi1> to vector<2000x128xi32>
    %convert_element_type3A_38 = arith.sitofp %convert_element_type3A : vector<2000x128xi32> to vector<2000x128xf32>
    %eq3A_39 = arith.constant 0 : i32
    %eq3A_40 = arith.cmpi eq, %arg0, %eq3A_39 : i32
    %convert_element_type3A_41 = arith.extui %eq3A_40 : i1 to i32
    %cond3A = arith.constant 0 : i32
    %cond3A_42 = arith.cmpi ne, %convert_element_type3A_41, %cond3A : i32
    scf.if %cond3A_42 {
      %broadcast_in_dim3A_66 = arith.constant 0.000000e+00 : f32
      %broadcast_in_dim3A_67 = vector.broadcast %broadcast_in_dim3A_66 : f32 to vector<128x128xf32>
      %swap3A_68 = arith.constant 0 : index
      %swap3A_69 = arith.constant 0 : index
      %swap3A_70 = vector.load %arg9[%swap3A_68, %swap3A_69] : memref<128x128xf32, #tpu.memory_space<vmem>>, vector<128x128xf32>
      tpu.vector_store %arg9[%swap3A_68, %swap3A_69], %broadcast_in_dim3A_67 {strides = array<i32>} : memref<128x128xf32, #tpu.memory_space<vmem>>, vector<128x128xf32>,
      %broadcast_in_dim3A_71 = arith.constant 0.000000e+00 : f32
      %broadcast_in_dim3A_72 = vector.broadcast %broadcast_in_dim3A_71 : f32 to vector<128x1xf32>
      %swap3A_73 = arith.constant 0 : index
      %swap3A_74 = arith.constant 0 : index
      %swap3A_75 = vector.load %arg10[%swap3A_73, %swap3A_74] : memref<128x1xf32, #tpu.memory_space<vmem>>, vector<128x1xf32>
      tpu.vector_store %arg10[%swap3A_73, %swap3A_74], %broadcast_in_dim3A_72 {strides = array<i32>} : memref<128x1xf32, #tpu.memory_space<vmem>>, vector<128x1xf32>,
    } else {
    }
    %get3A_43 = arith.constant 0 : index
    %get3A_44 = arith.constant 0 : index
    %get3A_45 = vector.load %arg9[%get3A_43, %get3A_44] : memref<128x128xf32, #tpu.memory_space<vmem>>, vector<128x128xf32>
    %dot_general3A = arith.constant dense<0.000000e+00> : vector<128x128xf32>
    %dot_general3A_46 = tpu.matmul %convert_element_type3A_38, %max3A_33, %dot_general3A {dimension_numbers = #tpu.dot_dimension_numbers<[0], [0], [1], [1], [0, 1, 1, 1], [], []>, transpose_lhs_hint = false} : vector<2000x128xf32>, vector<2000x128xf32>, vector<128x128xf32> -> vector<128x128xf32>
    %add3A_47 = arith.addf %get3A_45, %dot_general3A_46 : vector<128x128xf32>
    %swap3A = arith.constant 0 : index
    %swap3A_48 = arith.constant 0 : index
    %swap3A_49 = vector.load %arg9[%swap3A, %swap3A_48] : memref<128x128xf32, #tpu.memory_space<vmem>>, vector<128x128xf32>
    tpu.vector_store %arg9[%swap3A, %swap3A_48], %add3A_47 {strides = array<i32>} : memref<128x128xf32, #tpu.memory_space<vmem>>, vector<128x128xf32>,
    %get3A_50 = arith.constant 0 : index
    %get3A_51 = arith.constant 0 : index
    %get3A_52 = vector.load %arg10[%get3A_50, %get3A_51] : memref<128x1xf32, #tpu.memory_space<vmem>>, vector<128x1xf32>
    %broadcast_in_dim3A_53 = arith.constant 1.000000e+00 : f32
    %broadcast_in_dim3A_54 = vector.broadcast %broadcast_in_dim3A_53 : f32 to vector<2000x1xf32>
    %dot_general3A_55 = arith.constant dense<0.000000e+00> : vector<128x1xf32>
    %dot_general3A_56 = tpu.matmul %convert_element_type3A_38, %broadcast_in_dim3A_54, %dot_general3A_55 {dimension_numbers = #tpu.dot_dimension_numbers<[0], [0], [1], [1], [0, 1, 1, 1], [], []>, transpose_lhs_hint = false} : vector<2000x128xf32>, vector<2000x1xf32>, vector<128x1xf32> -> vector<128x1xf32>
    %add3A_57 = arith.addf %get3A_52, %dot_general3A_56 : vector<128x1xf32>
    %swap3A_58 = arith.constant 0 : index
    %swap3A_59 = arith.constant 0 : index
    %swap3A_60 = vector.load %arg10[%swap3A_58, %swap3A_59] : memref<128x1xf32, #tpu.memory_space<vmem>>, vector<128x1xf32>
    tpu.vector_store %arg10[%swap3A_58, %swap3A_59], %add3A_57 {strides = array<i32>} : memref<128x1xf32, #tpu.memory_space<vmem>>, vector<128x1xf32>,
    %eq3A_61 = arith.constant 4 : i32
    %eq3A_62 = arith.cmpi eq, %arg0, %eq3A_61 : i32
    %convert_element_type3A_63 = arith.extui %eq3A_62 : i1 to i32
    %cond3A_64 = arith.constant 0 : i32
    %cond3A_65 = arith.cmpi ne, %convert_element_type3A_63, %cond3A_64 : i32
    scf.if %cond3A_65 {
      %get3A_66 = arith.constant 0 : index
      %get3A_67 = arith.constant 0 : index
      %get3A_68 = vector.load %arg9[%get3A_66, %get3A_67] : memref<128x128xf32, #tpu.memory_space<vmem>>, vector<128x128xf32>
      %get3A_69 = arith.constant 0 : index
      %get3A_70 = arith.constant 0 : index
      %get3A_71 = vector.load %arg10[%get3A_69, %get3A_70] : memref<128x1xf32, #tpu.memory_space<vmem>>, vector<128x1xf32>
      %max3A_72 = arith.constant 1.000000e+00 : f32
      %max3A_73 = vector.broadcast %max3A_72 : f32 to vector<128x1xf32>
      %max3A_74 = arith.maximumf %get3A_71, %max3A_73 : vector<128x1xf32>
      %div3A = vector.broadcast %max3A_74 : vector<128x1xf32> to vector<128x128xf32>
      %div3A_75 = arith.divf %get3A_68, %div3A : vector<128x128xf32>
      %get3A_76 = arith.constant 0 : index
      %get3A_77 = arith.constant 0 : index
      %get3A_78 = vector.load %arg6[%get3A_76, %get3A_77] : memref<128x10xf32, #tpu.memory_space<vmem>>, vector<128x10xf32>
      %dot_general3A_79 = arith.constant dense<0.000000e+00> : vector<128x10xf32>
      %dot_general3A_80 = tpu.matmul %div3A_75, %get3A_78, %dot_general3A_79 {dimension_numbers = #tpu.dot_dimension_numbers<[1], [0], [0], [1], [0, 0, 1, 1], [], []>, transpose_lhs_hint = false} : vector<128x128xf32>, vector<128x10xf32>, vector<128x10xf32> -> vector<128x10xf32>
      %get3A_81 = arith.constant 0 : index
      %get3A_82 = vector.load %arg7[%get3A_81] : memref<10xf32, #tpu.memory_space<vmem>>, vector<10xf32>
      %broadcast_in_dim3A_83 = vector.shape_cast %get3A_82 : vector<10xf32> to vector<1x10xf32>
      %add3A_84 = vector.broadcast %broadcast_in_dim3A_83 : vector<1x10xf32> to vector<128x10xf32>
      %add3A_85 = arith.addf %dot_general3A_80, %add3A_84 : vector<128x10xf32>
      %swap3A_86 = arith.constant 0 : index
      %swap3A_87 = arith.constant 0 : index
      %swap3A_88 = vector.load %arg8[%swap3A_86, %swap3A_87] : memref<128x10xf32, #tpu.memory_space<vmem>>, vector<128x10xf32>
      tpu.vector_store %arg8[%swap3A_86, %swap3A_87], %add3A_85 {strides = array<i32>} : memref<128x10xf32, #tpu.memory_space<vmem>>, vector<128x10xf32>,
    } else {
    }
    return
  }
  func.func @transform_0(%arg0: i32) -> (i32, i32, i32) {
    %c0_i32 = arith.constant 0 : i32
    %c0_i32_0 = arith.constant 0 : i32
    %c0_i32_1 = arith.constant 0 : i32
    return %c0_i32, %arg0, %c0_i32_0 : i32, i32, i32
  }
  func.func @transform_1(%arg0: i32) -> (i32, i32) {
    %c0_i32 = arith.constant 0 : i32
    %c0_i32_0 = arith.constant 0 : i32
    return %arg0, %c0_i32 : i32, i32
  }
  func.func @transform_2(%arg0: i32) -> (i32, i32) {
    %c0_i32 = arith.constant 0 : i32
    %c0_i32_0 = arith.constant 0 : i32
    return %arg0, %c0_i32 : i32, i32
  }
  func.func @transform_3(%arg0: i32) -> i32 {
    %c0_i32 = arith.constant 0 : i32
    %c0_i32_0 = arith.constant 0 : i32
    return %c0_i32 : i32
  }
  func.func @transform_4(%arg0: i32) -> (i32, i32) {
    %c0_i32 = arith.constant 0 : i32
    %c0_i32_0 = arith.constant 0 : i32
    return %arg0, %c0_i32 : i32, i32
  }
  func.func @transform_5(%arg0: i32) -> (i32, i32) {
    %c0_i32 = arith.constant 0 : i32
    %c0_i32_0 = arith.constant 0 : i32
    %c0_i32_1 = arith.constant 0 : i32
    return %c0_i32, %c0_i32_0 : i32, i32
  }
  func.func @transform_6(%arg0: i32) -> i32 {
    %c0_i32 = arith.constant 0 : i32
    %c0_i32_0 = arith.constant 0 : i32
    return %c0_i32 : i32
  }
  func.func @transform_7(%arg0: i32) -> (i32, i32) {
    %c0_i32 = arith.constant 0 : i32
    %c0_i32_0 = arith.constant 0 : i32
    %c0_i32_1 = arith.constant 0 : i32
    return %c0_i32, %c0_i32_0 : i32, i32
  }
}

</mosaic_0001>

<sc_bundles>
// kernel: kernel.11.cloned.1.call-start
scs
__scs_entry_jumppad:
0x0: {  	(pc) =	sbr.rel $0x88, $3  }
0x1: {  	(tag) =	ssettag $0x0;
	lr =	simm.s32 $0x1  }
0x2: {  	[smem:$0x3F98] =	sst lr;
	_ =	strace $0xD0000000  }
0x3: {  	_ = 	snop  }
0x4: {  	_ = 	snop  }
0x5: {  	_ = 	snop  }
0x6: {  	_ = 	snop  }
0x7: {  	_ = 	snop  }
__scs_overlays_trampoline_lowered:
0x8: {  	[smem:$0x3FA7] =	sst s0  }
0x9: {  	[smem:$0x3FA8] =	sst s1  }
0xa: {  	[smem:$0x3FA9] =	sst s2  }
0xb: {  	[smem:$0x3FAA] =	sst s3  }
0xc: {  	[smem:$0x3FAB] =	sst s4  }
0xd: {  	[smem:$0x3FAC] =	sst s5  }
0xe: {  	[smem:$0x3FAD] =	sst s6  }
0xf: {  	[smem:$0x3FAE] =	sst s7  }
0x10: {  	[smem:$0x3FAF] =	sst s8  }
0x11: {  	[smem:$0x3FB0] =	sst s9;
	s0 =	simm.s32 @!p0 $0x0  }
0x12: {  	s1 =	sld [smem:$0x3F96];
	s0 =	simm.s32 @p0 $0x1  }
0x13: {  	[smem:$0x3FB1] =	sst s0;
	s0 =	simm.s32 @!p1 $0x0  }
0x14: {  	s2 =	sld [smem:$0x3F95];
	s0 =	simm.s32 @p1 $0x1  }
0x15: {  	[smem:$0x3FB2] =	sst s0;
	s0 =	simm.s32 @!p2 $0x0  }
0x16: {  	s3 =	sld [smem:$0x3FDB];
	s0 =	simm.s32 @p2 $0x1  }
0x17: {  	s4 =	simm.s32 $0x1BF5;
	[smem:$0x3FB4] =	sst s0  }
0x18: {  	s0 =	sld [smem:$0x3F97];
	_ =	swait.ge [sflag:s4], $0x0  }
0x19: {  	s7 =	sld [smem:$0x3F98]  }
0x1a: {  	s8 =	sadd.s32 $0xFFFFE003, lr  }
0x1b: {  	s9 =	sadd.s32 $0xFFFFFEF7, lr;
	s5 =	simm.s32 $0xFFFFFFFF;
	p2 =	slt.u32 s8, $0xFFFFF086  }
0x1c: {  	p1 =	slt.u32 s9, $0xF7A;
	s5 =	simm.s32 @!p2 $0x0  }
0x1d: {  	s5 =	simm.s32 @p1 $0x1;
	p0 =	seq.s32 s7, s2  }
0x1e: {  	s7 =	smul.u32 @!p0 $0xF7A, s2;
	p2 =	seq.s32 @!p0 s5, $0x0  }
0x1f: {  	s9 =	smul.u32 $0xF7A, s1;
	s8 =	simm.s32 @!p0 $0x1BF5;
	p2 =	por !p2, p0  }
0x20: {  	[sflag:s8] =	ssyncset.s32 @!p0 $0xFFFFF086;
	s6 =	sadd.s32 @!p0 s3, s7;
	s7 =	simm.s32 @!p0 $0x108  }
0x21: {  	s3 =	sadd.s32 s3, s9;
	s6 =	sadd.s32 @!p0 $0x88, s6;
	s7 =	simm.s32 @p2 $0x1082  }
0x22: {  	[simem:s7], [sflag:s8] =	dma.local @!p0 [hbm:s6], $0xF7A  }
0x23: {  	s9 =	sor.u32 $0xD0000000, s2;
	s6 =	simm.s32 $0x108;
	_ =	swait.ge @!p0 [sflag:s8], $0x0  }
0x24: {  	s3 =	sadd.s32 $0x88, s3;
	s6 =	simm.s32 @!p1 $0x1082;
	[sflag:s4] =	ssyncset.s32 $0xFFFFF086  }
0x25: {  	[simem:s6], [sflag:s4] =	dma.local [hbm:s3], $0xF7A  }
0x26: {  	[smem:$0x3F98] =	sst s1;
	(tag) =	ssettag s2;
	_ =	strace s9  }
0x27: {  	s1 =	sld [smem:$0x3FA8]  }
0x28: {  	s2 =	sld [smem:$0x3FA9]  }
0x29: {  	s4 =	sld [smem:$0x3FAB]  }
0x2a: {  	p0 =	seq.s32 s5, $0x0;
	s5 =	sld [smem:$0x3FAC]  }
0x2b: {  	s6 =	sld [smem:$0x3FAD]  }
0x2c: {  	s7 =	sld [smem:$0x3FAE]  }
0x2d: {  	s3 =	simm.s32 $0x108;
	s8 =	sld [smem:$0x3FAF]  }
0x2e: {  	s3 =	simm.s32 @!p0 $0x1082;
	s9 =	sld [smem:$0x3FB0]  }
0x2f: {  	lr =	sadd.s32 s0, s3;
	s0 =	sld [smem:$0x3FA7]  }
0x30: {  	s3 =	sld [smem:$0x3FAA]  }
0x31: {  	[smem:$0x3FB3] =	sst s10  }
0x32: {  	s10 =	sld [smem:$0x3FB1];
	_ =	sdelay $0x3  }
0x33: {  	p0 =	seq.s32 s10, $0x1;
	s10 =	sld [smem:$0x3FB3];
	_ =	sdelay $0x3  }
0x34: {  	[smem:$0x3FB3] =	sst s10  }
0x35: {  	s10 =	sld [smem:$0x3FB2];
	_ =	sdelay $0x3  }
0x36: {  	p1 =	seq.s32 s10, $0x1;
	s10 =	sld [smem:$0x3FB3];
	_ =	sdelay $0x3  }
0x37: {  	[smem:$0x3FB3] =	sst s10  }
0x38: {  	s10 =	sld [smem:$0x3FB4]  }
0x39: {  	_ = 	snop;
	(pc) =	sbr.ind lr, $3  }
0x3a: {  	_ = 	snop  }
0x3b: {  	_ = 	snop  }
0x3c: {  	p2 =	seq.s32 s10, $0x1;
	s10 =	sld [smem:$0x3FB3]  }
0x3d: {  	_ =	shalt  }
0x3e: {  	_ =	shalt  }
0x3f: {  	_ =	shalt  }
0x40: {  	_ =	shalt  }
0x41: {  	_ =	shalt  }
0x42: {  	_ =	shalt  }
0x43: {  	_ =	shalt  }
0x44: {  	_ =	shalt  }
0x45: {  	_ =	shalt  }
0x46: {  	_ =	shalt  }
0x47: {  	_ =	shalt  }
0x48: {  	_ =	shalt  }
0x49: {  	_ =	shalt  }
0x4a: {  	_ =	shalt  }
0x4b: {  	_ =	shalt  }
0x4c: {  	_ =	shalt  }
0x4d: {  	_ =	shalt  }
0x4e: {  	_ =	shalt  }
0x4f: {  	_ =	shalt  }
0x50: {  	_ =	shalt  }
0x51: {  	_ =	shalt  }
0x52: {  	_ =	shalt  }
0x53: {  	_ =	shalt  }
0x54: {  	_ =	shalt  }
0x55: {  	_ =	shalt  }
0x56: {  	_ =	shalt  }
0x57: {  	_ =	shalt  }
0x58: {  	_ =	shalt  }
0x59: {  	_ =	shalt  }
0x5a: {  	_ =	shalt  }
0x5b: {  	_ =	shalt  }
0x5c: {  	_ =	shalt  }
0x5d: {  	_ =	shalt  }
0x5e: {  	_ =	shalt  }
0x5f: {  	_ =	shalt  }
0x60: {  	_ =	shalt  }
0x61: {  	_ =	shalt  }
0x62: {  	_ =	shalt  }
0x63: {  	_ =	shalt  }
0x64: {  	_ =	shalt  }
0x65: {  	_ =	shalt  }
0x66: {  	_ =	shalt  }
0x67: {  	_ =	shalt  }
0x68: {  	_ =	shalt  }
0x69: {  	_ =	shalt  }
0x6a: {  	_ =	shalt  }
0x6b: {  	_ =	shalt  }
0x6c: {  	_ =	shalt  }
0x6d: {  	_ =	shalt  }
0x6e: {  	_ =	shalt  }
0x6f: {  	_ =	shalt  }
0x70: {  	_ =	shalt  }
0x71: {  	_ =	shalt  }
0x72: {  	_ =	shalt  }
0x73: {  	_ =	shalt  }
0x74: {  	_ =	shalt  }
0x75: {  	_ =	shalt  }
0x76: {  	_ =	shalt  }
0x77: {  	_ =	shalt  }
0x78: {  	_ =	shalt  }
0x79: {  	_ =	shalt  }
0x7a: {  	_ =	shalt  }
0x7b: {  	_ =	shalt  }
0x7c: {  	_ =	shalt  }
0x7d: {  	_ =	shalt  }
0x7e: {  	_ =	shalt  }
0x7f: {  	_ =	shalt  }
0x80: {  	_ =	shalt  }
0x81: {  	_ =	shalt  }
0x82: {  	_ =	shalt  }
0x83: {  	_ =	shalt  }
0x84: {  	_ =	shalt  }
0x85: {  	_ =	shalt  }
0x86: {  	_ =	shalt  }
0x87: {  	_ =	shalt  }
.Lfunc_end0:
.L_simem_size_0:
called_computation.1_lowered:
.L_overlay_start_0:
0x88: {  	s2 =	sld [smem:$0x3FD9]  }
0x89: {  	s3 =	sld [smem:$0x3FFE];
	_ =	sdelay $0x1  }
0x8a: {  	s1 =	srdreg.scid  }
0x8b: {  	s0 =	sand.u32 $0x1, s1  }
0x8c: {  	s16 =	sshll.u32 s0, $0xA;
	s2 =	sadd.s32 s3, s2  }
0x8d: {  	s2 =	sadd.s32 s2, s16  }
0x8e: {  	[smem:$0x3FBF] =	sst s2  }
0x8f: {  	_ = 	snop  }
0x90: {  	(tm) =	ssettm $0x1  }
0x91: {  	s17 =	sld [smem:$0x3FFB];
	_ =	sdelay $0x3  }
0x92: {  	_ =	strace s17  }
0x93: {  	s2 =	sld [smem:$0x3FFC];
	_ =	sdelay $0x3  }
0x94: {  	_ =	strace s2  }
0x95: {  	s2 =	sld [smem:$0x3FFD];
	_ =	sdelay $0x3  }
0x96: {  	_ =	strace s2  }
0x97: {  	_ =	strace $0x8FFFFFFF  }
0x98: {  	s18 =	sld [smem:$0x3FDB];
	_ =	sdelay $0x1  }
0x99: {  	s19 =	simm.s32 $_scs_section_size  }
0x9a: {  	s4 =	simm.s32 $_size__tile_overlayer_lowered;
	s5 =	simm.s32 $_tile_overlayer_lowered  }
0x9b: {  	s22 =	simm.s32 $0x1BFF;
	s21 =	sshll.u32 s5, $0x1;
	s2 =	sadd.s32 s19, s18  }
0x9c: {  	s6 =	simm.s32 $0x0;
	s20 =	sshll.u32 s4, $0x1;
	s4 =	sadd.s32 s21, s2  }
0x9d: {  	[timem:s6], [sflag:s22] =	dma.local [hbm:s4], s20  }
0x9e: {  	_ =	swait.ge [sflag:s22], s20  }
0x9f: {  	s3 =	ssub.s32 $0x0, s20;
	[sflag:s22] =	ssyncset.done $0x0  }
0xa0: {  	[sflag:s22] =	ssyncadd.s32 s3;
	_ =	sdelay $0x1  }
0xa1: {  	s23 =	simm.s32 $0x1B8B  }
0xa2: {  	_ =	swait.ge [sflag:s23], $0x1  }
0xa3: {  	[sflag:s23] =	ssyncset.done $0x0  }
0xa4: {  	s25 =	simm.s32 $0x1B8E;
	s24 =	sld [smem:$0x3FFE];
	[sflag:s23] =	ssyncadd.s32 $0xFFFFFFFF  }
0xa5: {  	s26 =	simm.s32 $execute0_lowered;
	[smem:$0x3FD2] =	sst s25  }
0xa6: {  	s4 =	sshll.u32 s26, $0x1;
	_ =	strace $0x80000049;
	[dreg:$0x1] =	wrdreg $0xFFFFFFFF  }
0xa7: {  	s28 =	simm.s32 $_size_execute0_lowered;
	s2 =	sadd.s32 s2, s4;
	[dreg:$0x0] =	wrdreg $0x0  }
0xa8: {  	s4 =	sshll.u32 s28, $0x1;
	[dreg:$0x2] =	wrdreg s2  }
0xa9: {  	[dreg:$0x3] =	wrdreg s4  }
0xaa: {  	[dreg:$0x4] =	wrdreg $0xC0  }
0xab: {  	_ =	task [dreg:s6], $0x5FFFF  }
0xac: {  	[dreg:$0x1] =	wrdreg $0xFFFFFFFF  }
0xad: {  	[dreg:$0x0] =	wrdreg $0x60  }
0xae: {  	[dreg:$0x2] =	wrdreg s24  }
0xaf: {  	[dreg:$0x3] =	wrdreg $0x94000  }
0xb0: {  	[dreg:$0x4] =	wrdreg $0x9  }
0xb1: {  	_ =	task.clear_ibuf [dreg:s6], $0x5FFFF;
	_ =	strace $0x90000049  }
0xb2: {  	s29 =	simm.s32 $0x9;
	_ =	strace $0x8000004B  }
0xb3: {  	_ =	swait.ge [sflag:s29], $0x1  }
0xb4: {  	[sflag:s29] =	ssyncadd.s32 $0xFFFFFFFF  }
0xb5: {  	_ =	strace $0x9000004B  }
0xb6: {  	_ =	sfence  }
0xb7: {  	s30 =	sld [smem:$0x0];
	_ =	sdelay $0x2  }
0xb8: {  	s31 =	sshll.u32 s1, $0xD;
	s1 =	sshrl.u32 s1, $0x2  }
0xb9: {  	s3 =	sand.u32 $0x4000, s31;
	s1 =	sadd.s32 s1, s30  }
0xba: {  	s0 =	sor.u32 s3, s0;
	s1 =	sshll.u32 s1, $0x11  }
0xbb: {  	s0 =	sor.u32 s1, s0  }
0xbc: {  	s0 =	sadd.s32 $0x8F2B, s0  }
0xbd: {  	[sflag:s0] =	ssyncadd.remote.s32 $0x1  }
0xbe: {  	_ =	sfence.sel $0xFFFF  }
0xbf: {  	[dreg:$0x0] =	wrdreg $0xFFFFFFFF;
	(pc) =	sbr.abs _section_cstart, $3  }
0xc0: {  	[dreg:$0x1] =	wrdreg $0xFFFFFFFF  }
0xc1: {  	_ =	task.clear_ibuf [dreg:s6], $0x2FFFF;
	_ =	strace $0x9FFFFFFF  }
0xc2: {  	(tm) =	ssettm $0x7FFFFFFF  }
0xc3: {  	_ =	shalt  }
tec
execute0_lowered:
.L_overlay_start_1:
0x0: {  	(tag) =	ssettag $0x1  }
0x1: {  	s0 =	rddreg [dreg:$0x0]  }
0x2: {  	s1 =	rddreg [dreg:$0x1];
	s11 =	stileid.u32  }
0x3: {  	s2 =	srdreg.scid;
	s6 =	smul.u32 $0x14000, s11  }
0x4: {  	s3 =	simm.s32 $0x0;
	s2 =	sand.u32 $0x1, s2;
	s24 =	smul.u32 $0x50000, s11  }
0x5: {  	[smem:$0x7FF] =	sst s3;
	s5 =	smul.u32 $0x140000, s2;
	s7 =	sshll.u32 s2, $0x4  }
0x6: {  	s9 =	ssub.s32 $0x2, s2;
	s2 =	smul.u32 $0x28000, s2;
	s7 =	sor.u32 s11, s7  }
0x7: {  	s4 =	sadd.s32 $0x16400, s0;
	s8 =	sadd.s32 $0xC400, s0;
	s19 =	smul.u32 $0x2800, s7  }
0x8: {  	_ =	strace $0x8000004A;
	s20 =	sshrl.u32 s9, $0x1;
	s11 =	smul.u32 $0x2800, s11  }
0x9: {  	s5 =	sadd.s32 s6, s5;
	s7 =	sadd.s32 $0x1A00, s0;
	s6 =	sshrl.u32 s19, $0x3  }
0xa: {  	s5 =	sshrl.u32 s5, $0x3;
	s2 =	sadd.s32 s11, s2;
	s21 =	sadd.s32 s8, s6  }
0xb: {  	s0 =	sadd.s32 s5, s0;
	s10 =	sadd.s32 s7, s6;
	[dreg:$0x9] =	wrdreg s21  }
0xc: {  	s5 =	ssub.s32 s9, s20;
	s0 =	sadd.s32 $0x3D600, s0;
	[dreg:$0xa] =	wrdreg s10  }
0xd: {  	s22 =	sor.u32 $0x10, s6;
	s11 =	smax.u32 s5, $0x1;
	[dreg:$0x11] =	wrdreg s0  }
0xe: {  	s23 =	sadd.s32 s8, s22;
	[dreg:$0x12] =	wrdreg s11  }
0xf: {  	s25 =	sor.u32 $0x20, s6;
	s9 =	sadd.s32 s7, s22;
	[dreg:$0xb] =	wrdreg s23  }
0x10: {  	s6 =	sor.u32 $0x30, s6;
	s12 =	sadd.s32 s8, s25;
	[dreg:$0xc] =	wrdreg s9  }
0x11: {  	s18 =	sor.u32 $0x300, s2;
	s26 =	sadd.s32 s8, s6;
	[dreg:$0xd] =	wrdreg s12  }
0x12: {  	s19 =	sshrl.u32 s18, $0x3;
	s6 =	sadd.s32 s7, s6;
	[dreg:$0xf] =	wrdreg s26  }
0x13: {  	s20 =	sadd.s32 s19, s7;
	[dreg:$0x10] =	wrdreg s6  }
0x14: {  	s10 =	sshrl.u32 s24, $0x2;
	s22 =	sadd.s32 s19, s8;
	[dreg:$0x5] =	wrdreg s20  }
0x15: {  	s9 =	sadd.s32 s7, s25;
	s13 =	sadd.s32 s10, s1;
	[dreg:$0x6] =	wrdreg s22  }
0x16: {  	[dreg:$0xe] =	wrdreg s9;
	s14 =	sadd.s32 $0x1000, s13  }
0x17: {  	s15 =	sadd.s32 $0x2000, s13;
	[dreg:$0x13] =	wrdreg s14  }
0x18: {  	s16 =	sadd.s32 $0x3000, s13;
	[dreg:$0x14] =	wrdreg s15  }
0x19: {  	s21 =	sor.u32 $0x280, s2;
	s24 =	sadd.s32 $0x4000, s13;
	[dreg:$0x15] =	wrdreg s16  }
0x1a: {  	s23 =	sshrl.u32 s21, $0x3;
	s26 =	sadd.s32 $0x5000, s13;
	[dreg:$0x16] =	wrdreg s24  }
0x1b: {  	s25 =	sadd.s32 s23, s7;
	[dreg:$0x17] =	wrdreg s26  }
0x1c: {  	s28 =	simm.s32 $0x3;
	s10 =	sadd.s32 $0x6000, s13;
	[dreg:$0x7] =	wrdreg s25  }
0x1d: {  	s12 =	sor.u32 $0x380, s2;
	s11 =	sadd.s32 s23, s8;
	[dreg:$0x18] =	wrdreg s10  }
0x1e: {  	s0 =	sshrl.u32 s12, $0x3;
	s12 =	sadd.s32 $0x7000, s13;
	[dreg:$0x8] =	wrdreg s11  }
0x1f: {  	s29 =	simm.s32 $0x7;
	s18 =	sadd.s32 $0xC000, s13;
	[dreg:$0x19] =	wrdreg s12  }
0x20: {  	s30 =	simm.s32 $0x4;
	s19 =	sadd.s32 $0xD000, s13;
	[dreg:$0x1e] =	wrdreg s18  }
0x21: {  	s31 =	simm.s32 $0x8;
	s20 =	sadd.s32 $0xE000, s13;
	[dreg:$0x1f] =	wrdreg s19  }
0x22: {  	s9 =	sor.u32 $0x200, s2;
	s21 =	sadd.s32 $0xF000, s13;
	[smem:$0x7F9] =	sst s20  }
0x23: {  	s22 =	sadd.s32 $0x10000, s13;
	s17 =	sadd.s32 s0, s7;
	[smem:$0x7FA] =	sst s21  }
0x24: {  	s0 =	sadd.s32 s0, s8;
	s14 =	sadd.s32 $0x8000, s13;
	[smem:$0x7FB] =	sst s22  }
0x25: {  	s15 =	sadd.s32 $0x9000, s13;
	s16 =	sadd.s32 $0xA000, s13;
	[dreg:$0x3] =	wrdreg s17  }
0x26: {  	s25 =	sadd.s32 $0x11000, s13;
	s26 =	sadd.s32 $0x12000, s13;
	[dreg:$0x4] =	wrdreg s0  }
0x27: {  	s10 =	simm.s32 $0x80;
	s11 =	simm.s32 $0x280;
	[dreg:$0x1a] =	wrdreg s14  }
0x28: {  	s12 =	simm.s32 $0x100;
	s18 =	simm.s32 $0x400;
	[dreg:$0x1b] =	wrdreg s15  }
0x29: {  	s19 =	simm.s32 $0x6;
	s20 =	simm.s32 $0x4400;
	[dreg:$0x1c] =	wrdreg s16  }
0x2a: {  	s21 =	simm.s32 $0x8400;
	s22 =	simm.s32 $0x9;
	[smem:$0x7FC] =	sst s25  }
0x2b: {  	s0 =	sshrl.u32 s9, $0x3;
	s17 =	sadd.s32 $0xB000, s13;
	[smem:$0x7FD] =	sst s26  }
0x2c: {  	s9 =	simm.s32 $0x200;
	s14 =	simm.s32 $0x300;
	s15 =	simm.s32 $0x180  }
0x2d: {  	s16 =	simm.s32 $0x380;
	s25 =	simm.s32 $0x1;
	s26 =	simm.s32 $0x2  }
0x2e: {  	s23 =	sadd.s32 s0, s7;
	s24 =	sadd.s32 s0, s8;
	[dreg:$0x1d] =	wrdreg s17  }
0x2f: {  	v0 =	vimm.f32 $0.0e+00;
	s8 =	sadd.s32 $0x13000, s13;
	s17 =	simm.s32 $0x5;
	s0 =	simm.s32 $0x0  }
.LBB2_1:
0x30: {  	s2 =	rddreg [dreg:$0x9]  }
0x31: {  	[tilespmem:s3], [sflag:$0x5] =	stream.linear.gather [hbm4b:s2+s3], $0x80, $0x38;
	[tilespmem:$0x1D400] =	vst v63  }
0x32: {  	s7 =	rddreg [dreg:$0xa]  }
0x33: {  	[tilespmem:s9], [sflag:$0x5] =	stream.linear.gather [hbm4b:s7+s3], $0x80, $0x38;
	[tilespmem:$0x1D400] =	vst v63  }
0x34: {  	s5 =	rddreg [dreg:$0xb]  }
0x35: {  	[tilespmem:s10], [sflag:$0x6] =	stream.linear.gather [hbm4b:s5+s3], $0x80, $0x38;
	[tilespmem:$0x1D400] =	vst v63  }
0x36: {  	s6 =	rddreg [dreg:$0xc]  }
0x37: {  	[tilespmem:s11], [sflag:$0x6] =	stream.linear.gather [hbm4b:s6+s3], $0x80, $0x38;
	[tilespmem:$0x1D400] =	vst v63  }
0x38: {  	s7 =	rddreg [dreg:$0xd]  }
0x39: {  	[tilespmem:s12], [sflag:$0x7] =	stream.linear.gather [hbm4b:s7+s3], $0x80, $0x38;
	[tilespmem:$0x1D400] =	vst v63  }
0x3a: {  	s5 =	rddreg [dreg:$0xe]  }
0x3b: {  	[tilespmem:s14], [sflag:$0x7] =	stream.linear.gather [hbm4b:s5+s3], $0x80, $0x38;
	[tilespmem:$0x1D400] =	vst v63  }
0x3c: {  	s6 =	rddreg [dreg:$0xf]  }
0x3d: {  	[tilespmem:s15], [sflag:$0x8] =	stream.linear.gather [hbm4b:s6+s3], $0x80, $0x38;
	[tilespmem:$0x1D400] =	vst v63  }
0x3e: {  	s7 =	rddreg [dreg:$0x10]  }
0x3f: {  	[tilespmem:s16], [sflag:$0x8] =	stream.linear.gather [hbm4b:s7+s3], $0x80, $0x38;
	[tilespmem:$0x1D400] =	vst v63  }
0x40: {  	_ =	swait.ge [sflag:s17], $0x80  }
0x41: {  	[sflag:s17] =	ssyncset.done $0x0  }
0x42: {  	[sflag:s17] =	ssyncadd.s32 $0xFFFFFF80  }
0x43: {  	_ =	swait.ge [sflag:s17], $0x80  }
0x44: {  	[sflag:s17] =	ssyncset.done $0x0  }
0x45: {  	[sflag:s17] =	ssyncadd.s32 $0xFFFFFF80  }
0x46: {  	[tilespmem:s18], [sflag:$0x1] =	stream.indirect.gather [hbm4b:s4+s10], $0x80, s3, s10, $0xb8;
	[tilespmem:$0x1D400] =	vst v63  }
0x47: {  	_ =	swait.ge [sflag:s19], $0x80  }
0x48: {  	[sflag:s19] =	ssyncset.done $0x0  }
0x49: {  	[sflag:s19] =	ssyncadd.s32 $0xFFFFFF80  }
0x4a: {  	_ =	swait.ge [sflag:s19], $0x80  }
0x4b: {  	[sflag:s19] =	ssyncset.done $0x0  }
0x4c: {  	s2 =	simm.s32 $0x0;
	s5 =	simm.s32 $0x200;
	[sflag:s19] =	ssyncadd.s32 $0xFFFFFF80  }
0x4d: {  	[tilespmem:s20], [sflag:$0x2] =	stream.indirect.gather [hbm4b:s4+s10], $0x80, s10, s10, $0xb8;
	[tilespmem:$0x1D400] =	vst v63  }
.LBB2_2:
0x4e: {  	p0 =	seq.s32 s5, $0x3E00;
	[tilespmem:s2+$0x8470] =	vst v0  }
0x4f: {  	[tilespmem:s2+$0x8400] =	vst v0  }
0x50: {  	[tilespmem:s2+$0x8410] =	vst v0  }
.Ltmp0:
0x51: {  	[tilespmem:s2+$0x8420] =	vst v0;
	(pc) =	sbr.rel @!p0 .LBB2_2-.Ltmp0, $4  }
0x52: {  	[tilespmem:s2+$0x8430] =	vst v0  }
0x53: {  	[tilespmem:s2+$0x8440] =	vst v0  }
0x54: {  	[tilespmem:s2+$0x8450] =	vst v0  }
0x55: {  	[tilespmem:s2+$0x8460] =	vst v0;
	s2 =	sshra.s32 s5, $0x2;
	s5 =	sadd.s32 $0x200, s5  }
0x56: {  	[tilespmem:s2+$0x8470] =	vst v0  }
0x57: {  	[tilespmem:s2+$0x8400] =	vst v0  }
0x58: {  	[tilespmem:s2+$0x8410] =	vst v0  }
0x59: {  	[tilespmem:s2+$0x8420] =	vst v0  }
0x5a: {  	[tilespmem:s2+$0x8430] =	vst v0  }
0x5b: {  	[tilespmem:s2+$0x8440] =	vst v0  }
0x5c: {  	[tilespmem:s2+$0x8450] =	vst v0  }
0x5d: {  	[tilespmem:s2+$0x8460] =	vst v0  }
0x5e: {  	[spmem:s13] =	stream.linear.scatter [tilespmem:s21], [sflag:$0x9], $0x1000, $0x38;
	[tilespmem:$0x1D400] =	vst v63  }
0x5f: {  	_ =	swait.ge [sflag:s22], $0x1000  }
0x60: {  	[sflag:s22] =	ssyncset.done $0x0  }
0x61: {  	s7 =	rddreg [dreg:$0x13];
	[sflag:s22] =	ssyncadd.s32 $0xFFFFF000  }
0x62: {  	[spmem:s7] =	stream.linear.scatter [tilespmem:s21], [sflag:$0x9], $0x1000, $0x38;
	[tilespmem:$0x1D400] =	vst v63  }
0x63: {  	_ =	swait.ge [sflag:s22], $0x1000  }
0x64: {  	[sflag:s22] =	ssyncset.done $0x0  }
0x65: {  	s5 =	rddreg [dreg:$0x14];
	[sflag:s22] =	ssyncadd.s32 $0xFFFFF000  }
0x66: {  	[spmem:s5] =	stream.linear.scatter [tilespmem:s21], [sflag:$0x9], $0x1000, $0x38;
	[tilespmem:$0x1D400] =	vst v63  }
0x67: {  	_ =	swait.ge [sflag:s22], $0x1000  }
0x68: {  	[sflag:s22] =	ssyncset.done $0x0  }
0x69: {  	s6 =	rddreg [dreg:$0x15];
	[sflag:s22] =	ssyncadd.s32 $0xFFFFF000  }
0x6a: {  	[spmem:s6] =	stream.linear.scatter [tilespmem:s21], [sflag:$0x9], $0x1000, $0x38;
	[tilespmem:$0x1D400] =	vst v63  }
0x6b: {  	_ =	swait.ge [sflag:s22], $0x1000  }
0x6c: {  	[sflag:s22] =	ssyncset.done $0x0  }
0x6d: {  	s7 =	rddreg [dreg:$0x16];
	[sflag:s22] =	ssyncadd.s32 $0xFFFFF000  }
0x6e: {  	[spmem:s7] =	stream.linear.scatter [tilespmem:s21], [sflag:$0x9], $0x1000, $0x38;
	[tilespmem:$0x1D400] =	vst v63  }
0x6f: {  	_ =	swait.ge [sflag:s22], $0x1000  }
0x70: {  	[sflag:s22] =	ssyncset.done $0x0  }
0x71: {  	s5 =	rddreg [dreg:$0x17];
	[sflag:s22] =	ssyncadd.s32 $0xFFFFF000  }
0x72: {  	[spmem:s5] =	stream.linear.scatter [tilespmem:s21], [sflag:$0x9], $0x1000, $0x38;
	[tilespmem:$0x1D400] =	vst v63  }
0x73: {  	_ =	swait.ge [sflag:s22], $0x1000  }
0x74: {  	[sflag:s22] =	ssyncset.done $0x0  }
0x75: {  	s6 =	rddreg [dreg:$0x18];
	[sflag:s22] =	ssyncadd.s32 $0xFFFFF000  }
0x76: {  	[spmem:s6] =	stream.linear.scatter [tilespmem:s21], [sflag:$0x9], $0x1000, $0x38;
	[tilespmem:$0x1D400] =	vst v63  }
0x77: {  	_ =	swait.ge [sflag:s22], $0x1000  }
0x78: {  	[sflag:s22] =	ssyncset.done $0x0  }
0x79: {  	s7 =	rddreg [dreg:$0x19];
	[sflag:s22] =	ssyncadd.s32 $0xFFFFF000  }
0x7a: {  	[spmem:s7] =	stream.linear.scatter [tilespmem:s21], [sflag:$0x9], $0x1000, $0x38;
	[tilespmem:$0x1D400] =	vst v63  }
0x7b: {  	_ =	swait.ge [sflag:s22], $0x1000  }
0x7c: {  	[sflag:s22] =	ssyncset.done $0x0  }
0x7d: {  	s5 =	rddreg [dreg:$0x1a];
	[sflag:s22] =	ssyncadd.s32 $0xFFFFF000  }
0x7e: {  	[spmem:s5] =	stream.linear.scatter [tilespmem:s21], [sflag:$0x9], $0x1000, $0x38;
	[tilespmem:$0x1D400] =	vst v63  }
0x7f: {  	_ =	swait.ge [sflag:s22], $0x1000  }
0x80: {  	[sflag:s22] =	ssyncset.done $0x0  }
0x81: {  	s6 =	rddreg [dreg:$0x1b];
	[sflag:s22] =	ssyncadd.s32 $0xFFFFF000  }
0x82: {  	[spmem:s6] =	stream.linear.scatter [tilespmem:s21], [sflag:$0x9], $0x1000, $0x38;
	[tilespmem:$0x1D400] =	vst v63  }
0x83: {  	_ =	swait.ge [sflag:s22], $0x1000  }
0x84: {  	[sflag:s22] =	ssyncset.done $0x0  }
0x85: {  	s7 =	rddreg [dreg:$0x1c];
	[sflag:s22] =	ssyncadd.s32 $0xFFFFF000  }
0x86: {  	[spmem:s7] =	stream.linear.scatter [tilespmem:s21], [sflag:$0x9], $0x1000, $0x38;
	[tilespmem:$0x1D400] =	vst v63  }
0x87: {  	_ =	swait.ge [sflag:s22], $0x1000  }
0x88: {  	[sflag:s22] =	ssyncset.done $0x0  }
0x89: {  	s5 =	rddreg [dreg:$0x1d];
	[sflag:s22] =	ssyncadd.s32 $0xFFFFF000  }
0x8a: {  	[spmem:s5] =	stream.linear.scatter [tilespmem:s21], [sflag:$0x9], $0x1000, $0x38;
	[tilespmem:$0x1D400] =	vst v63  }
0x8b: {  	_ =	swait.ge [sflag:s22], $0x1000  }
0x8c: {  	[sflag:s22] =	ssyncset.done $0x0  }
0x8d: {  	s6 =	rddreg [dreg:$0x1e];
	[sflag:s22] =	ssyncadd.s32 $0xFFFFF000  }
0x8e: {  	[spmem:s6] =	stream.linear.scatter [tilespmem:s21], [sflag:$0x9], $0x1000, $0x38;
	[tilespmem:$0x1D400] =	vst v63  }
0x8f: {  	_ =	swait.ge [sflag:s22], $0x1000  }
0x90: {  	[sflag:s22] =	ssyncset.done $0x0  }
0x91: {  	s7 =	rddreg [dreg:$0x1f];
	[sflag:s22] =	ssyncadd.s32 $0xFFFFF000  }
0x92: {  	[spmem:s7] =	stream.linear.scatter [tilespmem:s21], [sflag:$0x9], $0x1000, $0x38;
	[tilespmem:$0x1D400] =	vst v63  }
0x93: {  	_ =	swait.ge [sflag:s22], $0x1000  }
0x94: {  	s5 =	sld [smem:$0x7F9]  }
0x95: {  	[sflag:s22] =	ssyncset.done $0x0  }
0x96: {  	[sflag:s22] =	ssyncadd.s32 $0xFFFFF000  }
0x97: {  	[spmem:s5] =	stream.linear.scatter [tilespmem:s21], [sflag:$0x9], $0x1000, $0x38;
	[tilespmem:$0x1D400] =	vst v63  }
0x98: {  	_ =	swait.ge [sflag:s22], $0x1000  }
0x99: {  	s6 =	sld [smem:$0x7FA]  }
0x9a: {  	[sflag:s22] =	ssyncset.done $0x0  }
0x9b: {  	[sflag:s22] =	ssyncadd.s32 $0xFFFFF000  }
0x9c: {  	[spmem:s6] =	stream.linear.scatter [tilespmem:s21], [sflag:$0x9], $0x1000, $0x38;
	[tilespmem:$0x1D400] =	vst v63  }
0x9d: {  	_ =	swait.ge [sflag:s22], $0x1000  }
0x9e: {  	s7 =	sld [smem:$0x7FB]  }
0x9f: {  	[sflag:s22] =	ssyncset.done $0x0  }
0xa0: {  	[sflag:s22] =	ssyncadd.s32 $0xFFFFF000  }
0xa1: {  	[spmem:s7] =	stream.linear.scatter [tilespmem:s21], [sflag:$0x9], $0x1000, $0x38;
	[tilespmem:$0x1D400] =	vst v63  }
0xa2: {  	_ =	swait.ge [sflag:s22], $0x1000  }
0xa3: {  	s5 =	sld [smem:$0x7FC]  }
0xa4: {  	[sflag:s22] =	ssyncset.done $0x0  }
0xa5: {  	[sflag:s22] =	ssyncadd.s32 $0xFFFFF000  }
0xa6: {  	[spmem:s5] =	stream.linear.scatter [tilespmem:s21], [sflag:$0x9], $0x1000, $0x38;
	[tilespmem:$0x1D400] =	vst v63  }
0xa7: {  	_ =	swait.ge [sflag:s22], $0x1000  }
0xa8: {  	s6 =	sld [smem:$0x7FD]  }
0xa9: {  	[sflag:s22] =	ssyncset.done $0x0  }
0xaa: {  	[sflag:s22] =	ssyncadd.s32 $0xFFFFF000  }
0xab: {  	[spmem:s6] =	stream.linear.scatter [tilespmem:s21], [sflag:$0x9], $0x1000, $0x38;
	[tilespmem:$0x1D400] =	vst v63  }
0xac: {  	_ =	swait.ge [sflag:s22], $0x1000  }
0xad: {  	[sflag:s22] =	ssyncset.done $0x0  }
0xae: {  	[sflag:s22] =	ssyncadd.s32 $0xFFFFF000  }
0xaf: {  	[spmem:s8] =	stream.linear.scatter [tilespmem:s21], [sflag:$0x9], $0x1000, $0x38;
	[tilespmem:$0x1D400] =	vst v63  }
0xb0: {  	_ =	swait.ge [sflag:s22], $0x1000  }
0xb1: {  	[sflag:s22] =	ssyncset.done $0x0  }
0xb2: {  	[sflag:s22] =	ssyncadd.s32 $0xFFFFF000  }
0xb3: {  	[bflag:$0x0] =	sbarrier.arrive $0xFFFF  }
0xb4: {  	_ =	swait.ge [sflag:s25], $0x4000  }
0xb5: {  	[sflag:s25] =	ssyncset.done $0x0  }
0xb6: {  	[sflag:s25] =	ssyncadd.s32 $0xFFFFC000  }
0xb7: {  	[spmem:s1] =	stream.indirect.scatter.add.f32 [tilespmem:s18], [sflag:$0x3], $0x80, s9, s10, $0xb8;
	[tilespmem:$0x1D400] =	vst v63  }
0xb8: {  	_ =	swait.ge [sflag:s26], $0x4000  }
0xb9: {  	[sflag:s26] =	ssyncset.done $0x0  }
0xba: {  	[sflag:s26] =	ssyncadd.s32 $0xFFFFC000  }
0xbb: {  	[spmem:s1] =	stream.indirect.scatter.add.f32 [tilespmem:s20], [sflag:$0x4], $0x80, s11, s10, $0xb8;
	[tilespmem:$0x1D400] =	vst v63  }
0xbc: {  	_ =	swait.ge [sflag:s28], $0x4000  }
0xbd: {  	[sflag:s28] =	ssyncset.done $0x0  }
0xbe: {  	s7 =	sadd.s32 $0x0, s24;
	[sflag:s28] =	ssyncadd.s32 $0xFFFFC000  }
0xbf: {  	[tilespmem:s3], [sflag:$0x5] =	stream.linear.gather [hbm4b:s7+s3], $0x80, $0x38;
	[tilespmem:$0x1D400] =	vst v63  }
0xc0: {  	s5 =	sadd.s32 $0x0, s23  }
0xc1: {  	[tilespmem:s9], [sflag:$0x5] =	stream.linear.gather [hbm4b:s5+s3], $0x80, $0x38;
	[tilespmem:$0x1D400] =	vst v63  }
0xc2: {  	_ =	swait.ge [sflag:s29], $0x80  }
0xc3: {  	[sflag:s29] =	ssyncset.done $0x0  }
0xc4: {  	[sflag:s29] =	ssyncadd.s32 $0xFFFFFF80  }
0xc5: {  	_ =	swait.ge [sflag:s29], $0x80  }
0xc6: {  	[sflag:s29] =	ssyncset.done $0x0  }
0xc7: {  	[sflag:s29] =	ssyncadd.s32 $0xFFFFFF80  }
0xc8: {  	[tilespmem:s18], [sflag:$0x1] =	stream.indirect.gather [hbm4b:s4+s10], $0x80, s12, s10, $0xb8;
	[tilespmem:$0x1D400] =	vst v63  }
0xc9: {  	_ =	swait.ge [sflag:s30], $0x4000  }
0xca: {  	s6 =	rddreg [dreg:$0x8];
	[sflag:s30] =	ssyncset.done $0x0  }
0xcb: {  	s5 =	rddreg [dreg:$0x7];
	[sflag:s30] =	ssyncadd.s32 $0xFFFFC000;
	s2 =	sadd.s32 $0x0, s6  }
0xcc: {  	[tilespmem:s10], [sflag:$0x6] =	stream.linear.gather [hbm4b:s2+s3], $0x80, $0x38;
	[tilespmem:$0x1D400] =	vst v63  }
0xcd: {  	s7 =	sadd.s32 $0x0, s5  }
0xce: {  	[tilespmem:s11], [sflag:$0x6] =	stream.linear.gather [hbm4b:s7+s3], $0x80, $0x38;
	[tilespmem:$0x1D400] =	vst v63  }
0xcf: {  	_ =	swait.ge [sflag:s31], $0x80  }
0xd0: {  	[sflag:s31] =	ssyncset.done $0x0  }
0xd1: {  	[sflag:s31] =	ssyncadd.s32 $0xFFFFFF80  }
0xd2: {  	_ =	swait.ge [sflag:s31], $0x80  }
0xd3: {  	[sflag:s31] =	ssyncset.done $0x0  }
0xd4: {  	[sflag:s31] =	ssyncadd.s32 $0xFFFFFF80  }
0xd5: {  	[tilespmem:s20], [sflag:$0x2] =	stream.indirect.gather [hbm4b:s4+s10], $0x80, s15, s10, $0xb8;
	[tilespmem:$0x1D400] =	vst v63  }
0xd6: {  	_ =	swait.ge [sflag:s25], $0x4000  }
0xd7: {  	[sflag:s25] =	ssyncset.done $0x0  }
0xd8: {  	[sflag:s25] =	ssyncadd.s32 $0xFFFFC000  }
0xd9: {  	[spmem:s1] =	stream.indirect.scatter.add.f32 [tilespmem:s18], [sflag:$0x3], $0x80, s14, s10, $0xb8;
	[tilespmem:$0x1D400] =	vst v63  }
0xda: {  	_ =	swait.ge [sflag:s26], $0x4000  }
0xdb: {  	[sflag:s26] =	ssyncset.done $0x0  }
0xdc: {  	[sflag:s26] =	ssyncadd.s32 $0xFFFFC000  }
0xdd: {  	[spmem:s1] =	stream.indirect.scatter.add.f32 [tilespmem:s20], [sflag:$0x4], $0x80, s16, s10, $0xb8;
	[tilespmem:$0x1D400] =	vst v63  }
0xde: {  	_ =	swait.ge [sflag:s28], $0x4000  }
0xdf: {  	s5 =	rddreg [dreg:$0x6];
	[sflag:s28] =	ssyncset.done $0x0  }
0xe0: {  	s6 =	rddreg [dreg:$0x5];
	[sflag:s28] =	ssyncadd.s32 $0xFFFFC000;
	s2 =	sadd.s32 $0x0, s5  }
0xe1: {  	[tilespmem:s12], [sflag:$0x7] =	stream.linear.gather [hbm4b:s2+s3], $0x80, $0x38;
	[tilespmem:$0x1D400] =	vst v63  }
0xe2: {  	s7 =	sadd.s32 $0x0, s6  }
0xe3: {  	[tilespmem:s14], [sflag:$0x7] =	stream.linear.gather [hbm4b:s7+s3], $0x80, $0x38;
	[tilespmem:$0x1D400] =	vst v63  }
0xe4: {  	_ =	swait.ge [sflag:s17], $0x80  }
0xe5: {  	[sflag:s17] =	ssyncset.done $0x0  }
0xe6: {  	[sflag:s17] =	ssyncadd.s32 $0xFFFFFF80  }
0xe7: {  	_ =	swait.ge [sflag:s17], $0x80  }
0xe8: {  	[sflag:s17] =	ssyncset.done $0x0  }
0xe9: {  	[sflag:s17] =	ssyncadd.s32 $0xFFFFFF80  }
0xea: {  	[tilespmem:s18], [sflag:$0x1] =	stream.indirect.gather [hbm4b:s4+s10], $0x80, s3, s10, $0xb8;
	[tilespmem:$0x1D400] =	vst v63  }
0xeb: {  	_ =	swait.ge [sflag:s30], $0x4000  }
0xec: {  	s5 =	rddreg [dreg:$0x4];
	[sflag:s30] =	ssyncset.done $0x0  }
0xed: {  	s6 =	rddreg [dreg:$0x3];
	[sflag:s30] =	ssyncadd.s32 $0xFFFFC000;
	s2 =	sadd.s32 $0x0, s5  }
0xee: {  	[tilespmem:s15], [sflag:$0x8] =	stream.linear.gather [hbm4b:s2+s3], $0x80, $0x38;
	[tilespmem:$0x1D400] =	vst v63  }
0xef: {  	s7 =	sadd.s32 $0x0, s6  }
0xf0: {  	[tilespmem:s16], [sflag:$0x8] =	stream.linear.gather [hbm4b:s7+s3], $0x80, $0x38;
	[tilespmem:$0x1D400] =	vst v63  }
0xf1: {  	_ =	swait.ge [sflag:s19], $0x80  }
0xf2: {  	[sflag:s19] =	ssyncset.done $0x0  }
0xf3: {  	[sflag:s19] =	ssyncadd.s32 $0xFFFFFF80  }
0xf4: {  	_ =	swait.ge [sflag:s19], $0x80  }
0xf5: {  	[sflag:s19] =	ssyncset.done $0x0  }
0xf6: {  	s2 =	simm.s32 $0x40;
	[sflag:s19] =	ssyncadd.s32 $0xFFFFFF80  }
.LBB2_4:
0xf7: {  	[tilespmem:s20], [sflag:$0x2] =	stream.indirect.gather [hbm4b:s4+s10], $0x80, s10, s10, $0xb8;
	[tilespmem:$0x1D400] =	vst v63  }
0xf8: {  	_ =	swait.ge [sflag:s25], $0x4000  }
0xf9: {  	[sflag:s25] =	ssyncset.done $0x0  }
0xfa: {  	[sflag:s25] =	ssyncadd.s32 $0xFFFFC000  }
0xfb: {  	[spmem:s1] =	stream.indirect.scatter.add.f32 [tilespmem:s18], [sflag:$0x3], $0x80, s9, s10, $0xb8;
	[tilespmem:$0x1D400] =	vst v63  }
0xfc: {  	_ =	swait.ge [sflag:s26], $0x4000  }
0xfd: {  	[sflag:s26] =	ssyncset.done $0x0  }
0xfe: {  	[sflag:s26] =	ssyncadd.s32 $0xFFFFC000  }
0xff: {  	[spmem:s1] =	stream.indirect.scatter.add.f32 [tilespmem:s20], [sflag:$0x4], $0x80, s11, s10, $0xb8;
	[tilespmem:$0x1D400] =	vst v63  }
0x100: {  	_ =	swait.ge [sflag:s28], $0x4000  }
0x101: {  	s5 =	smov.u32 s2;
	[sflag:s28] =	ssyncset.done $0x0  }
0x102: {  	s6 =	sadd.s32 s5, s24;
	[sflag:s28] =	ssyncadd.s32 $0xFFFFC000  }
0x103: {  	[tilespmem:s3], [sflag:$0x5] =	stream.linear.gather [hbm4b:s6+s3], $0x80, $0x38;
	[tilespmem:$0x1D400] =	vst v63  }
0x104: {  	s7 =	sadd.s32 s5, s23  }
0x105: {  	[tilespmem:s9], [sflag:$0x5] =	stream.linear.gather [hbm4b:s7+s3], $0x80, $0x38;
	[tilespmem:$0x1D400] =	vst v63  }
0x106: {  	_ =	swait.ge [sflag:s29], $0x80  }
0x107: {  	[sflag:s29] =	ssyncset.done $0x0  }
0x108: {  	[sflag:s29] =	ssyncadd.s32 $0xFFFFFF80  }
0x109: {  	_ =	swait.ge [sflag:s29], $0x80  }
0x10a: {  	[sflag:s29] =	ssyncset.done $0x0  }
0x10b: {  	[sflag:s29] =	ssyncadd.s32 $0xFFFFFF80  }
0x10c: {  	[tilespmem:s18], [sflag:$0x1] =	stream.indirect.gather [hbm4b:s4+s10], $0x80, s12, s10, $0xb8;
	[tilespmem:$0x1D400] =	vst v63  }
0x10d: {  	_ =	swait.ge [sflag:s30], $0x4000  }
0x10e: {  	s6 =	rddreg [dreg:$0x8];
	[sflag:s30] =	ssyncset.done $0x0  }
0x10f: {  	s7 =	rddreg [dreg:$0x7];
	[sflag:s30] =	ssyncadd.s32 $0xFFFFC000;
	s6 =	sadd.s32 s5, s6  }
0x110: {  	[tilespmem:s10], [sflag:$0x6] =	stream.linear.gather [hbm4b:s6+s3], $0x80, $0x38;
	[tilespmem:$0x1D400] =	vst v63  }
0x111: {  	s7 =	sadd.s32 s5, s7  }
0x112: {  	[tilespmem:s11], [sflag:$0x6] =	stream.linear.gather [hbm4b:s7+s3], $0x80, $0x38;
	[tilespmem:$0x1D400] =	vst v63  }
0x113: {  	_ =	swait.ge [sflag:s31], $0x80  }
0x114: {  	[sflag:s31] =	ssyncset.done $0x0  }
0x115: {  	[sflag:s31] =	ssyncadd.s32 $0xFFFFFF80  }
0x116: {  	_ =	swait.ge [sflag:s31], $0x80  }
0x117: {  	[sflag:s31] =	ssyncset.done $0x0  }
0x118: {  	[sflag:s31] =	ssyncadd.s32 $0xFFFFFF80  }
0x119: {  	[tilespmem:s20], [sflag:$0x2] =	stream.indirect.gather [hbm4b:s4+s10], $0x80, s15, s10, $0xb8;
	[tilespmem:$0x1D400] =	vst v63  }
0x11a: {  	_ =	swait.ge [sflag:s25], $0x4000  }
0x11b: {  	[sflag:s25] =	ssyncset.done $0x0  }
0x11c: {  	[sflag:s25] =	ssyncadd.s32 $0xFFFFC000  }
0x11d: {  	[spmem:s1] =	stream.indirect.scatter.add.f32 [tilespmem:s18], [sflag:$0x3], $0x80, s14, s10, $0xb8;
	[tilespmem:$0x1D400] =	vst v63  }
0x11e: {  	_ =	swait.ge [sflag:s26], $0x4000  }
0x11f: {  	[sflag:s26] =	ssyncset.done $0x0  }
0x120: {  	[sflag:s26] =	ssyncadd.s32 $0xFFFFC000  }
0x121: {  	[spmem:s1] =	stream.indirect.scatter.add.f32 [tilespmem:s20], [sflag:$0x4], $0x80, s16, s10, $0xb8;
	[tilespmem:$0x1D400] =	vst v63  }
0x122: {  	_ =	swait.ge [sflag:s28], $0x4000  }
0x123: {  	s6 =	rddreg [dreg:$0x6];
	[sflag:s28] =	ssyncset.done $0x0  }
0x124: {  	s7 =	rddreg [dreg:$0x5];
	[sflag:s28] =	ssyncadd.s32 $0xFFFFC000;
	s6 =	sadd.s32 s5, s6  }
0x125: {  	[tilespmem:s12], [sflag:$0x7] =	stream.linear.gather [hbm4b:s6+s3], $0x80, $0x38;
	[tilespmem:$0x1D400] =	vst v63  }
0x126: {  	s7 =	sadd.s32 s5, s7  }
0x127: {  	[tilespmem:s14], [sflag:$0x7] =	stream.linear.gather [hbm4b:s7+s3], $0x80, $0x38;
	[tilespmem:$0x1D400] =	vst v63  }
0x128: {  	_ =	swait.ge [sflag:s17], $0x80  }
0x129: {  	[sflag:s17] =	ssyncset.done $0x0  }
0x12a: {  	[sflag:s17] =	ssyncadd.s32 $0xFFFFFF80  }
0x12b: {  	_ =	swait.ge [sflag:s17], $0x80  }
0x12c: {  	[sflag:s17] =	ssyncset.done $0x0  }
0x12d: {  	[sflag:s17] =	ssyncadd.s32 $0xFFFFFF80  }
0x12e: {  	[tilespmem:s18], [sflag:$0x1] =	stream.indirect.gather [hbm4b:s4+s10], $0x80, s3, s10, $0xb8;
	[tilespmem:$0x1D400] =	vst v63  }
0x12f: {  	_ =	swait.ge [sflag:s30], $0x4000  }
0x130: {  	s6 =	rddreg [dreg:$0x4];
	[sflag:s30] =	ssyncset.done $0x0  }
0x131: {  	s7 =	rddreg [dreg:$0x3];
	[sflag:s30] =	ssyncadd.s32 $0xFFFFC000;
	s6 =	sadd.s32 s5, s6  }
0x132: {  	[tilespmem:s15], [sflag:$0x8] =	stream.linear.gather [hbm4b:s6+s3], $0x80, $0x38;
	[tilespmem:$0x1D400] =	vst v63  }
0x133: {  	s5 =	sadd.s32 s5, s7  }
0x134: {  	[tilespmem:s16], [sflag:$0x8] =	stream.linear.gather [hbm4b:s5+s3], $0x80, $0x38;
	[tilespmem:$0x1D400] =	vst v63  }
0x135: {  	p0 =	sne.s32 s2, $0x480;
	_ =	swait.ge [sflag:s19], $0x80  }
.Ltmp1:
0x136: {  	[sflag:s19] =	ssyncset.done $0x0;
	(pc) =	sbr.rel @p0 .LBB2_4-.Ltmp1, $4  }
0x137: {  	[sflag:s19] =	ssyncadd.s32 $0xFFFFFF80  }
0x138: {  	_ =	swait.ge [sflag:s19], $0x80  }
0x139: {  	[sflag:s19] =	ssyncset.done $0x0  }
0x13a: {  	s2 =	sadd.s32 $0x40, s2;
	[sflag:s19] =	ssyncadd.s32 $0xFFFFFF80  }
0x13b: {  	[tilespmem:s20], [sflag:$0x2] =	stream.indirect.gather [hbm4b:s4+s10], $0x80, s10, s10, $0xb8;
	[tilespmem:$0x1D400] =	vst v63  }
0x13c: {  	_ =	swait.ge [sflag:s25], $0x4000  }
0x13d: {  	[sflag:s25] =	ssyncset.done $0x0  }
0x13e: {  	[sflag:s25] =	ssyncadd.s32 $0xFFFFC000  }
0x13f: {  	[spmem:s1] =	stream.indirect.scatter.add.f32 [tilespmem:s18], [sflag:$0x3], $0x80, s9, s10, $0xb8;
	[tilespmem:$0x1D400] =	vst v63  }
0x140: {  	_ =	swait.ge [sflag:s26], $0x4000  }
0x141: {  	[sflag:s26] =	ssyncset.done $0x0  }
0x142: {  	[sflag:s26] =	ssyncadd.s32 $0xFFFFC000  }
0x143: {  	[spmem:s1] =	stream.indirect.scatter.add.f32 [tilespmem:s20], [sflag:$0x4], $0x80, s11, s10, $0xb8;
	[tilespmem:$0x1D400] =	vst v63  }
0x144: {  	_ =	swait.ge [sflag:s28], $0x4000  }
0x145: {  	[sflag:s28] =	ssyncset.done $0x0  }
0x146: {  	[sflag:s28] =	ssyncadd.s32 $0xFFFFC000  }
0x147: {  	_ =	swait.ge [sflag:s29], $0x80  }
0x148: {  	[sflag:s29] =	ssyncset.done $0x0  }
0x149: {  	[sflag:s29] =	ssyncadd.s32 $0xFFFFFF80  }
0x14a: {  	_ =	swait.ge [sflag:s29], $0x80  }
0x14b: {  	[sflag:s29] =	ssyncset.done $0x0  }
0x14c: {  	[sflag:s29] =	ssyncadd.s32 $0xFFFFFF80  }
0x14d: {  	[tilespmem:s18], [sflag:$0x1] =	stream.indirect.gather [hbm4b:s4+s10], $0x80, s12, s10, $0xb8;
	[tilespmem:$0x1D400] =	vst v63  }
0x14e: {  	_ =	swait.ge [sflag:s30], $0x4000  }
0x14f: {  	[sflag:s30] =	ssyncset.done $0x0  }
0x150: {  	[sflag:s30] =	ssyncadd.s32 $0xFFFFC000  }
0x151: {  	_ =	swait.ge [sflag:s31], $0x80  }
0x152: {  	[sflag:s31] =	ssyncset.done $0x0  }
0x153: {  	[sflag:s31] =	ssyncadd.s32 $0xFFFFFF80  }
0x154: {  	_ =	swait.ge [sflag:s31], $0x80  }
0x155: {  	[sflag:s31] =	ssyncset.done $0x0  }
0x156: {  	[sflag:s31] =	ssyncadd.s32 $0xFFFFFF80  }
0x157: {  	[tilespmem:s20], [sflag:$0x2] =	stream.indirect.gather [hbm4b:s4+s10], $0x80, s15, s10, $0xb8;
	[tilespmem:$0x1D400] =	vst v63  }
0x158: {  	_ =	swait.ge [sflag:s25], $0x4000  }
0x159: {  	[sflag:s25] =	ssyncset.done $0x0  }
0x15a: {  	[sflag:s25] =	ssyncadd.s32 $0xFFFFC000  }
0x15b: {  	[spmem:s1] =	stream.indirect.scatter.add.f32 [tilespmem:s18], [sflag:$0x3], $0x80, s14, s10, $0xb8;
	[tilespmem:$0x1D400] =	vst v63  }
0x15c: {  	_ =	swait.ge [sflag:s26], $0x4000  }
0x15d: {  	[sflag:s26] =	ssyncset.done $0x0  }
0x15e: {  	[sflag:s26] =	ssyncadd.s32 $0xFFFFC000  }
0x15f: {  	[spmem:s1] =	stream.indirect.scatter.add.f32 [tilespmem:s20], [sflag:$0x4], $0x80, s16, s10, $0xb8;
	[tilespmem:$0x1D400] =	vst v63  }
0x160: {  	_ =	swait.ge [sflag:s28], $0x4000  }
0x161: {  	[sflag:s28] =	ssyncset.done $0x0  }
0x162: {  	[sflag:s28] =	ssyncadd.s32 $0xFFFFC000  }
0x163: {  	_ =	swait.ge [sflag:s30], $0x4000  }
0x164: {  	[sflag:s30] =	ssyncset.done $0x0  }
0x165: {  	s2 =	stileid.u32;
	[sflag:s30] =	ssyncadd.s32 $0xFFFFC000  }
0x166: {  	s2 =	sshll.u32 s2, $0x6;
	[bflag:$0x0] =	sbarrier.arrive $0xFFFF  }
0x167: {  	s5 =	sshrl.u32 s13, $0x3;
	s2 =	sor.u32 $0x1C09, s2;
	s6 =	rddreg [dreg:$0x11]  }
0x168: {  	[hbm:s6], [sflag:s2] =	dma.local [spmem:s5], $0x2800  }
0x169: {  	_ =	swait.ge [sflag:s22], $0x2800  }
0x16a: {  	s0 =	sadd.s32 $0x1, s0;
	s7 =	rddreg [dreg:$0x12]  }
0x16b: {  	p0 =	sne.s32 s0, s7  }
.Ltmp2:
0x16c: {  	_ = 	snop;
	(pc) =	sbr.rel @p0 .LBB2_1-.Ltmp2, $3  }
0x16d: {  	_ =	sdelay $0x1  }
0x16e: {  	[sflag:s22] =	ssyncset.done $0x0  }
0x16f: {  	[sflag:s22] =	ssyncadd.s32 $0xFFFFD800  }
0x170: {  	_ =	sfence.sel $0x180000  }
0x171: {  	[bflag:$0x0] =	sbarrier.arrive $0xFFFF  }
0x172: {  	_ =	strace $0x9000004A  }
0x173: {  	s0 =	stileid.u32;
	[bflag:$0x2] =	sbarrier.arrive $0xFFFF  }
0x174: {  	p0 =	sne.s32 s0, $0x0;
	s0 =	rddreg [dreg:$0x2]  }
0x175: {  	s0 =	sadd.s32 @!p0 $0x100000, s0  }
0x176: {  	[sflag:s0] =	ssyncadd.tile.s32 @!p0 $0x1;
	_ =	shalt  }
.Lfunc_end2:
_tile_overlayer_lowered:
.L_overlay_start_2:
0x177: {  	(tag) =	ssettag $0x2  }
0x178: {  	s0 =	rddreg [dreg:$0x0];
	s2 =	stileid.u32  }
0x179: {  	s1 =	rddreg [dreg:$0x1];
	p0 =	sne.s32 s2, $0x0  }
0x17a: {  	s3 =	rddreg [dreg:$0x2];
	[bflag:$0x3] =	sbarrier.arrive $0xFFFF;
	s2 =	simm.s32 @!p0 $0x1C09  }
0x17b: {  	[timem:s3], [sflag:s2] =	dma.local @!p0 [hbm:s0], s1  }
0x17c: {  	s0 =	simm.s32 @!p0 $0x9  }
0x17d: {  	_ =	swait.ge @!p0 [sflag:s0], s1  }
0x17e: {  	s1 =	ssub.s32 @!p0 $0x0, s1;
	[sflag:s0] =	ssyncset.done @!p0 $0x0  }
0x17f: {  	[sflag:s0] =	ssyncadd.s32 @!p0 s1  }
0x180: {  	[bflag:$0x3] =	sbarrier.arrive $0xFFFF  }
0x181: {  	_ =	shalt  }

// kernel: kernel.14.cloned.1.call-start
scs
__scs_entry_jumppad:
0x0: {  	(pc) =	sbr.rel $0x88, $3  }
0x1: {  	(tag) =	ssettag $0x0;
	lr =	simm.s32 $0x1  }
0x2: {  	[smem:$0x3F98] =	sst lr;
	_ =	strace $0xD0000000  }
0x3: {  	_ = 	snop  }
0x4: {  	_ = 	snop  }
0x5: {  	_ = 	snop  }
0x6: {  	_ = 	snop  }
0x7: {  	_ = 	snop  }
__scs_overlays_trampoline_lowered:
0x8: {  	[smem:$0x3FA7] =	sst s0  }
0x9: {  	[smem:$0x3FA8] =	sst s1  }
0xa: {  	[smem:$0x3FA9] =	sst s2  }
0xb: {  	[smem:$0x3FAA] =	sst s3  }
0xc: {  	[smem:$0x3FAB] =	sst s4  }
0xd: {  	[smem:$0x3FAC] =	sst s5  }
0xe: {  	[smem:$0x3FAD] =	sst s6  }
0xf: {  	[smem:$0x3FAE] =	sst s7  }
0x10: {  	[smem:$0x3FAF] =	sst s8  }
0x11: {  	[smem:$0x3FB0] =	sst s9;
	s0 =	simm.s32 @!p0 $0x0  }
0x12: {  	s1 =	sld [smem:$0x3F96];
	s0 =	simm.s32 @p0 $0x1  }
0x13: {  	[smem:$0x3FB1] =	sst s0;
	s0 =	simm.s32 @!p1 $0x0  }
0x14: {  	s2 =	sld [smem:$0x3F95];
	s0 =	simm.s32 @p1 $0x1  }
0x15: {  	[smem:$0x3FB2] =	sst s0;
	s0 =	simm.s32 @!p2 $0x0  }
0x16: {  	s3 =	sld [smem:$0x3FDB];
	s0 =	simm.s32 @p2 $0x1  }
0x17: {  	s4 =	simm.s32 $0x1BF5;
	[smem:$0x3FB4] =	sst s0  }
0x18: {  	s0 =	sld [smem:$0x3F97];
	_ =	swait.ge [sflag:s4], $0x0  }
0x19: {  	s7 =	sld [smem:$0x3F98]  }
0x1a: {  	s8 =	sadd.s32 $0xFFFFE003, lr  }
0x1b: {  	s9 =	sadd.s32 $0xFFFFFEF7, lr;
	s5 =	simm.s32 $0xFFFFFFFF;
	p2 =	slt.u32 s8, $0xFFFFF086  }
0x1c: {  	p1 =	slt.u32 s9, $0xF7A;
	s5 =	simm.s32 @!p2 $0x0  }
0x1d: {  	s5 =	simm.s32 @p1 $0x1;
	p0 =	seq.s32 s7, s2  }
0x1e: {  	s7 =	smul.u32 @!p0 $0xF7A, s2;
	p2 =	seq.s32 @!p0 s5, $0x0  }
0x1f: {  	s9 =	smul.u32 $0xF7A, s1;
	s8 =	simm.s32 @!p0 $0x1BF5;
	p2 =	por !p2, p0  }
0x20: {  	[sflag:s8] =	ssyncset.s32 @!p0 $0xFFFFF086;
	s6 =	sadd.s32 @!p0 s3, s7;
	s7 =	simm.s32 @!p0 $0x108  }
0x21: {  	s3 =	sadd.s32 s3, s9;
	s6 =	sadd.s32 @!p0 $0x88, s6;
	s7 =	simm.s32 @p2 $0x1082  }
0x22: {  	[simem:s7], [sflag:s8] =	dma.local @!p0 [hbm:s6], $0xF7A  }
0x23: {  	s9 =	sor.u32 $0xD0000000, s2;
	s6 =	simm.s32 $0x108;
	_ =	swait.ge @!p0 [sflag:s8], $0x0  }
0x24: {  	s3 =	sadd.s32 $0x88, s3;
	s6 =	simm.s32 @!p1 $0x1082;
	[sflag:s4] =	ssyncset.s32 $0xFFFFF086  }
0x25: {  	[simem:s6], [sflag:s4] =	dma.local [hbm:s3], $0xF7A  }
0x26: {  	[smem:$0x3F98] =	sst s1;
	(tag) =	ssettag s2;
	_ =	strace s9  }
0x27: {  	s1 =	sld [smem:$0x3FA8]  }
0x28: {  	s2 =	sld [smem:$0x3FA9]  }
0x29: {  	s4 =	sld [smem:$0x3FAB]  }
0x2a: {  	p0 =	seq.s32 s5, $0x0;
	s5 =	sld [smem:$0x3FAC]  }
0x2b: {  	s6 =	sld [smem:$0x3FAD]  }
0x2c: {  	s7 =	sld [smem:$0x3FAE]  }
0x2d: {  	s3 =	simm.s32 $0x108;
	s8 =	sld [smem:$0x3FAF]  }
0x2e: {  	s3 =	simm.s32 @!p0 $0x1082;
	s9 =	sld [smem:$0x3FB0]  }
0x2f: {  	lr =	sadd.s32 s0, s3;
	s0 =	sld [smem:$0x3FA7]  }
0x30: {  	s3 =	sld [smem:$0x3FAA]  }
0x31: {  	[smem:$0x3FB3] =	sst s10  }
0x32: {  	s10 =	sld [smem:$0x3FB1];
	_ =	sdelay $0x3  }
0x33: {  	p0 =	seq.s32 s10, $0x1;
	s10 =	sld [smem:$0x3FB3];
	_ =	sdelay $0x3  }
0x34: {  	[smem:$0x3FB3] =	sst s10  }
0x35: {  	s10 =	sld [smem:$0x3FB2];
	_ =	sdelay $0x3  }
0x36: {  	p1 =	seq.s32 s10, $0x1;
	s10 =	sld [smem:$0x3FB3];
	_ =	sdelay $0x3  }
0x37: {  	[smem:$0x3FB3] =	sst s10  }
0x38: {  	s10 =	sld [smem:$0x3FB4]  }
0x39: {  	_ = 	snop;
	(pc) =	sbr.ind lr, $3  }
0x3a: {  	_ = 	snop  }
0x3b: {  	_ = 	snop  }
0x3c: {  	p2 =	seq.s32 s10, $0x1;
	s10 =	sld [smem:$0x3FB3]  }
0x3d: {  	_ =	shalt  }
0x3e: {  	_ =	shalt  }
0x3f: {  	_ =	shalt  }
0x40: {  	_ =	shalt  }
0x41: {  	_ =	shalt  }
0x42: {  	_ =	shalt  }
0x43: {  	_ =	shalt  }
0x44: {  	_ =	shalt  }
0x45: {  	_ =	shalt  }
0x46: {  	_ =	shalt  }
0x47: {  	_ =	shalt  }
0x48: {  	_ =	shalt  }
0x49: {  	_ =	shalt  }
0x4a: {  	_ =	shalt  }
0x4b: {  	_ =	shalt  }
0x4c: {  	_ =	shalt  }
0x4d: {  	_ =	shalt  }
0x4e: {  	_ =	shalt  }
0x4f: {  	_ =	shalt  }
0x50: {  	_ =	shalt  }
0x51: {  	_ =	shalt  }
0x52: {  	_ =	shalt  }
0x53: {  	_ =	shalt  }
0x54: {  	_ =	shalt  }
0x55: {  	_ =	shalt  }
0x56: {  	_ =	shalt  }
0x57: {  	_ =	shalt  }
0x58: {  	_ =	shalt  }
0x59: {  	_ =	shalt  }
0x5a: {  	_ =	shalt  }
0x5b: {  	_ =	shalt  }
0x5c: {  	_ =	shalt  }
0x5d: {  	_ =	shalt  }
0x5e: {  	_ =	shalt  }
0x5f: {  	_ =	shalt  }
0x60: {  	_ =	shalt  }
0x61: {  	_ =	shalt  }
0x62: {  	_ =	shalt  }
0x63: {  	_ =	shalt  }
0x64: {  	_ =	shalt  }
0x65: {  	_ =	shalt  }
0x66: {  	_ =	shalt  }
0x67: {  	_ =	shalt  }
0x68: {  	_ =	shalt  }
0x69: {  	_ =	shalt  }
0x6a: {  	_ =	shalt  }
0x6b: {  	_ =	shalt  }
0x6c: {  	_ =	shalt  }
0x6d: {  	_ =	shalt  }
0x6e: {  	_ =	shalt  }
0x6f: {  	_ =	shalt  }
0x70: {  	_ =	shalt  }
0x71: {  	_ =	shalt  }
0x72: {  	_ =	shalt  }
0x73: {  	_ =	shalt  }
0x74: {  	_ =	shalt  }
0x75: {  	_ =	shalt  }
0x76: {  	_ =	shalt  }
0x77: {  	_ =	shalt  }
0x78: {  	_ =	shalt  }
0x79: {  	_ =	shalt  }
0x7a: {  	_ =	shalt  }
0x7b: {  	_ =	shalt  }
0x7c: {  	_ =	shalt  }
0x7d: {  	_ =	shalt  }
0x7e: {  	_ =	shalt  }
0x7f: {  	_ =	shalt  }
0x80: {  	_ =	shalt  }
0x81: {  	_ =	shalt  }
0x82: {  	_ =	shalt  }
0x83: {  	_ =	shalt  }
0x84: {  	_ =	shalt  }
0x85: {  	_ =	shalt  }
0x86: {  	_ =	shalt  }
0x87: {  	_ =	shalt  }
.Lfunc_end0:
.L_simem_size_0:
called_computation.2_lowered:
.L_overlay_start_0:
0x88: {  	s2 =	sld [smem:$0x3FD9]  }
0x89: {  	s3 =	sld [smem:$0x3FFE];
	_ =	sdelay $0x1  }
0x8a: {  	s1 =	srdreg.scid  }
0x8b: {  	s0 =	sand.u32 $0x1, s1  }
0x8c: {  	s16 =	sshll.u32 s0, $0xA;
	s2 =	sadd.s32 s3, s2  }
0x8d: {  	s2 =	sadd.s32 s2, s16  }
0x8e: {  	[smem:$0x3FBF] =	sst s2  }
0x8f: {  	_ = 	snop  }
0x90: {  	(tm) =	ssettm $0x1  }
0x91: {  	s17 =	sld [smem:$0x3FFB];
	_ =	sdelay $0x3  }
0x92: {  	_ =	strace s17  }
0x93: {  	s2 =	sld [smem:$0x3FFC];
	_ =	sdelay $0x3  }
0x94: {  	_ =	strace s2  }
0x95: {  	s2 =	sld [smem:$0x3FFD];
	_ =	sdelay $0x3  }
0x96: {  	_ =	strace s2  }
0x97: {  	_ =	strace $0x8FFFFFFF  }
0x98: {  	s18 =	sld [smem:$0x3FDB];
	_ =	sdelay $0x1  }
0x99: {  	s19 =	simm.s32 $_scs_section_size  }
0x9a: {  	s4 =	simm.s32 $_size__tile_overlayer_lowered;
	s5 =	simm.s32 $_tile_overlayer_lowered  }
0x9b: {  	s22 =	simm.s32 $0x1BFF;
	s21 =	sshll.u32 s5, $0x1;
	s2 =	sadd.s32 s19, s18  }
0x9c: {  	s6 =	simm.s32 $0x0;
	s20 =	sshll.u32 s4, $0x1;
	s4 =	sadd.s32 s21, s2  }
0x9d: {  	[timem:s6], [sflag:s22] =	dma.local [hbm:s4], s20  }
0x9e: {  	_ =	swait.ge [sflag:s22], s20  }
0x9f: {  	s3 =	ssub.s32 $0x0, s20;
	[sflag:s22] =	ssyncset.done $0x0  }
0xa0: {  	[sflag:s22] =	ssyncadd.s32 s3;
	_ =	sdelay $0x1  }
0xa1: {  	s23 =	simm.s32 $0x1B8B  }
0xa2: {  	_ =	swait.ge [sflag:s23], $0x1  }
0xa3: {  	[sflag:s23] =	ssyncset.done $0x0  }
0xa4: {  	s25 =	simm.s32 $0x1B8E;
	s24 =	sld [smem:$0x3FFE];
	[sflag:s23] =	ssyncadd.s32 $0xFFFFFFFF  }
0xa5: {  	s26 =	simm.s32 $execute0_lowered;
	[smem:$0x3FD2] =	sst s25  }
0xa6: {  	s4 =	sshll.u32 s26, $0x1;
	_ =	strace $0x8000004C;
	[dreg:$0x1] =	wrdreg $0xFFFFFFFF  }
0xa7: {  	s28 =	simm.s32 $_size_execute0_lowered;
	s2 =	sadd.s32 s2, s4;
	[dreg:$0x0] =	wrdreg $0x0  }
0xa8: {  	s4 =	sshll.u32 s28, $0x1;
	[dreg:$0x2] =	wrdreg s2  }
0xa9: {  	[dreg:$0x3] =	wrdreg s4  }
0xaa: {  	[dreg:$0x4] =	wrdreg $0xC0  }
0xab: {  	_ =	task [dreg:s6], $0x5FFFF  }
0xac: {  	[dreg:$0x1] =	wrdreg $0xFFFFFFFF  }
0xad: {  	[dreg:$0x0] =	wrdreg $0x60  }
0xae: {  	[dreg:$0x2] =	wrdreg s24  }
0xaf: {  	[dreg:$0x3] =	wrdreg $0x94000  }
0xb0: {  	[dreg:$0x4] =	wrdreg $0x9  }
0xb1: {  	_ =	task.clear_ibuf [dreg:s6], $0x5FFFF;
	_ =	strace $0x9000004C  }
0xb2: {  	s29 =	simm.s32 $0x9;
	_ =	strace $0x8000004E  }
0xb3: {  	_ =	swait.ge [sflag:s29], $0x1  }
0xb4: {  	[sflag:s29] =	ssyncadd.s32 $0xFFFFFFFF  }
0xb5: {  	_ =	strace $0x9000004E  }
0xb6: {  	_ =	sfence  }
0xb7: {  	s30 =	sld [smem:$0x0];
	_ =	sdelay $0x2  }
0xb8: {  	s31 =	sshll.u32 s1, $0xD;
	s1 =	sshrl.u32 s1, $0x2  }
0xb9: {  	s3 =	sand.u32 $0x4000, s31;
	s1 =	sadd.s32 s1, s30  }
0xba: {  	s0 =	sor.u32 s3, s0;
	s1 =	sshll.u32 s1, $0x11  }
0xbb: {  	s0 =	sor.u32 s1, s0  }
0xbc: {  	s0 =	sadd.s32 $0x8F2B, s0  }
0xbd: {  	[sflag:s0] =	ssyncadd.remote.s32 $0x1  }
0xbe: {  	_ =	sfence.sel $0xFFFF  }
0xbf: {  	[dreg:$0x0] =	wrdreg $0xFFFFFFFF;
	(pc) =	sbr.abs _section_cstart, $3  }
0xc0: {  	[dreg:$0x1] =	wrdreg $0xFFFFFFFF  }
0xc1: {  	_ =	task.clear_ibuf [dreg:s6], $0x2FFFF;
	_ =	strace $0x9FFFFFFF  }
0xc2: {  	(tm) =	ssettm $0x7FFFFFFF  }
0xc3: {  	_ =	shalt  }
tec
execute0_lowered:
.L_overlay_start_1:
0x0: {  	(tag) =	ssettag $0x1  }
0x1: {  	s0 =	rddreg [dreg:$0x0]  }
0x2: {  	s1 =	rddreg [dreg:$0x1];
	s11 =	stileid.u32  }
0x3: {  	s2 =	srdreg.scid;
	s6 =	smul.u32 $0x14000, s11  }
0x4: {  	s3 =	simm.s32 $0x0;
	s2 =	sand.u32 $0x1, s2;
	s24 =	smul.u32 $0x50000, s11  }
0x5: {  	[smem:$0x7FF] =	sst s3;
	s5 =	smul.u32 $0x140000, s2;
	s7 =	sshll.u32 s2, $0x4  }
0x6: {  	s9 =	ssub.s32 $0x2, s2;
	s2 =	smul.u32 $0x28000, s2;
	s7 =	sor.u32 s11, s7  }
0x7: {  	s4 =	sadd.s32 $0x16400, s0;
	s8 =	sadd.s32 $0xC400, s0;
	s19 =	smul.u32 $0x2800, s7  }
0x8: {  	_ =	strace $0x8000004D;
	s20 =	sshrl.u32 s9, $0x1;
	s11 =	smul.u32 $0x2800, s11  }
0x9: {  	s5 =	sadd.s32 s6, s5;
	s7 =	sadd.s32 $0x1A00, s0;
	s6 =	sshrl.u32 s19, $0x3  }
0xa: {  	s5 =	sshrl.u32 s5, $0x3;
	s2 =	sadd.s32 s11, s2;
	s21 =	sadd.s32 s8, s6  }
0xb: {  	s0 =	sadd.s32 s5, s0;
	s10 =	sadd.s32 s7, s6;
	[dreg:$0x9] =	wrdreg s21  }
0xc: {  	s5 =	ssub.s32 s9, s20;
	s0 =	sadd.s32 $0x3D600, s0;
	[dreg:$0xa] =	wrdreg s10  }
0xd: {  	s22 =	sor.u32 $0x10, s6;
	s11 =	smax.u32 s5, $0x1;
	[dreg:$0x11] =	wrdreg s0  }
0xe: {  	s23 =	sadd.s32 s8, s22;
	[dreg:$0x12] =	wrdreg s11  }
0xf: {  	s25 =	sor.u32 $0x20, s6;
	s9 =	sadd.s32 s7, s22;
	[dreg:$0xb] =	wrdreg s23  }
0x10: {  	s6 =	sor.u32 $0x30, s6;
	s12 =	sadd.s32 s8, s25;
	[dreg:$0xc] =	wrdreg s9  }
0x11: {  	s18 =	sor.u32 $0x300, s2;
	s26 =	sadd.s32 s8, s6;
	[dreg:$0xd] =	wrdreg s12  }
0x12: {  	s19 =	sshrl.u32 s18, $0x3;
	s6 =	sadd.s32 s7, s6;
	[dreg:$0xf] =	wrdreg s26  }
0x13: {  	s20 =	sadd.s32 s19, s7;
	[dreg:$0x10] =	wrdreg s6  }
0x14: {  	s10 =	sshrl.u32 s24, $0x2;
	s22 =	sadd.s32 s19, s8;
	[dreg:$0x5] =	wrdreg s20  }
0x15: {  	s9 =	sadd.s32 s7, s25;
	s13 =	sadd.s32 s10, s1;
	[dreg:$0x6] =	wrdreg s22  }
0x16: {  	[dreg:$0xe] =	wrdreg s9;
	s14 =	sadd.s32 $0x1000, s13  }
0x17: {  	s15 =	sadd.s32 $0x2000, s13;
	[dreg:$0x13] =	wrdreg s14  }
0x18: {  	s16 =	sadd.s32 $0x3000, s13;
	[dreg:$0x14] =	wrdreg s15  }
0x19: {  	s21 =	sor.u32 $0x280, s2;
	s24 =	sadd.s32 $0x4000, s13;
	[dreg:$0x15] =	wrdreg s16  }
0x1a: {  	s23 =	sshrl.u32 s21, $0x3;
	s26 =	sadd.s32 $0x5000, s13;
	[dreg:$0x16] =	wrdreg s24  }
0x1b: {  	s25 =	sadd.s32 s23, s7;
	[dreg:$0x17] =	wrdreg s26  }
0x1c: {  	s28 =	simm.s32 $0x3;
	s10 =	sadd.s32 $0x6000, s13;
	[dreg:$0x7] =	wrdreg s25  }
0x1d: {  	s12 =	sor.u32 $0x380, s2;
	s11 =	sadd.s32 s23, s8;
	[dreg:$0x18] =	wrdreg s10  }
0x1e: {  	s0 =	sshrl.u32 s12, $0x3;
	s12 =	sadd.s32 $0x7000, s13;
	[dreg:$0x8] =	wrdreg s11  }
0x1f: {  	s29 =	simm.s32 $0x7;
	s18 =	sadd.s32 $0xC000, s13;
	[dreg:$0x19] =	wrdreg s12  }
0x20: {  	s30 =	simm.s32 $0x4;
	s19 =	sadd.s32 $0xD000, s13;
	[dreg:$0x1e] =	wrdreg s18  }
0x21: {  	s31 =	simm.s32 $0x8;
	s20 =	sadd.s32 $0xE000, s13;
	[dreg:$0x1f] =	wrdreg s19  }
0x22: {  	s9 =	sor.u32 $0x200, s2;
	s21 =	sadd.s32 $0xF000, s13;
	[smem:$0x7F9] =	sst s20  }
0x23: {  	s22 =	sadd.s32 $0x10000, s13;
	s17 =	sadd.s32 s0, s7;
	[smem:$0x7FA] =	sst s21  }
0x24: {  	s0 =	sadd.s32 s0, s8;
	s14 =	sadd.s32 $0x8000, s13;
	[smem:$0x7FB] =	sst s22  }
0x25: {  	s15 =	sadd.s32 $0x9000, s13;
	s16 =	sadd.s32 $0xA000, s13;
	[dreg:$0x3] =	wrdreg s17  }
0x26: {  	s25 =	sadd.s32 $0x11000, s13;
	s26 =	sadd.s32 $0x12000, s13;
	[dreg:$0x4] =	wrdreg s0  }
0x27: {  	s10 =	simm.s32 $0x80;
	s11 =	simm.s32 $0x280;
	[dreg:$0x1a] =	wrdreg s14  }
0x28: {  	s12 =	simm.s32 $0x100;
	s18 =	simm.s32 $0x400;
	[dreg:$0x1b] =	wrdreg s15  }
0x29: {  	s19 =	simm.s32 $0x6;
	s20 =	simm.s32 $0x4400;
	[dreg:$0x1c] =	wrdreg s16  }
0x2a: {  	s21 =	simm.s32 $0x8400;
	s22 =	simm.s32 $0x9;
	[smem:$0x7FC] =	sst s25  }
0x2b: {  	s0 =	sshrl.u32 s9, $0x3;
	s17 =	sadd.s32 $0xB000, s13;
	[smem:$0x7FD] =	sst s26  }
0x2c: {  	s9 =	simm.s32 $0x200;
	s14 =	simm.s32 $0x300;
	s15 =	simm.s32 $0x180  }
0x2d: {  	s16 =	simm.s32 $0x380;
	s25 =	simm.s32 $0x1;
	s26 =	simm.s32 $0x2  }
0x2e: {  	s23 =	sadd.s32 s0, s7;
	s24 =	sadd.s32 s0, s8;
	[dreg:$0x1d] =	wrdreg s17  }
0x2f: {  	v0 =	vimm.f32 $0.0e+00;
	s8 =	sadd.s32 $0x13000, s13;
	s17 =	simm.s32 $0x5;
	s0 =	simm.s32 $0x0  }
.LBB2_1:
0x30: {  	s2 =	rddreg [dreg:$0x9]  }
0x31: {  	[tilespmem:s3], [sflag:$0x5] =	stream.linear.gather [hbm4b:s2+s3], $0x80, $0x38;
	[tilespmem:$0x1D400] =	vst v63  }
0x32: {  	s7 =	rddreg [dreg:$0xa]  }
0x33: {  	[tilespmem:s9], [sflag:$0x5] =	stream.linear.gather [hbm4b:s7+s3], $0x80, $0x38;
	[tilespmem:$0x1D400] =	vst v63  }
0x34: {  	s5 =	rddreg [dreg:$0xb]  }
0x35: {  	[tilespmem:s10], [sflag:$0x6] =	stream.linear.gather [hbm4b:s5+s3], $0x80, $0x38;
	[tilespmem:$0x1D400] =	vst v63  }
0x36: {  	s6 =	rddreg [dreg:$0xc]  }
0x37: {  	[tilespmem:s11], [sflag:$0x6] =	stream.linear.gather [hbm4b:s6+s3], $0x80, $0x38;
	[tilespmem:$0x1D400] =	vst v63  }
0x38: {  	s7 =	rddreg [dreg:$0xd]  }
0x39: {  	[tilespmem:s12], [sflag:$0x7] =	stream.linear.gather [hbm4b:s7+s3], $0x80, $0x38;
	[tilespmem:$0x1D400] =	vst v63  }
0x3a: {  	s5 =	rddreg [dreg:$0xe]  }
0x3b: {  	[tilespmem:s14], [sflag:$0x7] =	stream.linear.gather [hbm4b:s5+s3], $0x80, $0x38;
	[tilespmem:$0x1D400] =	vst v63  }
0x3c: {  	s6 =	rddreg [dreg:$0xf]  }
0x3d: {  	[tilespmem:s15], [sflag:$0x8] =	stream.linear.gather [hbm4b:s6+s3], $0x80, $0x38;
	[tilespmem:$0x1D400] =	vst v63  }
0x3e: {  	s7 =	rddreg [dreg:$0x10]  }
0x3f: {  	[tilespmem:s16], [sflag:$0x8] =	stream.linear.gather [hbm4b:s7+s3], $0x80, $0x38;
	[tilespmem:$0x1D400] =	vst v63  }
0x40: {  	_ =	swait.ge [sflag:s17], $0x80  }
0x41: {  	[sflag:s17] =	ssyncset.done $0x0  }
0x42: {  	[sflag:s17] =	ssyncadd.s32 $0xFFFFFF80  }
0x43: {  	_ =	swait.ge [sflag:s17], $0x80  }
0x44: {  	[sflag:s17] =	ssyncset.done $0x0  }
0x45: {  	[sflag:s17] =	ssyncadd.s32 $0xFFFFFF80  }
0x46: {  	[tilespmem:s18], [sflag:$0x1] =	stream.indirect.gather [hbm4b:s4+s10], $0x80, s3, s10, $0xb8;
	[tilespmem:$0x1D400] =	vst v63  }
0x47: {  	_ =	swait.ge [sflag:s19], $0x80  }
0x48: {  	[sflag:s19] =	ssyncset.done $0x0  }
0x49: {  	[sflag:s19] =	ssyncadd.s32 $0xFFFFFF80  }
0x4a: {  	_ =	swait.ge [sflag:s19], $0x80  }
0x4b: {  	[sflag:s19] =	ssyncset.done $0x0  }
0x4c: {  	s2 =	simm.s32 $0x0;
	s5 =	simm.s32 $0x200;
	[sflag:s19] =	ssyncadd.s32 $0xFFFFFF80  }
0x4d: {  	[tilespmem:s20], [sflag:$0x2] =	stream.indirect.gather [hbm4b:s4+s10], $0x80, s10, s10, $0xb8;
	[tilespmem:$0x1D400] =	vst v63  }
.LBB2_2:
0x4e: {  	p0 =	seq.s32 s5, $0x3E00;
	[tilespmem:s2+$0x8470] =	vst v0  }
0x4f: {  	[tilespmem:s2+$0x8400] =	vst v0  }
0x50: {  	[tilespmem:s2+$0x8410] =	vst v0  }
.Ltmp0:
0x51: {  	[tilespmem:s2+$0x8420] =	vst v0;
	(pc) =	sbr.rel @!p0 .LBB2_2-.Ltmp0, $4  }
0x52: {  	[tilespmem:s2+$0x8430] =	vst v0  }
0x53: {  	[tilespmem:s2+$0x8440] =	vst v0  }
0x54: {  	[tilespmem:s2+$0x8450] =	vst v0  }
0x55: {  	[tilespmem:s2+$0x8460] =	vst v0;
	s2 =	sshra.s32 s5, $0x2;
	s5 =	sadd.s32 $0x200, s5  }
0x56: {  	[tilespmem:s2+$0x8470] =	vst v0  }
0x57: {  	[tilespmem:s2+$0x8400] =	vst v0  }
0x58: {  	[tilespmem:s2+$0x8410] =	vst v0  }
0x59: {  	[tilespmem:s2+$0x8420] =	vst v0  }
0x5a: {  	[tilespmem:s2+$0x8430] =	vst v0  }
0x5b: {  	[tilespmem:s2+$0x8440] =	vst v0  }
0x5c: {  	[tilespmem:s2+$0x8450] =	vst v0  }
0x5d: {  	[tilespmem:s2+$0x8460] =	vst v0  }
0x5e: {  	[spmem:s13] =	stream.linear.scatter [tilespmem:s21], [sflag:$0x9], $0x1000, $0x38;
	[tilespmem:$0x1D400] =	vst v63  }
0x5f: {  	_ =	swait.ge [sflag:s22], $0x1000  }
0x60: {  	[sflag:s22] =	ssyncset.done $0x0  }
0x61: {  	s7 =	rddreg [dreg:$0x13];
	[sflag:s22] =	ssyncadd.s32 $0xFFFFF000  }
0x62: {  	[spmem:s7] =	stream.linear.scatter [tilespmem:s21], [sflag:$0x9], $0x1000, $0x38;
	[tilespmem:$0x1D400] =	vst v63  }
0x63: {  	_ =	swait.ge [sflag:s22], $0x1000  }
0x64: {  	[sflag:s22] =	ssyncset.done $0x0  }
0x65: {  	s5 =	rddreg [dreg:$0x14];
	[sflag:s22] =	ssyncadd.s32 $0xFFFFF000  }
0x66: {  	[spmem:s5] =	stream.linear.scatter [tilespmem:s21], [sflag:$0x9], $0x1000, $0x38;
	[tilespmem:$0x1D400] =	vst v63  }
0x67: {  	_ =	swait.ge [sflag:s22], $0x1000  }
0x68: {  	[sflag:s22] =	ssyncset.done $0x0  }
0x69: {  	s6 =	rddreg [dreg:$0x15];
	[sflag:s22] =	ssyncadd.s32 $0xFFFFF000  }
0x6a: {  	[spmem:s6] =	stream.linear.scatter [tilespmem:s21], [sflag:$0x9], $0x1000, $0x38;
	[tilespmem:$0x1D400] =	vst v63  }
0x6b: {  	_ =	swait.ge [sflag:s22], $0x1000  }
0x6c: {  	[sflag:s22] =	ssyncset.done $0x0  }
0x6d: {  	s7 =	rddreg [dreg:$0x16];
	[sflag:s22] =	ssyncadd.s32 $0xFFFFF000  }
0x6e: {  	[spmem:s7] =	stream.linear.scatter [tilespmem:s21], [sflag:$0x9], $0x1000, $0x38;
	[tilespmem:$0x1D400] =	vst v63  }
0x6f: {  	_ =	swait.ge [sflag:s22], $0x1000  }
0x70: {  	[sflag:s22] =	ssyncset.done $0x0  }
0x71: {  	s5 =	rddreg [dreg:$0x17];
	[sflag:s22] =	ssyncadd.s32 $0xFFFFF000  }
0x72: {  	[spmem:s5] =	stream.linear.scatter [tilespmem:s21], [sflag:$0x9], $0x1000, $0x38;
	[tilespmem:$0x1D400] =	vst v63  }
0x73: {  	_ =	swait.ge [sflag:s22], $0x1000  }
0x74: {  	[sflag:s22] =	ssyncset.done $0x0  }
0x75: {  	s6 =	rddreg [dreg:$0x18];
	[sflag:s22] =	ssyncadd.s32 $0xFFFFF000  }
0x76: {  	[spmem:s6] =	stream.linear.scatter [tilespmem:s21], [sflag:$0x9], $0x1000, $0x38;
	[tilespmem:$0x1D400] =	vst v63  }
0x77: {  	_ =	swait.ge [sflag:s22], $0x1000  }
0x78: {  	[sflag:s22] =	ssyncset.done $0x0  }
0x79: {  	s7 =	rddreg [dreg:$0x19];
	[sflag:s22] =	ssyncadd.s32 $0xFFFFF000  }
0x7a: {  	[spmem:s7] =	stream.linear.scatter [tilespmem:s21], [sflag:$0x9], $0x1000, $0x38;
	[tilespmem:$0x1D400] =	vst v63  }
0x7b: {  	_ =	swait.ge [sflag:s22], $0x1000  }
0x7c: {  	[sflag:s22] =	ssyncset.done $0x0  }
0x7d: {  	s5 =	rddreg [dreg:$0x1a];
	[sflag:s22] =	ssyncadd.s32 $0xFFFFF000  }
0x7e: {  	[spmem:s5] =	stream.linear.scatter [tilespmem:s21], [sflag:$0x9], $0x1000, $0x38;
	[tilespmem:$0x1D400] =	vst v63  }
0x7f: {  	_ =	swait.ge [sflag:s22], $0x1000  }
0x80: {  	[sflag:s22] =	ssyncset.done $0x0  }
0x81: {  	s6 =	rddreg [dreg:$0x1b];
	[sflag:s22] =	ssyncadd.s32 $0xFFFFF000  }
0x82: {  	[spmem:s6] =	stream.linear.scatter [tilespmem:s21], [sflag:$0x9], $0x1000, $0x38;
	[tilespmem:$0x1D400] =	vst v63  }
0x83: {  	_ =	swait.ge [sflag:s22], $0x1000  }
0x84: {  	[sflag:s22] =	ssyncset.done $0x0  }
0x85: {  	s7 =	rddreg [dreg:$0x1c];
	[sflag:s22] =	ssyncadd.s32 $0xFFFFF000  }
0x86: {  	[spmem:s7] =	stream.linear.scatter [tilespmem:s21], [sflag:$0x9], $0x1000, $0x38;
	[tilespmem:$0x1D400] =	vst v63  }
0x87: {  	_ =	swait.ge [sflag:s22], $0x1000  }
0x88: {  	[sflag:s22] =	ssyncset.done $0x0  }
0x89: {  	s5 =	rddreg [dreg:$0x1d];
	[sflag:s22] =	ssyncadd.s32 $0xFFFFF000  }
0x8a: {  	[spmem:s5] =	stream.linear.scatter [tilespmem:s21], [sflag:$0x9], $0x1000, $0x38;
	[tilespmem:$0x1D400] =	vst v63  }
0x8b: {  	_ =	swait.ge [sflag:s22], $0x1000  }
0x8c: {  	[sflag:s22] =	ssyncset.done $0x0  }
0x8d: {  	s6 =	rddreg [dreg:$0x1e];
	[sflag:s22] =	ssyncadd.s32 $0xFFFFF000  }
0x8e: {  	[spmem:s6] =	stream.linear.scatter [tilespmem:s21], [sflag:$0x9], $0x1000, $0x38;
	[tilespmem:$0x1D400] =	vst v63  }
0x8f: {  	_ =	swait.ge [sflag:s22], $0x1000  }
0x90: {  	[sflag:s22] =	ssyncset.done $0x0  }
0x91: {  	s7 =	rddreg [dreg:$0x1f];
	[sflag:s22] =	ssyncadd.s32 $0xFFFFF000  }
0x92: {  	[spmem:s7] =	stream.linear.scatter [tilespmem:s21], [sflag:$0x9], $0x1000, $0x38;
	[tilespmem:$0x1D400] =	vst v63  }
0x93: {  	_ =	swait.ge [sflag:s22], $0x1000  }
0x94: {  	s5 =	sld [smem:$0x7F9]  }
0x95: {  	[sflag:s22] =	ssyncset.done $0x0  }
0x96: {  	[sflag:s22] =	ssyncadd.s32 $0xFFFFF000  }
0x97: {  	[spmem:s5] =	stream.linear.scatter [tilespmem:s21], [sflag:$0x9], $0x1000, $0x38;
	[tilespmem:$0x1D400] =	vst v63  }
0x98: {  	_ =	swait.ge [sflag:s22], $0x1000  }
0x99: {  	s6 =	sld [smem:$0x7FA]  }
0x9a: {  	[sflag:s22] =	ssyncset.done $0x0  }
0x9b: {  	[sflag:s22] =	ssyncadd.s32 $0xFFFFF000  }
0x9c: {  	[spmem:s6] =	stream.linear.scatter [tilespmem:s21], [sflag:$0x9], $0x1000, $0x38;
	[tilespmem:$0x1D400] =	vst v63  }
0x9d: {  	_ =	swait.ge [sflag:s22], $0x1000  }
0x9e: {  	s7 =	sld [smem:$0x7FB]  }
0x9f: {  	[sflag:s22] =	ssyncset.done $0x0  }
0xa0: {  	[sflag:s22] =	ssyncadd.s32 $0xFFFFF000  }
0xa1: {  	[spmem:s7] =	stream.linear.scatter [tilespmem:s21], [sflag:$0x9], $0x1000, $0x38;
	[tilespmem:$0x1D400] =	vst v63  }
0xa2: {  	_ =	swait.ge [sflag:s22], $0x1000  }
0xa3: {  	s5 =	sld [smem:$0x7FC]  }
0xa4: {  	[sflag:s22] =	ssyncset.done $0x0  }
0xa5: {  	[sflag:s22] =	ssyncadd.s32 $0xFFFFF000  }
0xa6: {  	[spmem:s5] =	stream.linear.scatter [tilespmem:s21], [sflag:$0x9], $0x1000, $0x38;
	[tilespmem:$0x1D400] =	vst v63  }
0xa7: {  	_ =	swait.ge [sflag:s22], $0x1000  }
0xa8: {  	s6 =	sld [smem:$0x7FD]  }
0xa9: {  	[sflag:s22] =	ssyncset.done $0x0  }
0xaa: {  	[sflag:s22] =	ssyncadd.s32 $0xFFFFF000  }
0xab: {  	[spmem:s6] =	stream.linear.scatter [tilespmem:s21], [sflag:$0x9], $0x1000, $0x38;
	[tilespmem:$0x1D400] =	vst v63  }
0xac: {  	_ =	swait.ge [sflag:s22], $0x1000  }
0xad: {  	[sflag:s22] =	ssyncset.done $0x0  }
0xae: {  	[sflag:s22] =	ssyncadd.s32 $0xFFFFF000  }
0xaf: {  	[spmem:s8] =	stream.linear.scatter [tilespmem:s21], [sflag:$0x9], $0x1000, $0x38;
	[tilespmem:$0x1D400] =	vst v63  }
0xb0: {  	_ =	swait.ge [sflag:s22], $0x1000  }
0xb1: {  	[sflag:s22] =	ssyncset.done $0x0  }
0xb2: {  	[sflag:s22] =	ssyncadd.s32 $0xFFFFF000  }
0xb3: {  	[bflag:$0x0] =	sbarrier.arrive $0xFFFF  }
0xb4: {  	_ =	swait.ge [sflag:s25], $0x4000  }
0xb5: {  	[sflag:s25] =	ssyncset.done $0x0  }
0xb6: {  	[sflag:s25] =	ssyncadd.s32 $0xFFFFC000  }
0xb7: {  	[spmem:s1] =	stream.indirect.scatter.add.f32 [tilespmem:s18], [sflag:$0x3], $0x80, s9, s10, $0xb8;
	[tilespmem:$0x1D400] =	vst v63  }
0xb8: {  	_ =	swait.ge [sflag:s26], $0x4000  }
0xb9: {  	[sflag:s26] =	ssyncset.done $0x0  }
0xba: {  	[sflag:s26] =	ssyncadd.s32 $0xFFFFC000  }
0xbb: {  	[spmem:s1] =	stream.indirect.scatter.add.f32 [tilespmem:s20], [sflag:$0x4], $0x80, s11, s10, $0xb8;
	[tilespmem:$0x1D400] =	vst v63  }
0xbc: {  	_ =	swait.ge [sflag:s28], $0x4000  }
0xbd: {  	[sflag:s28] =	ssyncset.done $0x0  }
0xbe: {  	s7 =	sadd.s32 $0x0, s24;
	[sflag:s28] =	ssyncadd.s32 $0xFFFFC000  }
0xbf: {  	[tilespmem:s3], [sflag:$0x5] =	stream.linear.gather [hbm4b:s7+s3], $0x80, $0x38;
	[tilespmem:$0x1D400] =	vst v63  }
0xc0: {  	s5 =	sadd.s32 $0x0, s23  }
0xc1: {  	[tilespmem:s9], [sflag:$0x5] =	stream.linear.gather [hbm4b:s5+s3], $0x80, $0x38;
	[tilespmem:$0x1D400] =	vst v63  }
0xc2: {  	_ =	swait.ge [sflag:s29], $0x80  }
0xc3: {  	[sflag:s29] =	ssyncset.done $0x0  }
0xc4: {  	[sflag:s29] =	ssyncadd.s32 $0xFFFFFF80  }
0xc5: {  	_ =	swait.ge [sflag:s29], $0x80  }
0xc6: {  	[sflag:s29] =	ssyncset.done $0x0  }
0xc7: {  	[sflag:s29] =	ssyncadd.s32 $0xFFFFFF80  }
0xc8: {  	[tilespmem:s18], [sflag:$0x1] =	stream.indirect.gather [hbm4b:s4+s10], $0x80, s12, s10, $0xb8;
	[tilespmem:$0x1D400] =	vst v63  }
0xc9: {  	_ =	swait.ge [sflag:s30], $0x4000  }
0xca: {  	s6 =	rddreg [dreg:$0x8];
	[sflag:s30] =	ssyncset.done $0x0  }
0xcb: {  	s5 =	rddreg [dreg:$0x7];
	[sflag:s30] =	ssyncadd.s32 $0xFFFFC000;
	s2 =	sadd.s32 $0x0, s6  }
0xcc: {  	[tilespmem:s10], [sflag:$0x6] =	stream.linear.gather [hbm4b:s2+s3], $0x80, $0x38;
	[tilespmem:$0x1D400] =	vst v63  }
0xcd: {  	s7 =	sadd.s32 $0x0, s5  }
0xce: {  	[tilespmem:s11], [sflag:$0x6] =	stream.linear.gather [hbm4b:s7+s3], $0x80, $0x38;
	[tilespmem:$0x1D400] =	vst v63  }
0xcf: {  	_ =	swait.ge [sflag:s31], $0x80  }
0xd0: {  	[sflag:s31] =	ssyncset.done $0x0  }
0xd1: {  	[sflag:s31] =	ssyncadd.s32 $0xFFFFFF80  }
0xd2: {  	_ =	swait.ge [sflag:s31], $0x80  }
0xd3: {  	[sflag:s31] =	ssyncset.done $0x0  }
0xd4: {  	[sflag:s31] =	ssyncadd.s32 $0xFFFFFF80  }
0xd5: {  	[tilespmem:s20], [sflag:$0x2] =	stream.indirect.gather [hbm4b:s4+s10], $0x80, s15, s10, $0xb8;
	[tilespmem:$0x1D400] =	vst v63  }
0xd6: {  	_ =	swait.ge [sflag:s25], $0x4000  }
0xd7: {  	[sflag:s25] =	ssyncset.done $0x0  }
0xd8: {  	[sflag:s25] =	ssyncadd.s32 $0xFFFFC000  }
0xd9: {  	[spmem:s1] =	stream.indirect.scatter.add.f32 [tilespmem:s18], [sflag:$0x3], $0x80, s14, s10, $0xb8;
	[tilespmem:$0x1D400] =	vst v63  }
0xda: {  	_ =	swait.ge [sflag:s26], $0x4000  }
0xdb: {  	[sflag:s26] =	ssyncset.done $0x0  }
0xdc: {  	[sflag:s26] =	ssyncadd.s32 $0xFFFFC000  }
0xdd: {  	[spmem:s1] =	stream.indirect.scatter.add.f32 [tilespmem:s20], [sflag:$0x4], $0x80, s16, s10, $0xb8;
	[tilespmem:$0x1D400] =	vst v63  }
0xde: {  	_ =	swait.ge [sflag:s28], $0x4000  }
0xdf: {  	s5 =	rddreg [dreg:$0x6];
	[sflag:s28] =	ssyncset.done $0x0  }
0xe0: {  	s6 =	rddreg [dreg:$0x5];
	[sflag:s28] =	ssyncadd.s32 $0xFFFFC000;
	s2 =	sadd.s32 $0x0, s5  }
0xe1: {  	[tilespmem:s12], [sflag:$0x7] =	stream.linear.gather [hbm4b:s2+s3], $0x80, $0x38;
	[tilespmem:$0x1D400] =	vst v63  }
0xe2: {  	s7 =	sadd.s32 $0x0, s6  }
0xe3: {  	[tilespmem:s14], [sflag:$0x7] =	stream.linear.gather [hbm4b:s7+s3], $0x80, $0x38;
	[tilespmem:$0x1D400] =	vst v63  }
0xe4: {  	_ =	swait.ge [sflag:s17], $0x80  }
0xe5: {  	[sflag:s17] =	ssyncset.done $0x0  }
0xe6: {  	[sflag:s17] =	ssyncadd.s32 $0xFFFFFF80  }
0xe7: {  	_ =	swait.ge [sflag:s17], $0x80  }
0xe8: {  	[sflag:s17] =	ssyncset.done $0x0  }
0xe9: {  	[sflag:s17] =	ssyncadd.s32 $0xFFFFFF80  }
0xea: {  	[tilespmem:s18], [sflag:$0x1] =	stream.indirect.gather [hbm4b:s4+s10], $0x80, s3, s10, $0xb8;
	[tilespmem:$0x1D400] =	vst v63  }
0xeb: {  	_ =	swait.ge [sflag:s30], $0x4000  }
0xec: {  	s5 =	rddreg [dreg:$0x4];
	[sflag:s30] =	ssyncset.done $0x0  }
0xed: {  	s6 =	rddreg [dreg:$0x3];
	[sflag:s30] =	ssyncadd.s32 $0xFFFFC000;
	s2 =	sadd.s32 $0x0, s5  }
0xee: {  	[tilespmem:s15], [sflag:$0x8] =	stream.linear.gather [hbm4b:s2+s3], $0x80, $0x38;
	[tilespmem:$0x1D400] =	vst v63  }
0xef: {  	s7 =	sadd.s32 $0x0, s6  }
0xf0: {  	[tilespmem:s16], [sflag:$0x8] =	stream.linear.gather [hbm4b:s7+s3], $0x80, $0x38;
	[tilespmem:$0x1D400] =	vst v63  }
0xf1: {  	_ =	swait.ge [sflag:s19], $0x80  }
0xf2: {  	[sflag:s19] =	ssyncset.done $0x0  }
0xf3: {  	[sflag:s19] =	ssyncadd.s32 $0xFFFFFF80  }
0xf4: {  	_ =	swait.ge [sflag:s19], $0x80  }
0xf5: {  	[sflag:s19] =	ssyncset.done $0x0  }
0xf6: {  	s2 =	simm.s32 $0x40;
	[sflag:s19] =	ssyncadd.s32 $0xFFFFFF80  }
.LBB2_4:
0xf7: {  	[tilespmem:s20], [sflag:$0x2] =	stream.indirect.gather [hbm4b:s4+s10], $0x80, s10, s10, $0xb8;
	[tilespmem:$0x1D400] =	vst v63  }
0xf8: {  	_ =	swait.ge [sflag:s25], $0x4000  }
0xf9: {  	[sflag:s25] =	ssyncset.done $0x0  }
0xfa: {  	[sflag:s25] =	ssyncadd.s32 $0xFFFFC000  }
0xfb: {  	[spmem:s1] =	stream.indirect.scatter.add.f32 [tilespmem:s18], [sflag:$0x3], $0x80, s9, s10, $0xb8;
	[tilespmem:$0x1D400] =	vst v63  }
0xfc: {  	_ =	swait.ge [sflag:s26], $0x4000  }
0xfd: {  	[sflag:s26] =	ssyncset.done $0x0  }
0xfe: {  	[sflag:s26] =	ssyncadd.s32 $0xFFFFC000  }
0xff: {  	[spmem:s1] =	stream.indirect.scatter.add.f32 [tilespmem:s20], [sflag:$0x4], $0x80, s11, s10, $0xb8;
	[tilespmem:$0x1D400] =	vst v63  }
0x100: {  	_ =	swait.ge [sflag:s28], $0x4000  }
0x101: {  	s5 =	smov.u32 s2;
	[sflag:s28] =	ssyncset.done $0x0  }
0x102: {  	s6 =	sadd.s32 s5, s24;
	[sflag:s28] =	ssyncadd.s32 $0xFFFFC000  }
0x103: {  	[tilespmem:s3], [sflag:$0x5] =	stream.linear.gather [hbm4b:s6+s3], $0x80, $0x38;
	[tilespmem:$0x1D400] =	vst v63  }
0x104: {  	s7 =	sadd.s32 s5, s23  }
0x105: {  	[tilespmem:s9], [sflag:$0x5] =	stream.linear.gather [hbm4b:s7+s3], $0x80, $0x38;
	[tilespmem:$0x1D400] =	vst v63  }
0x106: {  	_ =	swait.ge [sflag:s29], $0x80  }
0x107: {  	[sflag:s29] =	ssyncset.done $0x0  }
0x108: {  	[sflag:s29] =	ssyncadd.s32 $0xFFFFFF80  }
0x109: {  	_ =	swait.ge [sflag:s29], $0x80  }
0x10a: {  	[sflag:s29] =	ssyncset.done $0x0  }
0x10b: {  	[sflag:s29] =	ssyncadd.s32 $0xFFFFFF80  }
0x10c: {  	[tilespmem:s18], [sflag:$0x1] =	stream.indirect.gather [hbm4b:s4+s10], $0x80, s12, s10, $0xb8;
	[tilespmem:$0x1D400] =	vst v63  }
0x10d: {  	_ =	swait.ge [sflag:s30], $0x4000  }
0x10e: {  	s6 =	rddreg [dreg:$0x8];
	[sflag:s30] =	ssyncset.done $0x0  }
0x10f: {  	s7 =	rddreg [dreg:$0x7];
	[sflag:s30] =	ssyncadd.s32 $0xFFFFC000;
	s6 =	sadd.s32 s5, s6  }
0x110: {  	[tilespmem:s10], [sflag:$0x6] =	stream.linear.gather [hbm4b:s6+s3], $0x80, $0x38;
	[tilespmem:$0x1D400] =	vst v63  }
0x111: {  	s7 =	sadd.s32 s5, s7  }
0x112: {  	[tilespmem:s11], [sflag:$0x6] =	stream.linear.gather [hbm4b:s7+s3], $0x80, $0x38;
	[tilespmem:$0x1D400] =	vst v63  }
0x113: {  	_ =	swait.ge [sflag:s31], $0x80  }
0x114: {  	[sflag:s31] =	ssyncset.done $0x0  }
0x115: {  	[sflag:s31] =	ssyncadd.s32 $0xFFFFFF80  }
0x116: {  	_ =	swait.ge [sflag:s31], $0x80  }
0x117: {  	[sflag:s31] =	ssyncset.done $0x0  }
0x118: {  	[sflag:s31] =	ssyncadd.s32 $0xFFFFFF80  }
0x119: {  	[tilespmem:s20], [sflag:$0x2] =	stream.indirect.gather [hbm4b:s4+s10], $0x80, s15, s10, $0xb8;
	[tilespmem:$0x1D400] =	vst v63  }
0x11a: {  	_ =	swait.ge [sflag:s25], $0x4000  }
0x11b: {  	[sflag:s25] =	ssyncset.done $0x0  }
0x11c: {  	[sflag:s25] =	ssyncadd.s32 $0xFFFFC000  }
0x11d: {  	[spmem:s1] =	stream.indirect.scatter.add.f32 [tilespmem:s18], [sflag:$0x3], $0x80, s14, s10, $0xb8;
	[tilespmem:$0x1D400] =	vst v63  }
0x11e: {  	_ =	swait.ge [sflag:s26], $0x4000  }
0x11f: {  	[sflag:s26] =	ssyncset.done $0x0  }
0x120: {  	[sflag:s26] =	ssyncadd.s32 $0xFFFFC000  }
0x121: {  	[spmem:s1] =	stream.indirect.scatter.add.f32 [tilespmem:s20], [sflag:$0x4], $0x80, s16, s10, $0xb8;
	[tilespmem:$0x1D400] =	vst v63  }
0x122: {  	_ =	swait.ge [sflag:s28], $0x4000  }
0x123: {  	s6 =	rddreg [dreg:$0x6];
	[sflag:s28] =	ssyncset.done $0x0  }
0x124: {  	s7 =	rddreg [dreg:$0x5];
	[sflag:s28] =	ssyncadd.s32 $0xFFFFC000;
	s6 =	sadd.s32 s5, s6  }
0x125: {  	[tilespmem:s12], [sflag:$0x7] =	stream.linear.gather [hbm4b:s6+s3], $0x80, $0x38;
	[tilespmem:$0x1D400] =	vst v63  }
0x126: {  	s7 =	sadd.s32 s5, s7  }
0x127: {  	[tilespmem:s14], [sflag:$0x7] =	stream.linear.gather [hbm4b:s7+s3], $0x80, $0x38;
	[tilespmem:$0x1D400] =	vst v63  }
0x128: {  	_ =	swait.ge [sflag:s17], $0x80  }
0x129: {  	[sflag:s17] =	ssyncset.done $0x0  }
0x12a: {  	[sflag:s17] =	ssyncadd.s32 $0xFFFFFF80  }
0x12b: {  	_ =	swait.ge [sflag:s17], $0x80  }
0x12c: {  	[sflag:s17] =	ssyncset.done $0x0  }
0x12d: {  	[sflag:s17] =	ssyncadd.s32 $0xFFFFFF80  }
0x12e: {  	[tilespmem:s18], [sflag:$0x1] =	stream.indirect.gather [hbm4b:s4+s10], $0x80, s3, s10, $0xb8;
	[tilespmem:$0x1D400] =	vst v63  }
0x12f: {  	_ =	swait.ge [sflag:s30], $0x4000  }
0x130: {  	s6 =	rddreg [dreg:$0x4];
	[sflag:s30] =	ssyncset.done $0x0  }
0x131: {  	s7 =	rddreg [dreg:$0x3];
	[sflag:s30] =	ssyncadd.s32 $0xFFFFC000;
	s6 =	sadd.s32 s5, s6  }
0x132: {  	[tilespmem:s15], [sflag:$0x8] =	stream.linear.gather [hbm4b:s6+s3], $0x80, $0x38;
	[tilespmem:$0x1D400] =	vst v63  }
0x133: {  	s5 =	sadd.s32 s5, s7  }
0x134: {  	[tilespmem:s16], [sflag:$0x8] =	stream.linear.gather [hbm4b:s5+s3], $0x80, $0x38;
	[tilespmem:$0x1D400] =	vst v63  }
0x135: {  	p0 =	sne.s32 s2, $0x480;
	_ =	swait.ge [sflag:s19], $0x80  }
.Ltmp1:
0x136: {  	[sflag:s19] =	ssyncset.done $0x0;
	(pc) =	sbr.rel @p0 .LBB2_4-.Ltmp1, $4  }
0x137: {  	[sflag:s19] =	ssyncadd.s32 $0xFFFFFF80  }
0x138: {  	_ =	swait.ge [sflag:s19], $0x80  }
0x139: {  	[sflag:s19] =	ssyncset.done $0x0  }
0x13a: {  	s2 =	sadd.s32 $0x40, s2;
	[sflag:s19] =	ssyncadd.s32 $0xFFFFFF80  }
0x13b: {  	[tilespmem:s20], [sflag:$0x2] =	stream.indirect.gather [hbm4b:s4+s10], $0x80, s10, s10, $0xb8;
	[tilespmem:$0x1D400] =	vst v63  }
0x13c: {  	_ =	swait.ge [sflag:s25], $0x4000  }
0x13d: {  	[sflag:s25] =	ssyncset.done $0x0  }
0x13e: {  	[sflag:s25] =	ssyncadd.s32 $0xFFFFC000  }
0x13f: {  	[spmem:s1] =	stream.indirect.scatter.add.f32 [tilespmem:s18], [sflag:$0x3], $0x80, s9, s10, $0xb8;
	[tilespmem:$0x1D400] =	vst v63  }
0x140: {  	_ =	swait.ge [sflag:s26], $0x4000  }
0x141: {  	[sflag:s26] =	ssyncset.done $0x0  }
0x142: {  	[sflag:s26] =	ssyncadd.s32 $0xFFFFC000  }
0x143: {  	[spmem:s1] =	stream.indirect.scatter.add.f32 [tilespmem:s20], [sflag:$0x4], $0x80, s11, s10, $0xb8;
	[tilespmem:$0x1D400] =	vst v63  }
0x144: {  	_ =	swait.ge [sflag:s28], $0x4000  }
0x145: {  	[sflag:s28] =	ssyncset.done $0x0  }
0x146: {  	[sflag:s28] =	ssyncadd.s32 $0xFFFFC000  }
0x147: {  	_ =	swait.ge [sflag:s29], $0x80  }
0x148: {  	[sflag:s29] =	ssyncset.done $0x0  }
0x149: {  	[sflag:s29] =	ssyncadd.s32 $0xFFFFFF80  }
0x14a: {  	_ =	swait.ge [sflag:s29], $0x80  }
0x14b: {  	[sflag:s29] =	ssyncset.done $0x0  }
0x14c: {  	[sflag:s29] =	ssyncadd.s32 $0xFFFFFF80  }
0x14d: {  	[tilespmem:s18], [sflag:$0x1] =	stream.indirect.gather [hbm4b:s4+s10], $0x80, s12, s10, $0xb8;
	[tilespmem:$0x1D400] =	vst v63  }
0x14e: {  	_ =	swait.ge [sflag:s30], $0x4000  }
0x14f: {  	[sflag:s30] =	ssyncset.done $0x0  }
0x150: {  	[sflag:s30] =	ssyncadd.s32 $0xFFFFC000  }
0x151: {  	_ =	swait.ge [sflag:s31], $0x80  }
0x152: {  	[sflag:s31] =	ssyncset.done $0x0  }
0x153: {  	[sflag:s31] =	ssyncadd.s32 $0xFFFFFF80  }
0x154: {  	_ =	swait.ge [sflag:s31], $0x80  }
0x155: {  	[sflag:s31] =	ssyncset.done $0x0  }
0x156: {  	[sflag:s31] =	ssyncadd.s32 $0xFFFFFF80  }
0x157: {  	[tilespmem:s20], [sflag:$0x2] =	stream.indirect.gather [hbm4b:s4+s10], $0x80, s15, s10, $0xb8;
	[tilespmem:$0x1D400] =	vst v63  }
0x158: {  	_ =	swait.ge [sflag:s25], $0x4000  }
0x159: {  	[sflag:s25] =	ssyncset.done $0x0  }
0x15a: {  	[sflag:s25] =	ssyncadd.s32 $0xFFFFC000  }
0x15b: {  	[spmem:s1] =	stream.indirect.scatter.add.f32 [tilespmem:s18], [sflag:$0x3], $0x80, s14, s10, $0xb8;
	[tilespmem:$0x1D400] =	vst v63  }
0x15c: {  	_ =	swait.ge [sflag:s26], $0x4000  }
0x15d: {  	[sflag:s26] =	ssyncset.done $0x0  }
0x15e: {  	[sflag:s26] =	ssyncadd.s32 $0xFFFFC000  }
0x15f: {  	[spmem:s1] =	stream.indirect.scatter.add.f32 [tilespmem:s20], [sflag:$0x4], $0x80, s16, s10, $0xb8;
	[tilespmem:$0x1D400] =	vst v63  }
0x160: {  	_ =	swait.ge [sflag:s28], $0x4000  }
0x161: {  	[sflag:s28] =	ssyncset.done $0x0  }
0x162: {  	[sflag:s28] =	ssyncadd.s32 $0xFFFFC000  }
0x163: {  	_ =	swait.ge [sflag:s30], $0x4000  }
0x164: {  	[sflag:s30] =	ssyncset.done $0x0  }
0x165: {  	s2 =	stileid.u32;
	[sflag:s30] =	ssyncadd.s32 $0xFFFFC000  }
0x166: {  	s2 =	sshll.u32 s2, $0x6;
	[bflag:$0x0] =	sbarrier.arrive $0xFFFF  }
0x167: {  	s5 =	sshrl.u32 s13, $0x3;
	s2 =	sor.u32 $0x1C09, s2;
	s6 =	rddreg [dreg:$0x11]  }
0x168: {  	[hbm:s6], [sflag:s2] =	dma.local [spmem:s5], $0x2800  }
0x169: {  	_ =	swait.ge [sflag:s22], $0x2800  }
0x16a: {  	s0 =	sadd.s32 $0x1, s0;
	s7 =	rddreg [dreg:$0x12]  }
0x16b: {  	p0 =	sne.s32 s0, s7  }
.Ltmp2:
0x16c: {  	_ = 	snop;
	(pc) =	sbr.rel @p0 .LBB2_1-.Ltmp2, $3  }
0x16d: {  	_ =	sdelay $0x1  }
0x16e: {  	[sflag:s22] =	ssyncset.done $0x0  }
0x16f: {  	[sflag:s22] =	ssyncadd.s32 $0xFFFFD800  }
0x170: {  	_ =	sfence.sel $0x180000  }
0x171: {  	[bflag:$0x0] =	sbarrier.arrive $0xFFFF  }
0x172: {  	_ =	strace $0x9000004D  }
0x173: {  	s0 =	stileid.u32;
	[bflag:$0x2] =	sbarrier.arrive $0xFFFF  }
0x174: {  	p0 =	sne.s32 s0, $0x0;
	s0 =	rddreg [dreg:$0x2]  }
0x175: {  	s0 =	sadd.s32 @!p0 $0x100000, s0  }
0x176: {  	[sflag:s0] =	ssyncadd.tile.s32 @!p0 $0x1;
	_ =	shalt  }
.Lfunc_end2:
_tile_overlayer_lowered:
.L_overlay_start_2:
0x177: {  	(tag) =	ssettag $0x2  }
0x178: {  	s0 =	rddreg [dreg:$0x0];
	s2 =	stileid.u32  }
0x179: {  	s1 =	rddreg [dreg:$0x1];
	p0 =	sne.s32 s2, $0x0  }
0x17a: {  	s3 =	rddreg [dreg:$0x2];
	[bflag:$0x3] =	sbarrier.arrive $0xFFFF;
	s2 =	simm.s32 @!p0 $0x1C09  }
0x17b: {  	[timem:s3], [sflag:s2] =	dma.local @!p0 [hbm:s0], s1  }
0x17c: {  	s0 =	simm.s32 @!p0 $0x9  }
0x17d: {  	_ =	swait.ge @!p0 [sflag:s0], s1  }
0x17e: {  	s1 =	ssub.s32 @!p0 $0x0, s1;
	[sflag:s0] =	ssyncset.done @!p0 $0x0  }
0x17f: {  	[sflag:s0] =	ssyncadd.s32 @!p0 s1  }
0x180: {  	[bflag:$0x3] =	sbarrier.arrive $0xFFFF  }
0x181: {  	_ =	shalt  }

// kernel: kernel.8.cloned.1.call-start
scs
__scs_entry_jumppad:
0x0: {  	(pc) =	sbr.rel $0x88, $3  }
0x1: {  	(tag) =	ssettag $0x0;
	lr =	simm.s32 $0x1  }
0x2: {  	[smem:$0x3F98] =	sst lr;
	_ =	strace $0xD0000000  }
0x3: {  	_ = 	snop  }
0x4: {  	_ = 	snop  }
0x5: {  	_ = 	snop  }
0x6: {  	_ = 	snop  }
0x7: {  	_ = 	snop  }
__scs_overlays_trampoline_lowered:
0x8: {  	[smem:$0x3FA7] =	sst s0  }
0x9: {  	[smem:$0x3FA8] =	sst s1  }
0xa: {  	[smem:$0x3FA9] =	sst s2  }
0xb: {  	[smem:$0x3FAA] =	sst s3  }
0xc: {  	[smem:$0x3FAB] =	sst s4  }
0xd: {  	[smem:$0x3FAC] =	sst s5  }
0xe: {  	[smem:$0x3FAD] =	sst s6  }
0xf: {  	[smem:$0x3FAE] =	sst s7  }
0x10: {  	[smem:$0x3FAF] =	sst s8  }
0x11: {  	[smem:$0x3FB0] =	sst s9;
	s0 =	simm.s32 @!p0 $0x0  }
0x12: {  	s1 =	sld [smem:$0x3F96];
	s0 =	simm.s32 @p0 $0x1  }
0x13: {  	[smem:$0x3FB1] =	sst s0;
	s0 =	simm.s32 @!p1 $0x0  }
0x14: {  	s2 =	sld [smem:$0x3F95];
	s0 =	simm.s32 @p1 $0x1  }
0x15: {  	[smem:$0x3FB2] =	sst s0;
	s0 =	simm.s32 @!p2 $0x0  }
0x16: {  	s3 =	sld [smem:$0x3FDB];
	s0 =	simm.s32 @p2 $0x1  }
0x17: {  	s4 =	simm.s32 $0x1BF5;
	[smem:$0x3FB4] =	sst s0  }
0x18: {  	s0 =	sld [smem:$0x3F97];
	_ =	swait.ge [sflag:s4], $0x0  }
0x19: {  	s7 =	sld [smem:$0x3F98]  }
0x1a: {  	s8 =	sadd.s32 $0xFFFFE003, lr  }
0x1b: {  	s9 =	sadd.s32 $0xFFFFFEF7, lr;
	s5 =	simm.s32 $0xFFFFFFFF;
	p2 =	slt.u32 s8, $0xFFFFF086  }
0x1c: {  	p1 =	slt.u32 s9, $0xF7A;
	s5 =	simm.s32 @!p2 $0x0  }
0x1d: {  	s5 =	simm.s32 @p1 $0x1;
	p0 =	seq.s32 s7, s2  }
0x1e: {  	s7 =	smul.u32 @!p0 $0xF7A, s2;
	p2 =	seq.s32 @!p0 s5, $0x0  }
0x1f: {  	s9 =	smul.u32 $0xF7A, s1;
	s8 =	simm.s32 @!p0 $0x1BF5;
	p2 =	por !p2, p0  }
0x20: {  	[sflag:s8] =	ssyncset.s32 @!p0 $0xFFFFF086;
	s6 =	sadd.s32 @!p0 s3, s7;
	s7 =	simm.s32 @!p0 $0x108  }
0x21: {  	s3 =	sadd.s32 s3, s9;
	s6 =	sadd.s32 @!p0 $0x88, s6;
	s7 =	simm.s32 @p2 $0x1082  }
0x22: {  	[simem:s7], [sflag:s8] =	dma.local @!p0 [hbm:s6], $0xF7A  }
0x23: {  	s9 =	sor.u32 $0xD0000000, s2;
	s6 =	simm.s32 $0x108;
	_ =	swait.ge @!p0 [sflag:s8], $0x0  }
0x24: {  	s3 =	sadd.s32 $0x88, s3;
	s6 =	simm.s32 @!p1 $0x1082;
	[sflag:s4] =	ssyncset.s32 $0xFFFFF086  }
0x25: {  	[simem:s6], [sflag:s4] =	dma.local [hbm:s3], $0xF7A  }
0x26: {  	[smem:$0x3F98] =	sst s1;
	(tag) =	ssettag s2;
	_ =	strace s9  }
0x27: {  	s1 =	sld [smem:$0x3FA8]  }
0x28: {  	s2 =	sld [smem:$0x3FA9]  }
0x29: {  	s4 =	sld [smem:$0x3FAB]  }
0x2a: {  	p0 =	seq.s32 s5, $0x0;
	s5 =	sld [smem:$0x3FAC]  }
0x2b: {  	s6 =	sld [smem:$0x3FAD]  }
0x2c: {  	s7 =	sld [smem:$0x3FAE]  }
0x2d: {  	s3 =	simm.s32 $0x108;
	s8 =	sld [smem:$0x3FAF]  }
0x2e: {  	s3 =	simm.s32 @!p0 $0x1082;
	s9 =	sld [smem:$0x3FB0]  }
0x2f: {  	lr =	sadd.s32 s0, s3;
	s0 =	sld [smem:$0x3FA7]  }
0x30: {  	s3 =	sld [smem:$0x3FAA]  }
0x31: {  	[smem:$0x3FB3] =	sst s10  }
0x32: {  	s10 =	sld [smem:$0x3FB1];
	_ =	sdelay $0x3  }
0x33: {  	p0 =	seq.s32 s10, $0x1;
	s10 =	sld [smem:$0x3FB3];
	_ =	sdelay $0x3  }
0x34: {  	[smem:$0x3FB3] =	sst s10  }
0x35: {  	s10 =	sld [smem:$0x3FB2];
	_ =	sdelay $0x3  }
0x36: {  	p1 =	seq.s32 s10, $0x1;
	s10 =	sld [smem:$0x3FB3];
	_ =	sdelay $0x3  }
0x37: {  	[smem:$0x3FB3] =	sst s10  }
0x38: {  	s10 =	sld [smem:$0x3FB4]  }
0x39: {  	_ = 	snop;
	(pc) =	sbr.ind lr, $3  }
0x3a: {  	_ = 	snop  }
0x3b: {  	_ = 	snop  }
0x3c: {  	p2 =	seq.s32 s10, $0x1;
	s10 =	sld [smem:$0x3FB3]  }
0x3d: {  	_ =	shalt  }
0x3e: {  	_ =	shalt  }
0x3f: {  	_ =	shalt  }
0x40: {  	_ =	shalt  }
0x41: {  	_ =	shalt  }
0x42: {  	_ =	shalt  }
0x43: {  	_ =	shalt  }
0x44: {  	_ =	shalt  }
0x45: {  	_ =	shalt  }
0x46: {  	_ =	shalt  }
0x47: {  	_ =	shalt  }
0x48: {  	_ =	shalt  }
0x49: {  	_ =	shalt  }
0x4a: {  	_ =	shalt  }
0x4b: {  	_ =	shalt  }
0x4c: {  	_ =	shalt  }
0x4d: {  	_ =	shalt  }
0x4e: {  	_ =	shalt  }
0x4f: {  	_ =	shalt  }
0x50: {  	_ =	shalt  }
0x51: {  	_ =	shalt  }
0x52: {  	_ =	shalt  }
0x53: {  	_ =	shalt  }
0x54: {  	_ =	shalt  }
0x55: {  	_ =	shalt  }
0x56: {  	_ =	shalt  }
0x57: {  	_ =	shalt  }
0x58: {  	_ =	shalt  }
0x59: {  	_ =	shalt  }
0x5a: {  	_ =	shalt  }
0x5b: {  	_ =	shalt  }
0x5c: {  	_ =	shalt  }
0x5d: {  	_ =	shalt  }
0x5e: {  	_ =	shalt  }
0x5f: {  	_ =	shalt  }
0x60: {  	_ =	shalt  }
0x61: {  	_ =	shalt  }
0x62: {  	_ =	shalt  }
0x63: {  	_ =	shalt  }
0x64: {  	_ =	shalt  }
0x65: {  	_ =	shalt  }
0x66: {  	_ =	shalt  }
0x67: {  	_ =	shalt  }
0x68: {  	_ =	shalt  }
0x69: {  	_ =	shalt  }
0x6a: {  	_ =	shalt  }
0x6b: {  	_ =	shalt  }
0x6c: {  	_ =	shalt  }
0x6d: {  	_ =	shalt  }
0x6e: {  	_ =	shalt  }
0x6f: {  	_ =	shalt  }
0x70: {  	_ =	shalt  }
0x71: {  	_ =	shalt  }
0x72: {  	_ =	shalt  }
0x73: {  	_ =	shalt  }
0x74: {  	_ =	shalt  }
0x75: {  	_ =	shalt  }
0x76: {  	_ =	shalt  }
0x77: {  	_ =	shalt  }
0x78: {  	_ =	shalt  }
0x79: {  	_ =	shalt  }
0x7a: {  	_ =	shalt  }
0x7b: {  	_ =	shalt  }
0x7c: {  	_ =	shalt  }
0x7d: {  	_ =	shalt  }
0x7e: {  	_ =	shalt  }
0x7f: {  	_ =	shalt  }
0x80: {  	_ =	shalt  }
0x81: {  	_ =	shalt  }
0x82: {  	_ =	shalt  }
0x83: {  	_ =	shalt  }
0x84: {  	_ =	shalt  }
0x85: {  	_ =	shalt  }
0x86: {  	_ =	shalt  }
0x87: {  	_ =	shalt  }
.Lfunc_end0:
.L_simem_size_0:
called_computation_lowered:
.L_overlay_start_0:
0x88: {  	s2 =	sld [smem:$0x3FD9]  }
0x89: {  	s3 =	sld [smem:$0x3FFE];
	_ =	sdelay $0x1  }
0x8a: {  	s1 =	srdreg.scid  }
0x8b: {  	s0 =	sand.u32 $0x1, s1  }
0x8c: {  	s16 =	sshll.u32 s0, $0xA;
	s2 =	sadd.s32 s3, s2  }
0x8d: {  	s2 =	sadd.s32 s2, s16  }
0x8e: {  	[smem:$0x3FBF] =	sst s2  }
0x8f: {  	_ = 	snop  }
0x90: {  	(tm) =	ssettm $0x1  }
0x91: {  	s17 =	sld [smem:$0x3FFB];
	_ =	sdelay $0x3  }
0x92: {  	_ =	strace s17  }
0x93: {  	s2 =	sld [smem:$0x3FFC];
	_ =	sdelay $0x3  }
0x94: {  	_ =	strace s2  }
0x95: {  	s2 =	sld [smem:$0x3FFD];
	_ =	sdelay $0x3  }
0x96: {  	_ =	strace s2  }
0x97: {  	_ =	strace $0x8FFFFFFF  }
0x98: {  	s18 =	sld [smem:$0x3FDB];
	_ =	sdelay $0x1  }
0x99: {  	s19 =	simm.s32 $_scs_section_size  }
0x9a: {  	s4 =	simm.s32 $_size__tile_overlayer_lowered;
	s5 =	simm.s32 $_tile_overlayer_lowered  }
0x9b: {  	s22 =	simm.s32 $0x1BFF;
	s21 =	sshll.u32 s5, $0x1;
	s2 =	sadd.s32 s19, s18  }
0x9c: {  	s6 =	simm.s32 $0x0;
	s20 =	sshll.u32 s4, $0x1;
	s4 =	sadd.s32 s21, s2  }
0x9d: {  	[timem:s6], [sflag:s22] =	dma.local [hbm:s4], s20  }
0x9e: {  	_ =	swait.ge [sflag:s22], s20  }
0x9f: {  	s3 =	ssub.s32 $0x0, s20;
	[sflag:s22] =	ssyncset.done $0x0  }
0xa0: {  	[sflag:s22] =	ssyncadd.s32 s3;
	_ =	sdelay $0x1  }
0xa1: {  	s23 =	simm.s32 $0x1B8B  }
0xa2: {  	_ =	swait.ge [sflag:s23], $0x1  }
0xa3: {  	[sflag:s23] =	ssyncset.done $0x0  }
0xa4: {  	s25 =	simm.s32 $0x1B8E;
	s24 =	sld [smem:$0x3FFE];
	[sflag:s23] =	ssyncadd.s32 $0xFFFFFFFF  }
0xa5: {  	s26 =	simm.s32 $execute0_lowered;
	[smem:$0x3FD2] =	sst s25  }
0xa6: {  	s4 =	sshll.u32 s26, $0x1;
	_ =	strace $0x80000046;
	[dreg:$0x1] =	wrdreg $0xFFFFFFFF  }
0xa7: {  	s28 =	simm.s32 $_size_execute0_lowered;
	s2 =	sadd.s32 s2, s4;
	[dreg:$0x0] =	wrdreg $0x0  }
0xa8: {  	s4 =	sshll.u32 s28, $0x1;
	[dreg:$0x2] =	wrdreg s2  }
0xa9: {  	[dreg:$0x3] =	wrdreg s4  }
0xaa: {  	[dreg:$0x4] =	wrdreg $0xC0  }
0xab: {  	_ =	task [dreg:s6], $0x5FFFF  }
0xac: {  	[dreg:$0x1] =	wrdreg $0xFFFFFFFF  }
0xad: {  	[dreg:$0x0] =	wrdreg $0x60  }
0xae: {  	[dreg:$0x2] =	wrdreg s24  }
0xaf: {  	[dreg:$0x3] =	wrdreg $0x2C000  }
0xb0: {  	[dreg:$0x4] =	wrdreg $0x9  }
0xb1: {  	_ =	task.clear_ibuf [dreg:s6], $0x5FFFF;
	_ =	strace $0x90000046  }
0xb2: {  	s29 =	simm.s32 $0x9;
	_ =	strace $0x80000048  }
0xb3: {  	_ =	swait.ge [sflag:s29], $0x1  }
0xb4: {  	[sflag:s29] =	ssyncadd.s32 $0xFFFFFFFF  }
0xb5: {  	_ =	strace $0x90000048  }
0xb6: {  	_ =	sfence  }
0xb7: {  	s30 =	sld [smem:$0x0];
	_ =	sdelay $0x2  }
0xb8: {  	s31 =	sshll.u32 s1, $0xD;
	s1 =	sshrl.u32 s1, $0x2  }
0xb9: {  	s3 =	sand.u32 $0x4000, s31;
	s1 =	sadd.s32 s1, s30  }
0xba: {  	s0 =	sor.u32 s3, s0;
	s1 =	sshll.u32 s1, $0x11  }
0xbb: {  	s0 =	sor.u32 s1, s0  }
0xbc: {  	s0 =	sadd.s32 $0x8F2B, s0  }
0xbd: {  	[sflag:s0] =	ssyncadd.remote.s32 $0x1  }
0xbe: {  	_ =	sfence.sel $0xFFFF  }
0xbf: {  	[dreg:$0x0] =	wrdreg $0xFFFFFFFF;
	(pc) =	sbr.abs _section_cstart, $3  }
0xc0: {  	[dreg:$0x1] =	wrdreg $0xFFFFFFFF  }
0xc1: {  	_ =	task.clear_ibuf [dreg:s6], $0x2FFFF;
	_ =	strace $0x9FFFFFFF  }
0xc2: {  	(tm) =	ssettm $0x7FFFFFFF  }
0xc3: {  	_ =	shalt  }
tec
execute0_lowered:
.L_overlay_start_1:
0x0: {  	(tag) =	ssettag $0x1  }
0x1: {  	s4 =	rddreg [dreg:$0x0]  }
0x2: {  	s1 =	rddreg [dreg:$0x1]  }
0x3: {  	s2 =	srdreg.scid;
	s0 =	rddreg [dreg:$0x2];
	s3 =	simm.s32 $0x0  }
0x4: {  	s10 =	simm.s32 $0x80;
	s11 =	simm.s32 $0x2800;
	s12 =	simm.s32 $0x2900  }
0x5: {  	s13 =	simm.s32 $0x2880;
	s14 =	simm.s32 $0x1;
	s15 =	simm.s32 $0x2  }
0x6: {  	s18 =	simm.s32 $0x20;
	s19 =	simm.s32 $0x10;
	s20 =	simm.s32 $0x0  }
0x7: {  	s5 =	sand.u32 $0x1, s2;
	s2 =	stileid.u32;
	[smem:$0x7FF] =	sst s3  }
0x8: {  	s6 =	sshll.u32 s5, $0x4;
	s7 =	smul.u32 $0x500, s2;
	_ =	strace $0x80000047  }
0x9: {  	s8 =	sshll.u32 s5, $0x7;
	s5 =	ssub.s32 $0x2, s5;
	s30 =	smul.u32 $0xA00, s2  }
0xa: {  	s16 =	sshll.u32 s2, $0x6;
	s6 =	sor.u32 s2, s6;
	s9 =	sshrl.u32 s5, $0x1  }
0xb: {  	s16 =	sor.u32 $0x1C03, s16;
	s6 =	smul.u32 $0x500, s6;
	s7 =	sor.u32 s8, s7  }
0xc: {  	s9 =	ssub.s32 s5, s9;
	s31 =	sshrl.u32 s30, $0x2;
	s8 =	simm.s32 $0x3  }
0xd: {  	s7 =	sshrl.u32 s7, $0x3;
	s5 =	sadd.s32 s31, s1;
	s6 =	sadd.s32 s6, s4  }
0xe: {  	s7 =	sadd.s32 s7, s4;
	s17 =	sshrl.u32 s5, $0x3;
	s4 =	sadd.s32 $0x1A00, s6  }
0xf: {  	v0 =	vimm.f32 $1.000000000e+00;
	v1 =	vimm.f32 $0.0e+00;
	s6 =	sadd.s32 $0xBA00, s7;
	s7 =	smax.u32 s9, $0x1;
	s9 =	simm.s32 $0x2980  }
.LBB2_1:
0x10: {  	[tilespmem:s3], [sflag:$0x3] =	stream.linear.gather [hbm4b:s4+s3], $0x2800, $0x38;
	[tilespmem:$0x2E80] =	vst v63  }
0x11: {  	_ =	swait.ge [sflag:s8], $0x2800  }
0x12: {  	[sflag:s8] =	ssyncset.done $0x0  }
0x13: {  	[sflag:s8] =	ssyncadd.s32 $0xFFFFD800  }
0x14: {  	[tilespmem:$0x2900] =	vst v0  }
0x15: {  	[tilespmem:$0x2910] =	vst v0  }
0x16: {  	[tilespmem:$0x2920] =	vst v0  }
0x17: {  	[tilespmem:$0x2930] =	vst v0  }
0x18: {  	[tilespmem:$0x2940] =	vst v0  }
0x19: {  	[tilespmem:$0x2950] =	vst v0  }
0x1a: {  	[tilespmem:$0x2960] =	vst v0  }
0x1b: {  	[tilespmem:$0x2970] =	vst v0  }
0x1c: {  	[tilespmem:$0x2980] =	vst v1  }
0x1d: {  	[tilespmem:$0x2990] =	vst v1  }
0x1e: {  	[tilespmem:$0x29A0] =	vst v1  }
0x1f: {  	[tilespmem:$0x29B0] =	vst v1  }
0x20: {  	[tilespmem:$0x29C0] =	vst v1  }
0x21: {  	[tilespmem:$0x29D0] =	vst v1  }
0x22: {  	[tilespmem:$0x29E0] =	vst v1  }
0x23: {  	[tilespmem:$0x29F0] =	vst v1  }
0x24: {  	[tilespmem:$0x2A00] =	vst v1  }
0x25: {  	[tilespmem:$0x2A10] =	vst v1  }
0x26: {  	[tilespmem:$0x2A20] =	vst v1  }
0x27: {  	[tilespmem:$0x2A30] =	vst v1  }
0x28: {  	[tilespmem:$0x2A40] =	vst v1  }
0x29: {  	[tilespmem:$0x2A50] =	vst v1  }
0x2a: {  	[tilespmem:$0x2A60] =	vst v1  }
0x2b: {  	[tilespmem:$0x2A70] =	vst v1  }
0x2c: {  	[tilespmem:$0x2A80] =	vst v1  }
0x2d: {  	[tilespmem:$0x2A90] =	vst v1  }
0x2e: {  	[tilespmem:$0x2AA0] =	vst v1  }
0x2f: {  	[tilespmem:$0x2AB0] =	vst v1  }
0x30: {  	[tilespmem:$0x2AC0] =	vst v1  }
0x31: {  	[tilespmem:$0x2AD0] =	vst v1  }
0x32: {  	[tilespmem:$0x2AE0] =	vst v1  }
0x33: {  	[tilespmem:$0x2AF0] =	vst v1  }
0x34: {  	[tilespmem:$0x2B00] =	vst v1  }
0x35: {  	[tilespmem:$0x2B10] =	vst v1  }
0x36: {  	[tilespmem:$0x2B20] =	vst v1  }
0x37: {  	[tilespmem:$0x2B30] =	vst v1  }
0x38: {  	[tilespmem:$0x2B40] =	vst v1  }
0x39: {  	[tilespmem:$0x2B50] =	vst v1  }
0x3a: {  	[tilespmem:$0x2B60] =	vst v1  }
0x3b: {  	[tilespmem:$0x2B70] =	vst v1  }
0x3c: {  	[tilespmem:$0x2B80] =	vst v1  }
0x3d: {  	[tilespmem:$0x2B90] =	vst v1  }
0x3e: {  	[tilespmem:$0x2BA0] =	vst v1  }
0x3f: {  	[tilespmem:$0x2BB0] =	vst v1  }
0x40: {  	[tilespmem:$0x2BC0] =	vst v1  }
0x41: {  	[tilespmem:$0x2BD0] =	vst v1  }
0x42: {  	[tilespmem:$0x2BE0] =	vst v1  }
0x43: {  	[tilespmem:$0x2BF0] =	vst v1  }
0x44: {  	[spmem:s5] =	stream.linear.scatter [tilespmem:s9], [sflag:$0x3], $0x280, $0x38;
	[tilespmem:$0x2E80] =	vst v63  }
0x45: {  	_ =	swait.ge [sflag:s8], $0x280  }
0x46: {  	[sflag:s8] =	ssyncset.done $0x0  }
0x47: {  	[sflag:s8] =	ssyncadd.s32 $0xFFFFFD80  }
0x48: {  	[bflag:$0x0] =	sbarrier.arrive $0xFFFF  }
0x49: {  	v2 =	vld [tilespmem:$0x0]  }
0x4a: {  	v3 =	vld [tilespmem:$0x10]  }
0x4b: {  	v4 =	vld [tilespmem:$0x20]  }
0x4c: {  	v5 =	vld [tilespmem:$0x30]  }
0x4d: {  	v6 =	vld [tilespmem:$0x40]  }
0x4e: {  	v59 =	vld [tilespmem:$0x70];
	[tilespmem:$0x2800] =	vst v2  }
0x4f: {  	v2 =	vld [tilespmem:$0x50];
	[tilespmem:$0x2810] =	vst v3  }
0x50: {  	v3 =	vld [tilespmem:$0x60];
	[tilespmem:$0x2820] =	vst v4  }
0x51: {  	[tilespmem:$0x2830] =	vst v5  }
0x52: {  	[tilespmem:$0x2840] =	vst v6  }
0x53: {  	[tilespmem:$0x2870] =	vst v59  }
0x54: {  	[tilespmem:$0x2850] =	vst v2  }
0x55: {  	[tilespmem:$0x2860] =	vst v3  }
0x56: {  	[spmem:s1] =	stream.indirect.scatter.add.f32 [tilespmem:s12], [sflag:$0x1], $0x1, s11, s10, $0xb8;
	[tilespmem:$0x2E80] =	vst v63  }
0x57: {  	v2 =	vld [tilespmem:$0x80]  }
0x58: {  	v3 =	vld [tilespmem:$0x90]  }
0x59: {  	v60 =	vld [tilespmem:$0xA0]  }
0x5a: {  	v61 =	vld [tilespmem:$0xB0]  }
0x5b: {  	v62 =	vld [tilespmem:$0xC0]  }
0x5c: {  	v63 =	vld [tilespmem:$0xF0];
	[tilespmem:$0x2880] =	vst v2  }
0x5d: {  	v2 =	vld [tilespmem:$0xD0];
	[tilespmem:$0x2890] =	vst v3  }
0x5e: {  	v3 =	vld [tilespmem:$0xE0];
	[tilespmem:$0x28A0] =	vst v60  }
0x5f: {  	[tilespmem:$0x28B0] =	vst v61  }
0x60: {  	[tilespmem:$0x28C0] =	vst v62  }
0x61: {  	[tilespmem:$0x28F0] =	vst v63  }
0x62: {  	[tilespmem:$0x28D0] =	vst v2  }
0x63: {  	[tilespmem:$0x28E0] =	vst v3  }
0x64: {  	[spmem:s1] =	stream.indirect.scatter.add.f32 [tilespmem:s12], [sflag:$0x2], $0x1, s13, s10, $0xb8;
	[tilespmem:$0x2E80] =	vst v63  }
0x65: {  	_ =	swait.ge [sflag:s14], $0x80  }
0x66: {  	[sflag:s14] =	ssyncset.done $0x0  }
0x67: {  	s21 =	simm.s32 $0x1F0;
	[sflag:s14] =	ssyncadd.s32 $0xFFFFFF80  }
0x68: {  	v2 =	vld [tilespmem:s21+$0xFFFFFF10];
	_ =	sdelay $0x4  }
0x69: {  	[tilespmem:$0x2800] =	vst v2  }
0x6a: {  	v2 =	vld [tilespmem:s21+$0xFFFFFF20];
	_ =	sdelay $0x4  }
0x6b: {  	[tilespmem:$0x2810] =	vst v2  }
0x6c: {  	v2 =	vld [tilespmem:s21+$0xFFFFFF30];
	_ =	sdelay $0x4  }
0x6d: {  	[tilespmem:$0x2820] =	vst v2  }
0x6e: {  	v2 =	vld [tilespmem:s21+$0xFFFFFF40];
	_ =	sdelay $0x4  }
0x6f: {  	[tilespmem:$0x2830] =	vst v2  }
0x70: {  	v2 =	vld [tilespmem:s21+$0xFFFFFF50];
	_ =	sdelay $0x4  }
0x71: {  	[tilespmem:$0x2840] =	vst v2  }
0x72: {  	v2 =	vld [tilespmem:s21+$0xFFFFFF60];
	_ =	sdelay $0x4  }
0x73: {  	[tilespmem:$0x2850] =	vst v2  }
0x74: {  	v2 =	vld [tilespmem:s21+$0xFFFFFF70];
	_ =	sdelay $0x4  }
0x75: {  	[tilespmem:$0x2860] =	vst v2  }
0x76: {  	v2 =	vld [tilespmem:s21+$0xFFFFFF80];
	_ =	sdelay $0x4  }
0x77: {  	[tilespmem:$0x2870] =	vst v2  }
0x78: {  	[spmem:s1] =	stream.indirect.scatter.add.f32 [tilespmem:s12], [sflag:$0x1], $0x1, s11, s10, $0xb8;
	[tilespmem:$0x2E80] =	vst v63  }
0x79: {  	_ =	swait.ge [sflag:s15], $0x80  }
0x7a: {  	[sflag:s15] =	ssyncset.done $0x0  }
0x7b: {  	[sflag:s15] =	ssyncadd.s32 $0xFFFFFF80  }
0x7c: {  	v2 =	vld [tilespmem:s21+$0xFFFFFF90];
	_ =	sdelay $0x4  }
0x7d: {  	[tilespmem:$0x2880] =	vst v2  }
0x7e: {  	v2 =	vld [tilespmem:s21+$0xFFFFFFA0];
	_ =	sdelay $0x4  }
0x7f: {  	[tilespmem:$0x2890] =	vst v2  }
0x80: {  	v2 =	vld [tilespmem:s21+$0xFFFFFFB0];
	_ =	sdelay $0x4  }
0x81: {  	[tilespmem:$0x28A0] =	vst v2  }
0x82: {  	v2 =	vld [tilespmem:s21+$0xFFFFFFC0];
	_ =	sdelay $0x4  }
0x83: {  	[tilespmem:$0x28B0] =	vst v2  }
0x84: {  	v2 =	vld [tilespmem:s21+$0xFFFFFFD0];
	_ =	sdelay $0x4  }
0x85: {  	[tilespmem:$0x28C0] =	vst v2  }
0x86: {  	v2 =	vld [tilespmem:s21+$0xFFFFFFE0];
	_ =	sdelay $0x4  }
0x87: {  	[tilespmem:$0x28D0] =	vst v2  }
0x88: {  	v2 =	vld [tilespmem:s21+$0xFFFFFFF0];
	_ =	sdelay $0x4  }
0x89: {  	[tilespmem:$0x28E0] =	vst v2  }
0x8a: {  	v2 =	vld [tilespmem:s21+$0x0];
	_ =	sdelay $0x4  }
0x8b: {  	s21 =	simm.s32 $0xBC0;
	[tilespmem:$0x28F0] =	vst v2  }
.LBB2_2:
0x8c: {  	[spmem:s1] =	stream.indirect.scatter.add.f32 [tilespmem:s12], [sflag:$0x2], $0x1, s13, s10, $0xb8;
	[tilespmem:$0x2E80] =	vst v63  }
0x8d: {  	s22 =	smov.u32 s21  }
0x8e: {  	p0 =	sne.s32 s21, $0x9FC0;
	s21 =	sadd.s32 $0x400, s21;
	_ =	swait.ge [sflag:s14], $0x80  }
0x8f: {  	[sflag:s14] =	ssyncset.done $0x0  }
0x90: {  	s22 =	sshra.s32 s22, $0x2;
	[sflag:s14] =	ssyncadd.s32 $0xFFFFFF80  }
0x91: {  	v2 =	vld [tilespmem:s22+$0xFFFFFF10];
	_ =	sdelay $0x4  }
0x92: {  	[tilespmem:$0x2800] =	vst v2  }
0x93: {  	v2 =	vld [tilespmem:s22+$0xFFFFFF20];
	_ =	sdelay $0x4  }
0x94: {  	[tilespmem:$0x2810] =	vst v2  }
0x95: {  	v2 =	vld [tilespmem:s22+$0xFFFFFF30];
	_ =	sdelay $0x4  }
0x96: {  	[tilespmem:$0x2820] =	vst v2  }
0x97: {  	v2 =	vld [tilespmem:s22+$0xFFFFFF40];
	_ =	sdelay $0x4  }
0x98: {  	[tilespmem:$0x2830] =	vst v2  }
0x99: {  	v2 =	vld [tilespmem:s22+$0xFFFFFF50];
	_ =	sdelay $0x4  }
0x9a: {  	[tilespmem:$0x2840] =	vst v2  }
0x9b: {  	v2 =	vld [tilespmem:s22+$0xFFFFFF60];
	_ =	sdelay $0x4  }
0x9c: {  	[tilespmem:$0x2850] =	vst v2  }
0x9d: {  	v2 =	vld [tilespmem:s22+$0xFFFFFF70];
	_ =	sdelay $0x4  }
0x9e: {  	[tilespmem:$0x2860] =	vst v2  }
0x9f: {  	v2 =	vld [tilespmem:s22+$0xFFFFFF80];
	_ =	sdelay $0x4  }
0xa0: {  	[tilespmem:$0x2870] =	vst v2  }
0xa1: {  	[spmem:s1] =	stream.indirect.scatter.add.f32 [tilespmem:s12], [sflag:$0x1], $0x1, s11, s10, $0xb8;
	[tilespmem:$0x2E80] =	vst v63  }
0xa2: {  	_ =	swait.ge [sflag:s15], $0x80  }
0xa3: {  	[sflag:s15] =	ssyncset.done $0x0  }
0xa4: {  	[sflag:s15] =	ssyncadd.s32 $0xFFFFFF80  }
0xa5: {  	v2 =	vld [tilespmem:s22+$0xFFFFFF90];
	_ =	sdelay $0x4  }
0xa6: {  	[tilespmem:$0x2880] =	vst v2  }
0xa7: {  	v2 =	vld [tilespmem:s22+$0xFFFFFFA0];
	_ =	sdelay $0x4  }
0xa8: {  	[tilespmem:$0x2890] =	vst v2  }
0xa9: {  	v2 =	vld [tilespmem:s22+$0xFFFFFFB0];
	_ =	sdelay $0x4  }
0xaa: {  	[tilespmem:$0x28A0] =	vst v2  }
0xab: {  	v2 =	vld [tilespmem:s22+$0xFFFFFFC0];
	_ =	sdelay $0x4  }
0xac: {  	[tilespmem:$0x28B0] =	vst v2  }
0xad: {  	v2 =	vld [tilespmem:s22+$0xFFFFFFD0];
	_ =	sdelay $0x4  }
0xae: {  	[tilespmem:$0x28C0] =	vst v2  }
0xaf: {  	v2 =	vld [tilespmem:s22+$0xFFFFFFE0];
	_ =	sdelay $0x4  }
0xb0: {  	[tilespmem:$0x28D0] =	vst v2  }
0xb1: {  	v2 =	vld [tilespmem:s22+$0xFFFFFFF0];
	_ =	sdelay $0x4  }
0xb2: {  	[tilespmem:$0x28E0] =	vst v2  }
0xb3: {  	v2 =	vld [tilespmem:s22+$0x0]  }
.Ltmp0:
0xb4: {  	(pc) =	sbr.rel @p0 .LBB2_2-.Ltmp0, $2  }
0xb5: {  	_ =	sdelay $0x2  }
0xb6: {  	[tilespmem:$0x28F0] =	vst v2  }
0xb7: {  	[spmem:s1] =	stream.indirect.scatter.add.f32 [tilespmem:s12], [sflag:$0x2], $0x1, s13, s10, $0xb8;
	[tilespmem:$0x2E80] =	vst v63  }
0xb8: {  	_ =	swait.ge [sflag:s14], $0x80  }
0xb9: {  	[sflag:s14] =	ssyncset.done $0x0  }
0xba: {  	[sflag:s14] =	ssyncadd.s32 $0xFFFFFF80  }
0xbb: {  	_ =	swait.ge [sflag:s15], $0x80  }
0xbc: {  	s20 =	sadd.s32 $0x1, s20;
	[sflag:s15] =	ssyncset.done $0x0  }
0xbd: {  	p0 =	sne.s32 s20, s7;
	[sflag:s15] =	ssyncadd.s32 $0xFFFFFF80  }
.Ltmp1:
0xbe: {  	[bflag:$0x0] =	sbarrier.arrive $0xFFFF;
	(pc) =	sbr.rel @p0 .LBB2_1-.Ltmp1, $4  }
0xbf: {  	[hbm:s6@s18], [sflag:s16] =	dma.strided [spmem:s17@s19], $0x50, s14, $0x10   }
0xc0: {  	_ =	swait.ge [sflag:s8], $0x50  }
0xc1: {  	[sflag:s8] =	ssyncset.done $0x0  }
0xc2: {  	[sflag:s8] =	ssyncadd.s32 $0xFFFFFFB0  }
0xc3: {  	_ =	sfence.sel $0x180000  }
0xc4: {  	[bflag:$0x0] =	sbarrier.arrive $0xFFFF  }
0xc5: {  	p0 =	sne.s32 s2, $0x0;
	_ =	strace $0x90000047  }
0xc6: {  	s0 =	sadd.s32 @!p0 $0x100000, s0;
	[bflag:$0x2] =	sbarrier.arrive $0xFFFF  }
0xc7: {  	[sflag:s0] =	ssyncadd.tile.s32 @!p0 $0x1;
	_ =	shalt  }
.Lfunc_end2:
_tile_overlayer_lowered:
.L_overlay_start_2:
0xc8: {  	(tag) =	ssettag $0x2  }
0xc9: {  	s0 =	rddreg [dreg:$0x0];
	s2 =	stileid.u32  }
0xca: {  	s1 =	rddreg [dreg:$0x1];
	p0 =	sne.s32 s2, $0x0  }
0xcb: {  	s3 =	rddreg [dreg:$0x2];
	[bflag:$0x3] =	sbarrier.arrive $0xFFFF;
	s2 =	simm.s32 @!p0 $0x1C03  }
0xcc: {  	[timem:s3], [sflag:s2] =	dma.local @!p0 [hbm:s0], s1  }
0xcd: {  	s0 =	simm.s32 @!p0 $0x3  }
0xce: {  	_ =	swait.ge @!p0 [sflag:s0], s1  }
0xcf: {  	s1 =	ssub.s32 @!p0 $0x0, s1;
	[sflag:s0] =	ssyncset.done @!p0 $0x0  }
0xd0: {  	[sflag:s0] =	ssyncadd.s32 @!p0 s1  }
0xd1: {  	[bflag:$0x3] =	sbarrier.arrive $0xFFFF  }
0xd2: {  	_ =	shalt  }

</sc_bundles>
